<compile_context>
chip_gen: v7x
topology: tpu7x:2x2x1
jax: 0.10.2.dev20260603
libtpu: 0.0.44.dev20260713+nightly
codegen_flags: <defaults>
</compile_context>

<pallas_src>
import functools

import jax
import jax.numpy as jnp
from jax import lax
from jax.experimental import pallas as pl
from jax.experimental.pallas import tpu as pltpu
from jax.experimental.pallas import tpu_sc as plsc

L = 16


def _floor_f32(x):
    t = x.astype(jnp.int32)
    return t - jnp.where(t.astype(jnp.float32) > x, 1, 0)


def _sampler_body(ppw, ksub, h, w, c, log2_p,
                  table_hbm, pts_hbm, out_hbm,
                  pts_v, iw, rbuf, out_v, gsems):
    num_cores = plsc.get_sparse_core_info().num_cores
    wid = lax.axis_index("s") * num_cores + lax.axis_index("c")
    pbase = wid * ppw
    pltpu.sync_copy(pts_hbm.at[pl.ds(2 * pbase, 2 * ppw)], pts_v)

    nsub = ppw // ksub
    lanes = lax.iota(jnp.int32, L)
    lanes2 = lanes * 2

    def stage(j, slot):
        i_v = iw[slot][0]
        w_v = iw[slot][1]
        for g in range(ksub // L):
            off = j * ksub + g * L
            px = plsc.load_gather(pts_v, [lanes2 + 2 * off])
            py = plsc.load_gather(pts_v, [lanes2 + (2 * off + 1)])
            gx = (2.0 * px - 1.0) + 1.0
            gy = (2.0 * py - 1.0) + 1.0
            x = (gx * w - 1.0) * 0.5
            y = (gy * h - 1.0) * 0.5
            x0 = _floor_f32(x)
            y0 = _floor_f32(y)
            wx1 = x - x0.astype(jnp.float32)
            wx0 = 1.0 - wx1
            wy1 = y - y0.astype(jnp.float32)
            wy0 = 1.0 - wy1
            x1 = x0 + 1
            y1 = y0 + 1
            fx0 = jnp.where((x0 >= 0) & (x0 <= w - 1), wx0, 0.0)
            fx1 = jnp.where((x1 >= 0) & (x1 <= w - 1), wx1, 0.0)
            fy0 = jnp.where((y0 >= 0) & (y0 <= h - 1), wy0, 0.0)
            fy1 = jnp.where((y1 >= 0) & (y1 <= h - 1), wy1, 0.0)
            cx0 = jnp.minimum(jnp.maximum(x0, 0), w - 1)
            cx1 = jnp.minimum(jnp.maximum(x1, 0), w - 1)
            cy0 = jnp.minimum(jnp.maximum(y0, 0), h - 1)
            cy1 = jnp.minimum(jnp.maximum(y1, 0), h - 1)
            gp = pbase + off + lanes
            tb = gp & jnp.int32(~(2 ** log2_p - 1))
            row0 = tb + cy0 * w
            row1 = tb + cy1 * w
            sl = pl.ds(g * L, L)
            i_v[0][sl] = row0 + cx0
            i_v[1][sl] = row0 + cx1
            i_v[2][sl] = row1 + cx0
            i_v[3][sl] = row1 + cx1
            w_v[0][sl] = fy0 * fx0
            w_v[1][sl] = fy0 * fx1
            w_v[2][sl] = fy1 * fx0
            w_v[3][sl] = fy1 * fx1
        for k in range(4):
            pltpu.async_copy(table_hbm.at[i_v[k]], rbuf[slot][k], gsems[slot])

    def finish(j, slot):
        i_v = iw[slot][0]
        w_v = iw[slot][1]
        for k in range(4):
            pltpu.make_async_copy(table_hbm.at[i_v[k]], rbuf[slot][k],
                                  gsems[slot]).wait()

        @plsc.parallel_loop(0, ksub, unroll=2)
        def _combine(pt):
            idxv = jnp.full((L,), pt, jnp.int32)
            a00 = plsc.load_gather(w_v[0], [idxv])
            a01 = plsc.load_gather(w_v[1], [idxv])
            a10 = plsc.load_gather(w_v[2], [idxv])
            a11 = plsc.load_gather(w_v[3], [idxv])
            r00, r01, r10, r11 = rbuf[slot]
            for cg in range(c // L):
                slc = pl.ds(cg * L, L)
                val = ((r00[pt, slc] * a00 + r01[pt, slc] * a01)
                       + (r10[pt, slc] * a10 + r11[pt, slc] * a11))
                out_v[pt, slc] = val
        pltpu.sync_copy(out_v, out_hbm.at[pl.ds(pbase + j * ksub, ksub)])

    stage(0, 0)

    def sub2(j2, _):
        j = j2 * 2
        stage(j + 1, 1)
        finish(j, 0)

        @pl.when(j + 2 < nsub)
        def _():
            stage(j + 2, 0)

        finish(j + 1, 1)
        return 0

    lax.fori_loop(0, nsub // 2, sub2, 0)


def kernel(sample_map, sample_pts):
    n, c, h, w = sample_map.shape
    _, p, _ = sample_pts.shape
    np_total = n * p
    assert p & (p - 1) == 0 and h * w == p
    log2_p = p.bit_length() - 1

    info = plsc.get_sparse_core_info()
    nw = info.num_cores * info.num_subcores
    ppw = np_total // nw
    ksub = 64

    table = jnp.transpose(sample_map, (0, 2, 3, 1)).reshape(n * h * w, c)
    pts = sample_pts.reshape(-1)

    mesh = plsc.VectorSubcoreMesh(core_axis_name="c", subcore_axis_name="s")
    body = functools.partial(_sampler_body, ppw, ksub, h, w, c, log2_p)

    def wrapped(table_hbm, pts_hbm, out_hbm, pts_v,
                i000, i001, i010, i011, w000, w001, w010, w011,
                i100, i101, i110, i111, w100, w101, w110, w111,
                r000, r001, r010, r011, r100, r101, r110, r111,
                out_v, gsem0, gsem1):
        iw = (((i000, i001, i010, i011), (w000, w001, w010, w011)),
              ((i100, i101, i110, i111), (w100, w101, w110, w111)))
        rbuf = ((r000, r001, r010, r011), (r100, r101, r110, r111))
        body(table_hbm, pts_hbm, out_hbm, pts_v, iw, rbuf,
             out_v, (gsem0, gsem1))

    ivecs = [pltpu.VMEM((ksub,), jnp.int32)] * 4
    wvecs = [pltpu.VMEM((ksub,), jnp.float32)] * 4
    rvecs = [pltpu.VMEM((ksub, c), jnp.float32)] * 4
    out = pl.kernel(
        wrapped,
        out_type=jax.ShapeDtypeStruct((np_total, c), jnp.float32),
        mesh=mesh,
        compiler_params=pltpu.CompilerParams(
            needs_layout_passes=False, use_tc_tiling_on_sc=False),
        scratch_types=(
            [pltpu.VMEM((2 * ppw,), jnp.float32)]
            + ivecs + wvecs + ivecs + wvecs + rvecs + rvecs
            + [pltpu.VMEM((ksub, c), jnp.float32)]
            + [pltpu.SemaphoreType.DMA] * 2
        ),
    )(table, pts)
    return out.reshape(n, p, c)

# --- scband reference (transcript-rebuilt; emitter-appended) ---
"""Pipeline reference for scband-base-sampler2d-62251255988782 (READ-ONLY COPY).

The authoritative reference and input builder live on the scoring server;
editing this copy changes nothing except your own understanding.
"""

import jax, jax.numpy as jnp
import numpy as np


def _grid_sample_bilinear_zeros(img, grid):
    # img: [N, C, H, W]; grid: [N, P, 2] normalized to [-1, 1] (x, y order)
    # Matches torch F.grid_sample(mode='bilinear', padding_mode='zeros', align_corners=False)
    N, C, H, W = img.shape
    x = ((grid[..., 0] + 1.0) * W - 1.0) / 2.0  # [N, P]
    y = ((grid[..., 1] + 1.0) * H - 1.0) / 2.0  # [N, P]
    x0 = jnp.floor(x)
    y0 = jnp.floor(y)
    x1 = x0 + 1.0
    y1 = y0 + 1.0
    wx1 = x - x0
    wx0 = 1.0 - wx1
    wy1 = y - y0
    wy0 = 1.0 - wy1

    b = jnp.arange(N)[:, None]

    def gather(ix, iy):
        valid = (ix >= 0.0) & (ix <= W - 1.0) & (iy >= 0.0) & (iy <= H - 1.0)
        ixc = jnp.clip(ix, 0.0, W - 1.0).astype(jnp.int32)
        iyc = jnp.clip(iy, 0.0, H - 1.0).astype(jnp.int32)
        v = img[b, :, iyc, ixc]  # advanced indexing -> [N, P, C]
        return v * valid[..., None].astype(img.dtype)

    v00 = gather(x0, y0)
    v01 = gather(x1, y0)
    v10 = gather(x0, y1)
    v11 = gather(x1, y1)

    out = (v00 * (wy0 * wx0)[..., None]
           + v01 * (wy0 * wx1)[..., None]
           + v10 * (wy1 * wx0)[..., None]
           + v11 * (wy1 * wx1)[..., None])
    return out  # [N, P, C]


def setup_inputs(seed: int = 0) -> dict:
    key = jax.random.key(seed)
    k1, k2 = jax.random.split(key)
    sample_map = jax.random.normal(k1, (16, 96, 128, 128), dtype=jnp.float32)
    sample_pts = jax.random.uniform(k2, (16, 16384, 2), dtype=jnp.float32)
    return {"sample_map": sample_map, "sample_pts": sample_pts}


def reference(sample_map, sample_pts):
    # forward of BaseSampler2d: pts -> [-1,1], grid_sample, squeeze/transpose
    grid = 2.0 * sample_pts - 1.0  # [N, P, 2]
    sample_feats = _grid_sample_bilinear_zeros(sample_map, grid)  # [N, P, C]
    return sample_feats

if __name__ == "__main__":
    import jax
    _d = setup_inputs()
    print(jax.jit(kernel)(*tuple(_d.values())))

</pallas_src>

<mosaic_0001>
#map = affine_map<(d0, d1) -> (0, 0)>
#map1 = affine_map<(d0, d1) -> (0)>
module attributes {stable_mosaic.version = 14 : i64} {
  func.func @wrapped(%arg0: i32, %arg1: i32, %arg2: memref<262144x96xf32, #tpu.memory_space<hbm>>, %arg3: memref<524288xf32, #tpu.memory_space<hbm>>, %arg4: memref<262144x96xf32, #tpu.memory_space<hbm>>, %arg5: memref<16384xf32, #tpu.memory_space<vmem>>, %arg6: memref<64xi32, #tpu.memory_space<vmem>>, %arg7: memref<64xi32, #tpu.memory_space<vmem>>, %arg8: memref<64xi32, #tpu.memory_space<vmem>>, %arg9: memref<64xi32, #tpu.memory_space<vmem>>, %arg10: memref<64xf32, #tpu.memory_space<vmem>>, %arg11: memref<64xf32, #tpu.memory_space<vmem>>, %arg12: memref<64xf32, #tpu.memory_space<vmem>>, %arg13: memref<64xf32, #tpu.memory_space<vmem>>, %arg14: memref<64xi32, #tpu.memory_space<vmem>>, %arg15: memref<64xi32, #tpu.memory_space<vmem>>, %arg16: memref<64xi32, #tpu.memory_space<vmem>>, %arg17: memref<64xi32, #tpu.memory_space<vmem>>, %arg18: memref<64xf32, #tpu.memory_space<vmem>>, %arg19: memref<64xf32, #tpu.memory_space<vmem>>, %arg20: memref<64xf32, #tpu.memory_space<vmem>>, %arg21: memref<64xf32, #tpu.memory_space<vmem>>, %arg22: memref<64x96xf32, #tpu.memory_space<vmem>>, %arg23: memref<64x96xf32, #tpu.memory_space<vmem>>, %arg24: memref<64x96xf32, #tpu.memory_space<vmem>>, %arg25: memref<64x96xf32, #tpu.memory_space<vmem>>, %arg26: memref<64x96xf32, #tpu.memory_space<vmem>>, %arg27: memref<64x96xf32, #tpu.memory_space<vmem>>, %arg28: memref<64x96xf32, #tpu.memory_space<vmem>>, %arg29: memref<64x96xf32, #tpu.memory_space<vmem>>, %arg30: memref<64x96xf32, #tpu.memory_space<vmem>>, %arg31: memref<!tpu.dma_semaphore, #tpu.memory_space<semaphore_mem>>, %arg32: memref<!tpu.dma_semaphore, #tpu.memory_space<semaphore_mem>>) attributes {dimension_semantics = [#tpu.dimension_semantics<core_parallel>, #tpu.dimension_semantics<subcore_parallel>], iteration_bounds = array<i64: 2, 16>, scalar_prefetch = 0 : i64, scratch_operands = 28 : i64, tpu.core_type = #tpu.core_type<sc_vector_subcore>, window_params = [{transform_indices = #map}, {transform_indices = #map1}, {transform_indices = #map}]} {
    %mul3A = arith.constant 2 : i32
    %mul3A_0 = arith.muli %arg1, %mul3A : i32
    %add3A = arith.addi %mul3A_0, %arg0 : i32
    %mul3A_1 = arith.constant 8192 : i32
    %mul3A_2 = arith.muli %add3A, %mul3A_1 : i32
    %mul3A_3 = arith.constant 2 : i32
    %mul3A_4 = arith.muli %mul3A_3, %mul3A_2 : i32
    "tpu.region"() ({
      %run_scoped3A = tpu.sem_alloc : memref<!tpu.dma_semaphore, #tpu.memory_space<semaphore_mem>>
      %dma_start3A_736 = tpu.memref_slice %arg3[%mul3A_4] : memref<524288xf32, #tpu.memory_space<hbm>> -> memref<16384xf32, #tpu.memory_space<hbm>>
      %dma_start3A_737 = tpu.memref_slice %arg3[%mul3A_4] : memref<524288xf32, #tpu.memory_space<hbm>> -> memref<16384xf32, #tpu.memory_space<hbm>>
      tpu.enqueue_dma source(%dma_start3A_737 : memref<16384xf32, #tpu.memory_space<hbm>>) target(%arg5 : memref<16384xf32, #tpu.memory_space<vmem>>) target_semaphore(%run_scoped3A : memref<!tpu.dma_semaphore, #tpu.memory_space<semaphore_mem>>)
      %dma_wait3A = tpu.memref_slice %arg3[%mul3A_4] : memref<524288xf32, #tpu.memory_space<hbm>> -> memref<16384xf32, #tpu.memory_space<hbm>>
      %dma_wait3A_738 = tpu.memref_slice %arg3[%mul3A_4] : memref<524288xf32, #tpu.memory_space<hbm>> -> memref<16384xf32, #tpu.memory_space<hbm>>
      tpu.wait_dma2 semaphore(%run_scoped3A : memref<!tpu.dma_semaphore, #tpu.memory_space<semaphore_mem>>) src(%dma_wait3A_738 : memref<16384xf32, #tpu.memory_space<hbm>>) dst(%arg5 : memref<16384xf32, #tpu.memory_space<vmem>>)
      tpu.yield
    }) : () -> ()
    %iota3A = tpu.iota {dimensions = array<i32: 0>} : vector<16xi32>
    %mul3A_5 = arith.constant 2 : i32
    %mul3A_6 = vector.broadcast %mul3A_5 : i32 to vector<16xi32>
    %mul3A_7 = arith.muli %iota3A, %mul3A_6 : vector<16xi32>
    %add3A_8 = arith.constant 0 : i32
    %add3A_9 = vector.broadcast %add3A_8 : i32 to vector<16xi32>
    %add3A_10 = arith.addi %mul3A_7, %add3A_9 : vector<16xi32>
    %gather3A = tpu.vector_load_idx %arg5[%add3A_10] : memref<16384xf32, #tpu.memory_space<vmem>>[vector<16xi32>], vector<16xf32>,
    %add3A_11 = arith.constant 1 : i32
    %add3A_12 = vector.broadcast %add3A_11 : i32 to vector<16xi32>
    %add3A_13 = arith.addi %mul3A_7, %add3A_12 : vector<16xi32>
    %gather3A_14 = tpu.vector_load_idx %arg5[%add3A_13] : memref<16384xf32, #tpu.memory_space<vmem>>[vector<16xi32>], vector<16xf32>,
    %mul3A_15 = arith.constant 2.000000e+00 : f32
    %mul3A_16 = vector.broadcast %mul3A_15 : f32 to vector<16xf32>
    %mul3A_17 = arith.mulf %mul3A_16, %gather3A : vector<16xf32>
    %sub3A = arith.constant 1.000000e+00 : f32
    %sub3A_18 = vector.broadcast %sub3A : f32 to vector<16xf32>
    %sub3A_19 = arith.subf %mul3A_17, %sub3A_18 : vector<16xf32>
    %add3A_20 = arith.constant 1.000000e+00 : f32
    %add3A_21 = vector.broadcast %add3A_20 : f32 to vector<16xf32>
    %add3A_22 = arith.addf %sub3A_19, %add3A_21 : vector<16xf32>
    %mul3A_23 = arith.constant 2.000000e+00 : f32
    %mul3A_24 = vector.broadcast %mul3A_23 : f32 to vector<16xf32>
    %mul3A_25 = arith.mulf %mul3A_24, %gather3A_14 : vector<16xf32>
    %sub3A_26 = arith.constant 1.000000e+00 : f32
    %sub3A_27 = vector.broadcast %sub3A_26 : f32 to vector<16xf32>
    %sub3A_28 = arith.subf %mul3A_25, %sub3A_27 : vector<16xf32>
    %add3A_29 = arith.constant 1.000000e+00 : f32
    %add3A_30 = vector.broadcast %add3A_29 : f32 to vector<16xf32>
    %add3A_31 = arith.addf %sub3A_28, %add3A_30 : vector<16xf32>
    %mul3A_32 = arith.constant 1.280000e+02 : f32
    %mul3A_33 = vector.broadcast %mul3A_32 : f32 to vector<16xf32>
    %mul3A_34 = arith.mulf %add3A_22, %mul3A_33 : vector<16xf32>
    %sub3A_35 = arith.constant 1.000000e+00 : f32
    %sub3A_36 = vector.broadcast %sub3A_35 : f32 to vector<16xf32>
    %sub3A_37 = arith.subf %mul3A_34, %sub3A_36 : vector<16xf32>
    %mul3A_38 = arith.constant 5.000000e-01 : f32
    %mul3A_39 = vector.broadcast %mul3A_38 : f32 to vector<16xf32>
    %mul3A_40 = arith.mulf %sub3A_37, %mul3A_39 : vector<16xf32>
    %mul3A_41 = arith.constant 1.280000e+02 : f32
    %mul3A_42 = vector.broadcast %mul3A_41 : f32 to vector<16xf32>
    %mul3A_43 = arith.mulf %add3A_31, %mul3A_42 : vector<16xf32>
    %sub3A_44 = arith.constant 1.000000e+00 : f32
    %sub3A_45 = vector.broadcast %sub3A_44 : f32 to vector<16xf32>
    %sub3A_46 = arith.subf %mul3A_43, %sub3A_45 : vector<16xf32>
    %mul3A_47 = arith.constant 5.000000e-01 : f32
    %mul3A_48 = vector.broadcast %mul3A_47 : f32 to vector<16xf32>
    %mul3A_49 = arith.mulf %sub3A_46, %mul3A_48 : vector<16xf32>
    %convert_element_type3A = arith.fptosi %mul3A_40 : vector<16xf32> to vector<16xi32>
    %convert_element_type3A_50 = arith.sitofp %convert_element_type3A : vector<16xi32> to vector<16xf32>
    %gt3A = arith.cmpf ogt, %convert_element_type3A_50, %mul3A_40 : vector<16xf32>
    %jit3A = arith.constant 1 : i32
    %jit3A_51 = arith.constant 0 : i32
    %broadcast_in_dim3A = vector.broadcast %jit3A : i32 to vector<16xi32>
    %broadcast_in_dim3A_52 = vector.broadcast %jit3A_51 : i32 to vector<16xi32>
    %select_n3A = arith.select %gt3A, %broadcast_in_dim3A, %broadcast_in_dim3A_52 : vector<16xi1>, vector<16xi32>
    %sub3A_53 = arith.subi %convert_element_type3A, %select_n3A : vector<16xi32>
    %convert_element_type3A_54 = arith.fptosi %mul3A_49 : vector<16xf32> to vector<16xi32>
    %convert_element_type3A_55 = arith.sitofp %convert_element_type3A_54 : vector<16xi32> to vector<16xf32>
    %gt3A_56 = arith.cmpf ogt, %convert_element_type3A_55, %mul3A_49 : vector<16xf32>
    %jit3A_57 = arith.constant 1 : i32
    %jit3A_58 = arith.constant 0 : i32
    %broadcast_in_dim3A_59 = vector.broadcast %jit3A_57 : i32 to vector<16xi32>
    %broadcast_in_dim3A_60 = vector.broadcast %jit3A_58 : i32 to vector<16xi32>
    %select_n3A_61 = arith.select %gt3A_56, %broadcast_in_dim3A_59, %broadcast_in_dim3A_60 : vector<16xi1>, vector<16xi32>
    %sub3A_62 = arith.subi %convert_element_type3A_54, %select_n3A_61 : vector<16xi32>
    %convert_element_type3A_63 = arith.sitofp %sub3A_53 : vector<16xi32> to vector<16xf32>
    %sub3A_64 = arith.subf %mul3A_40, %convert_element_type3A_63 : vector<16xf32>
    %sub3A_65 = arith.constant 1.000000e+00 : f32
    %sub3A_66 = vector.broadcast %sub3A_65 : f32 to vector<16xf32>
    %sub3A_67 = arith.subf %sub3A_66, %sub3A_64 : vector<16xf32>
    %convert_element_type3A_68 = arith.sitofp %sub3A_62 : vector<16xi32> to vector<16xf32>
    %sub3A_69 = arith.subf %mul3A_49, %convert_element_type3A_68 : vector<16xf32>
    %sub3A_70 = arith.constant 1.000000e+00 : f32
    %sub3A_71 = vector.broadcast %sub3A_70 : f32 to vector<16xf32>
    %sub3A_72 = arith.subf %sub3A_71, %sub3A_69 : vector<16xf32>
    %add3A_73 = arith.constant 1 : i32
    %add3A_74 = vector.broadcast %add3A_73 : i32 to vector<16xi32>
    %add3A_75 = arith.addi %sub3A_53, %add3A_74 : vector<16xi32>
    %add3A_76 = arith.constant 1 : i32
    %add3A_77 = vector.broadcast %add3A_76 : i32 to vector<16xi32>
    %add3A_78 = arith.addi %sub3A_62, %add3A_77 : vector<16xi32>
    %ge3A = arith.constant 0 : i32
    %ge3A_79 = vector.broadcast %ge3A : i32 to vector<16xi32>
    %ge3A_80 = arith.cmpi sge, %sub3A_53, %ge3A_79 : vector<16xi32>
    %le3A = arith.constant 127 : i32
    %le3A_81 = vector.broadcast %le3A : i32 to vector<16xi32>
    %le3A_82 = arith.cmpi sle, %sub3A_53, %le3A_81 : vector<16xi32>
    %and3A = arith.andi %ge3A_80, %le3A_82 : vector<16xi1>
    %jit3A_83 = arith.constant 0.000000e+00 : f32
    %broadcast_in_dim3A_84 = vector.broadcast %jit3A_83 : f32 to vector<16xf32>
    %select_n3A_85 = arith.select %and3A, %sub3A_67, %broadcast_in_dim3A_84 : vector<16xi1>, vector<16xf32>
    %ge3A_86 = arith.constant 0 : i32
    %ge3A_87 = vector.broadcast %ge3A_86 : i32 to vector<16xi32>
    %ge3A_88 = arith.cmpi sge, %add3A_75, %ge3A_87 : vector<16xi32>
    %le3A_89 = arith.constant 127 : i32
    %le3A_90 = vector.broadcast %le3A_89 : i32 to vector<16xi32>
    %le3A_91 = arith.cmpi sle, %add3A_75, %le3A_90 : vector<16xi32>
    %and3A_92 = arith.andi %ge3A_88, %le3A_91 : vector<16xi1>
    %jit3A_93 = arith.constant 0.000000e+00 : f32
    %broadcast_in_dim3A_94 = vector.broadcast %jit3A_93 : f32 to vector<16xf32>
    %select_n3A_95 = arith.select %and3A_92, %sub3A_64, %broadcast_in_dim3A_94 : vector<16xi1>, vector<16xf32>
    %ge3A_96 = arith.constant 0 : i32
    %ge3A_97 = vector.broadcast %ge3A_96 : i32 to vector<16xi32>
    %ge3A_98 = arith.cmpi sge, %sub3A_62, %ge3A_97 : vector<16xi32>
    %le3A_99 = arith.constant 127 : i32
    %le3A_100 = vector.broadcast %le3A_99 : i32 to vector<16xi32>
    %le3A_101 = arith.cmpi sle, %sub3A_62, %le3A_100 : vector<16xi32>
    %and3A_102 = arith.andi %ge3A_98, %le3A_101 : vector<16xi1>
    %jit3A_103 = arith.constant 0.000000e+00 : f32
    %broadcast_in_dim3A_104 = vector.broadcast %jit3A_103 : f32 to vector<16xf32>
    %select_n3A_105 = arith.select %and3A_102, %sub3A_72, %broadcast_in_dim3A_104 : vector<16xi1>, vector<16xf32>
    %ge3A_106 = arith.constant 0 : i32
    %ge3A_107 = vector.broadcast %ge3A_106 : i32 to vector<16xi32>
    %ge3A_108 = arith.cmpi sge, %add3A_78, %ge3A_107 : vector<16xi32>
    %le3A_109 = arith.constant 127 : i32
    %le3A_110 = vector.broadcast %le3A_109 : i32 to vector<16xi32>
    %le3A_111 = arith.cmpi sle, %add3A_78, %le3A_110 : vector<16xi32>
    %and3A_112 = arith.andi %ge3A_108, %le3A_111 : vector<16xi1>
    %jit3A_113 = arith.constant 0.000000e+00 : f32
    %broadcast_in_dim3A_114 = vector.broadcast %jit3A_113 : f32 to vector<16xf32>
    %select_n3A_115 = arith.select %and3A_112, %sub3A_69, %broadcast_in_dim3A_114 : vector<16xi1>, vector<16xf32>
    %max3A = arith.constant 0 : i32
    %max3A_116 = vector.broadcast %max3A : i32 to vector<16xi32>
    %max3A_117 = arith.maxsi %sub3A_53, %max3A_116 : vector<16xi32>
    %min3A = arith.constant 127 : i32
    %min3A_118 = vector.broadcast %min3A : i32 to vector<16xi32>
    %min3A_119 = arith.minsi %max3A_117, %min3A_118 : vector<16xi32>
    %max3A_120 = arith.constant 0 : i32
    %max3A_121 = vector.broadcast %max3A_120 : i32 to vector<16xi32>
    %max3A_122 = arith.maxsi %add3A_75, %max3A_121 : vector<16xi32>
    %min3A_123 = arith.constant 127 : i32
    %min3A_124 = vector.broadcast %min3A_123 : i32 to vector<16xi32>
    %min3A_125 = arith.minsi %max3A_122, %min3A_124 : vector<16xi32>
    %max3A_126 = arith.constant 0 : i32
    %max3A_127 = vector.broadcast %max3A_126 : i32 to vector<16xi32>
    %max3A_128 = arith.maxsi %sub3A_62, %max3A_127 : vector<16xi32>
    %min3A_129 = arith.constant 127 : i32
    %min3A_130 = vector.broadcast %min3A_129 : i32 to vector<16xi32>
    %min3A_131 = arith.minsi %max3A_128, %min3A_130 : vector<16xi32>
    %max3A_132 = arith.constant 0 : i32
    %max3A_133 = vector.broadcast %max3A_132 : i32 to vector<16xi32>
    %max3A_134 = arith.maxsi %add3A_78, %max3A_133 : vector<16xi32>
    %min3A_135 = arith.constant 127 : i32
    %min3A_136 = vector.broadcast %min3A_135 : i32 to vector<16xi32>
    %min3A_137 = arith.minsi %max3A_134, %min3A_136 : vector<16xi32>
    %add3A_138 = arith.constant 0 : i32
    %add3A_139 = arith.addi %mul3A_2, %add3A_138 : i32
    %add3A_140 = vector.broadcast %add3A_139 : i32 to vector<16xi32>
    %add3A_141 = arith.addi %add3A_140, %iota3A : vector<16xi32>
    %and3A_142 = arith.constant -16384 : i32
    %and3A_143 = vector.broadcast %and3A_142 : i32 to vector<16xi32>
    %and3A_144 = arith.andi %add3A_141, %and3A_143 : vector<16xi32>
    %mul3A_145 = arith.constant 128 : i32
    %mul3A_146 = vector.broadcast %mul3A_145 : i32 to vector<16xi32>
    %mul3A_147 = arith.muli %min3A_131, %mul3A_146 : vector<16xi32>
    %add3A_148 = arith.addi %and3A_144, %mul3A_147 : vector<16xi32>
    %mul3A_149 = arith.constant 128 : i32
    %mul3A_150 = vector.broadcast %mul3A_149 : i32 to vector<16xi32>
    %mul3A_151 = arith.muli %min3A_137, %mul3A_150 : vector<16xi32>
    %add3A_152 = arith.addi %and3A_144, %mul3A_151 : vector<16xi32>
    %add3A_153 = arith.addi %add3A_148, %min3A_119 : vector<16xi32>
    %swap3A = arith.constant 0 : index
    %swap3A_154 = tpu.vector_load %arg6[%swap3A] {strides = array<i32>} : memref<64xi32, #tpu.memory_space<vmem>>, vector<16xi32>,
    tpu.vector_store %arg6[%swap3A], %add3A_153 {strides = array<i32>} : memref<64xi32, #tpu.memory_space<vmem>>, vector<16xi32>,
    %add3A_155 = arith.addi %add3A_148, %min3A_125 : vector<16xi32>
    %swap3A_156 = arith.constant 0 : index
    %swap3A_157 = tpu.vector_load %arg7[%swap3A_156] {strides = array<i32>} : memref<64xi32, #tpu.memory_space<vmem>>, vector<16xi32>,
    tpu.vector_store %arg7[%swap3A_156], %add3A_155 {strides = array<i32>} : memref<64xi32, #tpu.memory_space<vmem>>, vector<16xi32>,
    %add3A_158 = arith.addi %add3A_152, %min3A_119 : vector<16xi32>
    %swap3A_159 = arith.constant 0 : index
    %swap3A_160 = tpu.vector_load %arg8[%swap3A_159] {strides = array<i32>} : memref<64xi32, #tpu.memory_space<vmem>>, vector<16xi32>,
    tpu.vector_store %arg8[%swap3A_159], %add3A_158 {strides = array<i32>} : memref<64xi32, #tpu.memory_space<vmem>>, vector<16xi32>,
    %add3A_161 = arith.addi %add3A_152, %min3A_125 : vector<16xi32>
    %swap3A_162 = arith.constant 0 : index
    %swap3A_163 = tpu.vector_load %arg9[%swap3A_162] {strides = array<i32>} : memref<64xi32, #tpu.memory_space<vmem>>, vector<16xi32>,
    tpu.vector_store %arg9[%swap3A_162], %add3A_161 {strides = array<i32>} : memref<64xi32, #tpu.memory_space<vmem>>, vector<16xi32>,
    %mul3A_164 = arith.mulf %select_n3A_105, %select_n3A_85 : vector<16xf32>
    %swap3A_165 = arith.constant 0 : index
    %swap3A_166 = tpu.vector_load %arg10[%swap3A_165] {strides = array<i32>} : memref<64xf32, #tpu.memory_space<vmem>>, vector<16xf32>,
    tpu.vector_store %arg10[%swap3A_165], %mul3A_164 {strides = array<i32>} : memref<64xf32, #tpu.memory_space<vmem>>, vector<16xf32>,
    %mul3A_167 = arith.mulf %select_n3A_105, %select_n3A_95 : vector<16xf32>
    %swap3A_168 = arith.constant 0 : index
    %swap3A_169 = tpu.vector_load %arg11[%swap3A_168] {strides = array<i32>} : memref<64xf32, #tpu.memory_space<vmem>>, vector<16xf32>,
    tpu.vector_store %arg11[%swap3A_168], %mul3A_167 {strides = array<i32>} : memref<64xf32, #tpu.memory_space<vmem>>, vector<16xf32>,
    %mul3A_170 = arith.mulf %select_n3A_115, %select_n3A_85 : vector<16xf32>
    %swap3A_171 = arith.constant 0 : index
    %swap3A_172 = tpu.vector_load %arg12[%swap3A_171] {strides = array<i32>} : memref<64xf32, #tpu.memory_space<vmem>>, vector<16xf32>,
    tpu.vector_store %arg12[%swap3A_171], %mul3A_170 {strides = array<i32>} : memref<64xf32, #tpu.memory_space<vmem>>, vector<16xf32>,
    %mul3A_173 = arith.mulf %select_n3A_115, %select_n3A_95 : vector<16xf32>
    %swap3A_174 = arith.constant 0 : index
    %swap3A_175 = tpu.vector_load %arg13[%swap3A_174] {strides = array<i32>} : memref<64xf32, #tpu.memory_space<vmem>>, vector<16xf32>,
    tpu.vector_store %arg13[%swap3A_174], %mul3A_173 {strides = array<i32>} : memref<64xf32, #tpu.memory_space<vmem>>, vector<16xf32>,
    %add3A_176 = arith.constant 32 : i32
    %add3A_177 = vector.broadcast %add3A_176 : i32 to vector<16xi32>
    %add3A_178 = arith.addi %mul3A_7, %add3A_177 : vector<16xi32>
    %gather3A_179 = tpu.vector_load_idx %arg5[%add3A_178] : memref<16384xf32, #tpu.memory_space<vmem>>[vector<16xi32>], vector<16xf32>,
    %add3A_180 = arith.constant 33 : i32
    %add3A_181 = vector.broadcast %add3A_180 : i32 to vector<16xi32>
    %add3A_182 = arith.addi %mul3A_7, %add3A_181 : vector<16xi32>
    %gather3A_183 = tpu.vector_load_idx %arg5[%add3A_182] : memref<16384xf32, #tpu.memory_space<vmem>>[vector<16xi32>], vector<16xf32>,
    %mul3A_184 = arith.constant 2.000000e+00 : f32
    %mul3A_185 = vector.broadcast %mul3A_184 : f32 to vector<16xf32>
    %mul3A_186 = arith.mulf %mul3A_185, %gather3A_179 : vector<16xf32>
    %sub3A_187 = arith.constant 1.000000e+00 : f32
    %sub3A_188 = vector.broadcast %sub3A_187 : f32 to vector<16xf32>
    %sub3A_189 = arith.subf %mul3A_186, %sub3A_188 : vector<16xf32>
    %add3A_190 = arith.constant 1.000000e+00 : f32
    %add3A_191 = vector.broadcast %add3A_190 : f32 to vector<16xf32>
    %add3A_192 = arith.addf %sub3A_189, %add3A_191 : vector<16xf32>
    %mul3A_193 = arith.constant 2.000000e+00 : f32
    %mul3A_194 = vector.broadcast %mul3A_193 : f32 to vector<16xf32>
    %mul3A_195 = arith.mulf %mul3A_194, %gather3A_183 : vector<16xf32>
    %sub3A_196 = arith.constant 1.000000e+00 : f32
    %sub3A_197 = vector.broadcast %sub3A_196 : f32 to vector<16xf32>
    %sub3A_198 = arith.subf %mul3A_195, %sub3A_197 : vector<16xf32>
    %add3A_199 = arith.constant 1.000000e+00 : f32
    %add3A_200 = vector.broadcast %add3A_199 : f32 to vector<16xf32>
    %add3A_201 = arith.addf %sub3A_198, %add3A_200 : vector<16xf32>
    %mul3A_202 = arith.constant 1.280000e+02 : f32
    %mul3A_203 = vector.broadcast %mul3A_202 : f32 to vector<16xf32>
    %mul3A_204 = arith.mulf %add3A_192, %mul3A_203 : vector<16xf32>
    %sub3A_205 = arith.constant 1.000000e+00 : f32
    %sub3A_206 = vector.broadcast %sub3A_205 : f32 to vector<16xf32>
    %sub3A_207 = arith.subf %mul3A_204, %sub3A_206 : vector<16xf32>
    %mul3A_208 = arith.constant 5.000000e-01 : f32
    %mul3A_209 = vector.broadcast %mul3A_208 : f32 to vector<16xf32>
    %mul3A_210 = arith.mulf %sub3A_207, %mul3A_209 : vector<16xf32>
    %mul3A_211 = arith.constant 1.280000e+02 : f32
    %mul3A_212 = vector.broadcast %mul3A_211 : f32 to vector<16xf32>
    %mul3A_213 = arith.mulf %add3A_201, %mul3A_212 : vector<16xf32>
    %sub3A_214 = arith.constant 1.000000e+00 : f32
    %sub3A_215 = vector.broadcast %sub3A_214 : f32 to vector<16xf32>
    %sub3A_216 = arith.subf %mul3A_213, %sub3A_215 : vector<16xf32>
    %mul3A_217 = arith.constant 5.000000e-01 : f32
    %mul3A_218 = vector.broadcast %mul3A_217 : f32 to vector<16xf32>
    %mul3A_219 = arith.mulf %sub3A_216, %mul3A_218 : vector<16xf32>
    %convert_element_type3A_220 = arith.fptosi %mul3A_210 : vector<16xf32> to vector<16xi32>
    %convert_element_type3A_221 = arith.sitofp %convert_element_type3A_220 : vector<16xi32> to vector<16xf32>
    %gt3A_222 = arith.cmpf ogt, %convert_element_type3A_221, %mul3A_210 : vector<16xf32>
    %jit3A_223 = arith.constant 1 : i32
    %jit3A_224 = arith.constant 0 : i32
    %broadcast_in_dim3A_225 = vector.broadcast %jit3A_223 : i32 to vector<16xi32>
    %broadcast_in_dim3A_226 = vector.broadcast %jit3A_224 : i32 to vector<16xi32>
    %select_n3A_227 = arith.select %gt3A_222, %broadcast_in_dim3A_225, %broadcast_in_dim3A_226 : vector<16xi1>, vector<16xi32>
    %sub3A_228 = arith.subi %convert_element_type3A_220, %select_n3A_227 : vector<16xi32>
    %convert_element_type3A_229 = arith.fptosi %mul3A_219 : vector<16xf32> to vector<16xi32>
    %convert_element_type3A_230 = arith.sitofp %convert_element_type3A_229 : vector<16xi32> to vector<16xf32>
    %gt3A_231 = arith.cmpf ogt, %convert_element_type3A_230, %mul3A_219 : vector<16xf32>
    %jit3A_232 = arith.constant 1 : i32
    %jit3A_233 = arith.constant 0 : i32
    %broadcast_in_dim3A_234 = vector.broadcast %jit3A_232 : i32 to vector<16xi32>
    %broadcast_in_dim3A_235 = vector.broadcast %jit3A_233 : i32 to vector<16xi32>
    %select_n3A_236 = arith.select %gt3A_231, %broadcast_in_dim3A_234, %broadcast_in_dim3A_235 : vector<16xi1>, vector<16xi32>
    %sub3A_237 = arith.subi %convert_element_type3A_229, %select_n3A_236 : vector<16xi32>
    %convert_element_type3A_238 = arith.sitofp %sub3A_228 : vector<16xi32> to vector<16xf32>
    %sub3A_239 = arith.subf %mul3A_210, %convert_element_type3A_238 : vector<16xf32>
    %sub3A_240 = arith.constant 1.000000e+00 : f32
    %sub3A_241 = vector.broadcast %sub3A_240 : f32 to vector<16xf32>
    %sub3A_242 = arith.subf %sub3A_241, %sub3A_239 : vector<16xf32>
    %convert_element_type3A_243 = arith.sitofp %sub3A_237 : vector<16xi32> to vector<16xf32>
    %sub3A_244 = arith.subf %mul3A_219, %convert_element_type3A_243 : vector<16xf32>
    %sub3A_245 = arith.constant 1.000000e+00 : f32
    %sub3A_246 = vector.broadcast %sub3A_245 : f32 to vector<16xf32>
    %sub3A_247 = arith.subf %sub3A_246, %sub3A_244 : vector<16xf32>
    %add3A_248 = arith.constant 1 : i32
    %add3A_249 = vector.broadcast %add3A_248 : i32 to vector<16xi32>
    %add3A_250 = arith.addi %sub3A_228, %add3A_249 : vector<16xi32>
    %add3A_251 = arith.constant 1 : i32
    %add3A_252 = vector.broadcast %add3A_251 : i32 to vector<16xi32>
    %add3A_253 = arith.addi %sub3A_237, %add3A_252 : vector<16xi32>
    %ge3A_254 = arith.constant 0 : i32
    %ge3A_255 = vector.broadcast %ge3A_254 : i32 to vector<16xi32>
    %ge3A_256 = arith.cmpi sge, %sub3A_228, %ge3A_255 : vector<16xi32>
    %le3A_257 = arith.constant 127 : i32
    %le3A_258 = vector.broadcast %le3A_257 : i32 to vector<16xi32>
    %le3A_259 = arith.cmpi sle, %sub3A_228, %le3A_258 : vector<16xi32>
    %and3A_260 = arith.andi %ge3A_256, %le3A_259 : vector<16xi1>
    %jit3A_261 = arith.constant 0.000000e+00 : f32
    %broadcast_in_dim3A_262 = vector.broadcast %jit3A_261 : f32 to vector<16xf32>
    %select_n3A_263 = arith.select %and3A_260, %sub3A_242, %broadcast_in_dim3A_262 : vector<16xi1>, vector<16xf32>
    %ge3A_264 = arith.constant 0 : i32
    %ge3A_265 = vector.broadcast %ge3A_264 : i32 to vector<16xi32>
    %ge3A_266 = arith.cmpi sge, %add3A_250, %ge3A_265 : vector<16xi32>
    %le3A_267 = arith.constant 127 : i32
    %le3A_268 = vector.broadcast %le3A_267 : i32 to vector<16xi32>
    %le3A_269 = arith.cmpi sle, %add3A_250, %le3A_268 : vector<16xi32>
    %and3A_270 = arith.andi %ge3A_266, %le3A_269 : vector<16xi1>
    %jit3A_271 = arith.constant 0.000000e+00 : f32
    %broadcast_in_dim3A_272 = vector.broadcast %jit3A_271 : f32 to vector<16xf32>
    %select_n3A_273 = arith.select %and3A_270, %sub3A_239, %broadcast_in_dim3A_272 : vector<16xi1>, vector<16xf32>
    %ge3A_274 = arith.constant 0 : i32
    %ge3A_275 = vector.broadcast %ge3A_274 : i32 to vector<16xi32>
    %ge3A_276 = arith.cmpi sge, %sub3A_237, %ge3A_275 : vector<16xi32>
    %le3A_277 = arith.constant 127 : i32
    %le3A_278 = vector.broadcast %le3A_277 : i32 to vector<16xi32>
    %le3A_279 = arith.cmpi sle, %sub3A_237, %le3A_278 : vector<16xi32>
    %and3A_280 = arith.andi %ge3A_276, %le3A_279 : vector<16xi1>
    %jit3A_281 = arith.constant 0.000000e+00 : f32
    %broadcast_in_dim3A_282 = vector.broadcast %jit3A_281 : f32 to vector<16xf32>
    %select_n3A_283 = arith.select %and3A_280, %sub3A_247, %broadcast_in_dim3A_282 : vector<16xi1>, vector<16xf32>
    %ge3A_284 = arith.constant 0 : i32
    %ge3A_285 = vector.broadcast %ge3A_284 : i32 to vector<16xi32>
    %ge3A_286 = arith.cmpi sge, %add3A_253, %ge3A_285 : vector<16xi32>
    %le3A_287 = arith.constant 127 : i32
    %le3A_288 = vector.broadcast %le3A_287 : i32 to vector<16xi32>
    %le3A_289 = arith.cmpi sle, %add3A_253, %le3A_288 : vector<16xi32>
    %and3A_290 = arith.andi %ge3A_286, %le3A_289 : vector<16xi1>
    %jit3A_291 = arith.constant 0.000000e+00 : f32
    %broadcast_in_dim3A_292 = vector.broadcast %jit3A_291 : f32 to vector<16xf32>
    %select_n3A_293 = arith.select %and3A_290, %sub3A_244, %broadcast_in_dim3A_292 : vector<16xi1>, vector<16xf32>
    %max3A_294 = arith.constant 0 : i32
    %max3A_295 = vector.broadcast %max3A_294 : i32 to vector<16xi32>
    %max3A_296 = arith.maxsi %sub3A_228, %max3A_295 : vector<16xi32>
    %min3A_297 = arith.constant 127 : i32
    %min3A_298 = vector.broadcast %min3A_297 : i32 to vector<16xi32>
    %min3A_299 = arith.minsi %max3A_296, %min3A_298 : vector<16xi32>
    %max3A_300 = arith.constant 0 : i32
    %max3A_301 = vector.broadcast %max3A_300 : i32 to vector<16xi32>
    %max3A_302 = arith.maxsi %add3A_250, %max3A_301 : vector<16xi32>
    %min3A_303 = arith.constant 127 : i32
    %min3A_304 = vector.broadcast %min3A_303 : i32 to vector<16xi32>
    %min3A_305 = arith.minsi %max3A_302, %min3A_304 : vector<16xi32>
    %max3A_306 = arith.constant 0 : i32
    %max3A_307 = vector.broadcast %max3A_306 : i32 to vector<16xi32>
    %max3A_308 = arith.maxsi %sub3A_237, %max3A_307 : vector<16xi32>
    %min3A_309 = arith.constant 127 : i32
    %min3A_310 = vector.broadcast %min3A_309 : i32 to vector<16xi32>
    %min3A_311 = arith.minsi %max3A_308, %min3A_310 : vector<16xi32>
    %max3A_312 = arith.constant 0 : i32
    %max3A_313 = vector.broadcast %max3A_312 : i32 to vector<16xi32>
    %max3A_314 = arith.maxsi %add3A_253, %max3A_313 : vector<16xi32>
    %min3A_315 = arith.constant 127 : i32
    %min3A_316 = vector.broadcast %min3A_315 : i32 to vector<16xi32>
    %min3A_317 = arith.minsi %max3A_314, %min3A_316 : vector<16xi32>
    %add3A_318 = arith.constant 16 : i32
    %add3A_319 = arith.addi %mul3A_2, %add3A_318 : i32
    %add3A_320 = vector.broadcast %add3A_319 : i32 to vector<16xi32>
    %add3A_321 = arith.addi %add3A_320, %iota3A : vector<16xi32>
    %and3A_322 = arith.constant -16384 : i32
    %and3A_323 = vector.broadcast %and3A_322 : i32 to vector<16xi32>
    %and3A_324 = arith.andi %add3A_321, %and3A_323 : vector<16xi32>
    %mul3A_325 = arith.constant 128 : i32
    %mul3A_326 = vector.broadcast %mul3A_325 : i32 to vector<16xi32>
    %mul3A_327 = arith.muli %min3A_311, %mul3A_326 : vector<16xi32>
    %add3A_328 = arith.addi %and3A_324, %mul3A_327 : vector<16xi32>
    %mul3A_329 = arith.constant 128 : i32
    %mul3A_330 = vector.broadcast %mul3A_329 : i32 to vector<16xi32>
    %mul3A_331 = arith.muli %min3A_317, %mul3A_330 : vector<16xi32>
    %add3A_332 = arith.addi %and3A_324, %mul3A_331 : vector<16xi32>
    %add3A_333 = arith.addi %add3A_328, %min3A_299 : vector<16xi32>
    %swap3A_334 = arith.constant 16 : index
    %swap3A_335 = tpu.vector_load %arg6[%swap3A_334] {strides = array<i32>} : memref<64xi32, #tpu.memory_space<vmem>>, vector<16xi32>,
    tpu.vector_store %arg6[%swap3A_334], %add3A_333 {strides = array<i32>} : memref<64xi32, #tpu.memory_space<vmem>>, vector<16xi32>,
    %add3A_336 = arith.addi %add3A_328, %min3A_305 : vector<16xi32>
    %swap3A_337 = arith.constant 16 : index
    %swap3A_338 = tpu.vector_load %arg7[%swap3A_337] {strides = array<i32>} : memref<64xi32, #tpu.memory_space<vmem>>, vector<16xi32>,
    tpu.vector_store %arg7[%swap3A_337], %add3A_336 {strides = array<i32>} : memref<64xi32, #tpu.memory_space<vmem>>, vector<16xi32>,
    %add3A_339 = arith.addi %add3A_332, %min3A_299 : vector<16xi32>
    %swap3A_340 = arith.constant 16 : index
    %swap3A_341 = tpu.vector_load %arg8[%swap3A_340] {strides = array<i32>} : memref<64xi32, #tpu.memory_space<vmem>>, vector<16xi32>,
    tpu.vector_store %arg8[%swap3A_340], %add3A_339 {strides = array<i32>} : memref<64xi32, #tpu.memory_space<vmem>>, vector<16xi32>,
    %add3A_342 = arith.addi %add3A_332, %min3A_305 : vector<16xi32>
    %swap3A_343 = arith.constant 16 : index
    %swap3A_344 = tpu.vector_load %arg9[%swap3A_343] {strides = array<i32>} : memref<64xi32, #tpu.memory_space<vmem>>, vector<16xi32>,
    tpu.vector_store %arg9[%swap3A_343], %add3A_342 {strides = array<i32>} : memref<64xi32, #tpu.memory_space<vmem>>, vector<16xi32>,
    %mul3A_345 = arith.mulf %select_n3A_283, %select_n3A_263 : vector<16xf32>
    %swap3A_346 = arith.constant 16 : index
    %swap3A_347 = tpu.vector_load %arg10[%swap3A_346] {strides = array<i32>} : memref<64xf32, #tpu.memory_space<vmem>>, vector<16xf32>,
    tpu.vector_store %arg10[%swap3A_346], %mul3A_345 {strides = array<i32>} : memref<64xf32, #tpu.memory_space<vmem>>, vector<16xf32>,
    %mul3A_348 = arith.mulf %select_n3A_283, %select_n3A_273 : vector<16xf32>
    %swap3A_349 = arith.constant 16 : index
    %swap3A_350 = tpu.vector_load %arg11[%swap3A_349] {strides = array<i32>} : memref<64xf32, #tpu.memory_space<vmem>>, vector<16xf32>,
    tpu.vector_store %arg11[%swap3A_349], %mul3A_348 {strides = array<i32>} : memref<64xf32, #tpu.memory_space<vmem>>, vector<16xf32>,
    %mul3A_351 = arith.mulf %select_n3A_293, %select_n3A_263 : vector<16xf32>
    %swap3A_352 = arith.constant 16 : index
    %swap3A_353 = tpu.vector_load %arg12[%swap3A_352] {strides = array<i32>} : memref<64xf32, #tpu.memory_space<vmem>>, vector<16xf32>,
    tpu.vector_store %arg12[%swap3A_352], %mul3A_351 {strides = array<i32>} : memref<64xf32, #tpu.memory_space<vmem>>, vector<16xf32>,
    %mul3A_354 = arith.mulf %select_n3A_293, %select_n3A_273 : vector<16xf32>
    %swap3A_355 = arith.constant 16 : index
    %swap3A_356 = tpu.vector_load %arg13[%swap3A_355] {strides = array<i32>} : memref<64xf32, #tpu.memory_space<vmem>>, vector<16xf32>,
    tpu.vector_store %arg13[%swap3A_355], %mul3A_354 {strides = array<i32>} : memref<64xf32, #tpu.memory_space<vmem>>, vector<16xf32>,
    %add3A_357 = arith.constant 64 : i32
    %add3A_358 = vector.broadcast %add3A_357 : i32 to vector<16xi32>
    %add3A_359 = arith.addi %mul3A_7, %add3A_358 : vector<16xi32>
    %gather3A_360 = tpu.vector_load_idx %arg5[%add3A_359] : memref<16384xf32, #tpu.memory_space<vmem>>[vector<16xi32>], vector<16xf32>,
    %add3A_361 = arith.constant 65 : i32
    %add3A_362 = vector.broadcast %add3A_361 : i32 to vector<16xi32>
    %add3A_363 = arith.addi %mul3A_7, %add3A_362 : vector<16xi32>
    %gather3A_364 = tpu.vector_load_idx %arg5[%add3A_363] : memref<16384xf32, #tpu.memory_space<vmem>>[vector<16xi32>], vector<16xf32>,
    %mul3A_365 = arith.constant 2.000000e+00 : f32
    %mul3A_366 = vector.broadcast %mul3A_365 : f32 to vector<16xf32>
    %mul3A_367 = arith.mulf %mul3A_366, %gather3A_360 : vector<16xf32>
    %sub3A_368 = arith.constant 1.000000e+00 : f32
    %sub3A_369 = vector.broadcast %sub3A_368 : f32 to vector<16xf32>
    %sub3A_370 = arith.subf %mul3A_367, %sub3A_369 : vector<16xf32>
    %add3A_371 = arith.constant 1.000000e+00 : f32
    %add3A_372 = vector.broadcast %add3A_371 : f32 to vector<16xf32>
    %add3A_373 = arith.addf %sub3A_370, %add3A_372 : vector<16xf32>
    %mul3A_374 = arith.constant 2.000000e+00 : f32
    %mul3A_375 = vector.broadcast %mul3A_374 : f32 to vector<16xf32>
    %mul3A_376 = arith.mulf %mul3A_375, %gather3A_364 : vector<16xf32>
    %sub3A_377 = arith.constant 1.000000e+00 : f32
    %sub3A_378 = vector.broadcast %sub3A_377 : f32 to vector<16xf32>
    %sub3A_379 = arith.subf %mul3A_376, %sub3A_378 : vector<16xf32>
    %add3A_380 = arith.constant 1.000000e+00 : f32
    %add3A_381 = vector.broadcast %add3A_380 : f32 to vector<16xf32>
    %add3A_382 = arith.addf %sub3A_379, %add3A_381 : vector<16xf32>
    %mul3A_383 = arith.constant 1.280000e+02 : f32
    %mul3A_384 = vector.broadcast %mul3A_383 : f32 to vector<16xf32>
    %mul3A_385 = arith.mulf %add3A_373, %mul3A_384 : vector<16xf32>
    %sub3A_386 = arith.constant 1.000000e+00 : f32
    %sub3A_387 = vector.broadcast %sub3A_386 : f32 to vector<16xf32>
    %sub3A_388 = arith.subf %mul3A_385, %sub3A_387 : vector<16xf32>
    %mul3A_389 = arith.constant 5.000000e-01 : f32
    %mul3A_390 = vector.broadcast %mul3A_389 : f32 to vector<16xf32>
    %mul3A_391 = arith.mulf %sub3A_388, %mul3A_390 : vector<16xf32>
    %mul3A_392 = arith.constant 1.280000e+02 : f32
    %mul3A_393 = vector.broadcast %mul3A_392 : f32 to vector<16xf32>
    %mul3A_394 = arith.mulf %add3A_382, %mul3A_393 : vector<16xf32>
    %sub3A_395 = arith.constant 1.000000e+00 : f32
    %sub3A_396 = vector.broadcast %sub3A_395 : f32 to vector<16xf32>
    %sub3A_397 = arith.subf %mul3A_394, %sub3A_396 : vector<16xf32>
    %mul3A_398 = arith.constant 5.000000e-01 : f32
    %mul3A_399 = vector.broadcast %mul3A_398 : f32 to vector<16xf32>
    %mul3A_400 = arith.mulf %sub3A_397, %mul3A_399 : vector<16xf32>
    %convert_element_type3A_401 = arith.fptosi %mul3A_391 : vector<16xf32> to vector<16xi32>
    %convert_element_type3A_402 = arith.sitofp %convert_element_type3A_401 : vector<16xi32> to vector<16xf32>
    %gt3A_403 = arith.cmpf ogt, %convert_element_type3A_402, %mul3A_391 : vector<16xf32>
    %jit3A_404 = arith.constant 1 : i32
    %jit3A_405 = arith.constant 0 : i32
    %broadcast_in_dim3A_406 = vector.broadcast %jit3A_404 : i32 to vector<16xi32>
    %broadcast_in_dim3A_407 = vector.broadcast %jit3A_405 : i32 to vector<16xi32>
    %select_n3A_408 = arith.select %gt3A_403, %broadcast_in_dim3A_406, %broadcast_in_dim3A_407 : vector<16xi1>, vector<16xi32>
    %sub3A_409 = arith.subi %convert_element_type3A_401, %select_n3A_408 : vector<16xi32>
    %convert_element_type3A_410 = arith.fptosi %mul3A_400 : vector<16xf32> to vector<16xi32>
    %convert_element_type3A_411 = arith.sitofp %convert_element_type3A_410 : vector<16xi32> to vector<16xf32>
    %gt3A_412 = arith.cmpf ogt, %convert_element_type3A_411, %mul3A_400 : vector<16xf32>
    %jit3A_413 = arith.constant 1 : i32
    %jit3A_414 = arith.constant 0 : i32
    %broadcast_in_dim3A_415 = vector.broadcast %jit3A_413 : i32 to vector<16xi32>
    %broadcast_in_dim3A_416 = vector.broadcast %jit3A_414 : i32 to vector<16xi32>
    %select_n3A_417 = arith.select %gt3A_412, %broadcast_in_dim3A_415, %broadcast_in_dim3A_416 : vector<16xi1>, vector<16xi32>
    %sub3A_418 = arith.subi %convert_element_type3A_410, %select_n3A_417 : vector<16xi32>
    %convert_element_type3A_419 = arith.sitofp %sub3A_409 : vector<16xi32> to vector<16xf32>
    %sub3A_420 = arith.subf %mul3A_391, %convert_element_type3A_419 : vector<16xf32>
    %sub3A_421 = arith.constant 1.000000e+00 : f32
    %sub3A_422 = vector.broadcast %sub3A_421 : f32 to vector<16xf32>
    %sub3A_423 = arith.subf %sub3A_422, %sub3A_420 : vector<16xf32>
    %convert_element_type3A_424 = arith.sitofp %sub3A_418 : vector<16xi32> to vector<16xf32>
    %sub3A_425 = arith.subf %mul3A_400, %convert_element_type3A_424 : vector<16xf32>
    %sub3A_426 = arith.constant 1.000000e+00 : f32
    %sub3A_427 = vector.broadcast %sub3A_426 : f32 to vector<16xf32>
    %sub3A_428 = arith.subf %sub3A_427, %sub3A_425 : vector<16xf32>
    %add3A_429 = arith.constant 1 : i32
    %add3A_430 = vector.broadcast %add3A_429 : i32 to vector<16xi32>
    %add3A_431 = arith.addi %sub3A_409, %add3A_430 : vector<16xi32>
    %add3A_432 = arith.constant 1 : i32
    %add3A_433 = vector.broadcast %add3A_432 : i32 to vector<16xi32>
    %add3A_434 = arith.addi %sub3A_418, %add3A_433 : vector<16xi32>
    %ge3A_435 = arith.constant 0 : i32
    %ge3A_436 = vector.broadcast %ge3A_435 : i32 to vector<16xi32>
    %ge3A_437 = arith.cmpi sge, %sub3A_409, %ge3A_436 : vector<16xi32>
    %le3A_438 = arith.constant 127 : i32
    %le3A_439 = vector.broadcast %le3A_438 : i32 to vector<16xi32>
    %le3A_440 = arith.cmpi sle, %sub3A_409, %le3A_439 : vector<16xi32>
    %and3A_441 = arith.andi %ge3A_437, %le3A_440 : vector<16xi1>
    %jit3A_442 = arith.constant 0.000000e+00 : f32
    %broadcast_in_dim3A_443 = vector.broadcast %jit3A_442 : f32 to vector<16xf32>
    %select_n3A_444 = arith.select %and3A_441, %sub3A_423, %broadcast_in_dim3A_443 : vector<16xi1>, vector<16xf32>
    %ge3A_445 = arith.constant 0 : i32
    %ge3A_446 = vector.broadcast %ge3A_445 : i32 to vector<16xi32>
    %ge3A_447 = arith.cmpi sge, %add3A_431, %ge3A_446 : vector<16xi32>
    %le3A_448 = arith.constant 127 : i32
    %le3A_449 = vector.broadcast %le3A_448 : i32 to vector<16xi32>
    %le3A_450 = arith.cmpi sle, %add3A_431, %le3A_449 : vector<16xi32>
    %and3A_451 = arith.andi %ge3A_447, %le3A_450 : vector<16xi1>
    %jit3A_452 = arith.constant 0.000000e+00 : f32
    %broadcast_in_dim3A_453 = vector.broadcast %jit3A_452 : f32 to vector<16xf32>
    %select_n3A_454 = arith.select %and3A_451, %sub3A_420, %broadcast_in_dim3A_453 : vector<16xi1>, vector<16xf32>
    %ge3A_455 = arith.constant 0 : i32
    %ge3A_456 = vector.broadcast %ge3A_455 : i32 to vector<16xi32>
    %ge3A_457 = arith.cmpi sge, %sub3A_418, %ge3A_456 : vector<16xi32>
    %le3A_458 = arith.constant 127 : i32
    %le3A_459 = vector.broadcast %le3A_458 : i32 to vector<16xi32>
    %le3A_460 = arith.cmpi sle, %sub3A_418, %le3A_459 : vector<16xi32>
    %and3A_461 = arith.andi %ge3A_457, %le3A_460 : vector<16xi1>
    %jit3A_462 = arith.constant 0.000000e+00 : f32
    %broadcast_in_dim3A_463 = vector.broadcast %jit3A_462 : f32 to vector<16xf32>
    %select_n3A_464 = arith.select %and3A_461, %sub3A_428, %broadcast_in_dim3A_463 : vector<16xi1>, vector<16xf32>
    %ge3A_465 = arith.constant 0 : i32
    %ge3A_466 = vector.broadcast %ge3A_465 : i32 to vector<16xi32>
    %ge3A_467 = arith.cmpi sge, %add3A_434, %ge3A_466 : vector<16xi32>
    %le3A_468 = arith.constant 127 : i32
    %le3A_469 = vector.broadcast %le3A_468 : i32 to vector<16xi32>
    %le3A_470 = arith.cmpi sle, %add3A_434, %le3A_469 : vector<16xi32>
    %and3A_471 = arith.andi %ge3A_467, %le3A_470 : vector<16xi1>
    %jit3A_472 = arith.constant 0.000000e+00 : f32
    %broadcast_in_dim3A_473 = vector.broadcast %jit3A_472 : f32 to vector<16xf32>
    %select_n3A_474 = arith.select %and3A_471, %sub3A_425, %broadcast_in_dim3A_473 : vector<16xi1>, vector<16xf32>
    %max3A_475 = arith.constant 0 : i32
    %max3A_476 = vector.broadcast %max3A_475 : i32 to vector<16xi32>
    %max3A_477 = arith.maxsi %sub3A_409, %max3A_476 : vector<16xi32>
    %min3A_478 = arith.constant 127 : i32
    %min3A_479 = vector.broadcast %min3A_478 : i32 to vector<16xi32>
    %min3A_480 = arith.minsi %max3A_477, %min3A_479 : vector<16xi32>
    %max3A_481 = arith.constant 0 : i32
    %max3A_482 = vector.broadcast %max3A_481 : i32 to vector<16xi32>
    %max3A_483 = arith.maxsi %add3A_431, %max3A_482 : vector<16xi32>
    %min3A_484 = arith.constant 127 : i32
    %min3A_485 = vector.broadcast %min3A_484 : i32 to vector<16xi32>
    %min3A_486 = arith.minsi %max3A_483, %min3A_485 : vector<16xi32>
    %max3A_487 = arith.constant 0 : i32
    %max3A_488 = vector.broadcast %max3A_487 : i32 to vector<16xi32>
    %max3A_489 = arith.maxsi %sub3A_418, %max3A_488 : vector<16xi32>
    %min3A_490 = arith.constant 127 : i32
    %min3A_491 = vector.broadcast %min3A_490 : i32 to vector<16xi32>
    %min3A_492 = arith.minsi %max3A_489, %min3A_491 : vector<16xi32>
    %max3A_493 = arith.constant 0 : i32
    %max3A_494 = vector.broadcast %max3A_493 : i32 to vector<16xi32>
    %max3A_495 = arith.maxsi %add3A_434, %max3A_494 : vector<16xi32>
    %min3A_496 = arith.constant 127 : i32
    %min3A_497 = vector.broadcast %min3A_496 : i32 to vector<16xi32>
    %min3A_498 = arith.minsi %max3A_495, %min3A_497 : vector<16xi32>
    %add3A_499 = arith.constant 32 : i32
    %add3A_500 = arith.addi %mul3A_2, %add3A_499 : i32
    %add3A_501 = vector.broadcast %add3A_500 : i32 to vector<16xi32>
    %add3A_502 = arith.addi %add3A_501, %iota3A : vector<16xi32>
    %and3A_503 = arith.constant -16384 : i32
    %and3A_504 = vector.broadcast %and3A_503 : i32 to vector<16xi32>
    %and3A_505 = arith.andi %add3A_502, %and3A_504 : vector<16xi32>
    %mul3A_506 = arith.constant 128 : i32
    %mul3A_507 = vector.broadcast %mul3A_506 : i32 to vector<16xi32>
    %mul3A_508 = arith.muli %min3A_492, %mul3A_507 : vector<16xi32>
    %add3A_509 = arith.addi %and3A_505, %mul3A_508 : vector<16xi32>
    %mul3A_510 = arith.constant 128 : i32
    %mul3A_511 = vector.broadcast %mul3A_510 : i32 to vector<16xi32>
    %mul3A_512 = arith.muli %min3A_498, %mul3A_511 : vector<16xi32>
    %add3A_513 = arith.addi %and3A_505, %mul3A_512 : vector<16xi32>
    %add3A_514 = arith.addi %add3A_509, %min3A_480 : vector<16xi32>
    %swap3A_515 = arith.constant 32 : index
    %swap3A_516 = tpu.vector_load %arg6[%swap3A_515] {strides = array<i32>} : memref<64xi32, #tpu.memory_space<vmem>>, vector<16xi32>,
    tpu.vector_store %arg6[%swap3A_515], %add3A_514 {strides = array<i32>} : memref<64xi32, #tpu.memory_space<vmem>>, vector<16xi32>,
    %add3A_517 = arith.addi %add3A_509, %min3A_486 : vector<16xi32>
    %swap3A_518 = arith.constant 32 : index
    %swap3A_519 = tpu.vector_load %arg7[%swap3A_518] {strides = array<i32>} : memref<64xi32, #tpu.memory_space<vmem>>, vector<16xi32>,
    tpu.vector_store %arg7[%swap3A_518], %add3A_517 {strides = array<i32>} : memref<64xi32, #tpu.memory_space<vmem>>, vector<16xi32>,
    %add3A_520 = arith.addi %add3A_513, %min3A_480 : vector<16xi32>
    %swap3A_521 = arith.constant 32 : index
    %swap3A_522 = tpu.vector_load %arg8[%swap3A_521] {strides = array<i32>} : memref<64xi32, #tpu.memory_space<vmem>>, vector<16xi32>,
    tpu.vector_store %arg8[%swap3A_521], %add3A_520 {strides = array<i32>} : memref<64xi32, #tpu.memory_space<vmem>>, vector<16xi32>,
    %add3A_523 = arith.addi %add3A_513, %min3A_486 : vector<16xi32>
    %swap3A_524 = arith.constant 32 : index
    %swap3A_525 = tpu.vector_load %arg9[%swap3A_524] {strides = array<i32>} : memref<64xi32, #tpu.memory_space<vmem>>, vector<16xi32>,
    tpu.vector_store %arg9[%swap3A_524], %add3A_523 {strides = array<i32>} : memref<64xi32, #tpu.memory_space<vmem>>, vector<16xi32>,
    %mul3A_526 = arith.mulf %select_n3A_464, %select_n3A_444 : vector<16xf32>
    %swap3A_527 = arith.constant 32 : index
    %swap3A_528 = tpu.vector_load %arg10[%swap3A_527] {strides = array<i32>} : memref<64xf32, #tpu.memory_space<vmem>>, vector<16xf32>,
    tpu.vector_store %arg10[%swap3A_527], %mul3A_526 {strides = array<i32>} : memref<64xf32, #tpu.memory_space<vmem>>, vector<16xf32>,
    %mul3A_529 = arith.mulf %select_n3A_464, %select_n3A_454 : vector<16xf32>
    %swap3A_530 = arith.constant 32 : index
    %swap3A_531 = tpu.vector_load %arg11[%swap3A_530] {strides = array<i32>} : memref<64xf32, #tpu.memory_space<vmem>>, vector<16xf32>,
    tpu.vector_store %arg11[%swap3A_530], %mul3A_529 {strides = array<i32>} : memref<64xf32, #tpu.memory_space<vmem>>, vector<16xf32>,
    %mul3A_532 = arith.mulf %select_n3A_474, %select_n3A_444 : vector<16xf32>
    %swap3A_533 = arith.constant 32 : index
    %swap3A_534 = tpu.vector_load %arg12[%swap3A_533] {strides = array<i32>} : memref<64xf32, #tpu.memory_space<vmem>>, vector<16xf32>,
    tpu.vector_store %arg12[%swap3A_533], %mul3A_532 {strides = array<i32>} : memref<64xf32, #tpu.memory_space<vmem>>, vector<16xf32>,
    %mul3A_535 = arith.mulf %select_n3A_474, %select_n3A_454 : vector<16xf32>
    %swap3A_536 = arith.constant 32 : index
    %swap3A_537 = tpu.vector_load %arg13[%swap3A_536] {strides = array<i32>} : memref<64xf32, #tpu.memory_space<vmem>>, vector<16xf32>,
    tpu.vector_store %arg13[%swap3A_536], %mul3A_535 {strides = array<i32>} : memref<64xf32, #tpu.memory_space<vmem>>, vector<16xf32>,
    %add3A_538 = arith.constant 96 : i32
    %add3A_539 = vector.broadcast %add3A_538 : i32 to vector<16xi32>
    %add3A_540 = arith.addi %mul3A_7, %add3A_539 : vector<16xi32>
    %gather3A_541 = tpu.vector_load_idx %arg5[%add3A_540] : memref<16384xf32, #tpu.memory_space<vmem>>[vector<16xi32>], vector<16xf32>,
    %add3A_542 = arith.constant 97 : i32
    %add3A_543 = vector.broadcast %add3A_542 : i32 to vector<16xi32>
    %add3A_544 = arith.addi %mul3A_7, %add3A_543 : vector<16xi32>
    %gather3A_545 = tpu.vector_load_idx %arg5[%add3A_544] : memref<16384xf32, #tpu.memory_space<vmem>>[vector<16xi32>], vector<16xf32>,
    %mul3A_546 = arith.constant 2.000000e+00 : f32
    %mul3A_547 = vector.broadcast %mul3A_546 : f32 to vector<16xf32>
    %mul3A_548 = arith.mulf %mul3A_547, %gather3A_541 : vector<16xf32>
    %sub3A_549 = arith.constant 1.000000e+00 : f32
    %sub3A_550 = vector.broadcast %sub3A_549 : f32 to vector<16xf32>
    %sub3A_551 = arith.subf %mul3A_548, %sub3A_550 : vector<16xf32>
    %add3A_552 = arith.constant 1.000000e+00 : f32
    %add3A_553 = vector.broadcast %add3A_552 : f32 to vector<16xf32>
    %add3A_554 = arith.addf %sub3A_551, %add3A_553 : vector<16xf32>
    %mul3A_555 = arith.constant 2.000000e+00 : f32
    %mul3A_556 = vector.broadcast %mul3A_555 : f32 to vector<16xf32>
    %mul3A_557 = arith.mulf %mul3A_556, %gather3A_545 : vector<16xf32>
    %sub3A_558 = arith.constant 1.000000e+00 : f32
    %sub3A_559 = vector.broadcast %sub3A_558 : f32 to vector<16xf32>
    %sub3A_560 = arith.subf %mul3A_557, %sub3A_559 : vector<16xf32>
    %add3A_561 = arith.constant 1.000000e+00 : f32
    %add3A_562 = vector.broadcast %add3A_561 : f32 to vector<16xf32>
    %add3A_563 = arith.addf %sub3A_560, %add3A_562 : vector<16xf32>
    %mul3A_564 = arith.constant 1.280000e+02 : f32
    %mul3A_565 = vector.broadcast %mul3A_564 : f32 to vector<16xf32>
    %mul3A_566 = arith.mulf %add3A_554, %mul3A_565 : vector<16xf32>
    %sub3A_567 = arith.constant 1.000000e+00 : f32
    %sub3A_568 = vector.broadcast %sub3A_567 : f32 to vector<16xf32>
    %sub3A_569 = arith.subf %mul3A_566, %sub3A_568 : vector<16xf32>
    %mul3A_570 = arith.constant 5.000000e-01 : f32
    %mul3A_571 = vector.broadcast %mul3A_570 : f32 to vector<16xf32>
    %mul3A_572 = arith.mulf %sub3A_569, %mul3A_571 : vector<16xf32>
    %mul3A_573 = arith.constant 1.280000e+02 : f32
    %mul3A_574 = vector.broadcast %mul3A_573 : f32 to vector<16xf32>
    %mul3A_575 = arith.mulf %add3A_563, %mul3A_574 : vector<16xf32>
    %sub3A_576 = arith.constant 1.000000e+00 : f32
    %sub3A_577 = vector.broadcast %sub3A_576 : f32 to vector<16xf32>
    %sub3A_578 = arith.subf %mul3A_575, %sub3A_577 : vector<16xf32>
    %mul3A_579 = arith.constant 5.000000e-01 : f32
    %mul3A_580 = vector.broadcast %mul3A_579 : f32 to vector<16xf32>
    %mul3A_581 = arith.mulf %sub3A_578, %mul3A_580 : vector<16xf32>
    %convert_element_type3A_582 = arith.fptosi %mul3A_572 : vector<16xf32> to vector<16xi32>
    %convert_element_type3A_583 = arith.sitofp %convert_element_type3A_582 : vector<16xi32> to vector<16xf32>
    %gt3A_584 = arith.cmpf ogt, %convert_element_type3A_583, %mul3A_572 : vector<16xf32>
    %jit3A_585 = arith.constant 1 : i32
    %jit3A_586 = arith.constant 0 : i32
    %broadcast_in_dim3A_587 = vector.broadcast %jit3A_585 : i32 to vector<16xi32>
    %broadcast_in_dim3A_588 = vector.broadcast %jit3A_586 : i32 to vector<16xi32>
    %select_n3A_589 = arith.select %gt3A_584, %broadcast_in_dim3A_587, %broadcast_in_dim3A_588 : vector<16xi1>, vector<16xi32>
    %sub3A_590 = arith.subi %convert_element_type3A_582, %select_n3A_589 : vector<16xi32>
    %convert_element_type3A_591 = arith.fptosi %mul3A_581 : vector<16xf32> to vector<16xi32>
    %convert_element_type3A_592 = arith.sitofp %convert_element_type3A_591 : vector<16xi32> to vector<16xf32>
    %gt3A_593 = arith.cmpf ogt, %convert_element_type3A_592, %mul3A_581 : vector<16xf32>
    %jit3A_594 = arith.constant 1 : i32
    %jit3A_595 = arith.constant 0 : i32
    %broadcast_in_dim3A_596 = vector.broadcast %jit3A_594 : i32 to vector<16xi32>
    %broadcast_in_dim3A_597 = vector.broadcast %jit3A_595 : i32 to vector<16xi32>
    %select_n3A_598 = arith.select %gt3A_593, %broadcast_in_dim3A_596, %broadcast_in_dim3A_597 : vector<16xi1>, vector<16xi32>
    %sub3A_599 = arith.subi %convert_element_type3A_591, %select_n3A_598 : vector<16xi32>
    %convert_element_type3A_600 = arith.sitofp %sub3A_590 : vector<16xi32> to vector<16xf32>
    %sub3A_601 = arith.subf %mul3A_572, %convert_element_type3A_600 : vector<16xf32>
    %sub3A_602 = arith.constant 1.000000e+00 : f32
    %sub3A_603 = vector.broadcast %sub3A_602 : f32 to vector<16xf32>
    %sub3A_604 = arith.subf %sub3A_603, %sub3A_601 : vector<16xf32>
    %convert_element_type3A_605 = arith.sitofp %sub3A_599 : vector<16xi32> to vector<16xf32>
    %sub3A_606 = arith.subf %mul3A_581, %convert_element_type3A_605 : vector<16xf32>
    %sub3A_607 = arith.constant 1.000000e+00 : f32
    %sub3A_608 = vector.broadcast %sub3A_607 : f32 to vector<16xf32>
    %sub3A_609 = arith.subf %sub3A_608, %sub3A_606 : vector<16xf32>
    %add3A_610 = arith.constant 1 : i32
    %add3A_611 = vector.broadcast %add3A_610 : i32 to vector<16xi32>
    %add3A_612 = arith.addi %sub3A_590, %add3A_611 : vector<16xi32>
    %add3A_613 = arith.constant 1 : i32
    %add3A_614 = vector.broadcast %add3A_613 : i32 to vector<16xi32>
    %add3A_615 = arith.addi %sub3A_599, %add3A_614 : vector<16xi32>
    %ge3A_616 = arith.constant 0 : i32
    %ge3A_617 = vector.broadcast %ge3A_616 : i32 to vector<16xi32>
    %ge3A_618 = arith.cmpi sge, %sub3A_590, %ge3A_617 : vector<16xi32>
    %le3A_619 = arith.constant 127 : i32
    %le3A_620 = vector.broadcast %le3A_619 : i32 to vector<16xi32>
    %le3A_621 = arith.cmpi sle, %sub3A_590, %le3A_620 : vector<16xi32>
    %and3A_622 = arith.andi %ge3A_618, %le3A_621 : vector<16xi1>
    %jit3A_623 = arith.constant 0.000000e+00 : f32
    %broadcast_in_dim3A_624 = vector.broadcast %jit3A_623 : f32 to vector<16xf32>
    %select_n3A_625 = arith.select %and3A_622, %sub3A_604, %broadcast_in_dim3A_624 : vector<16xi1>, vector<16xf32>
    %ge3A_626 = arith.constant 0 : i32
    %ge3A_627 = vector.broadcast %ge3A_626 : i32 to vector<16xi32>
    %ge3A_628 = arith.cmpi sge, %add3A_612, %ge3A_627 : vector<16xi32>
    %le3A_629 = arith.constant 127 : i32
    %le3A_630 = vector.broadcast %le3A_629 : i32 to vector<16xi32>
    %le3A_631 = arith.cmpi sle, %add3A_612, %le3A_630 : vector<16xi32>
    %and3A_632 = arith.andi %ge3A_628, %le3A_631 : vector<16xi1>
    %jit3A_633 = arith.constant 0.000000e+00 : f32
    %broadcast_in_dim3A_634 = vector.broadcast %jit3A_633 : f32 to vector<16xf32>
    %select_n3A_635 = arith.select %and3A_632, %sub3A_601, %broadcast_in_dim3A_634 : vector<16xi1>, vector<16xf32>
    %ge3A_636 = arith.constant 0 : i32
    %ge3A_637 = vector.broadcast %ge3A_636 : i32 to vector<16xi32>
    %ge3A_638 = arith.cmpi sge, %sub3A_599, %ge3A_637 : vector<16xi32>
    %le3A_639 = arith.constant 127 : i32
    %le3A_640 = vector.broadcast %le3A_639 : i32 to vector<16xi32>
    %le3A_641 = arith.cmpi sle, %sub3A_599, %le3A_640 : vector<16xi32>
    %and3A_642 = arith.andi %ge3A_638, %le3A_641 : vector<16xi1>
    %jit3A_643 = arith.constant 0.000000e+00 : f32
    %broadcast_in_dim3A_644 = vector.broadcast %jit3A_643 : f32 to vector<16xf32>
    %select_n3A_645 = arith.select %and3A_642, %sub3A_609, %broadcast_in_dim3A_644 : vector<16xi1>, vector<16xf32>
    %ge3A_646 = arith.constant 0 : i32
    %ge3A_647 = vector.broadcast %ge3A_646 : i32 to vector<16xi32>
    %ge3A_648 = arith.cmpi sge, %add3A_615, %ge3A_647 : vector<16xi32>
    %le3A_649 = arith.constant 127 : i32
    %le3A_650 = vector.broadcast %le3A_649 : i32 to vector<16xi32>
    %le3A_651 = arith.cmpi sle, %add3A_615, %le3A_650 : vector<16xi32>
    %and3A_652 = arith.andi %ge3A_648, %le3A_651 : vector<16xi1>
    %jit3A_653 = arith.constant 0.000000e+00 : f32
    %broadcast_in_dim3A_654 = vector.broadcast %jit3A_653 : f32 to vector<16xf32>
    %select_n3A_655 = arith.select %and3A_652, %sub3A_606, %broadcast_in_dim3A_654 : vector<16xi1>, vector<16xf32>
    %max3A_656 = arith.constant 0 : i32
    %max3A_657 = vector.broadcast %max3A_656 : i32 to vector<16xi32>
    %max3A_658 = arith.maxsi %sub3A_590, %max3A_657 : vector<16xi32>
    %min3A_659 = arith.constant 127 : i32
    %min3A_660 = vector.broadcast %min3A_659 : i32 to vector<16xi32>
    %min3A_661 = arith.minsi %max3A_658, %min3A_660 : vector<16xi32>
    %max3A_662 = arith.constant 0 : i32
    %max3A_663 = vector.broadcast %max3A_662 : i32 to vector<16xi32>
    %max3A_664 = arith.maxsi %add3A_612, %max3A_663 : vector<16xi32>
    %min3A_665 = arith.constant 127 : i32
    %min3A_666 = vector.broadcast %min3A_665 : i32 to vector<16xi32>
    %min3A_667 = arith.minsi %max3A_664, %min3A_666 : vector<16xi32>
    %max3A_668 = arith.constant 0 : i32
    %max3A_669 = vector.broadcast %max3A_668 : i32 to vector<16xi32>
    %max3A_670 = arith.maxsi %sub3A_599, %max3A_669 : vector<16xi32>
    %min3A_671 = arith.constant 127 : i32
    %min3A_672 = vector.broadcast %min3A_671 : i32 to vector<16xi32>
    %min3A_673 = arith.minsi %max3A_670, %min3A_672 : vector<16xi32>
    %max3A_674 = arith.constant 0 : i32
    %max3A_675 = vector.broadcast %max3A_674 : i32 to vector<16xi32>
    %max3A_676 = arith.maxsi %add3A_615, %max3A_675 : vector<16xi32>
    %min3A_677 = arith.constant 127 : i32
    %min3A_678 = vector.broadcast %min3A_677 : i32 to vector<16xi32>
    %min3A_679 = arith.minsi %max3A_676, %min3A_678 : vector<16xi32>
    %add3A_680 = arith.constant 48 : i32
    %add3A_681 = arith.addi %mul3A_2, %add3A_680 : i32
    %add3A_682 = vector.broadcast %add3A_681 : i32 to vector<16xi32>
    %add3A_683 = arith.addi %add3A_682, %iota3A : vector<16xi32>
    %and3A_684 = arith.constant -16384 : i32
    %and3A_685 = vector.broadcast %and3A_684 : i32 to vector<16xi32>
    %and3A_686 = arith.andi %add3A_683, %and3A_685 : vector<16xi32>
    %mul3A_687 = arith.constant 128 : i32
    %mul3A_688 = vector.broadcast %mul3A_687 : i32 to vector<16xi32>
    %mul3A_689 = arith.muli %min3A_673, %mul3A_688 : vector<16xi32>
    %add3A_690 = arith.addi %and3A_686, %mul3A_689 : vector<16xi32>
    %mul3A_691 = arith.constant 128 : i32
    %mul3A_692 = vector.broadcast %mul3A_691 : i32 to vector<16xi32>
    %mul3A_693 = arith.muli %min3A_679, %mul3A_692 : vector<16xi32>
    %add3A_694 = arith.addi %and3A_686, %mul3A_693 : vector<16xi32>
    %add3A_695 = arith.addi %add3A_690, %min3A_661 : vector<16xi32>
    %swap3A_696 = arith.constant 48 : index
    %swap3A_697 = tpu.vector_load %arg6[%swap3A_696] {strides = array<i32>} : memref<64xi32, #tpu.memory_space<vmem>>, vector<16xi32>,
    tpu.vector_store %arg6[%swap3A_696], %add3A_695 {strides = array<i32>} : memref<64xi32, #tpu.memory_space<vmem>>, vector<16xi32>,
    %add3A_698 = arith.addi %add3A_690, %min3A_667 : vector<16xi32>
    %swap3A_699 = arith.constant 48 : index
    %swap3A_700 = tpu.vector_load %arg7[%swap3A_699] {strides = array<i32>} : memref<64xi32, #tpu.memory_space<vmem>>, vector<16xi32>,
    tpu.vector_store %arg7[%swap3A_699], %add3A_698 {strides = array<i32>} : memref<64xi32, #tpu.memory_space<vmem>>, vector<16xi32>,
    %add3A_701 = arith.addi %add3A_694, %min3A_661 : vector<16xi32>
    %swap3A_702 = arith.constant 48 : index
    %swap3A_703 = tpu.vector_load %arg8[%swap3A_702] {strides = array<i32>} : memref<64xi32, #tpu.memory_space<vmem>>, vector<16xi32>,
    tpu.vector_store %arg8[%swap3A_702], %add3A_701 {strides = array<i32>} : memref<64xi32, #tpu.memory_space<vmem>>, vector<16xi32>,
    %add3A_704 = arith.addi %add3A_694, %min3A_667 : vector<16xi32>
    %swap3A_705 = arith.constant 48 : index
    %swap3A_706 = tpu.vector_load %arg9[%swap3A_705] {strides = array<i32>} : memref<64xi32, #tpu.memory_space<vmem>>, vector<16xi32>,
    tpu.vector_store %arg9[%swap3A_705], %add3A_704 {strides = array<i32>} : memref<64xi32, #tpu.memory_space<vmem>>, vector<16xi32>,
    %mul3A_707 = arith.mulf %select_n3A_645, %select_n3A_625 : vector<16xf32>
    %swap3A_708 = arith.constant 48 : index
    %swap3A_709 = tpu.vector_load %arg10[%swap3A_708] {strides = array<i32>} : memref<64xf32, #tpu.memory_space<vmem>>, vector<16xf32>,
    tpu.vector_store %arg10[%swap3A_708], %mul3A_707 {strides = array<i32>} : memref<64xf32, #tpu.memory_space<vmem>>, vector<16xf32>,
    %mul3A_710 = arith.mulf %select_n3A_645, %select_n3A_635 : vector<16xf32>
    %swap3A_711 = arith.constant 48 : index
    %swap3A_712 = tpu.vector_load %arg11[%swap3A_711] {strides = array<i32>} : memref<64xf32, #tpu.memory_space<vmem>>, vector<16xf32>,
    tpu.vector_store %arg11[%swap3A_711], %mul3A_710 {strides = array<i32>} : memref<64xf32, #tpu.memory_space<vmem>>, vector<16xf32>,
    %mul3A_713 = arith.mulf %select_n3A_655, %select_n3A_625 : vector<16xf32>
    %swap3A_714 = arith.constant 48 : index
    %swap3A_715 = tpu.vector_load %arg12[%swap3A_714] {strides = array<i32>} : memref<64xf32, #tpu.memory_space<vmem>>, vector<16xf32>,
    tpu.vector_store %arg12[%swap3A_714], %mul3A_713 {strides = array<i32>} : memref<64xf32, #tpu.memory_space<vmem>>, vector<16xf32>,
    %mul3A_716 = arith.mulf %select_n3A_655, %select_n3A_635 : vector<16xf32>
    %swap3A_717 = arith.constant 48 : index
    %swap3A_718 = tpu.vector_load %arg13[%swap3A_717] {strides = array<i32>} : memref<64xf32, #tpu.memory_space<vmem>>, vector<16xf32>,
    tpu.vector_store %arg13[%swap3A_717], %mul3A_716 {strides = array<i32>} : memref<64xf32, #tpu.memory_space<vmem>>, vector<16xf32>,
    %dma_start3A = arith.constant 0 : i32
    %dma_start3A_719 = arith.constant 0 : i32
    %dma_start3A_720 = tpu.memref_slice %arg2[%dma_start3A, %dma_start3A_719] : memref<262144x96xf32, #tpu.memory_space<hbm>> -> memref<262144x96xf32, #tpu.memory_space<hbm>>
    tpu.enqueue_indirect_dma source(%dma_start3A_720 : memref<262144x96xf32, #tpu.memory_space<hbm>>) target(%arg22 : memref<64x96xf32, #tpu.memory_space<vmem>>) offsets(%arg6 : memref<64xi32, #tpu.memory_space<vmem>>) semaphore(%arg31 : memref<!tpu.dma_semaphore, #tpu.memory_space<semaphore_mem>>)
    %dma_start3A_721 = arith.constant 0 : i32
    %dma_start3A_722 = arith.constant 0 : i32
    %dma_start3A_723 = tpu.memref_slice %arg2[%dma_start3A_721, %dma_start3A_722] : memref<262144x96xf32, #tpu.memory_space<hbm>> -> memref<262144x96xf32, #tpu.memory_space<hbm>>
    tpu.enqueue_indirect_dma source(%dma_start3A_723 : memref<262144x96xf32, #tpu.memory_space<hbm>>) target(%arg23 : memref<64x96xf32, #tpu.memory_space<vmem>>) offsets(%arg7 : memref<64xi32, #tpu.memory_space<vmem>>) semaphore(%arg31 : memref<!tpu.dma_semaphore, #tpu.memory_space<semaphore_mem>>)
    %dma_start3A_724 = arith.constant 0 : i32
    %dma_start3A_725 = arith.constant 0 : i32
    %dma_start3A_726 = tpu.memref_slice %arg2[%dma_start3A_724, %dma_start3A_725] : memref<262144x96xf32, #tpu.memory_space<hbm>> -> memref<262144x96xf32, #tpu.memory_space<hbm>>
    tpu.enqueue_indirect_dma source(%dma_start3A_726 : memref<262144x96xf32, #tpu.memory_space<hbm>>) target(%arg24 : memref<64x96xf32, #tpu.memory_space<vmem>>) offsets(%arg8 : memref<64xi32, #tpu.memory_space<vmem>>) semaphore(%arg31 : memref<!tpu.dma_semaphore, #tpu.memory_space<semaphore_mem>>)
    %dma_start3A_727 = arith.constant 0 : i32
    %dma_start3A_728 = arith.constant 0 : i32
    %dma_start3A_729 = tpu.memref_slice %arg2[%dma_start3A_727, %dma_start3A_728] : memref<262144x96xf32, #tpu.memory_space<hbm>> -> memref<262144x96xf32, #tpu.memory_space<hbm>>
    tpu.enqueue_indirect_dma source(%dma_start3A_729 : memref<262144x96xf32, #tpu.memory_space<hbm>>) target(%arg25 : memref<64x96xf32, #tpu.memory_space<vmem>>) offsets(%arg9 : memref<64xi32, #tpu.memory_space<vmem>>) semaphore(%arg31 : memref<!tpu.dma_semaphore, #tpu.memory_space<semaphore_mem>>)
    %scan3A = arith.constant 0 : i32
    %scan3A_730 = arith.constant 0 : i32
    %scan3A_731 = arith.constant 64 : i32
    %scan3A_732 = arith.addi %scan3A_730, %scan3A_731 : i32
    %scan3A_733 = arith.constant 1 : i32
    %scan3A_734 = scf.for %scan3A_736 = %scan3A_730 to %scan3A_732 step %scan3A_733 iter_args(%scan3A_737 = %scan3A) -> (i32)  : i32 {
      %mul3A_738 = arith.constant 2 : i32
      %mul3A_739 = arith.muli %scan3A_736, %mul3A_738 : i32
      %add3A_740 = arith.constant 1 : i32
      %add3A_741 = arith.addi %mul3A_739, %add3A_740 : i32
      %mul3A_742 = arith.constant 64 : i32
      %mul3A_743 = arith.muli %add3A_741, %mul3A_742 : i32
      %add3A_744 = arith.constant 0 : i32
      %add3A_745 = arith.addi %mul3A_743, %add3A_744 : i32
      %mul3A_746 = arith.constant 2 : i32
      %mul3A_747 = arith.muli %mul3A_746, %add3A_745 : i32
      %add3A_748 = vector.broadcast %mul3A_747 : i32 to vector<16xi32>
      %add3A_749 = arith.addi %mul3A_7, %add3A_748 : vector<16xi32>
      %gather3A_750 = tpu.vector_load_idx %arg5[%add3A_749] : memref<16384xf32, #tpu.memory_space<vmem>>[vector<16xi32>], vector<16xf32>,
      %mul3A_751 = arith.constant 2 : i32
      %mul3A_752 = arith.muli %mul3A_751, %add3A_745 : i32
      %add3A_753 = arith.constant 1 : i32
      %add3A_754 = arith.addi %mul3A_752, %add3A_753 : i32
      %add3A_755 = vector.broadcast %add3A_754 : i32 to vector<16xi32>
      %add3A_756 = arith.addi %mul3A_7, %add3A_755 : vector<16xi32>
      %gather3A_757 = tpu.vector_load_idx %arg5[%add3A_756] : memref<16384xf32, #tpu.memory_space<vmem>>[vector<16xi32>], vector<16xf32>,
      %mul3A_758 = arith.constant 2.000000e+00 : f32
      %mul3A_759 = vector.broadcast %mul3A_758 : f32 to vector<16xf32>
      %mul3A_760 = arith.mulf %mul3A_759, %gather3A_750 : vector<16xf32>
      %sub3A_761 = arith.constant 1.000000e+00 : f32
      %sub3A_762 = vector.broadcast %sub3A_761 : f32 to vector<16xf32>
      %sub3A_763 = arith.subf %mul3A_760, %sub3A_762 : vector<16xf32>
      %add3A_764 = arith.constant 1.000000e+00 : f32
      %add3A_765 = vector.broadcast %add3A_764 : f32 to vector<16xf32>
      %add3A_766 = arith.addf %sub3A_763, %add3A_765 : vector<16xf32>
      %mul3A_767 = arith.constant 2.000000e+00 : f32
      %mul3A_768 = vector.broadcast %mul3A_767 : f32 to vector<16xf32>
      %mul3A_769 = arith.mulf %mul3A_768, %gather3A_757 : vector<16xf32>
      %sub3A_770 = arith.constant 1.000000e+00 : f32
      %sub3A_771 = vector.broadcast %sub3A_770 : f32 to vector<16xf32>
      %sub3A_772 = arith.subf %mul3A_769, %sub3A_771 : vector<16xf32>
      %add3A_773 = arith.constant 1.000000e+00 : f32
      %add3A_774 = vector.broadcast %add3A_773 : f32 to vector<16xf32>
      %add3A_775 = arith.addf %sub3A_772, %add3A_774 : vector<16xf32>
      %mul3A_776 = arith.constant 1.280000e+02 : f32
      %mul3A_777 = vector.broadcast %mul3A_776 : f32 to vector<16xf32>
      %mul3A_778 = arith.mulf %add3A_766, %mul3A_777 : vector<16xf32>
      %sub3A_779 = arith.constant 1.000000e+00 : f32
      %sub3A_780 = vector.broadcast %sub3A_779 : f32 to vector<16xf32>
      %sub3A_781 = arith.subf %mul3A_778, %sub3A_780 : vector<16xf32>
      %mul3A_782 = arith.constant 5.000000e-01 : f32
      %mul3A_783 = vector.broadcast %mul3A_782 : f32 to vector<16xf32>
      %mul3A_784 = arith.mulf %sub3A_781, %mul3A_783 : vector<16xf32>
      %mul3A_785 = arith.constant 1.280000e+02 : f32
      %mul3A_786 = vector.broadcast %mul3A_785 : f32 to vector<16xf32>
      %mul3A_787 = arith.mulf %add3A_775, %mul3A_786 : vector<16xf32>
      %sub3A_788 = arith.constant 1.000000e+00 : f32
      %sub3A_789 = vector.broadcast %sub3A_788 : f32 to vector<16xf32>
      %sub3A_790 = arith.subf %mul3A_787, %sub3A_789 : vector<16xf32>
      %mul3A_791 = arith.constant 5.000000e-01 : f32
      %mul3A_792 = vector.broadcast %mul3A_791 : f32 to vector<16xf32>
      %mul3A_793 = arith.mulf %sub3A_790, %mul3A_792 : vector<16xf32>
      %convert_element_type3A_794 = arith.fptosi %mul3A_784 : vector<16xf32> to vector<16xi32>
      %convert_element_type3A_795 = arith.sitofp %convert_element_type3A_794 : vector<16xi32> to vector<16xf32>
      %gt3A_796 = arith.cmpf ogt, %convert_element_type3A_795, %mul3A_784 : vector<16xf32>
      %jit3A_797 = arith.constant 1 : i32
      %jit3A_798 = arith.constant 0 : i32
      %broadcast_in_dim3A_799 = vector.broadcast %jit3A_797 : i32 to vector<16xi32>
      %broadcast_in_dim3A_800 = vector.broadcast %jit3A_798 : i32 to vector<16xi32>
      %select_n3A_801 = arith.select %gt3A_796, %broadcast_in_dim3A_799, %broadcast_in_dim3A_800 : vector<16xi1>, vector<16xi32>
      %sub3A_802 = arith.subi %convert_element_type3A_794, %select_n3A_801 : vector<16xi32>
      %convert_element_type3A_803 = arith.fptosi %mul3A_793 : vector<16xf32> to vector<16xi32>
      %convert_element_type3A_804 = arith.sitofp %convert_element_type3A_803 : vector<16xi32> to vector<16xf32>
      %gt3A_805 = arith.cmpf ogt, %convert_element_type3A_804, %mul3A_793 : vector<16xf32>
      %jit3A_806 = arith.constant 1 : i32
      %jit3A_807 = arith.constant 0 : i32
      %broadcast_in_dim3A_808 = vector.broadcast %jit3A_806 : i32 to vector<16xi32>
      %broadcast_in_dim3A_809 = vector.broadcast %jit3A_807 : i32 to vector<16xi32>
      %select_n3A_810 = arith.select %gt3A_805, %broadcast_in_dim3A_808, %broadcast_in_dim3A_809 : vector<16xi1>, vector<16xi32>
      %sub3A_811 = arith.subi %convert_element_type3A_803, %select_n3A_810 : vector<16xi32>
      %convert_element_type3A_812 = arith.sitofp %sub3A_802 : vector<16xi32> to vector<16xf32>
      %sub3A_813 = arith.subf %mul3A_784, %convert_element_type3A_812 : vector<16xf32>
      %sub3A_814 = arith.constant 1.000000e+00 : f32
      %sub3A_815 = vector.broadcast %sub3A_814 : f32 to vector<16xf32>
      %sub3A_816 = arith.subf %sub3A_815, %sub3A_813 : vector<16xf32>
      %convert_element_type3A_817 = arith.sitofp %sub3A_811 : vector<16xi32> to vector<16xf32>
      %sub3A_818 = arith.subf %mul3A_793, %convert_element_type3A_817 : vector<16xf32>
      %sub3A_819 = arith.constant 1.000000e+00 : f32
      %sub3A_820 = vector.broadcast %sub3A_819 : f32 to vector<16xf32>
      %sub3A_821 = arith.subf %sub3A_820, %sub3A_818 : vector<16xf32>
      %add3A_822 = arith.constant 1 : i32
      %add3A_823 = vector.broadcast %add3A_822 : i32 to vector<16xi32>
      %add3A_824 = arith.addi %sub3A_802, %add3A_823 : vector<16xi32>
      %add3A_825 = arith.constant 1 : i32
      %add3A_826 = vector.broadcast %add3A_825 : i32 to vector<16xi32>
      %add3A_827 = arith.addi %sub3A_811, %add3A_826 : vector<16xi32>
      %ge3A_828 = arith.constant 0 : i32
      %ge3A_829 = vector.broadcast %ge3A_828 : i32 to vector<16xi32>
      %ge3A_830 = arith.cmpi sge, %sub3A_802, %ge3A_829 : vector<16xi32>
      %le3A_831 = arith.constant 127 : i32
      %le3A_832 = vector.broadcast %le3A_831 : i32 to vector<16xi32>
      %le3A_833 = arith.cmpi sle, %sub3A_802, %le3A_832 : vector<16xi32>
      %and3A_834 = arith.andi %ge3A_830, %le3A_833 : vector<16xi1>
      %jit3A_835 = arith.constant 0.000000e+00 : f32
      %broadcast_in_dim3A_836 = vector.broadcast %jit3A_835 : f32 to vector<16xf32>
      %select_n3A_837 = arith.select %and3A_834, %sub3A_816, %broadcast_in_dim3A_836 : vector<16xi1>, vector<16xf32>
      %ge3A_838 = arith.constant 0 : i32
      %ge3A_839 = vector.broadcast %ge3A_838 : i32 to vector<16xi32>
      %ge3A_840 = arith.cmpi sge, %add3A_824, %ge3A_839 : vector<16xi32>
      %le3A_841 = arith.constant 127 : i32
      %le3A_842 = vector.broadcast %le3A_841 : i32 to vector<16xi32>
      %le3A_843 = arith.cmpi sle, %add3A_824, %le3A_842 : vector<16xi32>
      %and3A_844 = arith.andi %ge3A_840, %le3A_843 : vector<16xi1>
      %jit3A_845 = arith.constant 0.000000e+00 : f32
      %broadcast_in_dim3A_846 = vector.broadcast %jit3A_845 : f32 to vector<16xf32>
      %select_n3A_847 = arith.select %and3A_844, %sub3A_813, %broadcast_in_dim3A_846 : vector<16xi1>, vector<16xf32>
      %ge3A_848 = arith.constant 0 : i32
      %ge3A_849 = vector.broadcast %ge3A_848 : i32 to vector<16xi32>
      %ge3A_850 = arith.cmpi sge, %sub3A_811, %ge3A_849 : vector<16xi32>
      %le3A_851 = arith.constant 127 : i32
      %le3A_852 = vector.broadcast %le3A_851 : i32 to vector<16xi32>
      %le3A_853 = arith.cmpi sle, %sub3A_811, %le3A_852 : vector<16xi32>
      %and3A_854 = arith.andi %ge3A_850, %le3A_853 : vector<16xi1>
      %jit3A_855 = arith.constant 0.000000e+00 : f32
      %broadcast_in_dim3A_856 = vector.broadcast %jit3A_855 : f32 to vector<16xf32>
      %select_n3A_857 = arith.select %and3A_854, %sub3A_821, %broadcast_in_dim3A_856 : vector<16xi1>, vector<16xf32>
      %ge3A_858 = arith.constant 0 : i32
      %ge3A_859 = vector.broadcast %ge3A_858 : i32 to vector<16xi32>
      %ge3A_860 = arith.cmpi sge, %add3A_827, %ge3A_859 : vector<16xi32>
      %le3A_861 = arith.constant 127 : i32
      %le3A_862 = vector.broadcast %le3A_861 : i32 to vector<16xi32>
      %le3A_863 = arith.cmpi sle, %add3A_827, %le3A_862 : vector<16xi32>
      %and3A_864 = arith.andi %ge3A_860, %le3A_863 : vector<16xi1>
      %jit3A_865 = arith.constant 0.000000e+00 : f32
      %broadcast_in_dim3A_866 = vector.broadcast %jit3A_865 : f32 to vector<16xf32>
      %select_n3A_867 = arith.select %and3A_864, %sub3A_818, %broadcast_in_dim3A_866 : vector<16xi1>, vector<16xf32>
      %max3A_868 = arith.constant 0 : i32
      %max3A_869 = vector.broadcast %max3A_868 : i32 to vector<16xi32>
      %max3A_870 = arith.maxsi %sub3A_802, %max3A_869 : vector<16xi32>
      %min3A_871 = arith.constant 127 : i32
      %min3A_872 = vector.broadcast %min3A_871 : i32 to vector<16xi32>
      %min3A_873 = arith.minsi %max3A_870, %min3A_872 : vector<16xi32>
      %max3A_874 = arith.constant 0 : i32
      %max3A_875 = vector.broadcast %max3A_874 : i32 to vector<16xi32>
      %max3A_876 = arith.maxsi %add3A_824, %max3A_875 : vector<16xi32>
      %min3A_877 = arith.constant 127 : i32
      %min3A_878 = vector.broadcast %min3A_877 : i32 to vector<16xi32>
      %min3A_879 = arith.minsi %max3A_876, %min3A_878 : vector<16xi32>
      %max3A_880 = arith.constant 0 : i32
      %max3A_881 = vector.broadcast %max3A_880 : i32 to vector<16xi32>
      %max3A_882 = arith.maxsi %sub3A_811, %max3A_881 : vector<16xi32>
      %min3A_883 = arith.constant 127 : i32
      %min3A_884 = vector.broadcast %min3A_883 : i32 to vector<16xi32>
      %min3A_885 = arith.minsi %max3A_882, %min3A_884 : vector<16xi32>
      %max3A_886 = arith.constant 0 : i32
      %max3A_887 = vector.broadcast %max3A_886 : i32 to vector<16xi32>
      %max3A_888 = arith.maxsi %add3A_827, %max3A_887 : vector<16xi32>
      %min3A_889 = arith.constant 127 : i32
      %min3A_890 = vector.broadcast %min3A_889 : i32 to vector<16xi32>
      %min3A_891 = arith.minsi %max3A_888, %min3A_890 : vector<16xi32>
      %add3A_892 = arith.addi %mul3A_2, %add3A_745 : i32
      %add3A_893 = vector.broadcast %add3A_892 : i32 to vector<16xi32>
      %add3A_894 = arith.addi %add3A_893, %iota3A : vector<16xi32>
      %and3A_895 = arith.constant -16384 : i32
      %and3A_896 = vector.broadcast %and3A_895 : i32 to vector<16xi32>
      %and3A_897 = arith.andi %add3A_894, %and3A_896 : vector<16xi32>
      %mul3A_898 = arith.constant 128 : i32
      %mul3A_899 = vector.broadcast %mul3A_898 : i32 to vector<16xi32>
      %mul3A_900 = arith.muli %min3A_885, %mul3A_899 : vector<16xi32>
      %add3A_901 = arith.addi %and3A_897, %mul3A_900 : vector<16xi32>
      %mul3A_902 = arith.constant 128 : i32
      %mul3A_903 = vector.broadcast %mul3A_902 : i32 to vector<16xi32>
      %mul3A_904 = arith.muli %min3A_891, %mul3A_903 : vector<16xi32>
      %add3A_905 = arith.addi %and3A_897, %mul3A_904 : vector<16xi32>
      %add3A_906 = arith.addi %add3A_901, %min3A_873 : vector<16xi32>
      %swap3A_907 = arith.constant 0 : index
      %swap3A_908 = tpu.vector_load %arg14[%swap3A_907] {strides = array<i32>} : memref<64xi32, #tpu.memory_space<vmem>>, vector<16xi32>,
      tpu.vector_store %arg14[%swap3A_907], %add3A_906 {strides = array<i32>} : memref<64xi32, #tpu.memory_space<vmem>>, vector<16xi32>,
      %add3A_909 = arith.addi %add3A_901, %min3A_879 : vector<16xi32>
      %swap3A_910 = arith.constant 0 : index
      %swap3A_911 = tpu.vector_load %arg15[%swap3A_910] {strides = array<i32>} : memref<64xi32, #tpu.memory_space<vmem>>, vector<16xi32>,
      tpu.vector_store %arg15[%swap3A_910], %add3A_909 {strides = array<i32>} : memref<64xi32, #tpu.memory_space<vmem>>, vector<16xi32>,
      %add3A_912 = arith.addi %add3A_905, %min3A_873 : vector<16xi32>
      %swap3A_913 = arith.constant 0 : index
      %swap3A_914 = tpu.vector_load %arg16[%swap3A_913] {strides = array<i32>} : memref<64xi32, #tpu.memory_space<vmem>>, vector<16xi32>,
      tpu.vector_store %arg16[%swap3A_913], %add3A_912 {strides = array<i32>} : memref<64xi32, #tpu.memory_space<vmem>>, vector<16xi32>,
      %add3A_915 = arith.addi %add3A_905, %min3A_879 : vector<16xi32>
      %swap3A_916 = arith.constant 0 : index
      %swap3A_917 = tpu.vector_load %arg17[%swap3A_916] {strides = array<i32>} : memref<64xi32, #tpu.memory_space<vmem>>, vector<16xi32>,
      tpu.vector_store %arg17[%swap3A_916], %add3A_915 {strides = array<i32>} : memref<64xi32, #tpu.memory_space<vmem>>, vector<16xi32>,
      %mul3A_918 = arith.mulf %select_n3A_857, %select_n3A_837 : vector<16xf32>
      %swap3A_919 = arith.constant 0 : index
      %swap3A_920 = tpu.vector_load %arg18[%swap3A_919] {strides = array<i32>} : memref<64xf32, #tpu.memory_space<vmem>>, vector<16xf32>,
      tpu.vector_store %arg18[%swap3A_919], %mul3A_918 {strides = array<i32>} : memref<64xf32, #tpu.memory_space<vmem>>, vector<16xf32>,
      %mul3A_921 = arith.mulf %select_n3A_857, %select_n3A_847 : vector<16xf32>
      %swap3A_922 = arith.constant 0 : index
      %swap3A_923 = tpu.vector_load %arg19[%swap3A_922] {strides = array<i32>} : memref<64xf32, #tpu.memory_space<vmem>>, vector<16xf32>,
      tpu.vector_store %arg19[%swap3A_922], %mul3A_921 {strides = array<i32>} : memref<64xf32, #tpu.memory_space<vmem>>, vector<16xf32>,
      %mul3A_924 = arith.mulf %select_n3A_867, %select_n3A_837 : vector<16xf32>
      %swap3A_925 = arith.constant 0 : index
      %swap3A_926 = tpu.vector_load %arg20[%swap3A_925] {strides = array<i32>} : memref<64xf32, #tpu.memory_space<vmem>>, vector<16xf32>,
      tpu.vector_store %arg20[%swap3A_925], %mul3A_924 {strides = array<i32>} : memref<64xf32, #tpu.memory_space<vmem>>, vector<16xf32>,
      %mul3A_927 = arith.mulf %select_n3A_867, %select_n3A_847 : vector<16xf32>
      %swap3A_928 = arith.constant 0 : index
      %swap3A_929 = tpu.vector_load %arg21[%swap3A_928] {strides = array<i32>} : memref<64xf32, #tpu.memory_space<vmem>>, vector<16xf32>,
      tpu.vector_store %arg21[%swap3A_928], %mul3A_927 {strides = array<i32>} : memref<64xf32, #tpu.memory_space<vmem>>, vector<16xf32>,
      %mul3A_930 = arith.constant 64 : i32
      %mul3A_931 = arith.muli %add3A_741, %mul3A_930 : i32
      %add3A_932 = arith.constant 16 : i32
      %add3A_933 = arith.addi %mul3A_931, %add3A_932 : i32
      %mul3A_934 = arith.constant 2 : i32
      %mul3A_935 = arith.muli %mul3A_934, %add3A_933 : i32
      %add3A_936 = vector.broadcast %mul3A_935 : i32 to vector<16xi32>
      %add3A_937 = arith.addi %mul3A_7, %add3A_936 : vector<16xi32>
      %gather3A_938 = tpu.vector_load_idx %arg5[%add3A_937] : memref<16384xf32, #tpu.memory_space<vmem>>[vector<16xi32>], vector<16xf32>,
      %mul3A_939 = arith.constant 2 : i32
      %mul3A_940 = arith.muli %mul3A_939, %add3A_933 : i32
      %add3A_941 = arith.constant 1 : i32
      %add3A_942 = arith.addi %mul3A_940, %add3A_941 : i32
      %add3A_943 = vector.broadcast %add3A_942 : i32 to vector<16xi32>
      %add3A_944 = arith.addi %mul3A_7, %add3A_943 : vector<16xi32>
      %gather3A_945 = tpu.vector_load_idx %arg5[%add3A_944] : memref<16384xf32, #tpu.memory_space<vmem>>[vector<16xi32>], vector<16xf32>,
      %mul3A_946 = arith.constant 2.000000e+00 : f32
      %mul3A_947 = vector.broadcast %mul3A_946 : f32 to vector<16xf32>
      %mul3A_948 = arith.mulf %mul3A_947, %gather3A_938 : vector<16xf32>
      %sub3A_949 = arith.constant 1.000000e+00 : f32
      %sub3A_950 = vector.broadcast %sub3A_949 : f32 to vector<16xf32>
      %sub3A_951 = arith.subf %mul3A_948, %sub3A_950 : vector<16xf32>
      %add3A_952 = arith.constant 1.000000e+00 : f32
      %add3A_953 = vector.broadcast %add3A_952 : f32 to vector<16xf32>
      %add3A_954 = arith.addf %sub3A_951, %add3A_953 : vector<16xf32>
      %mul3A_955 = arith.constant 2.000000e+00 : f32
      %mul3A_956 = vector.broadcast %mul3A_955 : f32 to vector<16xf32>
      %mul3A_957 = arith.mulf %mul3A_956, %gather3A_945 : vector<16xf32>
      %sub3A_958 = arith.constant 1.000000e+00 : f32
      %sub3A_959 = vector.broadcast %sub3A_958 : f32 to vector<16xf32>
      %sub3A_960 = arith.subf %mul3A_957, %sub3A_959 : vector<16xf32>
      %add3A_961 = arith.constant 1.000000e+00 : f32
      %add3A_962 = vector.broadcast %add3A_961 : f32 to vector<16xf32>
      %add3A_963 = arith.addf %sub3A_960, %add3A_962 : vector<16xf32>
      %mul3A_964 = arith.constant 1.280000e+02 : f32
      %mul3A_965 = vector.broadcast %mul3A_964 : f32 to vector<16xf32>
      %mul3A_966 = arith.mulf %add3A_954, %mul3A_965 : vector<16xf32>
      %sub3A_967 = arith.constant 1.000000e+00 : f32
      %sub3A_968 = vector.broadcast %sub3A_967 : f32 to vector<16xf32>
      %sub3A_969 = arith.subf %mul3A_966, %sub3A_968 : vector<16xf32>
      %mul3A_970 = arith.constant 5.000000e-01 : f32
      %mul3A_971 = vector.broadcast %mul3A_970 : f32 to vector<16xf32>
      %mul3A_972 = arith.mulf %sub3A_969, %mul3A_971 : vector<16xf32>
      %mul3A_973 = arith.constant 1.280000e+02 : f32
      %mul3A_974 = vector.broadcast %mul3A_973 : f32 to vector<16xf32>
      %mul3A_975 = arith.mulf %add3A_963, %mul3A_974 : vector<16xf32>
      %sub3A_976 = arith.constant 1.000000e+00 : f32
      %sub3A_977 = vector.broadcast %sub3A_976 : f32 to vector<16xf32>
      %sub3A_978 = arith.subf %mul3A_975, %sub3A_977 : vector<16xf32>
      %mul3A_979 = arith.constant 5.000000e-01 : f32
      %mul3A_980 = vector.broadcast %mul3A_979 : f32 to vector<16xf32>
      %mul3A_981 = arith.mulf %sub3A_978, %mul3A_980 : vector<16xf32>
      %convert_element_type3A_982 = arith.fptosi %mul3A_972 : vector<16xf32> to vector<16xi32>
      %convert_element_type3A_983 = arith.sitofp %convert_element_type3A_982 : vector<16xi32> to vector<16xf32>
      %gt3A_984 = arith.cmpf ogt, %convert_element_type3A_983, %mul3A_972 : vector<16xf32>
      %jit3A_985 = arith.constant 1 : i32
      %jit3A_986 = arith.constant 0 : i32
      %broadcast_in_dim3A_987 = vector.broadcast %jit3A_985 : i32 to vector<16xi32>
      %broadcast_in_dim3A_988 = vector.broadcast %jit3A_986 : i32 to vector<16xi32>
      %select_n3A_989 = arith.select %gt3A_984, %broadcast_in_dim3A_987, %broadcast_in_dim3A_988 : vector<16xi1>, vector<16xi32>
      %sub3A_990 = arith.subi %convert_element_type3A_982, %select_n3A_989 : vector<16xi32>
      %convert_element_type3A_991 = arith.fptosi %mul3A_981 : vector<16xf32> to vector<16xi32>
      %convert_element_type3A_992 = arith.sitofp %convert_element_type3A_991 : vector<16xi32> to vector<16xf32>
      %gt3A_993 = arith.cmpf ogt, %convert_element_type3A_992, %mul3A_981 : vector<16xf32>
      %jit3A_994 = arith.constant 1 : i32
      %jit3A_995 = arith.constant 0 : i32
      %broadcast_in_dim3A_996 = vector.broadcast %jit3A_994 : i32 to vector<16xi32>
      %broadcast_in_dim3A_997 = vector.broadcast %jit3A_995 : i32 to vector<16xi32>
      %select_n3A_998 = arith.select %gt3A_993, %broadcast_in_dim3A_996, %broadcast_in_dim3A_997 : vector<16xi1>, vector<16xi32>
      %sub3A_999 = arith.subi %convert_element_type3A_991, %select_n3A_998 : vector<16xi32>
      %convert_element_type3A_1000 = arith.sitofp %sub3A_990 : vector<16xi32> to vector<16xf32>
      %sub3A_1001 = arith.subf %mul3A_972, %convert_element_type3A_1000 : vector<16xf32>
      %sub3A_1002 = arith.constant 1.000000e+00 : f32
      %sub3A_1003 = vector.broadcast %sub3A_1002 : f32 to vector<16xf32>
      %sub3A_1004 = arith.subf %sub3A_1003, %sub3A_1001 : vector<16xf32>
      %convert_element_type3A_1005 = arith.sitofp %sub3A_999 : vector<16xi32> to vector<16xf32>
      %sub3A_1006 = arith.subf %mul3A_981, %convert_element_type3A_1005 : vector<16xf32>
      %sub3A_1007 = arith.constant 1.000000e+00 : f32
      %sub3A_1008 = vector.broadcast %sub3A_1007 : f32 to vector<16xf32>
      %sub3A_1009 = arith.subf %sub3A_1008, %sub3A_1006 : vector<16xf32>
      %add3A_1010 = arith.constant 1 : i32
      %add3A_1011 = vector.broadcast %add3A_1010 : i32 to vector<16xi32>
      %add3A_1012 = arith.addi %sub3A_990, %add3A_1011 : vector<16xi32>
      %add3A_1013 = arith.constant 1 : i32
      %add3A_1014 = vector.broadcast %add3A_1013 : i32 to vector<16xi32>
      %add3A_1015 = arith.addi %sub3A_999, %add3A_1014 : vector<16xi32>
      %ge3A_1016 = arith.constant 0 : i32
      %ge3A_1017 = vector.broadcast %ge3A_1016 : i32 to vector<16xi32>
      %ge3A_1018 = arith.cmpi sge, %sub3A_990, %ge3A_1017 : vector<16xi32>
      %le3A_1019 = arith.constant 127 : i32
      %le3A_1020 = vector.broadcast %le3A_1019 : i32 to vector<16xi32>
      %le3A_1021 = arith.cmpi sle, %sub3A_990, %le3A_1020 : vector<16xi32>
      %and3A_1022 = arith.andi %ge3A_1018, %le3A_1021 : vector<16xi1>
      %jit3A_1023 = arith.constant 0.000000e+00 : f32
      %broadcast_in_dim3A_1024 = vector.broadcast %jit3A_1023 : f32 to vector<16xf32>
      %select_n3A_1025 = arith.select %and3A_1022, %sub3A_1004, %broadcast_in_dim3A_1024 : vector<16xi1>, vector<16xf32>
      %ge3A_1026 = arith.constant 0 : i32
      %ge3A_1027 = vector.broadcast %ge3A_1026 : i32 to vector<16xi32>
      %ge3A_1028 = arith.cmpi sge, %add3A_1012, %ge3A_1027 : vector<16xi32>
      %le3A_1029 = arith.constant 127 : i32
      %le3A_1030 = vector.broadcast %le3A_1029 : i32 to vector<16xi32>
      %le3A_1031 = arith.cmpi sle, %add3A_1012, %le3A_1030 : vector<16xi32>
      %and3A_1032 = arith.andi %ge3A_1028, %le3A_1031 : vector<16xi1>
      %jit3A_1033 = arith.constant 0.000000e+00 : f32
      %broadcast_in_dim3A_1034 = vector.broadcast %jit3A_1033 : f32 to vector<16xf32>
      %select_n3A_1035 = arith.select %and3A_1032, %sub3A_1001, %broadcast_in_dim3A_1034 : vector<16xi1>, vector<16xf32>
      %ge3A_1036 = arith.constant 0 : i32
      %ge3A_1037 = vector.broadcast %ge3A_1036 : i32 to vector<16xi32>
      %ge3A_1038 = arith.cmpi sge, %sub3A_999, %ge3A_1037 : vector<16xi32>
      %le3A_1039 = arith.constant 127 : i32
      %le3A_1040 = vector.broadcast %le3A_1039 : i32 to vector<16xi32>
      %le3A_1041 = arith.cmpi sle, %sub3A_999, %le3A_1040 : vector<16xi32>
      %and3A_1042 = arith.andi %ge3A_1038, %le3A_1041 : vector<16xi1>
      %jit3A_1043 = arith.constant 0.000000e+00 : f32
      %broadcast_in_dim3A_1044 = vector.broadcast %jit3A_1043 : f32 to vector<16xf32>
      %select_n3A_1045 = arith.select %and3A_1042, %sub3A_1009, %broadcast_in_dim3A_1044 : vector<16xi1>, vector<16xf32>
      %ge3A_1046 = arith.constant 0 : i32
      %ge3A_1047 = vector.broadcast %ge3A_1046 : i32 to vector<16xi32>
      %ge3A_1048 = arith.cmpi sge, %add3A_1015, %ge3A_1047 : vector<16xi32>
      %le3A_1049 = arith.constant 127 : i32
      %le3A_1050 = vector.broadcast %le3A_1049 : i32 to vector<16xi32>
      %le3A_1051 = arith.cmpi sle, %add3A_1015, %le3A_1050 : vector<16xi32>
      %and3A_1052 = arith.andi %ge3A_1048, %le3A_1051 : vector<16xi1>
      %jit3A_1053 = arith.constant 0.000000e+00 : f32
      %broadcast_in_dim3A_1054 = vector.broadcast %jit3A_1053 : f32 to vector<16xf32>
      %select_n3A_1055 = arith.select %and3A_1052, %sub3A_1006, %broadcast_in_dim3A_1054 : vector<16xi1>, vector<16xf32>
      %max3A_1056 = arith.constant 0 : i32
      %max3A_1057 = vector.broadcast %max3A_1056 : i32 to vector<16xi32>
      %max3A_1058 = arith.maxsi %sub3A_990, %max3A_1057 : vector<16xi32>
      %min3A_1059 = arith.constant 127 : i32
      %min3A_1060 = vector.broadcast %min3A_1059 : i32 to vector<16xi32>
      %min3A_1061 = arith.minsi %max3A_1058, %min3A_1060 : vector<16xi32>
      %max3A_1062 = arith.constant 0 : i32
      %max3A_1063 = vector.broadcast %max3A_1062 : i32 to vector<16xi32>
      %max3A_1064 = arith.maxsi %add3A_1012, %max3A_1063 : vector<16xi32>
      %min3A_1065 = arith.constant 127 : i32
      %min3A_1066 = vector.broadcast %min3A_1065 : i32 to vector<16xi32>
      %min3A_1067 = arith.minsi %max3A_1064, %min3A_1066 : vector<16xi32>
      %max3A_1068 = arith.constant 0 : i32
      %max3A_1069 = vector.broadcast %max3A_1068 : i32 to vector<16xi32>
      %max3A_1070 = arith.maxsi %sub3A_999, %max3A_1069 : vector<16xi32>
      %min3A_1071 = arith.constant 127 : i32
      %min3A_1072 = vector.broadcast %min3A_1071 : i32 to vector<16xi32>
      %min3A_1073 = arith.minsi %max3A_1070, %min3A_1072 : vector<16xi32>
      %max3A_1074 = arith.constant 0 : i32
      %max3A_1075 = vector.broadcast %max3A_1074 : i32 to vector<16xi32>
      %max3A_1076 = arith.maxsi %add3A_1015, %max3A_1075 : vector<16xi32>
      %min3A_1077 = arith.constant 127 : i32
      %min3A_1078 = vector.broadcast %min3A_1077 : i32 to vector<16xi32>
      %min3A_1079 = arith.minsi %max3A_1076, %min3A_1078 : vector<16xi32>
      %add3A_1080 = arith.addi %mul3A_2, %add3A_933 : i32
      %add3A_1081 = vector.broadcast %add3A_1080 : i32 to vector<16xi32>
      %add3A_1082 = arith.addi %add3A_1081, %iota3A : vector<16xi32>
      %and3A_1083 = arith.constant -16384 : i32
      %and3A_1084 = vector.broadcast %and3A_1083 : i32 to vector<16xi32>
      %and3A_1085 = arith.andi %add3A_1082, %and3A_1084 : vector<16xi32>
      %mul3A_1086 = arith.constant 128 : i32
      %mul3A_1087 = vector.broadcast %mul3A_1086 : i32 to vector<16xi32>
      %mul3A_1088 = arith.muli %min3A_1073, %mul3A_1087 : vector<16xi32>
      %add3A_1089 = arith.addi %and3A_1085, %mul3A_1088 : vector<16xi32>
      %mul3A_1090 = arith.constant 128 : i32
      %mul3A_1091 = vector.broadcast %mul3A_1090 : i32 to vector<16xi32>
      %mul3A_1092 = arith.muli %min3A_1079, %mul3A_1091 : vector<16xi32>
      %add3A_1093 = arith.addi %and3A_1085, %mul3A_1092 : vector<16xi32>
      %add3A_1094 = arith.addi %add3A_1089, %min3A_1061 : vector<16xi32>
      %swap3A_1095 = arith.constant 16 : index
      %swap3A_1096 = tpu.vector_load %arg14[%swap3A_1095] {strides = array<i32>} : memref<64xi32, #tpu.memory_space<vmem>>, vector<16xi32>,
      tpu.vector_store %arg14[%swap3A_1095], %add3A_1094 {strides = array<i32>} : memref<64xi32, #tpu.memory_space<vmem>>, vector<16xi32>,
      %add3A_1097 = arith.addi %add3A_1089, %min3A_1067 : vector<16xi32>
      %swap3A_1098 = arith.constant 16 : index
      %swap3A_1099 = tpu.vector_load %arg15[%swap3A_1098] {strides = array<i32>} : memref<64xi32, #tpu.memory_space<vmem>>, vector<16xi32>,
      tpu.vector_store %arg15[%swap3A_1098], %add3A_1097 {strides = array<i32>} : memref<64xi32, #tpu.memory_space<vmem>>, vector<16xi32>,
      %add3A_1100 = arith.addi %add3A_1093, %min3A_1061 : vector<16xi32>
      %swap3A_1101 = arith.constant 16 : index
      %swap3A_1102 = tpu.vector_load %arg16[%swap3A_1101] {strides = array<i32>} : memref<64xi32, #tpu.memory_space<vmem>>, vector<16xi32>,
      tpu.vector_store %arg16[%swap3A_1101], %add3A_1100 {strides = array<i32>} : memref<64xi32, #tpu.memory_space<vmem>>, vector<16xi32>,
      %add3A_1103 = arith.addi %add3A_1093, %min3A_1067 : vector<16xi32>
      %swap3A_1104 = arith.constant 16 : index
      %swap3A_1105 = tpu.vector_load %arg17[%swap3A_1104] {strides = array<i32>} : memref<64xi32, #tpu.memory_space<vmem>>, vector<16xi32>,
      tpu.vector_store %arg17[%swap3A_1104], %add3A_1103 {strides = array<i32>} : memref<64xi32, #tpu.memory_space<vmem>>, vector<16xi32>,
      %mul3A_1106 = arith.mulf %select_n3A_1045, %select_n3A_1025 : vector<16xf32>
      %swap3A_1107 = arith.constant 16 : index
      %swap3A_1108 = tpu.vector_load %arg18[%swap3A_1107] {strides = array<i32>} : memref<64xf32, #tpu.memory_space<vmem>>, vector<16xf32>,
      tpu.vector_store %arg18[%swap3A_1107], %mul3A_1106 {strides = array<i32>} : memref<64xf32, #tpu.memory_space<vmem>>, vector<16xf32>,
      %mul3A_1109 = arith.mulf %select_n3A_1045, %select_n3A_1035 : vector<16xf32>
      %swap3A_1110 = arith.constant 16 : index
      %swap3A_1111 = tpu.vector_load %arg19[%swap3A_1110] {strides = array<i32>} : memref<64xf32, #tpu.memory_space<vmem>>, vector<16xf32>,
      tpu.vector_store %arg19[%swap3A_1110], %mul3A_1109 {strides = array<i32>} : memref<64xf32, #tpu.memory_space<vmem>>, vector<16xf32>,
      %mul3A_1112 = arith.mulf %select_n3A_1055, %select_n3A_1025 : vector<16xf32>
      %swap3A_1113 = arith.constant 16 : index
      %swap3A_1114 = tpu.vector_load %arg20[%swap3A_1113] {strides = array<i32>} : memref<64xf32, #tpu.memory_space<vmem>>, vector<16xf32>,
      tpu.vector_store %arg20[%swap3A_1113], %mul3A_1112 {strides = array<i32>} : memref<64xf32, #tpu.memory_space<vmem>>, vector<16xf32>,
      %mul3A_1115 = arith.mulf %select_n3A_1055, %select_n3A_1035 : vector<16xf32>
      %swap3A_1116 = arith.constant 16 : index
      %swap3A_1117 = tpu.vector_load %arg21[%swap3A_1116] {strides = array<i32>} : memref<64xf32, #tpu.memory_space<vmem>>, vector<16xf32>,
      tpu.vector_store %arg21[%swap3A_1116], %mul3A_1115 {strides = array<i32>} : memref<64xf32, #tpu.memory_space<vmem>>, vector<16xf32>,
      %mul3A_1118 = arith.constant 64 : i32
      %mul3A_1119 = arith.muli %add3A_741, %mul3A_1118 : i32
      %add3A_1120 = arith.constant 32 : i32
      %add3A_1121 = arith.addi %mul3A_1119, %add3A_1120 : i32
      %mul3A_1122 = arith.constant 2 : i32
      %mul3A_1123 = arith.muli %mul3A_1122, %add3A_1121 : i32
      %add3A_1124 = vector.broadcast %mul3A_1123 : i32 to vector<16xi32>
      %add3A_1125 = arith.addi %mul3A_7, %add3A_1124 : vector<16xi32>
      %gather3A_1126 = tpu.vector_load_idx %arg5[%add3A_1125] : memref<16384xf32, #tpu.memory_space<vmem>>[vector<16xi32>], vector<16xf32>,
      %mul3A_1127 = arith.constant 2 : i32
      %mul3A_1128 = arith.muli %mul3A_1127, %add3A_1121 : i32
      %add3A_1129 = arith.constant 1 : i32
      %add3A_1130 = arith.addi %mul3A_1128, %add3A_1129 : i32
      %add3A_1131 = vector.broadcast %add3A_1130 : i32 to vector<16xi32>
      %add3A_1132 = arith.addi %mul3A_7, %add3A_1131 : vector<16xi32>
      %gather3A_1133 = tpu.vector_load_idx %arg5[%add3A_1132] : memref<16384xf32, #tpu.memory_space<vmem>>[vector<16xi32>], vector<16xf32>,
      %mul3A_1134 = arith.constant 2.000000e+00 : f32
      %mul3A_1135 = vector.broadcast %mul3A_1134 : f32 to vector<16xf32>
      %mul3A_1136 = arith.mulf %mul3A_1135, %gather3A_1126 : vector<16xf32>
      %sub3A_1137 = arith.constant 1.000000e+00 : f32
      %sub3A_1138 = vector.broadcast %sub3A_1137 : f32 to vector<16xf32>
      %sub3A_1139 = arith.subf %mul3A_1136, %sub3A_1138 : vector<16xf32>
      %add3A_1140 = arith.constant 1.000000e+00 : f32
      %add3A_1141 = vector.broadcast %add3A_1140 : f32 to vector<16xf32>
      %add3A_1142 = arith.addf %sub3A_1139, %add3A_1141 : vector<16xf32>
      %mul3A_1143 = arith.constant 2.000000e+00 : f32
      %mul3A_1144 = vector.broadcast %mul3A_1143 : f32 to vector<16xf32>
      %mul3A_1145 = arith.mulf %mul3A_1144, %gather3A_1133 : vector<16xf32>
      %sub3A_1146 = arith.constant 1.000000e+00 : f32
      %sub3A_1147 = vector.broadcast %sub3A_1146 : f32 to vector<16xf32>
      %sub3A_1148 = arith.subf %mul3A_1145, %sub3A_1147 : vector<16xf32>
      %add3A_1149 = arith.constant 1.000000e+00 : f32
      %add3A_1150 = vector.broadcast %add3A_1149 : f32 to vector<16xf32>
      %add3A_1151 = arith.addf %sub3A_1148, %add3A_1150 : vector<16xf32>
      %mul3A_1152 = arith.constant 1.280000e+02 : f32
      %mul3A_1153 = vector.broadcast %mul3A_1152 : f32 to vector<16xf32>
      %mul3A_1154 = arith.mulf %add3A_1142, %mul3A_1153 : vector<16xf32>
      %sub3A_1155 = arith.constant 1.000000e+00 : f32
      %sub3A_1156 = vector.broadcast %sub3A_1155 : f32 to vector<16xf32>
      %sub3A_1157 = arith.subf %mul3A_1154, %sub3A_1156 : vector<16xf32>
      %mul3A_1158 = arith.constant 5.000000e-01 : f32
      %mul3A_1159 = vector.broadcast %mul3A_1158 : f32 to vector<16xf32>
      %mul3A_1160 = arith.mulf %sub3A_1157, %mul3A_1159 : vector<16xf32>
      %mul3A_1161 = arith.constant 1.280000e+02 : f32
      %mul3A_1162 = vector.broadcast %mul3A_1161 : f32 to vector<16xf32>
      %mul3A_1163 = arith.mulf %add3A_1151, %mul3A_1162 : vector<16xf32>
      %sub3A_1164 = arith.constant 1.000000e+00 : f32
      %sub3A_1165 = vector.broadcast %sub3A_1164 : f32 to vector<16xf32>
      %sub3A_1166 = arith.subf %mul3A_1163, %sub3A_1165 : vector<16xf32>
      %mul3A_1167 = arith.constant 5.000000e-01 : f32
      %mul3A_1168 = vector.broadcast %mul3A_1167 : f32 to vector<16xf32>
      %mul3A_1169 = arith.mulf %sub3A_1166, %mul3A_1168 : vector<16xf32>
      %convert_element_type3A_1170 = arith.fptosi %mul3A_1160 : vector<16xf32> to vector<16xi32>
      %convert_element_type3A_1171 = arith.sitofp %convert_element_type3A_1170 : vector<16xi32> to vector<16xf32>
      %gt3A_1172 = arith.cmpf ogt, %convert_element_type3A_1171, %mul3A_1160 : vector<16xf32>
      %jit3A_1173 = arith.constant 1 : i32
      %jit3A_1174 = arith.constant 0 : i32
      %broadcast_in_dim3A_1175 = vector.broadcast %jit3A_1173 : i32 to vector<16xi32>
      %broadcast_in_dim3A_1176 = vector.broadcast %jit3A_1174 : i32 to vector<16xi32>
      %select_n3A_1177 = arith.select %gt3A_1172, %broadcast_in_dim3A_1175, %broadcast_in_dim3A_1176 : vector<16xi1>, vector<16xi32>
      %sub3A_1178 = arith.subi %convert_element_type3A_1170, %select_n3A_1177 : vector<16xi32>
      %convert_element_type3A_1179 = arith.fptosi %mul3A_1169 : vector<16xf32> to vector<16xi32>
      %convert_element_type3A_1180 = arith.sitofp %convert_element_type3A_1179 : vector<16xi32> to vector<16xf32>
      %gt3A_1181 = arith.cmpf ogt, %convert_element_type3A_1180, %mul3A_1169 : vector<16xf32>
      %jit3A_1182 = arith.constant 1 : i32
      %jit3A_1183 = arith.constant 0 : i32
      %broadcast_in_dim3A_1184 = vector.broadcast %jit3A_1182 : i32 to vector<16xi32>
      %broadcast_in_dim3A_1185 = vector.broadcast %jit3A_1183 : i32 to vector<16xi32>
      %select_n3A_1186 = arith.select %gt3A_1181, %broadcast_in_dim3A_1184, %broadcast_in_dim3A_1185 : vector<16xi1>, vector<16xi32>
      %sub3A_1187 = arith.subi %convert_element_type3A_1179, %select_n3A_1186 : vector<16xi32>
      %convert_element_type3A_1188 = arith.sitofp %sub3A_1178 : vector<16xi32> to vector<16xf32>
      %sub3A_1189 = arith.subf %mul3A_1160, %convert_element_type3A_1188 : vector<16xf32>
      %sub3A_1190 = arith.constant 1.000000e+00 : f32
      %sub3A_1191 = vector.broadcast %sub3A_1190 : f32 to vector<16xf32>
      %sub3A_1192 = arith.subf %sub3A_1191, %sub3A_1189 : vector<16xf32>
      %convert_element_type3A_1193 = arith.sitofp %sub3A_1187 : vector<16xi32> to vector<16xf32>
      %sub3A_1194 = arith.subf %mul3A_1169, %convert_element_type3A_1193 : vector<16xf32>
      %sub3A_1195 = arith.constant 1.000000e+00 : f32
      %sub3A_1196 = vector.broadcast %sub3A_1195 : f32 to vector<16xf32>
      %sub3A_1197 = arith.subf %sub3A_1196, %sub3A_1194 : vector<16xf32>
      %add3A_1198 = arith.constant 1 : i32
      %add3A_1199 = vector.broadcast %add3A_1198 : i32 to vector<16xi32>
      %add3A_1200 = arith.addi %sub3A_1178, %add3A_1199 : vector<16xi32>
      %add3A_1201 = arith.constant 1 : i32
      %add3A_1202 = vector.broadcast %add3A_1201 : i32 to vector<16xi32>
      %add3A_1203 = arith.addi %sub3A_1187, %add3A_1202 : vector<16xi32>
      %ge3A_1204 = arith.constant 0 : i32
      %ge3A_1205 = vector.broadcast %ge3A_1204 : i32 to vector<16xi32>
      %ge3A_1206 = arith.cmpi sge, %sub3A_1178, %ge3A_1205 : vector<16xi32>
      %le3A_1207 = arith.constant 127 : i32
      %le3A_1208 = vector.broadcast %le3A_1207 : i32 to vector<16xi32>
      %le3A_1209 = arith.cmpi sle, %sub3A_1178, %le3A_1208 : vector<16xi32>
      %and3A_1210 = arith.andi %ge3A_1206, %le3A_1209 : vector<16xi1>
      %jit3A_1211 = arith.constant 0.000000e+00 : f32
      %broadcast_in_dim3A_1212 = vector.broadcast %jit3A_1211 : f32 to vector<16xf32>
      %select_n3A_1213 = arith.select %and3A_1210, %sub3A_1192, %broadcast_in_dim3A_1212 : vector<16xi1>, vector<16xf32>
      %ge3A_1214 = arith.constant 0 : i32
      %ge3A_1215 = vector.broadcast %ge3A_1214 : i32 to vector<16xi32>
      %ge3A_1216 = arith.cmpi sge, %add3A_1200, %ge3A_1215 : vector<16xi32>
      %le3A_1217 = arith.constant 127 : i32
      %le3A_1218 = vector.broadcast %le3A_1217 : i32 to vector<16xi32>
      %le3A_1219 = arith.cmpi sle, %add3A_1200, %le3A_1218 : vector<16xi32>
      %and3A_1220 = arith.andi %ge3A_1216, %le3A_1219 : vector<16xi1>
      %jit3A_1221 = arith.constant 0.000000e+00 : f32
      %broadcast_in_dim3A_1222 = vector.broadcast %jit3A_1221 : f32 to vector<16xf32>
      %select_n3A_1223 = arith.select %and3A_1220, %sub3A_1189, %broadcast_in_dim3A_1222 : vector<16xi1>, vector<16xf32>
      %ge3A_1224 = arith.constant 0 : i32
      %ge3A_1225 = vector.broadcast %ge3A_1224 : i32 to vector<16xi32>
      %ge3A_1226 = arith.cmpi sge, %sub3A_1187, %ge3A_1225 : vector<16xi32>
      %le3A_1227 = arith.constant 127 : i32
      %le3A_1228 = vector.broadcast %le3A_1227 : i32 to vector<16xi32>
      %le3A_1229 = arith.cmpi sle, %sub3A_1187, %le3A_1228 : vector<16xi32>
      %and3A_1230 = arith.andi %ge3A_1226, %le3A_1229 : vector<16xi1>
      %jit3A_1231 = arith.constant 0.000000e+00 : f32
      %broadcast_in_dim3A_1232 = vector.broadcast %jit3A_1231 : f32 to vector<16xf32>
      %select_n3A_1233 = arith.select %and3A_1230, %sub3A_1197, %broadcast_in_dim3A_1232 : vector<16xi1>, vector<16xf32>
      %ge3A_1234 = arith.constant 0 : i32
      %ge3A_1235 = vector.broadcast %ge3A_1234 : i32 to vector<16xi32>
      %ge3A_1236 = arith.cmpi sge, %add3A_1203, %ge3A_1235 : vector<16xi32>
      %le3A_1237 = arith.constant 127 : i32
      %le3A_1238 = vector.broadcast %le3A_1237 : i32 to vector<16xi32>
      %le3A_1239 = arith.cmpi sle, %add3A_1203, %le3A_1238 : vector<16xi32>
      %and3A_1240 = arith.andi %ge3A_1236, %le3A_1239 : vector<16xi1>
      %jit3A_1241 = arith.constant 0.000000e+00 : f32
      %broadcast_in_dim3A_1242 = vector.broadcast %jit3A_1241 : f32 to vector<16xf32>
      %select_n3A_1243 = arith.select %and3A_1240, %sub3A_1194, %broadcast_in_dim3A_1242 : vector<16xi1>, vector<16xf32>
      %max3A_1244 = arith.constant 0 : i32
      %max3A_1245 = vector.broadcast %max3A_1244 : i32 to vector<16xi32>
      %max3A_1246 = arith.maxsi %sub3A_1178, %max3A_1245 : vector<16xi32>
      %min3A_1247 = arith.constant 127 : i32
      %min3A_1248 = vector.broadcast %min3A_1247 : i32 to vector<16xi32>
      %min3A_1249 = arith.minsi %max3A_1246, %min3A_1248 : vector<16xi32>
      %max3A_1250 = arith.constant 0 : i32
      %max3A_1251 = vector.broadcast %max3A_1250 : i32 to vector<16xi32>
      %max3A_1252 = arith.maxsi %add3A_1200, %max3A_1251 : vector<16xi32>
      %min3A_1253 = arith.constant 127 : i32
      %min3A_1254 = vector.broadcast %min3A_1253 : i32 to vector<16xi32>
      %min3A_1255 = arith.minsi %max3A_1252, %min3A_1254 : vector<16xi32>
      %max3A_1256 = arith.constant 0 : i32
      %max3A_1257 = vector.broadcast %max3A_1256 : i32 to vector<16xi32>
      %max3A_1258 = arith.maxsi %sub3A_1187, %max3A_1257 : vector<16xi32>
      %min3A_1259 = arith.constant 127 : i32
      %min3A_1260 = vector.broadcast %min3A_1259 : i32 to vector<16xi32>
      %min3A_1261 = arith.minsi %max3A_1258, %min3A_1260 : vector<16xi32>
      %max3A_1262 = arith.constant 0 : i32
      %max3A_1263 = vector.broadcast %max3A_1262 : i32 to vector<16xi32>
      %max3A_1264 = arith.maxsi %add3A_1203, %max3A_1263 : vector<16xi32>
      %min3A_1265 = arith.constant 127 : i32
      %min3A_1266 = vector.broadcast %min3A_1265 : i32 to vector<16xi32>
      %min3A_1267 = arith.minsi %max3A_1264, %min3A_1266 : vector<16xi32>
      %add3A_1268 = arith.addi %mul3A_2, %add3A_1121 : i32
      %add3A_1269 = vector.broadcast %add3A_1268 : i32 to vector<16xi32>
      %add3A_1270 = arith.addi %add3A_1269, %iota3A : vector<16xi32>
      %and3A_1271 = arith.constant -16384 : i32
      %and3A_1272 = vector.broadcast %and3A_1271 : i32 to vector<16xi32>
      %and3A_1273 = arith.andi %add3A_1270, %and3A_1272 : vector<16xi32>
      %mul3A_1274 = arith.constant 128 : i32
      %mul3A_1275 = vector.broadcast %mul3A_1274 : i32 to vector<16xi32>
      %mul3A_1276 = arith.muli %min3A_1261, %mul3A_1275 : vector<16xi32>
      %add3A_1277 = arith.addi %and3A_1273, %mul3A_1276 : vector<16xi32>
      %mul3A_1278 = arith.constant 128 : i32
      %mul3A_1279 = vector.broadcast %mul3A_1278 : i32 to vector<16xi32>
      %mul3A_1280 = arith.muli %min3A_1267, %mul3A_1279 : vector<16xi32>
      %add3A_1281 = arith.addi %and3A_1273, %mul3A_1280 : vector<16xi32>
      %add3A_1282 = arith.addi %add3A_1277, %min3A_1249 : vector<16xi32>
      %swap3A_1283 = arith.constant 32 : index
      %swap3A_1284 = tpu.vector_load %arg14[%swap3A_1283] {strides = array<i32>} : memref<64xi32, #tpu.memory_space<vmem>>, vector<16xi32>,
      tpu.vector_store %arg14[%swap3A_1283], %add3A_1282 {strides = array<i32>} : memref<64xi32, #tpu.memory_space<vmem>>, vector<16xi32>,
      %add3A_1285 = arith.addi %add3A_1277, %min3A_1255 : vector<16xi32>
      %swap3A_1286 = arith.constant 32 : index
      %swap3A_1287 = tpu.vector_load %arg15[%swap3A_1286] {strides = array<i32>} : memref<64xi32, #tpu.memory_space<vmem>>, vector<16xi32>,
      tpu.vector_store %arg15[%swap3A_1286], %add3A_1285 {strides = array<i32>} : memref<64xi32, #tpu.memory_space<vmem>>, vector<16xi32>,
      %add3A_1288 = arith.addi %add3A_1281, %min3A_1249 : vector<16xi32>
      %swap3A_1289 = arith.constant 32 : index
      %swap3A_1290 = tpu.vector_load %arg16[%swap3A_1289] {strides = array<i32>} : memref<64xi32, #tpu.memory_space<vmem>>, vector<16xi32>,
      tpu.vector_store %arg16[%swap3A_1289], %add3A_1288 {strides = array<i32>} : memref<64xi32, #tpu.memory_space<vmem>>, vector<16xi32>,
      %add3A_1291 = arith.addi %add3A_1281, %min3A_1255 : vector<16xi32>
      %swap3A_1292 = arith.constant 32 : index
      %swap3A_1293 = tpu.vector_load %arg17[%swap3A_1292] {strides = array<i32>} : memref<64xi32, #tpu.memory_space<vmem>>, vector<16xi32>,
      tpu.vector_store %arg17[%swap3A_1292], %add3A_1291 {strides = array<i32>} : memref<64xi32, #tpu.memory_space<vmem>>, vector<16xi32>,
      %mul3A_1294 = arith.mulf %select_n3A_1233, %select_n3A_1213 : vector<16xf32>
      %swap3A_1295 = arith.constant 32 : index
      %swap3A_1296 = tpu.vector_load %arg18[%swap3A_1295] {strides = array<i32>} : memref<64xf32, #tpu.memory_space<vmem>>, vector<16xf32>,
      tpu.vector_store %arg18[%swap3A_1295], %mul3A_1294 {strides = array<i32>} : memref<64xf32, #tpu.memory_space<vmem>>, vector<16xf32>,
      %mul3A_1297 = arith.mulf %select_n3A_1233, %select_n3A_1223 : vector<16xf32>
      %swap3A_1298 = arith.constant 32 : index
      %swap3A_1299 = tpu.vector_load %arg19[%swap3A_1298] {strides = array<i32>} : memref<64xf32, #tpu.memory_space<vmem>>, vector<16xf32>,
      tpu.vector_store %arg19[%swap3A_1298], %mul3A_1297 {strides = array<i32>} : memref<64xf32, #tpu.memory_space<vmem>>, vector<16xf32>,
      %mul3A_1300 = arith.mulf %select_n3A_1243, %select_n3A_1213 : vector<16xf32>
      %swap3A_1301 = arith.constant 32 : index
      %swap3A_1302 = tpu.vector_load %arg20[%swap3A_1301] {strides = array<i32>} : memref<64xf32, #tpu.memory_space<vmem>>, vector<16xf32>,
      tpu.vector_store %arg20[%swap3A_1301], %mul3A_1300 {strides = array<i32>} : memref<64xf32, #tpu.memory_space<vmem>>, vector<16xf32>,
      %mul3A_1303 = arith.mulf %select_n3A_1243, %select_n3A_1223 : vector<16xf32>
      %swap3A_1304 = arith.constant 32 : index
      %swap3A_1305 = tpu.vector_load %arg21[%swap3A_1304] {strides = array<i32>} : memref<64xf32, #tpu.memory_space<vmem>>, vector<16xf32>,
      tpu.vector_store %arg21[%swap3A_1304], %mul3A_1303 {strides = array<i32>} : memref<64xf32, #tpu.memory_space<vmem>>, vector<16xf32>,
      %mul3A_1306 = arith.constant 64 : i32
      %mul3A_1307 = arith.muli %add3A_741, %mul3A_1306 : i32
      %add3A_1308 = arith.constant 48 : i32
      %add3A_1309 = arith.addi %mul3A_1307, %add3A_1308 : i32
      %mul3A_1310 = arith.constant 2 : i32
      %mul3A_1311 = arith.muli %mul3A_1310, %add3A_1309 : i32
      %add3A_1312 = vector.broadcast %mul3A_1311 : i32 to vector<16xi32>
      %add3A_1313 = arith.addi %mul3A_7, %add3A_1312 : vector<16xi32>
      %gather3A_1314 = tpu.vector_load_idx %arg5[%add3A_1313] : memref<16384xf32, #tpu.memory_space<vmem>>[vector<16xi32>], vector<16xf32>,
      %mul3A_1315 = arith.constant 2 : i32
      %mul3A_1316 = arith.muli %mul3A_1315, %add3A_1309 : i32
      %add3A_1317 = arith.constant 1 : i32
      %add3A_1318 = arith.addi %mul3A_1316, %add3A_1317 : i32
      %add3A_1319 = vector.broadcast %add3A_1318 : i32 to vector<16xi32>
      %add3A_1320 = arith.addi %mul3A_7, %add3A_1319 : vector<16xi32>
      %gather3A_1321 = tpu.vector_load_idx %arg5[%add3A_1320] : memref<16384xf32, #tpu.memory_space<vmem>>[vector<16xi32>], vector<16xf32>,
      %mul3A_1322 = arith.constant 2.000000e+00 : f32
      %mul3A_1323 = vector.broadcast %mul3A_1322 : f32 to vector<16xf32>
      %mul3A_1324 = arith.mulf %mul3A_1323, %gather3A_1314 : vector<16xf32>
      %sub3A_1325 = arith.constant 1.000000e+00 : f32
      %sub3A_1326 = vector.broadcast %sub3A_1325 : f32 to vector<16xf32>
      %sub3A_1327 = arith.subf %mul3A_1324, %sub3A_1326 : vector<16xf32>
      %add3A_1328 = arith.constant 1.000000e+00 : f32
      %add3A_1329 = vector.broadcast %add3A_1328 : f32 to vector<16xf32>
      %add3A_1330 = arith.addf %sub3A_1327, %add3A_1329 : vector<16xf32>
      %mul3A_1331 = arith.constant 2.000000e+00 : f32
      %mul3A_1332 = vector.broadcast %mul3A_1331 : f32 to vector<16xf32>
      %mul3A_1333 = arith.mulf %mul3A_1332, %gather3A_1321 : vector<16xf32>
      %sub3A_1334 = arith.constant 1.000000e+00 : f32
      %sub3A_1335 = vector.broadcast %sub3A_1334 : f32 to vector<16xf32>
      %sub3A_1336 = arith.subf %mul3A_1333, %sub3A_1335 : vector<16xf32>
      %add3A_1337 = arith.constant 1.000000e+00 : f32
      %add3A_1338 = vector.broadcast %add3A_1337 : f32 to vector<16xf32>
      %add3A_1339 = arith.addf %sub3A_1336, %add3A_1338 : vector<16xf32>
      %mul3A_1340 = arith.constant 1.280000e+02 : f32
      %mul3A_1341 = vector.broadcast %mul3A_1340 : f32 to vector<16xf32>
      %mul3A_1342 = arith.mulf %add3A_1330, %mul3A_1341 : vector<16xf32>
      %sub3A_1343 = arith.constant 1.000000e+00 : f32
      %sub3A_1344 = vector.broadcast %sub3A_1343 : f32 to vector<16xf32>
      %sub3A_1345 = arith.subf %mul3A_1342, %sub3A_1344 : vector<16xf32>
      %mul3A_1346 = arith.constant 5.000000e-01 : f32
      %mul3A_1347 = vector.broadcast %mul3A_1346 : f32 to vector<16xf32>
      %mul3A_1348 = arith.mulf %sub3A_1345, %mul3A_1347 : vector<16xf32>
      %mul3A_1349 = arith.constant 1.280000e+02 : f32
      %mul3A_1350 = vector.broadcast %mul3A_1349 : f32 to vector<16xf32>
      %mul3A_1351 = arith.mulf %add3A_1339, %mul3A_1350 : vector<16xf32>
      %sub3A_1352 = arith.constant 1.000000e+00 : f32
      %sub3A_1353 = vector.broadcast %sub3A_1352 : f32 to vector<16xf32>
      %sub3A_1354 = arith.subf %mul3A_1351, %sub3A_1353 : vector<16xf32>
      %mul3A_1355 = arith.constant 5.000000e-01 : f32
      %mul3A_1356 = vector.broadcast %mul3A_1355 : f32 to vector<16xf32>
      %mul3A_1357 = arith.mulf %sub3A_1354, %mul3A_1356 : vector<16xf32>
      %convert_element_type3A_1358 = arith.fptosi %mul3A_1348 : vector<16xf32> to vector<16xi32>
      %convert_element_type3A_1359 = arith.sitofp %convert_element_type3A_1358 : vector<16xi32> to vector<16xf32>
      %gt3A_1360 = arith.cmpf ogt, %convert_element_type3A_1359, %mul3A_1348 : vector<16xf32>
      %jit3A_1361 = arith.constant 1 : i32
      %jit3A_1362 = arith.constant 0 : i32
      %broadcast_in_dim3A_1363 = vector.broadcast %jit3A_1361 : i32 to vector<16xi32>
      %broadcast_in_dim3A_1364 = vector.broadcast %jit3A_1362 : i32 to vector<16xi32>
      %select_n3A_1365 = arith.select %gt3A_1360, %broadcast_in_dim3A_1363, %broadcast_in_dim3A_1364 : vector<16xi1>, vector<16xi32>
      %sub3A_1366 = arith.subi %convert_element_type3A_1358, %select_n3A_1365 : vector<16xi32>
      %convert_element_type3A_1367 = arith.fptosi %mul3A_1357 : vector<16xf32> to vector<16xi32>
      %convert_element_type3A_1368 = arith.sitofp %convert_element_type3A_1367 : vector<16xi32> to vector<16xf32>
      %gt3A_1369 = arith.cmpf ogt, %convert_element_type3A_1368, %mul3A_1357 : vector<16xf32>
      %jit3A_1370 = arith.constant 1 : i32
      %jit3A_1371 = arith.constant 0 : i32
      %broadcast_in_dim3A_1372 = vector.broadcast %jit3A_1370 : i32 to vector<16xi32>
      %broadcast_in_dim3A_1373 = vector.broadcast %jit3A_1371 : i32 to vector<16xi32>
      %select_n3A_1374 = arith.select %gt3A_1369, %broadcast_in_dim3A_1372, %broadcast_in_dim3A_1373 : vector<16xi1>, vector<16xi32>
      %sub3A_1375 = arith.subi %convert_element_type3A_1367, %select_n3A_1374 : vector<16xi32>
      %convert_element_type3A_1376 = arith.sitofp %sub3A_1366 : vector<16xi32> to vector<16xf32>
      %sub3A_1377 = arith.subf %mul3A_1348, %convert_element_type3A_1376 : vector<16xf32>
      %sub3A_1378 = arith.constant 1.000000e+00 : f32
      %sub3A_1379 = vector.broadcast %sub3A_1378 : f32 to vector<16xf32>
      %sub3A_1380 = arith.subf %sub3A_1379, %sub3A_1377 : vector<16xf32>
      %convert_element_type3A_1381 = arith.sitofp %sub3A_1375 : vector<16xi32> to vector<16xf32>
      %sub3A_1382 = arith.subf %mul3A_1357, %convert_element_type3A_1381 : vector<16xf32>
      %sub3A_1383 = arith.constant 1.000000e+00 : f32
      %sub3A_1384 = vector.broadcast %sub3A_1383 : f32 to vector<16xf32>
      %sub3A_1385 = arith.subf %sub3A_1384, %sub3A_1382 : vector<16xf32>
      %add3A_1386 = arith.constant 1 : i32
      %add3A_1387 = vector.broadcast %add3A_1386 : i32 to vector<16xi32>
      %add3A_1388 = arith.addi %sub3A_1366, %add3A_1387 : vector<16xi32>
      %add3A_1389 = arith.constant 1 : i32
      %add3A_1390 = vector.broadcast %add3A_1389 : i32 to vector<16xi32>
      %add3A_1391 = arith.addi %sub3A_1375, %add3A_1390 : vector<16xi32>
      %ge3A_1392 = arith.constant 0 : i32
      %ge3A_1393 = vector.broadcast %ge3A_1392 : i32 to vector<16xi32>
      %ge3A_1394 = arith.cmpi sge, %sub3A_1366, %ge3A_1393 : vector<16xi32>
      %le3A_1395 = arith.constant 127 : i32
      %le3A_1396 = vector.broadcast %le3A_1395 : i32 to vector<16xi32>
      %le3A_1397 = arith.cmpi sle, %sub3A_1366, %le3A_1396 : vector<16xi32>
      %and3A_1398 = arith.andi %ge3A_1394, %le3A_1397 : vector<16xi1>
      %jit3A_1399 = arith.constant 0.000000e+00 : f32
      %broadcast_in_dim3A_1400 = vector.broadcast %jit3A_1399 : f32 to vector<16xf32>
      %select_n3A_1401 = arith.select %and3A_1398, %sub3A_1380, %broadcast_in_dim3A_1400 : vector<16xi1>, vector<16xf32>
      %ge3A_1402 = arith.constant 0 : i32
      %ge3A_1403 = vector.broadcast %ge3A_1402 : i32 to vector<16xi32>
      %ge3A_1404 = arith.cmpi sge, %add3A_1388, %ge3A_1403 : vector<16xi32>
      %le3A_1405 = arith.constant 127 : i32
      %le3A_1406 = vector.broadcast %le3A_1405 : i32 to vector<16xi32>
      %le3A_1407 = arith.cmpi sle, %add3A_1388, %le3A_1406 : vector<16xi32>
      %and3A_1408 = arith.andi %ge3A_1404, %le3A_1407 : vector<16xi1>
      %jit3A_1409 = arith.constant 0.000000e+00 : f32
      %broadcast_in_dim3A_1410 = vector.broadcast %jit3A_1409 : f32 to vector<16xf32>
      %select_n3A_1411 = arith.select %and3A_1408, %sub3A_1377, %broadcast_in_dim3A_1410 : vector<16xi1>, vector<16xf32>
      %ge3A_1412 = arith.constant 0 : i32
      %ge3A_1413 = vector.broadcast %ge3A_1412 : i32 to vector<16xi32>
      %ge3A_1414 = arith.cmpi sge, %sub3A_1375, %ge3A_1413 : vector<16xi32>
      %le3A_1415 = arith.constant 127 : i32
      %le3A_1416 = vector.broadcast %le3A_1415 : i32 to vector<16xi32>
      %le3A_1417 = arith.cmpi sle, %sub3A_1375, %le3A_1416 : vector<16xi32>
      %and3A_1418 = arith.andi %ge3A_1414, %le3A_1417 : vector<16xi1>
      %jit3A_1419 = arith.constant 0.000000e+00 : f32
      %broadcast_in_dim3A_1420 = vector.broadcast %jit3A_1419 : f32 to vector<16xf32>
      %select_n3A_1421 = arith.select %and3A_1418, %sub3A_1385, %broadcast_in_dim3A_1420 : vector<16xi1>, vector<16xf32>
      %ge3A_1422 = arith.constant 0 : i32
      %ge3A_1423 = vector.broadcast %ge3A_1422 : i32 to vector<16xi32>
      %ge3A_1424 = arith.cmpi sge, %add3A_1391, %ge3A_1423 : vector<16xi32>
      %le3A_1425 = arith.constant 127 : i32
      %le3A_1426 = vector.broadcast %le3A_1425 : i32 to vector<16xi32>
      %le3A_1427 = arith.cmpi sle, %add3A_1391, %le3A_1426 : vector<16xi32>
      %and3A_1428 = arith.andi %ge3A_1424, %le3A_1427 : vector<16xi1>
      %jit3A_1429 = arith.constant 0.000000e+00 : f32
      %broadcast_in_dim3A_1430 = vector.broadcast %jit3A_1429 : f32 to vector<16xf32>
      %select_n3A_1431 = arith.select %and3A_1428, %sub3A_1382, %broadcast_in_dim3A_1430 : vector<16xi1>, vector<16xf32>
      %max3A_1432 = arith.constant 0 : i32
      %max3A_1433 = vector.broadcast %max3A_1432 : i32 to vector<16xi32>
      %max3A_1434 = arith.maxsi %sub3A_1366, %max3A_1433 : vector<16xi32>
      %min3A_1435 = arith.constant 127 : i32
      %min3A_1436 = vector.broadcast %min3A_1435 : i32 to vector<16xi32>
      %min3A_1437 = arith.minsi %max3A_1434, %min3A_1436 : vector<16xi32>
      %max3A_1438 = arith.constant 0 : i32
      %max3A_1439 = vector.broadcast %max3A_1438 : i32 to vector<16xi32>
      %max3A_1440 = arith.maxsi %add3A_1388, %max3A_1439 : vector<16xi32>
      %min3A_1441 = arith.constant 127 : i32
      %min3A_1442 = vector.broadcast %min3A_1441 : i32 to vector<16xi32>
      %min3A_1443 = arith.minsi %max3A_1440, %min3A_1442 : vector<16xi32>
      %max3A_1444 = arith.constant 0 : i32
      %max3A_1445 = vector.broadcast %max3A_1444 : i32 to vector<16xi32>
      %max3A_1446 = arith.maxsi %sub3A_1375, %max3A_1445 : vector<16xi32>
      %min3A_1447 = arith.constant 127 : i32
      %min3A_1448 = vector.broadcast %min3A_1447 : i32 to vector<16xi32>
      %min3A_1449 = arith.minsi %max3A_1446, %min3A_1448 : vector<16xi32>
      %max3A_1450 = arith.constant 0 : i32
      %max3A_1451 = vector.broadcast %max3A_1450 : i32 to vector<16xi32>
      %max3A_1452 = arith.maxsi %add3A_1391, %max3A_1451 : vector<16xi32>
      %min3A_1453 = arith.constant 127 : i32
      %min3A_1454 = vector.broadcast %min3A_1453 : i32 to vector<16xi32>
      %min3A_1455 = arith.minsi %max3A_1452, %min3A_1454 : vector<16xi32>
      %add3A_1456 = arith.addi %mul3A_2, %add3A_1309 : i32
      %add3A_1457 = vector.broadcast %add3A_1456 : i32 to vector<16xi32>
      %add3A_1458 = arith.addi %add3A_1457, %iota3A : vector<16xi32>
      %and3A_1459 = arith.constant -16384 : i32
      %and3A_1460 = vector.broadcast %and3A_1459 : i32 to vector<16xi32>
      %and3A_1461 = arith.andi %add3A_1458, %and3A_1460 : vector<16xi32>
      %mul3A_1462 = arith.constant 128 : i32
      %mul3A_1463 = vector.broadcast %mul3A_1462 : i32 to vector<16xi32>
      %mul3A_1464 = arith.muli %min3A_1449, %mul3A_1463 : vector<16xi32>
      %add3A_1465 = arith.addi %and3A_1461, %mul3A_1464 : vector<16xi32>
      %mul3A_1466 = arith.constant 128 : i32
      %mul3A_1467 = vector.broadcast %mul3A_1466 : i32 to vector<16xi32>
      %mul3A_1468 = arith.muli %min3A_1455, %mul3A_1467 : vector<16xi32>
      %add3A_1469 = arith.addi %and3A_1461, %mul3A_1468 : vector<16xi32>
      %add3A_1470 = arith.addi %add3A_1465, %min3A_1437 : vector<16xi32>
      %swap3A_1471 = arith.constant 48 : index
      %swap3A_1472 = tpu.vector_load %arg14[%swap3A_1471] {strides = array<i32>} : memref<64xi32, #tpu.memory_space<vmem>>, vector<16xi32>,
      tpu.vector_store %arg14[%swap3A_1471], %add3A_1470 {strides = array<i32>} : memref<64xi32, #tpu.memory_space<vmem>>, vector<16xi32>,
      %add3A_1473 = arith.addi %add3A_1465, %min3A_1443 : vector<16xi32>
      %swap3A_1474 = arith.constant 48 : index
      %swap3A_1475 = tpu.vector_load %arg15[%swap3A_1474] {strides = array<i32>} : memref<64xi32, #tpu.memory_space<vmem>>, vector<16xi32>,
      tpu.vector_store %arg15[%swap3A_1474], %add3A_1473 {strides = array<i32>} : memref<64xi32, #tpu.memory_space<vmem>>, vector<16xi32>,
      %add3A_1476 = arith.addi %add3A_1469, %min3A_1437 : vector<16xi32>
      %swap3A_1477 = arith.constant 48 : index
      %swap3A_1478 = tpu.vector_load %arg16[%swap3A_1477] {strides = array<i32>} : memref<64xi32, #tpu.memory_space<vmem>>, vector<16xi32>,
      tpu.vector_store %arg16[%swap3A_1477], %add3A_1476 {strides = array<i32>} : memref<64xi32, #tpu.memory_space<vmem>>, vector<16xi32>,
      %add3A_1479 = arith.addi %add3A_1469, %min3A_1443 : vector<16xi32>
      %swap3A_1480 = arith.constant 48 : index
      %swap3A_1481 = tpu.vector_load %arg17[%swap3A_1480] {strides = array<i32>} : memref<64xi32, #tpu.memory_space<vmem>>, vector<16xi32>,
      tpu.vector_store %arg17[%swap3A_1480], %add3A_1479 {strides = array<i32>} : memref<64xi32, #tpu.memory_space<vmem>>, vector<16xi32>,
      %mul3A_1482 = arith.mulf %select_n3A_1421, %select_n3A_1401 : vector<16xf32>
      %swap3A_1483 = arith.constant 48 : index
      %swap3A_1484 = tpu.vector_load %arg18[%swap3A_1483] {strides = array<i32>} : memref<64xf32, #tpu.memory_space<vmem>>, vector<16xf32>,
      tpu.vector_store %arg18[%swap3A_1483], %mul3A_1482 {strides = array<i32>} : memref<64xf32, #tpu.memory_space<vmem>>, vector<16xf32>,
      %mul3A_1485 = arith.mulf %select_n3A_1421, %select_n3A_1411 : vector<16xf32>
      %swap3A_1486 = arith.constant 48 : index
      %swap3A_1487 = tpu.vector_load %arg19[%swap3A_1486] {strides = array<i32>} : memref<64xf32, #tpu.memory_space<vmem>>, vector<16xf32>,
      tpu.vector_store %arg19[%swap3A_1486], %mul3A_1485 {strides = array<i32>} : memref<64xf32, #tpu.memory_space<vmem>>, vector<16xf32>,
      %mul3A_1488 = arith.mulf %select_n3A_1431, %select_n3A_1401 : vector<16xf32>
      %swap3A_1489 = arith.constant 48 : index
      %swap3A_1490 = tpu.vector_load %arg20[%swap3A_1489] {strides = array<i32>} : memref<64xf32, #tpu.memory_space<vmem>>, vector<16xf32>,
      tpu.vector_store %arg20[%swap3A_1489], %mul3A_1488 {strides = array<i32>} : memref<64xf32, #tpu.memory_space<vmem>>, vector<16xf32>,
      %mul3A_1491 = arith.mulf %select_n3A_1431, %select_n3A_1411 : vector<16xf32>
      %swap3A_1492 = arith.constant 48 : index
      %swap3A_1493 = tpu.vector_load %arg21[%swap3A_1492] {strides = array<i32>} : memref<64xf32, #tpu.memory_space<vmem>>, vector<16xf32>,
      tpu.vector_store %arg21[%swap3A_1492], %mul3A_1491 {strides = array<i32>} : memref<64xf32, #tpu.memory_space<vmem>>, vector<16xf32>,
      %dma_start3A_1494 = arith.constant 0 : i32
      %dma_start3A_1495 = arith.constant 0 : i32
      %dma_start3A_1496 = tpu.memref_slice %arg2[%dma_start3A_1494, %dma_start3A_1495] : memref<262144x96xf32, #tpu.memory_space<hbm>> -> memref<262144x96xf32, #tpu.memory_space<hbm>>
      tpu.enqueue_indirect_dma source(%dma_start3A_1496 : memref<262144x96xf32, #tpu.memory_space<hbm>>) target(%arg26 : memref<64x96xf32, #tpu.memory_space<vmem>>) offsets(%arg14 : memref<64xi32, #tpu.memory_space<vmem>>) semaphore(%arg32 : memref<!tpu.dma_semaphore, #tpu.memory_space<semaphore_mem>>)
      %dma_start3A_1497 = arith.constant 0 : i32
      %dma_start3A_1498 = arith.constant 0 : i32
      %dma_start3A_1499 = tpu.memref_slice %arg2[%dma_start3A_1497, %dma_start3A_1498] : memref<262144x96xf32, #tpu.memory_space<hbm>> -> memref<262144x96xf32, #tpu.memory_space<hbm>>
      tpu.enqueue_indirect_dma source(%dma_start3A_1499 : memref<262144x96xf32, #tpu.memory_space<hbm>>) target(%arg27 : memref<64x96xf32, #tpu.memory_space<vmem>>) offsets(%arg15 : memref<64xi32, #tpu.memory_space<vmem>>) semaphore(%arg32 : memref<!tpu.dma_semaphore, #tpu.memory_space<semaphore_mem>>)
      %dma_start3A_1500 = arith.constant 0 : i32
      %dma_start3A_1501 = arith.constant 0 : i32
      %dma_start3A_1502 = tpu.memref_slice %arg2[%dma_start3A_1500, %dma_start3A_1501] : memref<262144x96xf32, #tpu.memory_space<hbm>> -> memref<262144x96xf32, #tpu.memory_space<hbm>>
      tpu.enqueue_indirect_dma source(%dma_start3A_1502 : memref<262144x96xf32, #tpu.memory_space<hbm>>) target(%arg28 : memref<64x96xf32, #tpu.memory_space<vmem>>) offsets(%arg16 : memref<64xi32, #tpu.memory_space<vmem>>) semaphore(%arg32 : memref<!tpu.dma_semaphore, #tpu.memory_space<semaphore_mem>>)
      %dma_start3A_1503 = arith.constant 0 : i32
      %dma_start3A_1504 = arith.constant 0 : i32
      %dma_start3A_1505 = tpu.memref_slice %arg2[%dma_start3A_1503, %dma_start3A_1504] : memref<262144x96xf32, #tpu.memory_space<hbm>> -> memref<262144x96xf32, #tpu.memory_space<hbm>>
      tpu.enqueue_indirect_dma source(%dma_start3A_1505 : memref<262144x96xf32, #tpu.memory_space<hbm>>) target(%arg29 : memref<64x96xf32, #tpu.memory_space<vmem>>) offsets(%arg17 : memref<64xi32, #tpu.memory_space<vmem>>) semaphore(%arg32 : memref<!tpu.dma_semaphore, #tpu.memory_space<semaphore_mem>>)
      %dma_wait3A = arith.constant 0 : i32
      %dma_wait3A_1506 = arith.constant 0 : i32
      %dma_wait3A_1507 = tpu.memref_slice %arg2[%dma_wait3A, %dma_wait3A_1506] : memref<262144x96xf32, #tpu.memory_space<hbm>> -> memref<262144x96xf32, #tpu.memory_space<hbm>>
      tpu.wait_indirect_dma semaphore(%arg31 : memref<!tpu.dma_semaphore, #tpu.memory_space<semaphore_mem>>) src(%dma_wait3A_1507 : memref<262144x96xf32, #tpu.memory_space<hbm>>) dst(%arg22 : memref<64x96xf32, #tpu.memory_space<vmem>>)
      %dma_wait3A_1508 = arith.constant 0 : i32
      %dma_wait3A_1509 = arith.constant 0 : i32
      %dma_wait3A_1510 = tpu.memref_slice %arg2[%dma_wait3A_1508, %dma_wait3A_1509] : memref<262144x96xf32, #tpu.memory_space<hbm>> -> memref<262144x96xf32, #tpu.memory_space<hbm>>
      tpu.wait_indirect_dma semaphore(%arg31 : memref<!tpu.dma_semaphore, #tpu.memory_space<semaphore_mem>>) src(%dma_wait3A_1510 : memref<262144x96xf32, #tpu.memory_space<hbm>>) dst(%arg23 : memref<64x96xf32, #tpu.memory_space<vmem>>)
      %dma_wait3A_1511 = arith.constant 0 : i32
      %dma_wait3A_1512 = arith.constant 0 : i32
      %dma_wait3A_1513 = tpu.memref_slice %arg2[%dma_wait3A_1511, %dma_wait3A_1512] : memref<262144x96xf32, #tpu.memory_space<hbm>> -> memref<262144x96xf32, #tpu.memory_space<hbm>>
      tpu.wait_indirect_dma semaphore(%arg31 : memref<!tpu.dma_semaphore, #tpu.memory_space<semaphore_mem>>) src(%dma_wait3A_1513 : memref<262144x96xf32, #tpu.memory_space<hbm>>) dst(%arg24 : memref<64x96xf32, #tpu.memory_space<vmem>>)
      %dma_wait3A_1514 = arith.constant 0 : i32
      %dma_wait3A_1515 = arith.constant 0 : i32
      %dma_wait3A_1516 = tpu.memref_slice %arg2[%dma_wait3A_1514, %dma_wait3A_1515] : memref<262144x96xf32, #tpu.memory_space<hbm>> -> memref<262144x96xf32, #tpu.memory_space<hbm>>
      tpu.wait_indirect_dma semaphore(%arg31 : memref<!tpu.dma_semaphore, #tpu.memory_space<semaphore_mem>>) src(%dma_wait3A_1516 : memref<262144x96xf32, #tpu.memory_space<hbm>>) dst(%arg25 : memref<64x96xf32, #tpu.memory_space<vmem>>)
      %parallel_loop3A = arith.constant 0 : i32
      %parallel_loop3A_1517 = arith.constant 64 : i32
      %parallel_loop3A_1518 = arith.constant 1 : i32
      scf.for %parallel_loop3A_1548 = %parallel_loop3A to %parallel_loop3A_1517 step %parallel_loop3A_1518  : i32 {
        %parallel_loop3A_1549 = vector.broadcast %parallel_loop3A_1548 : i32 to vector<16xi32>
        %parallel_loop3A_1550 = tpu.vector_load_idx %arg10[%parallel_loop3A_1549] : memref<64xf32, #tpu.memory_space<vmem>>[vector<16xi32>], vector<16xf32>,
        %parallel_loop3A_1551 = tpu.vector_load_idx %arg11[%parallel_loop3A_1549] : memref<64xf32, #tpu.memory_space<vmem>>[vector<16xi32>], vector<16xf32>,
        %parallel_loop3A_1552 = tpu.vector_load_idx %arg12[%parallel_loop3A_1549] : memref<64xf32, #tpu.memory_space<vmem>>[vector<16xi32>], vector<16xf32>,
        %parallel_loop3A_1553 = tpu.vector_load_idx %arg13[%parallel_loop3A_1549] : memref<64xf32, #tpu.memory_space<vmem>>[vector<16xi32>], vector<16xf32>,
        %parallel_loop3A_1554 = arith.index_cast %parallel_loop3A_1548 : i32 to index
        %parallel_loop3A_1555 = arith.constant 0 : index
        %parallel_loop3A_1556 = tpu.vector_load %arg22[%parallel_loop3A_1554, %parallel_loop3A_1555] {strides = array<i32>} : memref<64x96xf32, #tpu.memory_space<vmem>>, vector<16xf32>,
        %parallel_loop3A_1557 = arith.mulf %parallel_loop3A_1556, %parallel_loop3A_1550 : vector<16xf32>
        %parallel_loop3A_1558 = arith.index_cast %parallel_loop3A_1548 : i32 to index
        %parallel_loop3A_1559 = arith.constant 0 : index
        %parallel_loop3A_1560 = tpu.vector_load %arg23[%parallel_loop3A_1558, %parallel_loop3A_1559] {strides = array<i32>} : memref<64x96xf32, #tpu.memory_space<vmem>>, vector<16xf32>,
        %parallel_loop3A_1561 = arith.mulf %parallel_loop3A_1560, %parallel_loop3A_1551 : vector<16xf32>
        %parallel_loop3A_1562 = arith.addf %parallel_loop3A_1557, %parallel_loop3A_1561 : vector<16xf32>
        %parallel_loop3A_1563 = arith.index_cast %parallel_loop3A_1548 : i32 to index
        %parallel_loop3A_1564 = arith.constant 0 : index
        %parallel_loop3A_1565 = tpu.vector_load %arg24[%parallel_loop3A_1563, %parallel_loop3A_1564] {strides = array<i32>} : memref<64x96xf32, #tpu.memory_space<vmem>>, vector<16xf32>,
        %parallel_loop3A_1566 = arith.mulf %parallel_loop3A_1565, %parallel_loop3A_1552 : vector<16xf32>
        %parallel_loop3A_1567 = arith.index_cast %parallel_loop3A_1548 : i32 to index
        %parallel_loop3A_1568 = arith.constant 0 : index
        %parallel_loop3A_1569 = tpu.vector_load %arg25[%parallel_loop3A_1567, %parallel_loop3A_1568] {strides = array<i32>} : memref<64x96xf32, #tpu.memory_space<vmem>>, vector<16xf32>,
        %parallel_loop3A_1570 = arith.mulf %parallel_loop3A_1569, %parallel_loop3A_1553 : vector<16xf32>
        %parallel_loop3A_1571 = arith.addf %parallel_loop3A_1566, %parallel_loop3A_1570 : vector<16xf32>
        %parallel_loop3A_1572 = arith.addf %parallel_loop3A_1562, %parallel_loop3A_1571 : vector<16xf32>
        %parallel_loop3A_1573 = arith.index_cast %parallel_loop3A_1548 : i32 to index
        %parallel_loop3A_1574 = arith.constant 0 : index
        %parallel_loop3A_1575 = tpu.vector_load %arg30[%parallel_loop3A_1573, %parallel_loop3A_1574] {strides = array<i32>} : memref<64x96xf32, #tpu.memory_space<vmem>>, vector<16xf32>,
        tpu.vector_store %arg30[%parallel_loop3A_1573, %parallel_loop3A_1574], %parallel_loop3A_1572 {strides = array<i32>} : memref<64x96xf32, #tpu.memory_space<vmem>>, vector<16xf32>,
        %parallel_loop3A_1576 = arith.index_cast %parallel_loop3A_1548 : i32 to index
        %parallel_loop3A_1577 = arith.constant 16 : index
        %parallel_loop3A_1578 = tpu.vector_load %arg22[%parallel_loop3A_1576, %parallel_loop3A_1577] {strides = array<i32>} : memref<64x96xf32, #tpu.memory_space<vmem>>, vector<16xf32>,
        %parallel_loop3A_1579 = arith.mulf %parallel_loop3A_1578, %parallel_loop3A_1550 : vector<16xf32>
        %parallel_loop3A_1580 = arith.index_cast %parallel_loop3A_1548 : i32 to index
        %parallel_loop3A_1581 = arith.constant 16 : index
        %parallel_loop3A_1582 = tpu.vector_load %arg23[%parallel_loop3A_1580, %parallel_loop3A_1581] {strides = array<i32>} : memref<64x96xf32, #tpu.memory_space<vmem>>, vector<16xf32>,
        %parallel_loop3A_1583 = arith.mulf %parallel_loop3A_1582, %parallel_loop3A_1551 : vector<16xf32>
        %parallel_loop3A_1584 = arith.addf %parallel_loop3A_1579, %parallel_loop3A_1583 : vector<16xf32>
        %parallel_loop3A_1585 = arith.index_cast %parallel_loop3A_1548 : i32 to index
        %parallel_loop3A_1586 = arith.constant 16 : index
        %parallel_loop3A_1587 = tpu.vector_load %arg24[%parallel_loop3A_1585, %parallel_loop3A_1586] {strides = array<i32>} : memref<64x96xf32, #tpu.memory_space<vmem>>, vector<16xf32>,
        %parallel_loop3A_1588 = arith.mulf %parallel_loop3A_1587, %parallel_loop3A_1552 : vector<16xf32>
        %parallel_loop3A_1589 = arith.index_cast %parallel_loop3A_1548 : i32 to index
        %parallel_loop3A_1590 = arith.constant 16 : index
        %parallel_loop3A_1591 = tpu.vector_load %arg25[%parallel_loop3A_1589, %parallel_loop3A_1590] {strides = array<i32>} : memref<64x96xf32, #tpu.memory_space<vmem>>, vector<16xf32>,
        %parallel_loop3A_1592 = arith.mulf %parallel_loop3A_1591, %parallel_loop3A_1553 : vector<16xf32>
        %parallel_loop3A_1593 = arith.addf %parallel_loop3A_1588, %parallel_loop3A_1592 : vector<16xf32>
        %parallel_loop3A_1594 = arith.addf %parallel_loop3A_1584, %parallel_loop3A_1593 : vector<16xf32>
        %parallel_loop3A_1595 = arith.index_cast %parallel_loop3A_1548 : i32 to index
        %parallel_loop3A_1596 = arith.constant 16 : index
        %parallel_loop3A_1597 = tpu.vector_load %arg30[%parallel_loop3A_1595, %parallel_loop3A_1596] {strides = array<i32>} : memref<64x96xf32, #tpu.memory_space<vmem>>, vector<16xf32>,
        tpu.vector_store %arg30[%parallel_loop3A_1595, %parallel_loop3A_1596], %parallel_loop3A_1594 {strides = array<i32>} : memref<64x96xf32, #tpu.memory_space<vmem>>, vector<16xf32>,
        %parallel_loop3A_1598 = arith.index_cast %parallel_loop3A_1548 : i32 to index
        %parallel_loop3A_1599 = arith.constant 32 : index
        %parallel_loop3A_1600 = tpu.vector_load %arg22[%parallel_loop3A_1598, %parallel_loop3A_1599] {strides = array<i32>} : memref<64x96xf32, #tpu.memory_space<vmem>>, vector<16xf32>,
        %parallel_loop3A_1601 = arith.mulf %parallel_loop3A_1600, %parallel_loop3A_1550 : vector<16xf32>
        %parallel_loop3A_1602 = arith.index_cast %parallel_loop3A_1548 : i32 to index
        %parallel_loop3A_1603 = arith.constant 32 : index
        %parallel_loop3A_1604 = tpu.vector_load %arg23[%parallel_loop3A_1602, %parallel_loop3A_1603] {strides = array<i32>} : memref<64x96xf32, #tpu.memory_space<vmem>>, vector<16xf32>,
        %parallel_loop3A_1605 = arith.mulf %parallel_loop3A_1604, %parallel_loop3A_1551 : vector<16xf32>
        %parallel_loop3A_1606 = arith.addf %parallel_loop3A_1601, %parallel_loop3A_1605 : vector<16xf32>
        %parallel_loop3A_1607 = arith.index_cast %parallel_loop3A_1548 : i32 to index
        %parallel_loop3A_1608 = arith.constant 32 : index
        %parallel_loop3A_1609 = tpu.vector_load %arg24[%parallel_loop3A_1607, %parallel_loop3A_1608] {strides = array<i32>} : memref<64x96xf32, #tpu.memory_space<vmem>>, vector<16xf32>,
        %parallel_loop3A_1610 = arith.mulf %parallel_loop3A_1609, %parallel_loop3A_1552 : vector<16xf32>
        %parallel_loop3A_1611 = arith.index_cast %parallel_loop3A_1548 : i32 to index
        %parallel_loop3A_1612 = arith.constant 32 : index
        %parallel_loop3A_1613 = tpu.vector_load %arg25[%parallel_loop3A_1611, %parallel_loop3A_1612] {strides = array<i32>} : memref<64x96xf32, #tpu.memory_space<vmem>>, vector<16xf32>,
        %parallel_loop3A_1614 = arith.mulf %parallel_loop3A_1613, %parallel_loop3A_1553 : vector<16xf32>
        %parallel_loop3A_1615 = arith.addf %parallel_loop3A_1610, %parallel_loop3A_1614 : vector<16xf32>
        %parallel_loop3A_1616 = arith.addf %parallel_loop3A_1606, %parallel_loop3A_1615 : vector<16xf32>
        %parallel_loop3A_1617 = arith.index_cast %parallel_loop3A_1548 : i32 to index
        %parallel_loop3A_1618 = arith.constant 32 : index
        %parallel_loop3A_1619 = tpu.vector_load %arg30[%parallel_loop3A_1617, %parallel_loop3A_1618] {strides = array<i32>} : memref<64x96xf32, #tpu.memory_space<vmem>>, vector<16xf32>,
        tpu.vector_store %arg30[%parallel_loop3A_1617, %parallel_loop3A_1618], %parallel_loop3A_1616 {strides = array<i32>} : memref<64x96xf32, #tpu.memory_space<vmem>>, vector<16xf32>,
        %parallel_loop3A_1620 = arith.index_cast %parallel_loop3A_1548 : i32 to index
        %parallel_loop3A_1621 = arith.constant 48 : index
        %parallel_loop3A_1622 = tpu.vector_load %arg22[%parallel_loop3A_1620, %parallel_loop3A_1621] {strides = array<i32>} : memref<64x96xf32, #tpu.memory_space<vmem>>, vector<16xf32>,
        %parallel_loop3A_1623 = arith.mulf %parallel_loop3A_1622, %parallel_loop3A_1550 : vector<16xf32>
        %parallel_loop3A_1624 = arith.index_cast %parallel_loop3A_1548 : i32 to index
        %parallel_loop3A_1625 = arith.constant 48 : index
        %parallel_loop3A_1626 = tpu.vector_load %arg23[%parallel_loop3A_1624, %parallel_loop3A_1625] {strides = array<i32>} : memref<64x96xf32, #tpu.memory_space<vmem>>, vector<16xf32>,
        %parallel_loop3A_1627 = arith.mulf %parallel_loop3A_1626, %parallel_loop3A_1551 : vector<16xf32>
        %parallel_loop3A_1628 = arith.addf %parallel_loop3A_1623, %parallel_loop3A_1627 : vector<16xf32>
        %parallel_loop3A_1629 = arith.index_cast %parallel_loop3A_1548 : i32 to index
        %parallel_loop3A_1630 = arith.constant 48 : index
        %parallel_loop3A_1631 = tpu.vector_load %arg24[%parallel_loop3A_1629, %parallel_loop3A_1630] {strides = array<i32>} : memref<64x96xf32, #tpu.memory_space<vmem>>, vector<16xf32>,
        %parallel_loop3A_1632 = arith.mulf %parallel_loop3A_1631, %parallel_loop3A_1552 : vector<16xf32>
        %parallel_loop3A_1633 = arith.index_cast %parallel_loop3A_1548 : i32 to index
        %parallel_loop3A_1634 = arith.constant 48 : index
        %parallel_loop3A_1635 = tpu.vector_load %arg25[%parallel_loop3A_1633, %parallel_loop3A_1634] {strides = array<i32>} : memref<64x96xf32, #tpu.memory_space<vmem>>, vector<16xf32>,
        %parallel_loop3A_1636 = arith.mulf %parallel_loop3A_1635, %parallel_loop3A_1553 : vector<16xf32>
        %parallel_loop3A_1637 = arith.addf %parallel_loop3A_1632, %parallel_loop3A_1636 : vector<16xf32>
        %parallel_loop3A_1638 = arith.addf %parallel_loop3A_1628, %parallel_loop3A_1637 : vector<16xf32>
        %parallel_loop3A_1639 = arith.index_cast %parallel_loop3A_1548 : i32 to index
        %parallel_loop3A_1640 = arith.constant 48 : index
        %parallel_loop3A_1641 = tpu.vector_load %arg30[%parallel_loop3A_1639, %parallel_loop3A_1640] {strides = array<i32>} : memref<64x96xf32, #tpu.memory_space<vmem>>, vector<16xf32>,
        tpu.vector_store %arg30[%parallel_loop3A_1639, %parallel_loop3A_1640], %parallel_loop3A_1638 {strides = array<i32>} : memref<64x96xf32, #tpu.memory_space<vmem>>, vector<16xf32>,
        %parallel_loop3A_1642 = arith.index_cast %parallel_loop3A_1548 : i32 to index
        %parallel_loop3A_1643 = arith.constant 64 : index
        %parallel_loop3A_1644 = tpu.vector_load %arg22[%parallel_loop3A_1642, %parallel_loop3A_1643] {strides = array<i32>} : memref<64x96xf32, #tpu.memory_space<vmem>>, vector<16xf32>,
        %parallel_loop3A_1645 = arith.mulf %parallel_loop3A_1644, %parallel_loop3A_1550 : vector<16xf32>
        %parallel_loop3A_1646 = arith.index_cast %parallel_loop3A_1548 : i32 to index
        %parallel_loop3A_1647 = arith.constant 64 : index
        %parallel_loop3A_1648 = tpu.vector_load %arg23[%parallel_loop3A_1646, %parallel_loop3A_1647] {strides = array<i32>} : memref<64x96xf32, #tpu.memory_space<vmem>>, vector<16xf32>,
        %parallel_loop3A_1649 = arith.mulf %parallel_loop3A_1648, %parallel_loop3A_1551 : vector<16xf32>
        %parallel_loop3A_1650 = arith.addf %parallel_loop3A_1645, %parallel_loop3A_1649 : vector<16xf32>
        %parallel_loop3A_1651 = arith.index_cast %parallel_loop3A_1548 : i32 to index
        %parallel_loop3A_1652 = arith.constant 64 : index
        %parallel_loop3A_1653 = tpu.vector_load %arg24[%parallel_loop3A_1651, %parallel_loop3A_1652] {strides = array<i32>} : memref<64x96xf32, #tpu.memory_space<vmem>>, vector<16xf32>,
        %parallel_loop3A_1654 = arith.mulf %parallel_loop3A_1653, %parallel_loop3A_1552 : vector<16xf32>
        %parallel_loop3A_1655 = arith.index_cast %parallel_loop3A_1548 : i32 to index
        %parallel_loop3A_1656 = arith.constant 64 : index
        %parallel_loop3A_1657 = tpu.vector_load %arg25[%parallel_loop3A_1655, %parallel_loop3A_1656] {strides = array<i32>} : memref<64x96xf32, #tpu.memory_space<vmem>>, vector<16xf32>,
        %parallel_loop3A_1658 = arith.mulf %parallel_loop3A_1657, %parallel_loop3A_1553 : vector<16xf32>
        %parallel_loop3A_1659 = arith.addf %parallel_loop3A_1654, %parallel_loop3A_1658 : vector<16xf32>
        %parallel_loop3A_1660 = arith.addf %parallel_loop3A_1650, %parallel_loop3A_1659 : vector<16xf32>
        %parallel_loop3A_1661 = arith.index_cast %parallel_loop3A_1548 : i32 to index
        %parallel_loop3A_1662 = arith.constant 64 : index
        %parallel_loop3A_1663 = tpu.vector_load %arg30[%parallel_loop3A_1661, %parallel_loop3A_1662] {strides = array<i32>} : memref<64x96xf32, #tpu.memory_space<vmem>>, vector<16xf32>,
        tpu.vector_store %arg30[%parallel_loop3A_1661, %parallel_loop3A_1662], %parallel_loop3A_1660 {strides = array<i32>} : memref<64x96xf32, #tpu.memory_space<vmem>>, vector<16xf32>,
        %parallel_loop3A_1664 = arith.index_cast %parallel_loop3A_1548 : i32 to index
        %parallel_loop3A_1665 = arith.constant 80 : index
        %parallel_loop3A_1666 = tpu.vector_load %arg22[%parallel_loop3A_1664, %parallel_loop3A_1665] {strides = array<i32>} : memref<64x96xf32, #tpu.memory_space<vmem>>, vector<16xf32>,
        %parallel_loop3A_1667 = arith.mulf %parallel_loop3A_1666, %parallel_loop3A_1550 : vector<16xf32>
        %parallel_loop3A_1668 = arith.index_cast %parallel_loop3A_1548 : i32 to index
        %parallel_loop3A_1669 = arith.constant 80 : index
        %parallel_loop3A_1670 = tpu.vector_load %arg23[%parallel_loop3A_1668, %parallel_loop3A_1669] {strides = array<i32>} : memref<64x96xf32, #tpu.memory_space<vmem>>, vector<16xf32>,
        %parallel_loop3A_1671 = arith.mulf %parallel_loop3A_1670, %parallel_loop3A_1551 : vector<16xf32>
        %parallel_loop3A_1672 = arith.addf %parallel_loop3A_1667, %parallel_loop3A_1671 : vector<16xf32>
        %parallel_loop3A_1673 = arith.index_cast %parallel_loop3A_1548 : i32 to index
        %parallel_loop3A_1674 = arith.constant 80 : index
        %parallel_loop3A_1675 = tpu.vector_load %arg24[%parallel_loop3A_1673, %parallel_loop3A_1674] {strides = array<i32>} : memref<64x96xf32, #tpu.memory_space<vmem>>, vector<16xf32>,
        %parallel_loop3A_1676 = arith.mulf %parallel_loop3A_1675, %parallel_loop3A_1552 : vector<16xf32>
        %parallel_loop3A_1677 = arith.index_cast %parallel_loop3A_1548 : i32 to index
        %parallel_loop3A_1678 = arith.constant 80 : index
        %parallel_loop3A_1679 = tpu.vector_load %arg25[%parallel_loop3A_1677, %parallel_loop3A_1678] {strides = array<i32>} : memref<64x96xf32, #tpu.memory_space<vmem>>, vector<16xf32>,
        %parallel_loop3A_1680 = arith.mulf %parallel_loop3A_1679, %parallel_loop3A_1553 : vector<16xf32>
        %parallel_loop3A_1681 = arith.addf %parallel_loop3A_1676, %parallel_loop3A_1680 : vector<16xf32>
        %parallel_loop3A_1682 = arith.addf %parallel_loop3A_1672, %parallel_loop3A_1681 : vector<16xf32>
        %parallel_loop3A_1683 = arith.index_cast %parallel_loop3A_1548 : i32 to index
        %parallel_loop3A_1684 = arith.constant 80 : index
        %parallel_loop3A_1685 = tpu.vector_load %arg30[%parallel_loop3A_1683, %parallel_loop3A_1684] {strides = array<i32>} : memref<64x96xf32, #tpu.memory_space<vmem>>, vector<16xf32>,
        tpu.vector_store %arg30[%parallel_loop3A_1683, %parallel_loop3A_1684], %parallel_loop3A_1682 {strides = array<i32>} : memref<64x96xf32, #tpu.memory_space<vmem>>, vector<16xf32>,
      } {sc.loop_unroll_factor = 2 : i64, sc.parallel_access}
      %mul3A_1519 = arith.constant 64 : i32
      %mul3A_1520 = arith.muli %mul3A_739, %mul3A_1519 : i32
      %add3A_1521 = arith.addi %mul3A_2, %mul3A_1520 : i32
      "tpu.region"() ({
        %run_scoped3A = tpu.sem_alloc : memref<!tpu.dma_semaphore, #tpu.memory_space<semaphore_mem>>
        %dma_start3A_1548 = arith.constant 0 : i32
        %dma_start3A_1549 = tpu.memref_slice %arg4[%add3A_1521, %dma_start3A_1548] : memref<262144x96xf32, #tpu.memory_space<hbm>> -> memref<64x96xf32, #tpu.memory_space<hbm>>
        %dma_start3A_1550 = arith.constant 0 : i32
        %dma_start3A_1551 = tpu.memref_slice %arg4[%add3A_1521, %dma_start3A_1550] : memref<262144x96xf32, #tpu.memory_space<hbm>> -> memref<64x96xf32, #tpu.memory_space<hbm>>
        tpu.enqueue_dma source(%arg30 : memref<64x96xf32, #tpu.memory_space<vmem>>) target(%dma_start3A_1551 : memref<64x96xf32, #tpu.memory_space<hbm>>) target_semaphore(%run_scoped3A : memref<!tpu.dma_semaphore, #tpu.memory_space<semaphore_mem>>)
        %dma_wait3A_1552 = arith.constant 0 : i32
        %dma_wait3A_1553 = tpu.memref_slice %arg4[%add3A_1521, %dma_wait3A_1552] : memref<262144x96xf32, #tpu.memory_space<hbm>> -> memref<64x96xf32, #tpu.memory_space<hbm>>
        %dma_wait3A_1554 = arith.constant 0 : i32
        %dma_wait3A_1555 = tpu.memref_slice %arg4[%add3A_1521, %dma_wait3A_1554] : memref<262144x96xf32, #tpu.memory_space<hbm>> -> memref<64x96xf32, #tpu.memory_space<hbm>>
        tpu.wait_dma2 semaphore(%run_scoped3A : memref<!tpu.dma_semaphore, #tpu.memory_space<semaphore_mem>>) src(%arg30 : memref<64x96xf32, #tpu.memory_space<vmem>>) dst(%dma_wait3A_1555 : memref<64x96xf32, #tpu.memory_space<hbm>>)
        tpu.yield
      }) : () -> ()
      %add3A_1522 = arith.constant 2 : i32
      %add3A_1523 = arith.addi %mul3A_739, %add3A_1522 : i32
      %lt3A = arith.constant 128 : i32
      %lt3A_1524 = arith.cmpi slt, %add3A_1523, %lt3A : i32
      %convert_element_type3A_1525 = arith.extui %lt3A_1524 : i1 to i32
      %cond3A = arith.constant 0 : i32
      %cond3A_1526 = arith.cmpi ne, %convert_element_type3A_1525, %cond3A : i32
      scf.if %cond3A_1526 {
        %add3A_1548 = arith.constant 2 : i32
        %add3A_1549 = arith.addi %mul3A_739, %add3A_1548 : i32
        %mul3A_1550 = arith.constant 64 : i32
        %mul3A_1551 = arith.muli %add3A_1549, %mul3A_1550 : i32
        %add3A_1552 = arith.constant 0 : i32
        %add3A_1553 = arith.addi %mul3A_1551, %add3A_1552 : i32
        %mul3A_1554 = arith.constant 2 : i32
        %mul3A_1555 = arith.muli %mul3A_1554, %add3A_1553 : i32
        %add3A_1556 = vector.broadcast %mul3A_1555 : i32 to vector<16xi32>
        %add3A_1557 = arith.addi %mul3A_7, %add3A_1556 : vector<16xi32>
        %gather3A_1558 = tpu.vector_load_idx %arg5[%add3A_1557] : memref<16384xf32, #tpu.memory_space<vmem>>[vector<16xi32>], vector<16xf32>,
        %mul3A_1559 = arith.constant 2 : i32
        %mul3A_1560 = arith.muli %mul3A_1559, %add3A_1553 : i32
        %add3A_1561 = arith.constant 1 : i32
        %add3A_1562 = arith.addi %mul3A_1560, %add3A_1561 : i32
        %add3A_1563 = vector.broadcast %add3A_1562 : i32 to vector<16xi32>
        %add3A_1564 = arith.addi %mul3A_7, %add3A_1563 : vector<16xi32>
        %gather3A_1565 = tpu.vector_load_idx %arg5[%add3A_1564] : memref<16384xf32, #tpu.memory_space<vmem>>[vector<16xi32>], vector<16xf32>,
        %mul3A_1566 = arith.constant 2.000000e+00 : f32
        %mul3A_1567 = vector.broadcast %mul3A_1566 : f32 to vector<16xf32>
        %mul3A_1568 = arith.mulf %mul3A_1567, %gather3A_1558 : vector<16xf32>
        %sub3A_1569 = arith.constant 1.000000e+00 : f32
        %sub3A_1570 = vector.broadcast %sub3A_1569 : f32 to vector<16xf32>
        %sub3A_1571 = arith.subf %mul3A_1568, %sub3A_1570 : vector<16xf32>
        %add3A_1572 = arith.constant 1.000000e+00 : f32
        %add3A_1573 = vector.broadcast %add3A_1572 : f32 to vector<16xf32>
        %add3A_1574 = arith.addf %sub3A_1571, %add3A_1573 : vector<16xf32>
        %mul3A_1575 = arith.constant 2.000000e+00 : f32
        %mul3A_1576 = vector.broadcast %mul3A_1575 : f32 to vector<16xf32>
        %mul3A_1577 = arith.mulf %mul3A_1576, %gather3A_1565 : vector<16xf32>
        %sub3A_1578 = arith.constant 1.000000e+00 : f32
        %sub3A_1579 = vector.broadcast %sub3A_1578 : f32 to vector<16xf32>
        %sub3A_1580 = arith.subf %mul3A_1577, %sub3A_1579 : vector<16xf32>
        %add3A_1581 = arith.constant 1.000000e+00 : f32
        %add3A_1582 = vector.broadcast %add3A_1581 : f32 to vector<16xf32>
        %add3A_1583 = arith.addf %sub3A_1580, %add3A_1582 : vector<16xf32>
        %mul3A_1584 = arith.constant 1.280000e+02 : f32
        %mul3A_1585 = vector.broadcast %mul3A_1584 : f32 to vector<16xf32>
        %mul3A_1586 = arith.mulf %add3A_1574, %mul3A_1585 : vector<16xf32>
        %sub3A_1587 = arith.constant 1.000000e+00 : f32
        %sub3A_1588 = vector.broadcast %sub3A_1587 : f32 to vector<16xf32>
        %sub3A_1589 = arith.subf %mul3A_1586, %sub3A_1588 : vector<16xf32>
        %mul3A_1590 = arith.constant 5.000000e-01 : f32
        %mul3A_1591 = vector.broadcast %mul3A_1590 : f32 to vector<16xf32>
        %mul3A_1592 = arith.mulf %sub3A_1589, %mul3A_1591 : vector<16xf32>
        %mul3A_1593 = arith.constant 1.280000e+02 : f32
        %mul3A_1594 = vector.broadcast %mul3A_1593 : f32 to vector<16xf32>
        %mul3A_1595 = arith.mulf %add3A_1583, %mul3A_1594 : vector<16xf32>
        %sub3A_1596 = arith.constant 1.000000e+00 : f32
        %sub3A_1597 = vector.broadcast %sub3A_1596 : f32 to vector<16xf32>
        %sub3A_1598 = arith.subf %mul3A_1595, %sub3A_1597 : vector<16xf32>
        %mul3A_1599 = arith.constant 5.000000e-01 : f32
        %mul3A_1600 = vector.broadcast %mul3A_1599 : f32 to vector<16xf32>
        %mul3A_1601 = arith.mulf %sub3A_1598, %mul3A_1600 : vector<16xf32>
        %convert_element_type3A_1602 = arith.fptosi %mul3A_1592 : vector<16xf32> to vector<16xi32>
        %convert_element_type3A_1603 = arith.sitofp %convert_element_type3A_1602 : vector<16xi32> to vector<16xf32>
        %gt3A_1604 = arith.cmpf ogt, %convert_element_type3A_1603, %mul3A_1592 : vector<16xf32>
        %jit3A_1605 = arith.constant 1 : i32
        %jit3A_1606 = arith.constant 0 : i32
        %broadcast_in_dim3A_1607 = vector.broadcast %jit3A_1605 : i32 to vector<16xi32>
        %broadcast_in_dim3A_1608 = vector.broadcast %jit3A_1606 : i32 to vector<16xi32>
        %select_n3A_1609 = arith.select %gt3A_1604, %broadcast_in_dim3A_1607, %broadcast_in_dim3A_1608 : vector<16xi1>, vector<16xi32>
        %sub3A_1610 = arith.subi %convert_element_type3A_1602, %select_n3A_1609 : vector<16xi32>
        %convert_element_type3A_1611 = arith.fptosi %mul3A_1601 : vector<16xf32> to vector<16xi32>
        %convert_element_type3A_1612 = arith.sitofp %convert_element_type3A_1611 : vector<16xi32> to vector<16xf32>
        %gt3A_1613 = arith.cmpf ogt, %convert_element_type3A_1612, %mul3A_1601 : vector<16xf32>
        %jit3A_1614 = arith.constant 1 : i32
        %jit3A_1615 = arith.constant 0 : i32
        %broadcast_in_dim3A_1616 = vector.broadcast %jit3A_1614 : i32 to vector<16xi32>
        %broadcast_in_dim3A_1617 = vector.broadcast %jit3A_1615 : i32 to vector<16xi32>
        %select_n3A_1618 = arith.select %gt3A_1613, %broadcast_in_dim3A_1616, %broadcast_in_dim3A_1617 : vector<16xi1>, vector<16xi32>
        %sub3A_1619 = arith.subi %convert_element_type3A_1611, %select_n3A_1618 : vector<16xi32>
        %convert_element_type3A_1620 = arith.sitofp %sub3A_1610 : vector<16xi32> to vector<16xf32>
        %sub3A_1621 = arith.subf %mul3A_1592, %convert_element_type3A_1620 : vector<16xf32>
        %sub3A_1622 = arith.constant 1.000000e+00 : f32
        %sub3A_1623 = vector.broadcast %sub3A_1622 : f32 to vector<16xf32>
        %sub3A_1624 = arith.subf %sub3A_1623, %sub3A_1621 : vector<16xf32>
        %convert_element_type3A_1625 = arith.sitofp %sub3A_1619 : vector<16xi32> to vector<16xf32>
        %sub3A_1626 = arith.subf %mul3A_1601, %convert_element_type3A_1625 : vector<16xf32>
        %sub3A_1627 = arith.constant 1.000000e+00 : f32
        %sub3A_1628 = vector.broadcast %sub3A_1627 : f32 to vector<16xf32>
        %sub3A_1629 = arith.subf %sub3A_1628, %sub3A_1626 : vector<16xf32>
        %add3A_1630 = arith.constant 1 : i32
        %add3A_1631 = vector.broadcast %add3A_1630 : i32 to vector<16xi32>
        %add3A_1632 = arith.addi %sub3A_1610, %add3A_1631 : vector<16xi32>
        %add3A_1633 = arith.constant 1 : i32
        %add3A_1634 = vector.broadcast %add3A_1633 : i32 to vector<16xi32>
        %add3A_1635 = arith.addi %sub3A_1619, %add3A_1634 : vector<16xi32>
        %ge3A_1636 = arith.constant 0 : i32
        %ge3A_1637 = vector.broadcast %ge3A_1636 : i32 to vector<16xi32>
        %ge3A_1638 = arith.cmpi sge, %sub3A_1610, %ge3A_1637 : vector<16xi32>
        %le3A_1639 = arith.constant 127 : i32
        %le3A_1640 = vector.broadcast %le3A_1639 : i32 to vector<16xi32>
        %le3A_1641 = arith.cmpi sle, %sub3A_1610, %le3A_1640 : vector<16xi32>
        %and3A_1642 = arith.andi %ge3A_1638, %le3A_1641 : vector<16xi1>
        %jit3A_1643 = arith.constant 0.000000e+00 : f32
        %broadcast_in_dim3A_1644 = vector.broadcast %jit3A_1643 : f32 to vector<16xf32>
        %select_n3A_1645 = arith.select %and3A_1642, %sub3A_1624, %broadcast_in_dim3A_1644 : vector<16xi1>, vector<16xf32>
        %ge3A_1646 = arith.constant 0 : i32
        %ge3A_1647 = vector.broadcast %ge3A_1646 : i32 to vector<16xi32>
        %ge3A_1648 = arith.cmpi sge, %add3A_1632, %ge3A_1647 : vector<16xi32>
        %le3A_1649 = arith.constant 127 : i32
        %le3A_1650 = vector.broadcast %le3A_1649 : i32 to vector<16xi32>
        %le3A_1651 = arith.cmpi sle, %add3A_1632, %le3A_1650 : vector<16xi32>
        %and3A_1652 = arith.andi %ge3A_1648, %le3A_1651 : vector<16xi1>
        %jit3A_1653 = arith.constant 0.000000e+00 : f32
        %broadcast_in_dim3A_1654 = vector.broadcast %jit3A_1653 : f32 to vector<16xf32>
        %select_n3A_1655 = arith.select %and3A_1652, %sub3A_1621, %broadcast_in_dim3A_1654 : vector<16xi1>, vector<16xf32>
        %ge3A_1656 = arith.constant 0 : i32
        %ge3A_1657 = vector.broadcast %ge3A_1656 : i32 to vector<16xi32>
        %ge3A_1658 = arith.cmpi sge, %sub3A_1619, %ge3A_1657 : vector<16xi32>
        %le3A_1659 = arith.constant 127 : i32
        %le3A_1660 = vector.broadcast %le3A_1659 : i32 to vector<16xi32>
        %le3A_1661 = arith.cmpi sle, %sub3A_1619, %le3A_1660 : vector<16xi32>
        %and3A_1662 = arith.andi %ge3A_1658, %le3A_1661 : vector<16xi1>
        %jit3A_1663 = arith.constant 0.000000e+00 : f32
        %broadcast_in_dim3A_1664 = vector.broadcast %jit3A_1663 : f32 to vector<16xf32>
        %select_n3A_1665 = arith.select %and3A_1662, %sub3A_1629, %broadcast_in_dim3A_1664 : vector<16xi1>, vector<16xf32>
        %ge3A_1666 = arith.constant 0 : i32
        %ge3A_1667 = vector.broadcast %ge3A_1666 : i32 to vector<16xi32>
        %ge3A_1668 = arith.cmpi sge, %add3A_1635, %ge3A_1667 : vector<16xi32>
        %le3A_1669 = arith.constant 127 : i32
        %le3A_1670 = vector.broadcast %le3A_1669 : i32 to vector<16xi32>
        %le3A_1671 = arith.cmpi sle, %add3A_1635, %le3A_1670 : vector<16xi32>
        %and3A_1672 = arith.andi %ge3A_1668, %le3A_1671 : vector<16xi1>
        %jit3A_1673 = arith.constant 0.000000e+00 : f32
        %broadcast_in_dim3A_1674 = vector.broadcast %jit3A_1673 : f32 to vector<16xf32>
        %select_n3A_1675 = arith.select %and3A_1672, %sub3A_1626, %broadcast_in_dim3A_1674 : vector<16xi1>, vector<16xf32>
        %max3A_1676 = arith.constant 0 : i32
        %max3A_1677 = vector.broadcast %max3A_1676 : i32 to vector<16xi32>
        %max3A_1678 = arith.maxsi %sub3A_1610, %max3A_1677 : vector<16xi32>
        %min3A_1679 = arith.constant 127 : i32
        %min3A_1680 = vector.broadcast %min3A_1679 : i32 to vector<16xi32>
        %min3A_1681 = arith.minsi %max3A_1678, %min3A_1680 : vector<16xi32>
        %max3A_1682 = arith.constant 0 : i32
        %max3A_1683 = vector.broadcast %max3A_1682 : i32 to vector<16xi32>
        %max3A_1684 = arith.maxsi %add3A_1632, %max3A_1683 : vector<16xi32>
        %min3A_1685 = arith.constant 127 : i32
        %min3A_1686 = vector.broadcast %min3A_1685 : i32 to vector<16xi32>
        %min3A_1687 = arith.minsi %max3A_1684, %min3A_1686 : vector<16xi32>
        %max3A_1688 = arith.constant 0 : i32
        %max3A_1689 = vector.broadcast %max3A_1688 : i32 to vector<16xi32>
        %max3A_1690 = arith.maxsi %sub3A_1619, %max3A_1689 : vector<16xi32>
        %min3A_1691 = arith.constant 127 : i32
        %min3A_1692 = vector.broadcast %min3A_1691 : i32 to vector<16xi32>
        %min3A_1693 = arith.minsi %max3A_1690, %min3A_1692 : vector<16xi32>
        %max3A_1694 = arith.constant 0 : i32
        %max3A_1695 = vector.broadcast %max3A_1694 : i32 to vector<16xi32>
        %max3A_1696 = arith.maxsi %add3A_1635, %max3A_1695 : vector<16xi32>
        %min3A_1697 = arith.constant 127 : i32
        %min3A_1698 = vector.broadcast %min3A_1697 : i32 to vector<16xi32>
        %min3A_1699 = arith.minsi %max3A_1696, %min3A_1698 : vector<16xi32>
        %add3A_1700 = arith.addi %mul3A_2, %add3A_1553 : i32
        %add3A_1701 = vector.broadcast %add3A_1700 : i32 to vector<16xi32>
        %add3A_1702 = arith.addi %add3A_1701, %iota3A : vector<16xi32>
        %and3A_1703 = arith.constant -16384 : i32
        %and3A_1704 = vector.broadcast %and3A_1703 : i32 to vector<16xi32>
        %and3A_1705 = arith.andi %add3A_1702, %and3A_1704 : vector<16xi32>
        %mul3A_1706 = arith.constant 128 : i32
        %mul3A_1707 = vector.broadcast %mul3A_1706 : i32 to vector<16xi32>
        %mul3A_1708 = arith.muli %min3A_1693, %mul3A_1707 : vector<16xi32>
        %add3A_1709 = arith.addi %and3A_1705, %mul3A_1708 : vector<16xi32>
        %mul3A_1710 = arith.constant 128 : i32
        %mul3A_1711 = vector.broadcast %mul3A_1710 : i32 to vector<16xi32>
        %mul3A_1712 = arith.muli %min3A_1699, %mul3A_1711 : vector<16xi32>
        %add3A_1713 = arith.addi %and3A_1705, %mul3A_1712 : vector<16xi32>
        %add3A_1714 = arith.addi %add3A_1709, %min3A_1681 : vector<16xi32>
        %swap3A_1715 = arith.constant 0 : index
        %swap3A_1716 = tpu.vector_load %arg6[%swap3A_1715] {strides = array<i32>} : memref<64xi32, #tpu.memory_space<vmem>>, vector<16xi32>,
        tpu.vector_store %arg6[%swap3A_1715], %add3A_1714 {strides = array<i32>} : memref<64xi32, #tpu.memory_space<vmem>>, vector<16xi32>,
        %add3A_1717 = arith.addi %add3A_1709, %min3A_1687 : vector<16xi32>
        %swap3A_1718 = arith.constant 0 : index
        %swap3A_1719 = tpu.vector_load %arg7[%swap3A_1718] {strides = array<i32>} : memref<64xi32, #tpu.memory_space<vmem>>, vector<16xi32>,
        tpu.vector_store %arg7[%swap3A_1718], %add3A_1717 {strides = array<i32>} : memref<64xi32, #tpu.memory_space<vmem>>, vector<16xi32>,
        %add3A_1720 = arith.addi %add3A_1713, %min3A_1681 : vector<16xi32>
        %swap3A_1721 = arith.constant 0 : index
        %swap3A_1722 = tpu.vector_load %arg8[%swap3A_1721] {strides = array<i32>} : memref<64xi32, #tpu.memory_space<vmem>>, vector<16xi32>,
        tpu.vector_store %arg8[%swap3A_1721], %add3A_1720 {strides = array<i32>} : memref<64xi32, #tpu.memory_space<vmem>>, vector<16xi32>,
        %add3A_1723 = arith.addi %add3A_1713, %min3A_1687 : vector<16xi32>
        %swap3A_1724 = arith.constant 0 : index
        %swap3A_1725 = tpu.vector_load %arg9[%swap3A_1724] {strides = array<i32>} : memref<64xi32, #tpu.memory_space<vmem>>, vector<16xi32>,
        tpu.vector_store %arg9[%swap3A_1724], %add3A_1723 {strides = array<i32>} : memref<64xi32, #tpu.memory_space<vmem>>, vector<16xi32>,
        %mul3A_1726 = arith.mulf %select_n3A_1665, %select_n3A_1645 : vector<16xf32>
        %swap3A_1727 = arith.constant 0 : index
        %swap3A_1728 = tpu.vector_load %arg10[%swap3A_1727] {strides = array<i32>} : memref<64xf32, #tpu.memory_space<vmem>>, vector<16xf32>,
        tpu.vector_store %arg10[%swap3A_1727], %mul3A_1726 {strides = array<i32>} : memref<64xf32, #tpu.memory_space<vmem>>, vector<16xf32>,
        %mul3A_1729 = arith.mulf %select_n3A_1665, %select_n3A_1655 : vector<16xf32>
        %swap3A_1730 = arith.constant 0 : index
        %swap3A_1731 = tpu.vector_load %arg11[%swap3A_1730] {strides = array<i32>} : memref<64xf32, #tpu.memory_space<vmem>>, vector<16xf32>,
        tpu.vector_store %arg11[%swap3A_1730], %mul3A_1729 {strides = array<i32>} : memref<64xf32, #tpu.memory_space<vmem>>, vector<16xf32>,
        %mul3A_1732 = arith.mulf %select_n3A_1675, %select_n3A_1645 : vector<16xf32>
        %swap3A_1733 = arith.constant 0 : index
        %swap3A_1734 = tpu.vector_load %arg12[%swap3A_1733] {strides = array<i32>} : memref<64xf32, #tpu.memory_space<vmem>>, vector<16xf32>,
        tpu.vector_store %arg12[%swap3A_1733], %mul3A_1732 {strides = array<i32>} : memref<64xf32, #tpu.memory_space<vmem>>, vector<16xf32>,
        %mul3A_1735 = arith.mulf %select_n3A_1675, %select_n3A_1655 : vector<16xf32>
        %swap3A_1736 = arith.constant 0 : index
        %swap3A_1737 = tpu.vector_load %arg13[%swap3A_1736] {strides = array<i32>} : memref<64xf32, #tpu.memory_space<vmem>>, vector<16xf32>,
        tpu.vector_store %arg13[%swap3A_1736], %mul3A_1735 {strides = array<i32>} : memref<64xf32, #tpu.memory_space<vmem>>, vector<16xf32>,
        %mul3A_1738 = arith.constant 64 : i32
        %mul3A_1739 = arith.muli %add3A_1549, %mul3A_1738 : i32
        %add3A_1740 = arith.constant 16 : i32
        %add3A_1741 = arith.addi %mul3A_1739, %add3A_1740 : i32
        %mul3A_1742 = arith.constant 2 : i32
        %mul3A_1743 = arith.muli %mul3A_1742, %add3A_1741 : i32
        %add3A_1744 = vector.broadcast %mul3A_1743 : i32 to vector<16xi32>
        %add3A_1745 = arith.addi %mul3A_7, %add3A_1744 : vector<16xi32>
        %gather3A_1746 = tpu.vector_load_idx %arg5[%add3A_1745] : memref<16384xf32, #tpu.memory_space<vmem>>[vector<16xi32>], vector<16xf32>,
        %mul3A_1747 = arith.constant 2 : i32
        %mul3A_1748 = arith.muli %mul3A_1747, %add3A_1741 : i32
        %add3A_1749 = arith.constant 1 : i32
        %add3A_1750 = arith.addi %mul3A_1748, %add3A_1749 : i32
        %add3A_1751 = vector.broadcast %add3A_1750 : i32 to vector<16xi32>
        %add3A_1752 = arith.addi %mul3A_7, %add3A_1751 : vector<16xi32>
        %gather3A_1753 = tpu.vector_load_idx %arg5[%add3A_1752] : memref<16384xf32, #tpu.memory_space<vmem>>[vector<16xi32>], vector<16xf32>,
        %mul3A_1754 = arith.constant 2.000000e+00 : f32
        %mul3A_1755 = vector.broadcast %mul3A_1754 : f32 to vector<16xf32>
        %mul3A_1756 = arith.mulf %mul3A_1755, %gather3A_1746 : vector<16xf32>
        %sub3A_1757 = arith.constant 1.000000e+00 : f32
        %sub3A_1758 = vector.broadcast %sub3A_1757 : f32 to vector<16xf32>
        %sub3A_1759 = arith.subf %mul3A_1756, %sub3A_1758 : vector<16xf32>
        %add3A_1760 = arith.constant 1.000000e+00 : f32
        %add3A_1761 = vector.broadcast %add3A_1760 : f32 to vector<16xf32>
        %add3A_1762 = arith.addf %sub3A_1759, %add3A_1761 : vector<16xf32>
        %mul3A_1763 = arith.constant 2.000000e+00 : f32
        %mul3A_1764 = vector.broadcast %mul3A_1763 : f32 to vector<16xf32>
        %mul3A_1765 = arith.mulf %mul3A_1764, %gather3A_1753 : vector<16xf32>
        %sub3A_1766 = arith.constant 1.000000e+00 : f32
        %sub3A_1767 = vector.broadcast %sub3A_1766 : f32 to vector<16xf32>
        %sub3A_1768 = arith.subf %mul3A_1765, %sub3A_1767 : vector<16xf32>
        %add3A_1769 = arith.constant 1.000000e+00 : f32
        %add3A_1770 = vector.broadcast %add3A_1769 : f32 to vector<16xf32>
        %add3A_1771 = arith.addf %sub3A_1768, %add3A_1770 : vector<16xf32>
        %mul3A_1772 = arith.constant 1.280000e+02 : f32
        %mul3A_1773 = vector.broadcast %mul3A_1772 : f32 to vector<16xf32>
        %mul3A_1774 = arith.mulf %add3A_1762, %mul3A_1773 : vector<16xf32>
        %sub3A_1775 = arith.constant 1.000000e+00 : f32
        %sub3A_1776 = vector.broadcast %sub3A_1775 : f32 to vector<16xf32>
        %sub3A_1777 = arith.subf %mul3A_1774, %sub3A_1776 : vector<16xf32>
        %mul3A_1778 = arith.constant 5.000000e-01 : f32
        %mul3A_1779 = vector.broadcast %mul3A_1778 : f32 to vector<16xf32>
        %mul3A_1780 = arith.mulf %sub3A_1777, %mul3A_1779 : vector<16xf32>
        %mul3A_1781 = arith.constant 1.280000e+02 : f32
        %mul3A_1782 = vector.broadcast %mul3A_1781 : f32 to vector<16xf32>
        %mul3A_1783 = arith.mulf %add3A_1771, %mul3A_1782 : vector<16xf32>
        %sub3A_1784 = arith.constant 1.000000e+00 : f32
        %sub3A_1785 = vector.broadcast %sub3A_1784 : f32 to vector<16xf32>
        %sub3A_1786 = arith.subf %mul3A_1783, %sub3A_1785 : vector<16xf32>
        %mul3A_1787 = arith.constant 5.000000e-01 : f32
        %mul3A_1788 = vector.broadcast %mul3A_1787 : f32 to vector<16xf32>
        %mul3A_1789 = arith.mulf %sub3A_1786, %mul3A_1788 : vector<16xf32>
        %convert_element_type3A_1790 = arith.fptosi %mul3A_1780 : vector<16xf32> to vector<16xi32>
        %convert_element_type3A_1791 = arith.sitofp %convert_element_type3A_1790 : vector<16xi32> to vector<16xf32>
        %gt3A_1792 = arith.cmpf ogt, %convert_element_type3A_1791, %mul3A_1780 : vector<16xf32>
        %jit3A_1793 = arith.constant 1 : i32
        %jit3A_1794 = arith.constant 0 : i32
        %broadcast_in_dim3A_1795 = vector.broadcast %jit3A_1793 : i32 to vector<16xi32>
        %broadcast_in_dim3A_1796 = vector.broadcast %jit3A_1794 : i32 to vector<16xi32>
        %select_n3A_1797 = arith.select %gt3A_1792, %broadcast_in_dim3A_1795, %broadcast_in_dim3A_1796 : vector<16xi1>, vector<16xi32>
        %sub3A_1798 = arith.subi %convert_element_type3A_1790, %select_n3A_1797 : vector<16xi32>
        %convert_element_type3A_1799 = arith.fptosi %mul3A_1789 : vector<16xf32> to vector<16xi32>
        %convert_element_type3A_1800 = arith.sitofp %convert_element_type3A_1799 : vector<16xi32> to vector<16xf32>
        %gt3A_1801 = arith.cmpf ogt, %convert_element_type3A_1800, %mul3A_1789 : vector<16xf32>
        %jit3A_1802 = arith.constant 1 : i32
        %jit3A_1803 = arith.constant 0 : i32
        %broadcast_in_dim3A_1804 = vector.broadcast %jit3A_1802 : i32 to vector<16xi32>
        %broadcast_in_dim3A_1805 = vector.broadcast %jit3A_1803 : i32 to vector<16xi32>
        %select_n3A_1806 = arith.select %gt3A_1801, %broadcast_in_dim3A_1804, %broadcast_in_dim3A_1805 : vector<16xi1>, vector<16xi32>
        %sub3A_1807 = arith.subi %convert_element_type3A_1799, %select_n3A_1806 : vector<16xi32>
        %convert_element_type3A_1808 = arith.sitofp %sub3A_1798 : vector<16xi32> to vector<16xf32>
        %sub3A_1809 = arith.subf %mul3A_1780, %convert_element_type3A_1808 : vector<16xf32>
        %sub3A_1810 = arith.constant 1.000000e+00 : f32
        %sub3A_1811 = vector.broadcast %sub3A_1810 : f32 to vector<16xf32>
        %sub3A_1812 = arith.subf %sub3A_1811, %sub3A_1809 : vector<16xf32>
        %convert_element_type3A_1813 = arith.sitofp %sub3A_1807 : vector<16xi32> to vector<16xf32>
        %sub3A_1814 = arith.subf %mul3A_1789, %convert_element_type3A_1813 : vector<16xf32>
        %sub3A_1815 = arith.constant 1.000000e+00 : f32
        %sub3A_1816 = vector.broadcast %sub3A_1815 : f32 to vector<16xf32>
        %sub3A_1817 = arith.subf %sub3A_1816, %sub3A_1814 : vector<16xf32>
        %add3A_1818 = arith.constant 1 : i32
        %add3A_1819 = vector.broadcast %add3A_1818 : i32 to vector<16xi32>
        %add3A_1820 = arith.addi %sub3A_1798, %add3A_1819 : vector<16xi32>
        %add3A_1821 = arith.constant 1 : i32
        %add3A_1822 = vector.broadcast %add3A_1821 : i32 to vector<16xi32>
        %add3A_1823 = arith.addi %sub3A_1807, %add3A_1822 : vector<16xi32>
        %ge3A_1824 = arith.constant 0 : i32
        %ge3A_1825 = vector.broadcast %ge3A_1824 : i32 to vector<16xi32>
        %ge3A_1826 = arith.cmpi sge, %sub3A_1798, %ge3A_1825 : vector<16xi32>
        %le3A_1827 = arith.constant 127 : i32
        %le3A_1828 = vector.broadcast %le3A_1827 : i32 to vector<16xi32>
        %le3A_1829 = arith.cmpi sle, %sub3A_1798, %le3A_1828 : vector<16xi32>
        %and3A_1830 = arith.andi %ge3A_1826, %le3A_1829 : vector<16xi1>
        %jit3A_1831 = arith.constant 0.000000e+00 : f32
        %broadcast_in_dim3A_1832 = vector.broadcast %jit3A_1831 : f32 to vector<16xf32>
        %select_n3A_1833 = arith.select %and3A_1830, %sub3A_1812, %broadcast_in_dim3A_1832 : vector<16xi1>, vector<16xf32>
        %ge3A_1834 = arith.constant 0 : i32
        %ge3A_1835 = vector.broadcast %ge3A_1834 : i32 to vector<16xi32>
        %ge3A_1836 = arith.cmpi sge, %add3A_1820, %ge3A_1835 : vector<16xi32>
        %le3A_1837 = arith.constant 127 : i32
        %le3A_1838 = vector.broadcast %le3A_1837 : i32 to vector<16xi32>
        %le3A_1839 = arith.cmpi sle, %add3A_1820, %le3A_1838 : vector<16xi32>
        %and3A_1840 = arith.andi %ge3A_1836, %le3A_1839 : vector<16xi1>
        %jit3A_1841 = arith.constant 0.000000e+00 : f32
        %broadcast_in_dim3A_1842 = vector.broadcast %jit3A_1841 : f32 to vector<16xf32>
        %select_n3A_1843 = arith.select %and3A_1840, %sub3A_1809, %broadcast_in_dim3A_1842 : vector<16xi1>, vector<16xf32>
        %ge3A_1844 = arith.constant 0 : i32
        %ge3A_1845 = vector.broadcast %ge3A_1844 : i32 to vector<16xi32>
        %ge3A_1846 = arith.cmpi sge, %sub3A_1807, %ge3A_1845 : vector<16xi32>
        %le3A_1847 = arith.constant 127 : i32
        %le3A_1848 = vector.broadcast %le3A_1847 : i32 to vector<16xi32>
        %le3A_1849 = arith.cmpi sle, %sub3A_1807, %le3A_1848 : vector<16xi32>
        %and3A_1850 = arith.andi %ge3A_1846, %le3A_1849 : vector<16xi1>
        %jit3A_1851 = arith.constant 0.000000e+00 : f32
        %broadcast_in_dim3A_1852 = vector.broadcast %jit3A_1851 : f32 to vector<16xf32>
        %select_n3A_1853 = arith.select %and3A_1850, %sub3A_1817, %broadcast_in_dim3A_1852 : vector<16xi1>, vector<16xf32>
        %ge3A_1854 = arith.constant 0 : i32
        %ge3A_1855 = vector.broadcast %ge3A_1854 : i32 to vector<16xi32>
        %ge3A_1856 = arith.cmpi sge, %add3A_1823, %ge3A_1855 : vector<16xi32>
        %le3A_1857 = arith.constant 127 : i32
        %le3A_1858 = vector.broadcast %le3A_1857 : i32 to vector<16xi32>
        %le3A_1859 = arith.cmpi sle, %add3A_1823, %le3A_1858 : vector<16xi32>
        %and3A_1860 = arith.andi %ge3A_1856, %le3A_1859 : vector<16xi1>
        %jit3A_1861 = arith.constant 0.000000e+00 : f32
        %broadcast_in_dim3A_1862 = vector.broadcast %jit3A_1861 : f32 to vector<16xf32>
        %select_n3A_1863 = arith.select %and3A_1860, %sub3A_1814, %broadcast_in_dim3A_1862 : vector<16xi1>, vector<16xf32>
        %max3A_1864 = arith.constant 0 : i32
        %max3A_1865 = vector.broadcast %max3A_1864 : i32 to vector<16xi32>
        %max3A_1866 = arith.maxsi %sub3A_1798, %max3A_1865 : vector<16xi32>
        %min3A_1867 = arith.constant 127 : i32
        %min3A_1868 = vector.broadcast %min3A_1867 : i32 to vector<16xi32>
        %min3A_1869 = arith.minsi %max3A_1866, %min3A_1868 : vector<16xi32>
        %max3A_1870 = arith.constant 0 : i32
        %max3A_1871 = vector.broadcast %max3A_1870 : i32 to vector<16xi32>
        %max3A_1872 = arith.maxsi %add3A_1820, %max3A_1871 : vector<16xi32>
        %min3A_1873 = arith.constant 127 : i32
        %min3A_1874 = vector.broadcast %min3A_1873 : i32 to vector<16xi32>
        %min3A_1875 = arith.minsi %max3A_1872, %min3A_1874 : vector<16xi32>
        %max3A_1876 = arith.constant 0 : i32
        %max3A_1877 = vector.broadcast %max3A_1876 : i32 to vector<16xi32>
        %max3A_1878 = arith.maxsi %sub3A_1807, %max3A_1877 : vector<16xi32>
        %min3A_1879 = arith.constant 127 : i32
        %min3A_1880 = vector.broadcast %min3A_1879 : i32 to vector<16xi32>
        %min3A_1881 = arith.minsi %max3A_1878, %min3A_1880 : vector<16xi32>
        %max3A_1882 = arith.constant 0 : i32
        %max3A_1883 = vector.broadcast %max3A_1882 : i32 to vector<16xi32>
        %max3A_1884 = arith.maxsi %add3A_1823, %max3A_1883 : vector<16xi32>
        %min3A_1885 = arith.constant 127 : i32
        %min3A_1886 = vector.broadcast %min3A_1885 : i32 to vector<16xi32>
        %min3A_1887 = arith.minsi %max3A_1884, %min3A_1886 : vector<16xi32>
        %add3A_1888 = arith.addi %mul3A_2, %add3A_1741 : i32
        %add3A_1889 = vector.broadcast %add3A_1888 : i32 to vector<16xi32>
        %add3A_1890 = arith.addi %add3A_1889, %iota3A : vector<16xi32>
        %and3A_1891 = arith.constant -16384 : i32
        %and3A_1892 = vector.broadcast %and3A_1891 : i32 to vector<16xi32>
        %and3A_1893 = arith.andi %add3A_1890, %and3A_1892 : vector<16xi32>
        %mul3A_1894 = arith.constant 128 : i32
        %mul3A_1895 = vector.broadcast %mul3A_1894 : i32 to vector<16xi32>
        %mul3A_1896 = arith.muli %min3A_1881, %mul3A_1895 : vector<16xi32>
        %add3A_1897 = arith.addi %and3A_1893, %mul3A_1896 : vector<16xi32>
        %mul3A_1898 = arith.constant 128 : i32
        %mul3A_1899 = vector.broadcast %mul3A_1898 : i32 to vector<16xi32>
        %mul3A_1900 = arith.muli %min3A_1887, %mul3A_1899 : vector<16xi32>
        %add3A_1901 = arith.addi %and3A_1893, %mul3A_1900 : vector<16xi32>
        %add3A_1902 = arith.addi %add3A_1897, %min3A_1869 : vector<16xi32>
        %swap3A_1903 = arith.constant 16 : index
        %swap3A_1904 = tpu.vector_load %arg6[%swap3A_1903] {strides = array<i32>} : memref<64xi32, #tpu.memory_space<vmem>>, vector<16xi32>,
        tpu.vector_store %arg6[%swap3A_1903], %add3A_1902 {strides = array<i32>} : memref<64xi32, #tpu.memory_space<vmem>>, vector<16xi32>,
        %add3A_1905 = arith.addi %add3A_1897, %min3A_1875 : vector<16xi32>
        %swap3A_1906 = arith.constant 16 : index
        %swap3A_1907 = tpu.vector_load %arg7[%swap3A_1906] {strides = array<i32>} : memref<64xi32, #tpu.memory_space<vmem>>, vector<16xi32>,
        tpu.vector_store %arg7[%swap3A_1906], %add3A_1905 {strides = array<i32>} : memref<64xi32, #tpu.memory_space<vmem>>, vector<16xi32>,
        %add3A_1908 = arith.addi %add3A_1901, %min3A_1869 : vector<16xi32>
        %swap3A_1909 = arith.constant 16 : index
        %swap3A_1910 = tpu.vector_load %arg8[%swap3A_1909] {strides = array<i32>} : memref<64xi32, #tpu.memory_space<vmem>>, vector<16xi32>,
        tpu.vector_store %arg8[%swap3A_1909], %add3A_1908 {strides = array<i32>} : memref<64xi32, #tpu.memory_space<vmem>>, vector<16xi32>,
        %add3A_1911 = arith.addi %add3A_1901, %min3A_1875 : vector<16xi32>
        %swap3A_1912 = arith.constant 16 : index
        %swap3A_1913 = tpu.vector_load %arg9[%swap3A_1912] {strides = array<i32>} : memref<64xi32, #tpu.memory_space<vmem>>, vector<16xi32>,
        tpu.vector_store %arg9[%swap3A_1912], %add3A_1911 {strides = array<i32>} : memref<64xi32, #tpu.memory_space<vmem>>, vector<16xi32>,
        %mul3A_1914 = arith.mulf %select_n3A_1853, %select_n3A_1833 : vector<16xf32>
        %swap3A_1915 = arith.constant 16 : index
        %swap3A_1916 = tpu.vector_load %arg10[%swap3A_1915] {strides = array<i32>} : memref<64xf32, #tpu.memory_space<vmem>>, vector<16xf32>,
        tpu.vector_store %arg10[%swap3A_1915], %mul3A_1914 {strides = array<i32>} : memref<64xf32, #tpu.memory_space<vmem>>, vector<16xf32>,
        %mul3A_1917 = arith.mulf %select_n3A_1853, %select_n3A_1843 : vector<16xf32>
        %swap3A_1918 = arith.constant 16 : index
        %swap3A_1919 = tpu.vector_load %arg11[%swap3A_1918] {strides = array<i32>} : memref<64xf32, #tpu.memory_space<vmem>>, vector<16xf32>,
        tpu.vector_store %arg11[%swap3A_1918], %mul3A_1917 {strides = array<i32>} : memref<64xf32, #tpu.memory_space<vmem>>, vector<16xf32>,
        %mul3A_1920 = arith.mulf %select_n3A_1863, %select_n3A_1833 : vector<16xf32>
        %swap3A_1921 = arith.constant 16 : index
        %swap3A_1922 = tpu.vector_load %arg12[%swap3A_1921] {strides = array<i32>} : memref<64xf32, #tpu.memory_space<vmem>>, vector<16xf32>,
        tpu.vector_store %arg12[%swap3A_1921], %mul3A_1920 {strides = array<i32>} : memref<64xf32, #tpu.memory_space<vmem>>, vector<16xf32>,
        %mul3A_1923 = arith.mulf %select_n3A_1863, %select_n3A_1843 : vector<16xf32>
        %swap3A_1924 = arith.constant 16 : index
        %swap3A_1925 = tpu.vector_load %arg13[%swap3A_1924] {strides = array<i32>} : memref<64xf32, #tpu.memory_space<vmem>>, vector<16xf32>,
        tpu.vector_store %arg13[%swap3A_1924], %mul3A_1923 {strides = array<i32>} : memref<64xf32, #tpu.memory_space<vmem>>, vector<16xf32>,
        %mul3A_1926 = arith.constant 64 : i32
        %mul3A_1927 = arith.muli %add3A_1549, %mul3A_1926 : i32
        %add3A_1928 = arith.constant 32 : i32
        %add3A_1929 = arith.addi %mul3A_1927, %add3A_1928 : i32
        %mul3A_1930 = arith.constant 2 : i32
        %mul3A_1931 = arith.muli %mul3A_1930, %add3A_1929 : i32
        %add3A_1932 = vector.broadcast %mul3A_1931 : i32 to vector<16xi32>
        %add3A_1933 = arith.addi %mul3A_7, %add3A_1932 : vector<16xi32>
        %gather3A_1934 = tpu.vector_load_idx %arg5[%add3A_1933] : memref<16384xf32, #tpu.memory_space<vmem>>[vector<16xi32>], vector<16xf32>,
        %mul3A_1935 = arith.constant 2 : i32
        %mul3A_1936 = arith.muli %mul3A_1935, %add3A_1929 : i32
        %add3A_1937 = arith.constant 1 : i32
        %add3A_1938 = arith.addi %mul3A_1936, %add3A_1937 : i32
        %add3A_1939 = vector.broadcast %add3A_1938 : i32 to vector<16xi32>
        %add3A_1940 = arith.addi %mul3A_7, %add3A_1939 : vector<16xi32>
        %gather3A_1941 = tpu.vector_load_idx %arg5[%add3A_1940] : memref<16384xf32, #tpu.memory_space<vmem>>[vector<16xi32>], vector<16xf32>,
        %mul3A_1942 = arith.constant 2.000000e+00 : f32
        %mul3A_1943 = vector.broadcast %mul3A_1942 : f32 to vector<16xf32>
        %mul3A_1944 = arith.mulf %mul3A_1943, %gather3A_1934 : vector<16xf32>
        %sub3A_1945 = arith.constant 1.000000e+00 : f32
        %sub3A_1946 = vector.broadcast %sub3A_1945 : f32 to vector<16xf32>
        %sub3A_1947 = arith.subf %mul3A_1944, %sub3A_1946 : vector<16xf32>
        %add3A_1948 = arith.constant 1.000000e+00 : f32
        %add3A_1949 = vector.broadcast %add3A_1948 : f32 to vector<16xf32>
        %add3A_1950 = arith.addf %sub3A_1947, %add3A_1949 : vector<16xf32>
        %mul3A_1951 = arith.constant 2.000000e+00 : f32
        %mul3A_1952 = vector.broadcast %mul3A_1951 : f32 to vector<16xf32>
        %mul3A_1953 = arith.mulf %mul3A_1952, %gather3A_1941 : vector<16xf32>
        %sub3A_1954 = arith.constant 1.000000e+00 : f32
        %sub3A_1955 = vector.broadcast %sub3A_1954 : f32 to vector<16xf32>
        %sub3A_1956 = arith.subf %mul3A_1953, %sub3A_1955 : vector<16xf32>
        %add3A_1957 = arith.constant 1.000000e+00 : f32
        %add3A_1958 = vector.broadcast %add3A_1957 : f32 to vector<16xf32>
        %add3A_1959 = arith.addf %sub3A_1956, %add3A_1958 : vector<16xf32>
        %mul3A_1960 = arith.constant 1.280000e+02 : f32
        %mul3A_1961 = vector.broadcast %mul3A_1960 : f32 to vector<16xf32>
        %mul3A_1962 = arith.mulf %add3A_1950, %mul3A_1961 : vector<16xf32>
        %sub3A_1963 = arith.constant 1.000000e+00 : f32
        %sub3A_1964 = vector.broadcast %sub3A_1963 : f32 to vector<16xf32>
        %sub3A_1965 = arith.subf %mul3A_1962, %sub3A_1964 : vector<16xf32>
        %mul3A_1966 = arith.constant 5.000000e-01 : f32
        %mul3A_1967 = vector.broadcast %mul3A_1966 : f32 to vector<16xf32>
        %mul3A_1968 = arith.mulf %sub3A_1965, %mul3A_1967 : vector<16xf32>
        %mul3A_1969 = arith.constant 1.280000e+02 : f32
        %mul3A_1970 = vector.broadcast %mul3A_1969 : f32 to vector<16xf32>
        %mul3A_1971 = arith.mulf %add3A_1959, %mul3A_1970 : vector<16xf32>
        %sub3A_1972 = arith.constant 1.000000e+00 : f32
        %sub3A_1973 = vector.broadcast %sub3A_1972 : f32 to vector<16xf32>
        %sub3A_1974 = arith.subf %mul3A_1971, %sub3A_1973 : vector<16xf32>
        %mul3A_1975 = arith.constant 5.000000e-01 : f32
        %mul3A_1976 = vector.broadcast %mul3A_1975 : f32 to vector<16xf32>
        %mul3A_1977 = arith.mulf %sub3A_1974, %mul3A_1976 : vector<16xf32>
        %convert_element_type3A_1978 = arith.fptosi %mul3A_1968 : vector<16xf32> to vector<16xi32>
        %convert_element_type3A_1979 = arith.sitofp %convert_element_type3A_1978 : vector<16xi32> to vector<16xf32>
        %gt3A_1980 = arith.cmpf ogt, %convert_element_type3A_1979, %mul3A_1968 : vector<16xf32>
        %jit3A_1981 = arith.constant 1 : i32
        %jit3A_1982 = arith.constant 0 : i32
        %broadcast_in_dim3A_1983 = vector.broadcast %jit3A_1981 : i32 to vector<16xi32>
        %broadcast_in_dim3A_1984 = vector.broadcast %jit3A_1982 : i32 to vector<16xi32>
        %select_n3A_1985 = arith.select %gt3A_1980, %broadcast_in_dim3A_1983, %broadcast_in_dim3A_1984 : vector<16xi1>, vector<16xi32>
        %sub3A_1986 = arith.subi %convert_element_type3A_1978, %select_n3A_1985 : vector<16xi32>
        %convert_element_type3A_1987 = arith.fptosi %mul3A_1977 : vector<16xf32> to vector<16xi32>
        %convert_element_type3A_1988 = arith.sitofp %convert_element_type3A_1987 : vector<16xi32> to vector<16xf32>
        %gt3A_1989 = arith.cmpf ogt, %convert_element_type3A_1988, %mul3A_1977 : vector<16xf32>
        %jit3A_1990 = arith.constant 1 : i32
        %jit3A_1991 = arith.constant 0 : i32
        %broadcast_in_dim3A_1992 = vector.broadcast %jit3A_1990 : i32 to vector<16xi32>
        %broadcast_in_dim3A_1993 = vector.broadcast %jit3A_1991 : i32 to vector<16xi32>
        %select_n3A_1994 = arith.select %gt3A_1989, %broadcast_in_dim3A_1992, %broadcast_in_dim3A_1993 : vector<16xi1>, vector<16xi32>
        %sub3A_1995 = arith.subi %convert_element_type3A_1987, %select_n3A_1994 : vector<16xi32>
        %convert_element_type3A_1996 = arith.sitofp %sub3A_1986 : vector<16xi32> to vector<16xf32>
        %sub3A_1997 = arith.subf %mul3A_1968, %convert_element_type3A_1996 : vector<16xf32>
        %sub3A_1998 = arith.constant 1.000000e+00 : f32
        %sub3A_1999 = vector.broadcast %sub3A_1998 : f32 to vector<16xf32>
        %sub3A_2000 = arith.subf %sub3A_1999, %sub3A_1997 : vector<16xf32>
        %convert_element_type3A_2001 = arith.sitofp %sub3A_1995 : vector<16xi32> to vector<16xf32>
        %sub3A_2002 = arith.subf %mul3A_1977, %convert_element_type3A_2001 : vector<16xf32>
        %sub3A_2003 = arith.constant 1.000000e+00 : f32
        %sub3A_2004 = vector.broadcast %sub3A_2003 : f32 to vector<16xf32>
        %sub3A_2005 = arith.subf %sub3A_2004, %sub3A_2002 : vector<16xf32>
        %add3A_2006 = arith.constant 1 : i32
        %add3A_2007 = vector.broadcast %add3A_2006 : i32 to vector<16xi32>
        %add3A_2008 = arith.addi %sub3A_1986, %add3A_2007 : vector<16xi32>
        %add3A_2009 = arith.constant 1 : i32
        %add3A_2010 = vector.broadcast %add3A_2009 : i32 to vector<16xi32>
        %add3A_2011 = arith.addi %sub3A_1995, %add3A_2010 : vector<16xi32>
        %ge3A_2012 = arith.constant 0 : i32
        %ge3A_2013 = vector.broadcast %ge3A_2012 : i32 to vector<16xi32>
        %ge3A_2014 = arith.cmpi sge, %sub3A_1986, %ge3A_2013 : vector<16xi32>
        %le3A_2015 = arith.constant 127 : i32
        %le3A_2016 = vector.broadcast %le3A_2015 : i32 to vector<16xi32>
        %le3A_2017 = arith.cmpi sle, %sub3A_1986, %le3A_2016 : vector<16xi32>
        %and3A_2018 = arith.andi %ge3A_2014, %le3A_2017 : vector<16xi1>
        %jit3A_2019 = arith.constant 0.000000e+00 : f32
        %broadcast_in_dim3A_2020 = vector.broadcast %jit3A_2019 : f32 to vector<16xf32>
        %select_n3A_2021 = arith.select %and3A_2018, %sub3A_2000, %broadcast_in_dim3A_2020 : vector<16xi1>, vector<16xf32>
        %ge3A_2022 = arith.constant 0 : i32
        %ge3A_2023 = vector.broadcast %ge3A_2022 : i32 to vector<16xi32>
        %ge3A_2024 = arith.cmpi sge, %add3A_2008, %ge3A_2023 : vector<16xi32>
        %le3A_2025 = arith.constant 127 : i32
        %le3A_2026 = vector.broadcast %le3A_2025 : i32 to vector<16xi32>
        %le3A_2027 = arith.cmpi sle, %add3A_2008, %le3A_2026 : vector<16xi32>
        %and3A_2028 = arith.andi %ge3A_2024, %le3A_2027 : vector<16xi1>
        %jit3A_2029 = arith.constant 0.000000e+00 : f32
        %broadcast_in_dim3A_2030 = vector.broadcast %jit3A_2029 : f32 to vector<16xf32>
        %select_n3A_2031 = arith.select %and3A_2028, %sub3A_1997, %broadcast_in_dim3A_2030 : vector<16xi1>, vector<16xf32>
        %ge3A_2032 = arith.constant 0 : i32
        %ge3A_2033 = vector.broadcast %ge3A_2032 : i32 to vector<16xi32>
        %ge3A_2034 = arith.cmpi sge, %sub3A_1995, %ge3A_2033 : vector<16xi32>
        %le3A_2035 = arith.constant 127 : i32
        %le3A_2036 = vector.broadcast %le3A_2035 : i32 to vector<16xi32>
        %le3A_2037 = arith.cmpi sle, %sub3A_1995, %le3A_2036 : vector<16xi32>
        %and3A_2038 = arith.andi %ge3A_2034, %le3A_2037 : vector<16xi1>
        %jit3A_2039 = arith.constant 0.000000e+00 : f32
        %broadcast_in_dim3A_2040 = vector.broadcast %jit3A_2039 : f32 to vector<16xf32>
        %select_n3A_2041 = arith.select %and3A_2038, %sub3A_2005, %broadcast_in_dim3A_2040 : vector<16xi1>, vector<16xf32>
        %ge3A_2042 = arith.constant 0 : i32
        %ge3A_2043 = vector.broadcast %ge3A_2042 : i32 to vector<16xi32>
        %ge3A_2044 = arith.cmpi sge, %add3A_2011, %ge3A_2043 : vector<16xi32>
        %le3A_2045 = arith.constant 127 : i32
        %le3A_2046 = vector.broadcast %le3A_2045 : i32 to vector<16xi32>
        %le3A_2047 = arith.cmpi sle, %add3A_2011, %le3A_2046 : vector<16xi32>
        %and3A_2048 = arith.andi %ge3A_2044, %le3A_2047 : vector<16xi1>
        %jit3A_2049 = arith.constant 0.000000e+00 : f32
        %broadcast_in_dim3A_2050 = vector.broadcast %jit3A_2049 : f32 to vector<16xf32>
        %select_n3A_2051 = arith.select %and3A_2048, %sub3A_2002, %broadcast_in_dim3A_2050 : vector<16xi1>, vector<16xf32>
        %max3A_2052 = arith.constant 0 : i32
        %max3A_2053 = vector.broadcast %max3A_2052 : i32 to vector<16xi32>
        %max3A_2054 = arith.maxsi %sub3A_1986, %max3A_2053 : vector<16xi32>
        %min3A_2055 = arith.constant 127 : i32
        %min3A_2056 = vector.broadcast %min3A_2055 : i32 to vector<16xi32>
        %min3A_2057 = arith.minsi %max3A_2054, %min3A_2056 : vector<16xi32>
        %max3A_2058 = arith.constant 0 : i32
        %max3A_2059 = vector.broadcast %max3A_2058 : i32 to vector<16xi32>
        %max3A_2060 = arith.maxsi %add3A_2008, %max3A_2059 : vector<16xi32>
        %min3A_2061 = arith.constant 127 : i32
        %min3A_2062 = vector.broadcast %min3A_2061 : i32 to vector<16xi32>
        %min3A_2063 = arith.minsi %max3A_2060, %min3A_2062 : vector<16xi32>
        %max3A_2064 = arith.constant 0 : i32
        %max3A_2065 = vector.broadcast %max3A_2064 : i32 to vector<16xi32>
        %max3A_2066 = arith.maxsi %sub3A_1995, %max3A_2065 : vector<16xi32>
        %min3A_2067 = arith.constant 127 : i32
        %min3A_2068 = vector.broadcast %min3A_2067 : i32 to vector<16xi32>
        %min3A_2069 = arith.minsi %max3A_2066, %min3A_2068 : vector<16xi32>
        %max3A_2070 = arith.constant 0 : i32
        %max3A_2071 = vector.broadcast %max3A_2070 : i32 to vector<16xi32>
        %max3A_2072 = arith.maxsi %add3A_2011, %max3A_2071 : vector<16xi32>
        %min3A_2073 = arith.constant 127 : i32
        %min3A_2074 = vector.broadcast %min3A_2073 : i32 to vector<16xi32>
        %min3A_2075 = arith.minsi %max3A_2072, %min3A_2074 : vector<16xi32>
        %add3A_2076 = arith.addi %mul3A_2, %add3A_1929 : i32
        %add3A_2077 = vector.broadcast %add3A_2076 : i32 to vector<16xi32>
        %add3A_2078 = arith.addi %add3A_2077, %iota3A : vector<16xi32>
        %and3A_2079 = arith.constant -16384 : i32
        %and3A_2080 = vector.broadcast %and3A_2079 : i32 to vector<16xi32>
        %and3A_2081 = arith.andi %add3A_2078, %and3A_2080 : vector<16xi32>
        %mul3A_2082 = arith.constant 128 : i32
        %mul3A_2083 = vector.broadcast %mul3A_2082 : i32 to vector<16xi32>
        %mul3A_2084 = arith.muli %min3A_2069, %mul3A_2083 : vector<16xi32>
        %add3A_2085 = arith.addi %and3A_2081, %mul3A_2084 : vector<16xi32>
        %mul3A_2086 = arith.constant 128 : i32
        %mul3A_2087 = vector.broadcast %mul3A_2086 : i32 to vector<16xi32>
        %mul3A_2088 = arith.muli %min3A_2075, %mul3A_2087 : vector<16xi32>
        %add3A_2089 = arith.addi %and3A_2081, %mul3A_2088 : vector<16xi32>
        %add3A_2090 = arith.addi %add3A_2085, %min3A_2057 : vector<16xi32>
        %swap3A_2091 = arith.constant 32 : index
        %swap3A_2092 = tpu.vector_load %arg6[%swap3A_2091] {strides = array<i32>} : memref<64xi32, #tpu.memory_space<vmem>>, vector<16xi32>,
        tpu.vector_store %arg6[%swap3A_2091], %add3A_2090 {strides = array<i32>} : memref<64xi32, #tpu.memory_space<vmem>>, vector<16xi32>,
        %add3A_2093 = arith.addi %add3A_2085, %min3A_2063 : vector<16xi32>
        %swap3A_2094 = arith.constant 32 : index
        %swap3A_2095 = tpu.vector_load %arg7[%swap3A_2094] {strides = array<i32>} : memref<64xi32, #tpu.memory_space<vmem>>, vector<16xi32>,
        tpu.vector_store %arg7[%swap3A_2094], %add3A_2093 {strides = array<i32>} : memref<64xi32, #tpu.memory_space<vmem>>, vector<16xi32>,
        %add3A_2096 = arith.addi %add3A_2089, %min3A_2057 : vector<16xi32>
        %swap3A_2097 = arith.constant 32 : index
        %swap3A_2098 = tpu.vector_load %arg8[%swap3A_2097] {strides = array<i32>} : memref<64xi32, #tpu.memory_space<vmem>>, vector<16xi32>,
        tpu.vector_store %arg8[%swap3A_2097], %add3A_2096 {strides = array<i32>} : memref<64xi32, #tpu.memory_space<vmem>>, vector<16xi32>,
        %add3A_2099 = arith.addi %add3A_2089, %min3A_2063 : vector<16xi32>
        %swap3A_2100 = arith.constant 32 : index
        %swap3A_2101 = tpu.vector_load %arg9[%swap3A_2100] {strides = array<i32>} : memref<64xi32, #tpu.memory_space<vmem>>, vector<16xi32>,
        tpu.vector_store %arg9[%swap3A_2100], %add3A_2099 {strides = array<i32>} : memref<64xi32, #tpu.memory_space<vmem>>, vector<16xi32>,
        %mul3A_2102 = arith.mulf %select_n3A_2041, %select_n3A_2021 : vector<16xf32>
        %swap3A_2103 = arith.constant 32 : index
        %swap3A_2104 = tpu.vector_load %arg10[%swap3A_2103] {strides = array<i32>} : memref<64xf32, #tpu.memory_space<vmem>>, vector<16xf32>,
        tpu.vector_store %arg10[%swap3A_2103], %mul3A_2102 {strides = array<i32>} : memref<64xf32, #tpu.memory_space<vmem>>, vector<16xf32>,
        %mul3A_2105 = arith.mulf %select_n3A_2041, %select_n3A_2031 : vector<16xf32>
        %swap3A_2106 = arith.constant 32 : index
        %swap3A_2107 = tpu.vector_load %arg11[%swap3A_2106] {strides = array<i32>} : memref<64xf32, #tpu.memory_space<vmem>>, vector<16xf32>,
        tpu.vector_store %arg11[%swap3A_2106], %mul3A_2105 {strides = array<i32>} : memref<64xf32, #tpu.memory_space<vmem>>, vector<16xf32>,
        %mul3A_2108 = arith.mulf %select_n3A_2051, %select_n3A_2021 : vector<16xf32>
        %swap3A_2109 = arith.constant 32 : index
        %swap3A_2110 = tpu.vector_load %arg12[%swap3A_2109] {strides = array<i32>} : memref<64xf32, #tpu.memory_space<vmem>>, vector<16xf32>,
        tpu.vector_store %arg12[%swap3A_2109], %mul3A_2108 {strides = array<i32>} : memref<64xf32, #tpu.memory_space<vmem>>, vector<16xf32>,
        %mul3A_2111 = arith.mulf %select_n3A_2051, %select_n3A_2031 : vector<16xf32>
        %swap3A_2112 = arith.constant 32 : index
        %swap3A_2113 = tpu.vector_load %arg13[%swap3A_2112] {strides = array<i32>} : memref<64xf32, #tpu.memory_space<vmem>>, vector<16xf32>,
        tpu.vector_store %arg13[%swap3A_2112], %mul3A_2111 {strides = array<i32>} : memref<64xf32, #tpu.memory_space<vmem>>, vector<16xf32>,
        %mul3A_2114 = arith.constant 64 : i32
        %mul3A_2115 = arith.muli %add3A_1549, %mul3A_2114 : i32
        %add3A_2116 = arith.constant 48 : i32
        %add3A_2117 = arith.addi %mul3A_2115, %add3A_2116 : i32
        %mul3A_2118 = arith.constant 2 : i32
        %mul3A_2119 = arith.muli %mul3A_2118, %add3A_2117 : i32
        %add3A_2120 = vector.broadcast %mul3A_2119 : i32 to vector<16xi32>
        %add3A_2121 = arith.addi %mul3A_7, %add3A_2120 : vector<16xi32>
        %gather3A_2122 = tpu.vector_load_idx %arg5[%add3A_2121] : memref<16384xf32, #tpu.memory_space<vmem>>[vector<16xi32>], vector<16xf32>,
        %mul3A_2123 = arith.constant 2 : i32
        %mul3A_2124 = arith.muli %mul3A_2123, %add3A_2117 : i32
        %add3A_2125 = arith.constant 1 : i32
        %add3A_2126 = arith.addi %mul3A_2124, %add3A_2125 : i32
        %add3A_2127 = vector.broadcast %add3A_2126 : i32 to vector<16xi32>
        %add3A_2128 = arith.addi %mul3A_7, %add3A_2127 : vector<16xi32>
        %gather3A_2129 = tpu.vector_load_idx %arg5[%add3A_2128] : memref<16384xf32, #tpu.memory_space<vmem>>[vector<16xi32>], vector<16xf32>,
        %mul3A_2130 = arith.constant 2.000000e+00 : f32
        %mul3A_2131 = vector.broadcast %mul3A_2130 : f32 to vector<16xf32>
        %mul3A_2132 = arith.mulf %mul3A_2131, %gather3A_2122 : vector<16xf32>
        %sub3A_2133 = arith.constant 1.000000e+00 : f32
        %sub3A_2134 = vector.broadcast %sub3A_2133 : f32 to vector<16xf32>
        %sub3A_2135 = arith.subf %mul3A_2132, %sub3A_2134 : vector<16xf32>
        %add3A_2136 = arith.constant 1.000000e+00 : f32
        %add3A_2137 = vector.broadcast %add3A_2136 : f32 to vector<16xf32>
        %add3A_2138 = arith.addf %sub3A_2135, %add3A_2137 : vector<16xf32>
        %mul3A_2139 = arith.constant 2.000000e+00 : f32
        %mul3A_2140 = vector.broadcast %mul3A_2139 : f32 to vector<16xf32>
        %mul3A_2141 = arith.mulf %mul3A_2140, %gather3A_2129 : vector<16xf32>
        %sub3A_2142 = arith.constant 1.000000e+00 : f32
        %sub3A_2143 = vector.broadcast %sub3A_2142 : f32 to vector<16xf32>
        %sub3A_2144 = arith.subf %mul3A_2141, %sub3A_2143 : vector<16xf32>
        %add3A_2145 = arith.constant 1.000000e+00 : f32
        %add3A_2146 = vector.broadcast %add3A_2145 : f32 to vector<16xf32>
        %add3A_2147 = arith.addf %sub3A_2144, %add3A_2146 : vector<16xf32>
        %mul3A_2148 = arith.constant 1.280000e+02 : f32
        %mul3A_2149 = vector.broadcast %mul3A_2148 : f32 to vector<16xf32>
        %mul3A_2150 = arith.mulf %add3A_2138, %mul3A_2149 : vector<16xf32>
        %sub3A_2151 = arith.constant 1.000000e+00 : f32
        %sub3A_2152 = vector.broadcast %sub3A_2151 : f32 to vector<16xf32>
        %sub3A_2153 = arith.subf %mul3A_2150, %sub3A_2152 : vector<16xf32>
        %mul3A_2154 = arith.constant 5.000000e-01 : f32
        %mul3A_2155 = vector.broadcast %mul3A_2154 : f32 to vector<16xf32>
        %mul3A_2156 = arith.mulf %sub3A_2153, %mul3A_2155 : vector<16xf32>
        %mul3A_2157 = arith.constant 1.280000e+02 : f32
        %mul3A_2158 = vector.broadcast %mul3A_2157 : f32 to vector<16xf32>
        %mul3A_2159 = arith.mulf %add3A_2147, %mul3A_2158 : vector<16xf32>
        %sub3A_2160 = arith.constant 1.000000e+00 : f32
        %sub3A_2161 = vector.broadcast %sub3A_2160 : f32 to vector<16xf32>
        %sub3A_2162 = arith.subf %mul3A_2159, %sub3A_2161 : vector<16xf32>
        %mul3A_2163 = arith.constant 5.000000e-01 : f32
        %mul3A_2164 = vector.broadcast %mul3A_2163 : f32 to vector<16xf32>
        %mul3A_2165 = arith.mulf %sub3A_2162, %mul3A_2164 : vector<16xf32>
        %convert_element_type3A_2166 = arith.fptosi %mul3A_2156 : vector<16xf32> to vector<16xi32>
        %convert_element_type3A_2167 = arith.sitofp %convert_element_type3A_2166 : vector<16xi32> to vector<16xf32>
        %gt3A_2168 = arith.cmpf ogt, %convert_element_type3A_2167, %mul3A_2156 : vector<16xf32>
        %jit3A_2169 = arith.constant 1 : i32
        %jit3A_2170 = arith.constant 0 : i32
        %broadcast_in_dim3A_2171 = vector.broadcast %jit3A_2169 : i32 to vector<16xi32>
        %broadcast_in_dim3A_2172 = vector.broadcast %jit3A_2170 : i32 to vector<16xi32>
        %select_n3A_2173 = arith.select %gt3A_2168, %broadcast_in_dim3A_2171, %broadcast_in_dim3A_2172 : vector<16xi1>, vector<16xi32>
        %sub3A_2174 = arith.subi %convert_element_type3A_2166, %select_n3A_2173 : vector<16xi32>
        %convert_element_type3A_2175 = arith.fptosi %mul3A_2165 : vector<16xf32> to vector<16xi32>
        %convert_element_type3A_2176 = arith.sitofp %convert_element_type3A_2175 : vector<16xi32> to vector<16xf32>
        %gt3A_2177 = arith.cmpf ogt, %convert_element_type3A_2176, %mul3A_2165 : vector<16xf32>
        %jit3A_2178 = arith.constant 1 : i32
        %jit3A_2179 = arith.constant 0 : i32
        %broadcast_in_dim3A_2180 = vector.broadcast %jit3A_2178 : i32 to vector<16xi32>
        %broadcast_in_dim3A_2181 = vector.broadcast %jit3A_2179 : i32 to vector<16xi32>
        %select_n3A_2182 = arith.select %gt3A_2177, %broadcast_in_dim3A_2180, %broadcast_in_dim3A_2181 : vector<16xi1>, vector<16xi32>
        %sub3A_2183 = arith.subi %convert_element_type3A_2175, %select_n3A_2182 : vector<16xi32>
        %convert_element_type3A_2184 = arith.sitofp %sub3A_2174 : vector<16xi32> to vector<16xf32>
        %sub3A_2185 = arith.subf %mul3A_2156, %convert_element_type3A_2184 : vector<16xf32>
        %sub3A_2186 = arith.constant 1.000000e+00 : f32
        %sub3A_2187 = vector.broadcast %sub3A_2186 : f32 to vector<16xf32>
        %sub3A_2188 = arith.subf %sub3A_2187, %sub3A_2185 : vector<16xf32>
        %convert_element_type3A_2189 = arith.sitofp %sub3A_2183 : vector<16xi32> to vector<16xf32>
        %sub3A_2190 = arith.subf %mul3A_2165, %convert_element_type3A_2189 : vector<16xf32>
        %sub3A_2191 = arith.constant 1.000000e+00 : f32
        %sub3A_2192 = vector.broadcast %sub3A_2191 : f32 to vector<16xf32>
        %sub3A_2193 = arith.subf %sub3A_2192, %sub3A_2190 : vector<16xf32>
        %add3A_2194 = arith.constant 1 : i32
        %add3A_2195 = vector.broadcast %add3A_2194 : i32 to vector<16xi32>
        %add3A_2196 = arith.addi %sub3A_2174, %add3A_2195 : vector<16xi32>
        %add3A_2197 = arith.constant 1 : i32
        %add3A_2198 = vector.broadcast %add3A_2197 : i32 to vector<16xi32>
        %add3A_2199 = arith.addi %sub3A_2183, %add3A_2198 : vector<16xi32>
        %ge3A_2200 = arith.constant 0 : i32
        %ge3A_2201 = vector.broadcast %ge3A_2200 : i32 to vector<16xi32>
        %ge3A_2202 = arith.cmpi sge, %sub3A_2174, %ge3A_2201 : vector<16xi32>
        %le3A_2203 = arith.constant 127 : i32
        %le3A_2204 = vector.broadcast %le3A_2203 : i32 to vector<16xi32>
        %le3A_2205 = arith.cmpi sle, %sub3A_2174, %le3A_2204 : vector<16xi32>
        %and3A_2206 = arith.andi %ge3A_2202, %le3A_2205 : vector<16xi1>
        %jit3A_2207 = arith.constant 0.000000e+00 : f32
        %broadcast_in_dim3A_2208 = vector.broadcast %jit3A_2207 : f32 to vector<16xf32>
        %select_n3A_2209 = arith.select %and3A_2206, %sub3A_2188, %broadcast_in_dim3A_2208 : vector<16xi1>, vector<16xf32>
        %ge3A_2210 = arith.constant 0 : i32
        %ge3A_2211 = vector.broadcast %ge3A_2210 : i32 to vector<16xi32>
        %ge3A_2212 = arith.cmpi sge, %add3A_2196, %ge3A_2211 : vector<16xi32>
        %le3A_2213 = arith.constant 127 : i32
        %le3A_2214 = vector.broadcast %le3A_2213 : i32 to vector<16xi32>
        %le3A_2215 = arith.cmpi sle, %add3A_2196, %le3A_2214 : vector<16xi32>
        %and3A_2216 = arith.andi %ge3A_2212, %le3A_2215 : vector<16xi1>
        %jit3A_2217 = arith.constant 0.000000e+00 : f32
        %broadcast_in_dim3A_2218 = vector.broadcast %jit3A_2217 : f32 to vector<16xf32>
        %select_n3A_2219 = arith.select %and3A_2216, %sub3A_2185, %broadcast_in_dim3A_2218 : vector<16xi1>, vector<16xf32>
        %ge3A_2220 = arith.constant 0 : i32
        %ge3A_2221 = vector.broadcast %ge3A_2220 : i32 to vector<16xi32>
        %ge3A_2222 = arith.cmpi sge, %sub3A_2183, %ge3A_2221 : vector<16xi32>
        %le3A_2223 = arith.constant 127 : i32
        %le3A_2224 = vector.broadcast %le3A_2223 : i32 to vector<16xi32>
        %le3A_2225 = arith.cmpi sle, %sub3A_2183, %le3A_2224 : vector<16xi32>
        %and3A_2226 = arith.andi %ge3A_2222, %le3A_2225 : vector<16xi1>
        %jit3A_2227 = arith.constant 0.000000e+00 : f32
        %broadcast_in_dim3A_2228 = vector.broadcast %jit3A_2227 : f32 to vector<16xf32>
        %select_n3A_2229 = arith.select %and3A_2226, %sub3A_2193, %broadcast_in_dim3A_2228 : vector<16xi1>, vector<16xf32>
        %ge3A_2230 = arith.constant 0 : i32
        %ge3A_2231 = vector.broadcast %ge3A_2230 : i32 to vector<16xi32>
        %ge3A_2232 = arith.cmpi sge, %add3A_2199, %ge3A_2231 : vector<16xi32>
        %le3A_2233 = arith.constant 127 : i32
        %le3A_2234 = vector.broadcast %le3A_2233 : i32 to vector<16xi32>
        %le3A_2235 = arith.cmpi sle, %add3A_2199, %le3A_2234 : vector<16xi32>
        %and3A_2236 = arith.andi %ge3A_2232, %le3A_2235 : vector<16xi1>
        %jit3A_2237 = arith.constant 0.000000e+00 : f32
        %broadcast_in_dim3A_2238 = vector.broadcast %jit3A_2237 : f32 to vector<16xf32>
        %select_n3A_2239 = arith.select %and3A_2236, %sub3A_2190, %broadcast_in_dim3A_2238 : vector<16xi1>, vector<16xf32>
        %max3A_2240 = arith.constant 0 : i32
        %max3A_2241 = vector.broadcast %max3A_2240 : i32 to vector<16xi32>
        %max3A_2242 = arith.maxsi %sub3A_2174, %max3A_2241 : vector<16xi32>
        %min3A_2243 = arith.constant 127 : i32
        %min3A_2244 = vector.broadcast %min3A_2243 : i32 to vector<16xi32>
        %min3A_2245 = arith.minsi %max3A_2242, %min3A_2244 : vector<16xi32>
        %max3A_2246 = arith.constant 0 : i32
        %max3A_2247 = vector.broadcast %max3A_2246 : i32 to vector<16xi32>
        %max3A_2248 = arith.maxsi %add3A_2196, %max3A_2247 : vector<16xi32>
        %min3A_2249 = arith.constant 127 : i32
        %min3A_2250 = vector.broadcast %min3A_2249 : i32 to vector<16xi32>
        %min3A_2251 = arith.minsi %max3A_2248, %min3A_2250 : vector<16xi32>
        %max3A_2252 = arith.constant 0 : i32
        %max3A_2253 = vector.broadcast %max3A_2252 : i32 to vector<16xi32>
        %max3A_2254 = arith.maxsi %sub3A_2183, %max3A_2253 : vector<16xi32>
        %min3A_2255 = arith.constant 127 : i32
        %min3A_2256 = vector.broadcast %min3A_2255 : i32 to vector<16xi32>
        %min3A_2257 = arith.minsi %max3A_2254, %min3A_2256 : vector<16xi32>
        %max3A_2258 = arith.constant 0 : i32
        %max3A_2259 = vector.broadcast %max3A_2258 : i32 to vector<16xi32>
        %max3A_2260 = arith.maxsi %add3A_2199, %max3A_2259 : vector<16xi32>
        %min3A_2261 = arith.constant 127 : i32
        %min3A_2262 = vector.broadcast %min3A_2261 : i32 to vector<16xi32>
        %min3A_2263 = arith.minsi %max3A_2260, %min3A_2262 : vector<16xi32>
        %add3A_2264 = arith.addi %mul3A_2, %add3A_2117 : i32
        %add3A_2265 = vector.broadcast %add3A_2264 : i32 to vector<16xi32>
        %add3A_2266 = arith.addi %add3A_2265, %iota3A : vector<16xi32>
        %and3A_2267 = arith.constant -16384 : i32
        %and3A_2268 = vector.broadcast %and3A_2267 : i32 to vector<16xi32>
        %and3A_2269 = arith.andi %add3A_2266, %and3A_2268 : vector<16xi32>
        %mul3A_2270 = arith.constant 128 : i32
        %mul3A_2271 = vector.broadcast %mul3A_2270 : i32 to vector<16xi32>
        %mul3A_2272 = arith.muli %min3A_2257, %mul3A_2271 : vector<16xi32>
        %add3A_2273 = arith.addi %and3A_2269, %mul3A_2272 : vector<16xi32>
        %mul3A_2274 = arith.constant 128 : i32
        %mul3A_2275 = vector.broadcast %mul3A_2274 : i32 to vector<16xi32>
        %mul3A_2276 = arith.muli %min3A_2263, %mul3A_2275 : vector<16xi32>
        %add3A_2277 = arith.addi %and3A_2269, %mul3A_2276 : vector<16xi32>
        %add3A_2278 = arith.addi %add3A_2273, %min3A_2245 : vector<16xi32>
        %swap3A_2279 = arith.constant 48 : index
        %swap3A_2280 = tpu.vector_load %arg6[%swap3A_2279] {strides = array<i32>} : memref<64xi32, #tpu.memory_space<vmem>>, vector<16xi32>,
        tpu.vector_store %arg6[%swap3A_2279], %add3A_2278 {strides = array<i32>} : memref<64xi32, #tpu.memory_space<vmem>>, vector<16xi32>,
        %add3A_2281 = arith.addi %add3A_2273, %min3A_2251 : vector<16xi32>
        %swap3A_2282 = arith.constant 48 : index
        %swap3A_2283 = tpu.vector_load %arg7[%swap3A_2282] {strides = array<i32>} : memref<64xi32, #tpu.memory_space<vmem>>, vector<16xi32>,
        tpu.vector_store %arg7[%swap3A_2282], %add3A_2281 {strides = array<i32>} : memref<64xi32, #tpu.memory_space<vmem>>, vector<16xi32>,
        %add3A_2284 = arith.addi %add3A_2277, %min3A_2245 : vector<16xi32>
        %swap3A_2285 = arith.constant 48 : index
        %swap3A_2286 = tpu.vector_load %arg8[%swap3A_2285] {strides = array<i32>} : memref<64xi32, #tpu.memory_space<vmem>>, vector<16xi32>,
        tpu.vector_store %arg8[%swap3A_2285], %add3A_2284 {strides = array<i32>} : memref<64xi32, #tpu.memory_space<vmem>>, vector<16xi32>,
        %add3A_2287 = arith.addi %add3A_2277, %min3A_2251 : vector<16xi32>
        %swap3A_2288 = arith.constant 48 : index
        %swap3A_2289 = tpu.vector_load %arg9[%swap3A_2288] {strides = array<i32>} : memref<64xi32, #tpu.memory_space<vmem>>, vector<16xi32>,
        tpu.vector_store %arg9[%swap3A_2288], %add3A_2287 {strides = array<i32>} : memref<64xi32, #tpu.memory_space<vmem>>, vector<16xi32>,
        %mul3A_2290 = arith.mulf %select_n3A_2229, %select_n3A_2209 : vector<16xf32>
        %swap3A_2291 = arith.constant 48 : index
        %swap3A_2292 = tpu.vector_load %arg10[%swap3A_2291] {strides = array<i32>} : memref<64xf32, #tpu.memory_space<vmem>>, vector<16xf32>,
        tpu.vector_store %arg10[%swap3A_2291], %mul3A_2290 {strides = array<i32>} : memref<64xf32, #tpu.memory_space<vmem>>, vector<16xf32>,
        %mul3A_2293 = arith.mulf %select_n3A_2229, %select_n3A_2219 : vector<16xf32>
        %swap3A_2294 = arith.constant 48 : index
        %swap3A_2295 = tpu.vector_load %arg11[%swap3A_2294] {strides = array<i32>} : memref<64xf32, #tpu.memory_space<vmem>>, vector<16xf32>,
        tpu.vector_store %arg11[%swap3A_2294], %mul3A_2293 {strides = array<i32>} : memref<64xf32, #tpu.memory_space<vmem>>, vector<16xf32>,
        %mul3A_2296 = arith.mulf %select_n3A_2239, %select_n3A_2209 : vector<16xf32>
        %swap3A_2297 = arith.constant 48 : index
        %swap3A_2298 = tpu.vector_load %arg12[%swap3A_2297] {strides = array<i32>} : memref<64xf32, #tpu.memory_space<vmem>>, vector<16xf32>,
        tpu.vector_store %arg12[%swap3A_2297], %mul3A_2296 {strides = array<i32>} : memref<64xf32, #tpu.memory_space<vmem>>, vector<16xf32>,
        %mul3A_2299 = arith.mulf %select_n3A_2239, %select_n3A_2219 : vector<16xf32>
        %swap3A_2300 = arith.constant 48 : index
        %swap3A_2301 = tpu.vector_load %arg13[%swap3A_2300] {strides = array<i32>} : memref<64xf32, #tpu.memory_space<vmem>>, vector<16xf32>,
        tpu.vector_store %arg13[%swap3A_2300], %mul3A_2299 {strides = array<i32>} : memref<64xf32, #tpu.memory_space<vmem>>, vector<16xf32>,
        %dma_start3A_2302 = arith.constant 0 : i32
        %dma_start3A_2303 = arith.constant 0 : i32
        %dma_start3A_2304 = tpu.memref_slice %arg2[%dma_start3A_2302, %dma_start3A_2303] : memref<262144x96xf32, #tpu.memory_space<hbm>> -> memref<262144x96xf32, #tpu.memory_space<hbm>>
        tpu.enqueue_indirect_dma source(%dma_start3A_2304 : memref<262144x96xf32, #tpu.memory_space<hbm>>) target(%arg22 : memref<64x96xf32, #tpu.memory_space<vmem>>) offsets(%arg6 : memref<64xi32, #tpu.memory_space<vmem>>) semaphore(%arg31 : memref<!tpu.dma_semaphore, #tpu.memory_space<semaphore_mem>>)
        %dma_start3A_2305 = arith.constant 0 : i32
        %dma_start3A_2306 = arith.constant 0 : i32
        %dma_start3A_2307 = tpu.memref_slice %arg2[%dma_start3A_2305, %dma_start3A_2306] : memref<262144x96xf32, #tpu.memory_space<hbm>> -> memref<262144x96xf32, #tpu.memory_space<hbm>>
        tpu.enqueue_indirect_dma source(%dma_start3A_2307 : memref<262144x96xf32, #tpu.memory_space<hbm>>) target(%arg23 : memref<64x96xf32, #tpu.memory_space<vmem>>) offsets(%arg7 : memref<64xi32, #tpu.memory_space<vmem>>) semaphore(%arg31 : memref<!tpu.dma_semaphore, #tpu.memory_space<semaphore_mem>>)
        %dma_start3A_2308 = arith.constant 0 : i32
        %dma_start3A_2309 = arith.constant 0 : i32
        %dma_start3A_2310 = tpu.memref_slice %arg2[%dma_start3A_2308, %dma_start3A_2309] : memref<262144x96xf32, #tpu.memory_space<hbm>> -> memref<262144x96xf32, #tpu.memory_space<hbm>>
        tpu.enqueue_indirect_dma source(%dma_start3A_2310 : memref<262144x96xf32, #tpu.memory_space<hbm>>) target(%arg24 : memref<64x96xf32, #tpu.memory_space<vmem>>) offsets(%arg8 : memref<64xi32, #tpu.memory_space<vmem>>) semaphore(%arg31 : memref<!tpu.dma_semaphore, #tpu.memory_space<semaphore_mem>>)
        %dma_start3A_2311 = arith.constant 0 : i32
        %dma_start3A_2312 = arith.constant 0 : i32
        %dma_start3A_2313 = tpu.memref_slice %arg2[%dma_start3A_2311, %dma_start3A_2312] : memref<262144x96xf32, #tpu.memory_space<hbm>> -> memref<262144x96xf32, #tpu.memory_space<hbm>>
        tpu.enqueue_indirect_dma source(%dma_start3A_2313 : memref<262144x96xf32, #tpu.memory_space<hbm>>) target(%arg25 : memref<64x96xf32, #tpu.memory_space<vmem>>) offsets(%arg9 : memref<64xi32, #tpu.memory_space<vmem>>) semaphore(%arg31 : memref<!tpu.dma_semaphore, #tpu.memory_space<semaphore_mem>>)
      } else {
      }
      %add3A_1527 = arith.constant 1 : i32
      %add3A_1528 = arith.addi %mul3A_739, %add3A_1527 : i32
      %dma_wait3A_1529 = arith.constant 0 : i32
      %dma_wait3A_1530 = arith.constant 0 : i32
      %dma_wait3A_1531 = tpu.memref_slice %arg2[%dma_wait3A_1529, %dma_wait3A_1530] : memref<262144x96xf32, #tpu.memory_space<hbm>> -> memref<262144x96xf32, #tpu.memory_space<hbm>>
      tpu.wait_indirect_dma semaphore(%arg32 : memref<!tpu.dma_semaphore, #tpu.memory_space<semaphore_mem>>) src(%dma_wait3A_1531 : memref<262144x96xf32, #tpu.memory_space<hbm>>) dst(%arg26 : memref<64x96xf32, #tpu.memory_space<vmem>>)
      %dma_wait3A_1532 = arith.constant 0 : i32
      %dma_wait3A_1533 = arith.constant 0 : i32
      %dma_wait3A_1534 = tpu.memref_slice %arg2[%dma_wait3A_1532, %dma_wait3A_1533] : memref<262144x96xf32, #tpu.memory_space<hbm>> -> memref<262144x96xf32, #tpu.memory_space<hbm>>
      tpu.wait_indirect_dma semaphore(%arg32 : memref<!tpu.dma_semaphore, #tpu.memory_space<semaphore_mem>>) src(%dma_wait3A_1534 : memref<262144x96xf32, #tpu.memory_space<hbm>>) dst(%arg27 : memref<64x96xf32, #tpu.memory_space<vmem>>)
      %dma_wait3A_1535 = arith.constant 0 : i32
      %dma_wait3A_1536 = arith.constant 0 : i32
      %dma_wait3A_1537 = tpu.memref_slice %arg2[%dma_wait3A_1535, %dma_wait3A_1536] : memref<262144x96xf32, #tpu.memory_space<hbm>> -> memref<262144x96xf32, #tpu.memory_space<hbm>>
      tpu.wait_indirect_dma semaphore(%arg32 : memref<!tpu.dma_semaphore, #tpu.memory_space<semaphore_mem>>) src(%dma_wait3A_1537 : memref<262144x96xf32, #tpu.memory_space<hbm>>) dst(%arg28 : memref<64x96xf32, #tpu.memory_space<vmem>>)
      %dma_wait3A_1538 = arith.constant 0 : i32
      %dma_wait3A_1539 = arith.constant 0 : i32
      %dma_wait3A_1540 = tpu.memref_slice %arg2[%dma_wait3A_1538, %dma_wait3A_1539] : memref<262144x96xf32, #tpu.memory_space<hbm>> -> memref<262144x96xf32, #tpu.memory_space<hbm>>
      tpu.wait_indirect_dma semaphore(%arg32 : memref<!tpu.dma_semaphore, #tpu.memory_space<semaphore_mem>>) src(%dma_wait3A_1540 : memref<262144x96xf32, #tpu.memory_space<hbm>>) dst(%arg29 : memref<64x96xf32, #tpu.memory_space<vmem>>)
      %parallel_loop3A_1541 = arith.constant 0 : i32
      %parallel_loop3A_1542 = arith.constant 64 : i32
      %parallel_loop3A_1543 = arith.constant 1 : i32
      scf.for %parallel_loop3A_1548 = %parallel_loop3A_1541 to %parallel_loop3A_1542 step %parallel_loop3A_1543  : i32 {
        %parallel_loop3A_1549 = vector.broadcast %parallel_loop3A_1548 : i32 to vector<16xi32>
        %parallel_loop3A_1550 = tpu.vector_load_idx %arg18[%parallel_loop3A_1549] : memref<64xf32, #tpu.memory_space<vmem>>[vector<16xi32>], vector<16xf32>,
        %parallel_loop3A_1551 = tpu.vector_load_idx %arg19[%parallel_loop3A_1549] : memref<64xf32, #tpu.memory_space<vmem>>[vector<16xi32>], vector<16xf32>,
        %parallel_loop3A_1552 = tpu.vector_load_idx %arg20[%parallel_loop3A_1549] : memref<64xf32, #tpu.memory_space<vmem>>[vector<16xi32>], vector<16xf32>,
        %parallel_loop3A_1553 = tpu.vector_load_idx %arg21[%parallel_loop3A_1549] : memref<64xf32, #tpu.memory_space<vmem>>[vector<16xi32>], vector<16xf32>,
        %parallel_loop3A_1554 = arith.index_cast %parallel_loop3A_1548 : i32 to index
        %parallel_loop3A_1555 = arith.constant 0 : index
        %parallel_loop3A_1556 = tpu.vector_load %arg26[%parallel_loop3A_1554, %parallel_loop3A_1555] {strides = array<i32>} : memref<64x96xf32, #tpu.memory_space<vmem>>, vector<16xf32>,
        %parallel_loop3A_1557 = arith.mulf %parallel_loop3A_1556, %parallel_loop3A_1550 : vector<16xf32>
        %parallel_loop3A_1558 = arith.index_cast %parallel_loop3A_1548 : i32 to index
        %parallel_loop3A_1559 = arith.constant 0 : index
        %parallel_loop3A_1560 = tpu.vector_load %arg27[%parallel_loop3A_1558, %parallel_loop3A_1559] {strides = array<i32>} : memref<64x96xf32, #tpu.memory_space<vmem>>, vector<16xf32>,
        %parallel_loop3A_1561 = arith.mulf %parallel_loop3A_1560, %parallel_loop3A_1551 : vector<16xf32>
        %parallel_loop3A_1562 = arith.addf %parallel_loop3A_1557, %parallel_loop3A_1561 : vector<16xf32>
        %parallel_loop3A_1563 = arith.index_cast %parallel_loop3A_1548 : i32 to index
        %parallel_loop3A_1564 = arith.constant 0 : index
        %parallel_loop3A_1565 = tpu.vector_load %arg28[%parallel_loop3A_1563, %parallel_loop3A_1564] {strides = array<i32>} : memref<64x96xf32, #tpu.memory_space<vmem>>, vector<16xf32>,
        %parallel_loop3A_1566 = arith.mulf %parallel_loop3A_1565, %parallel_loop3A_1552 : vector<16xf32>
        %parallel_loop3A_1567 = arith.index_cast %parallel_loop3A_1548 : i32 to index
        %parallel_loop3A_1568 = arith.constant 0 : index
        %parallel_loop3A_1569 = tpu.vector_load %arg29[%parallel_loop3A_1567, %parallel_loop3A_1568] {strides = array<i32>} : memref<64x96xf32, #tpu.memory_space<vmem>>, vector<16xf32>,
        %parallel_loop3A_1570 = arith.mulf %parallel_loop3A_1569, %parallel_loop3A_1553 : vector<16xf32>
        %parallel_loop3A_1571 = arith.addf %parallel_loop3A_1566, %parallel_loop3A_1570 : vector<16xf32>
        %parallel_loop3A_1572 = arith.addf %parallel_loop3A_1562, %parallel_loop3A_1571 : vector<16xf32>
        %parallel_loop3A_1573 = arith.index_cast %parallel_loop3A_1548 : i32 to index
        %parallel_loop3A_1574 = arith.constant 0 : index
        %parallel_loop3A_1575 = tpu.vector_load %arg30[%parallel_loop3A_1573, %parallel_loop3A_1574] {strides = array<i32>} : memref<64x96xf32, #tpu.memory_space<vmem>>, vector<16xf32>,
        tpu.vector_store %arg30[%parallel_loop3A_1573, %parallel_loop3A_1574], %parallel_loop3A_1572 {strides = array<i32>} : memref<64x96xf32, #tpu.memory_space<vmem>>, vector<16xf32>,
        %parallel_loop3A_1576 = arith.index_cast %parallel_loop3A_1548 : i32 to index
        %parallel_loop3A_1577 = arith.constant 16 : index
        %parallel_loop3A_1578 = tpu.vector_load %arg26[%parallel_loop3A_1576, %parallel_loop3A_1577] {strides = array<i32>} : memref<64x96xf32, #tpu.memory_space<vmem>>, vector<16xf32>,
        %parallel_loop3A_1579 = arith.mulf %parallel_loop3A_1578, %parallel_loop3A_1550 : vector<16xf32>
        %parallel_loop3A_1580 = arith.index_cast %parallel_loop3A_1548 : i32 to index
        %parallel_loop3A_1581 = arith.constant 16 : index
        %parallel_loop3A_1582 = tpu.vector_load %arg27[%parallel_loop3A_1580, %parallel_loop3A_1581] {strides = array<i32>} : memref<64x96xf32, #tpu.memory_space<vmem>>, vector<16xf32>,
        %parallel_loop3A_1583 = arith.mulf %parallel_loop3A_1582, %parallel_loop3A_1551 : vector<16xf32>
        %parallel_loop3A_1584 = arith.addf %parallel_loop3A_1579, %parallel_loop3A_1583 : vector<16xf32>
        %parallel_loop3A_1585 = arith.index_cast %parallel_loop3A_1548 : i32 to index
        %parallel_loop3A_1586 = arith.constant 16 : index
        %parallel_loop3A_1587 = tpu.vector_load %arg28[%parallel_loop3A_1585, %parallel_loop3A_1586] {strides = array<i32>} : memref<64x96xf32, #tpu.memory_space<vmem>>, vector<16xf32>,
        %parallel_loop3A_1588 = arith.mulf %parallel_loop3A_1587, %parallel_loop3A_1552 : vector<16xf32>
        %parallel_loop3A_1589 = arith.index_cast %parallel_loop3A_1548 : i32 to index
        %parallel_loop3A_1590 = arith.constant 16 : index
        %parallel_loop3A_1591 = tpu.vector_load %arg29[%parallel_loop3A_1589, %parallel_loop3A_1590] {strides = array<i32>} : memref<64x96xf32, #tpu.memory_space<vmem>>, vector<16xf32>,
        %parallel_loop3A_1592 = arith.mulf %parallel_loop3A_1591, %parallel_loop3A_1553 : vector<16xf32>
        %parallel_loop3A_1593 = arith.addf %parallel_loop3A_1588, %parallel_loop3A_1592 : vector<16xf32>
        %parallel_loop3A_1594 = arith.addf %parallel_loop3A_1584, %parallel_loop3A_1593 : vector<16xf32>
        %parallel_loop3A_1595 = arith.index_cast %parallel_loop3A_1548 : i32 to index
        %parallel_loop3A_1596 = arith.constant 16 : index
        %parallel_loop3A_1597 = tpu.vector_load %arg30[%parallel_loop3A_1595, %parallel_loop3A_1596] {strides = array<i32>} : memref<64x96xf32, #tpu.memory_space<vmem>>, vector<16xf32>,
        tpu.vector_store %arg30[%parallel_loop3A_1595, %parallel_loop3A_1596], %parallel_loop3A_1594 {strides = array<i32>} : memref<64x96xf32, #tpu.memory_space<vmem>>, vector<16xf32>,
        %parallel_loop3A_1598 = arith.index_cast %parallel_loop3A_1548 : i32 to index
        %parallel_loop3A_1599 = arith.constant 32 : index
        %parallel_loop3A_1600 = tpu.vector_load %arg26[%parallel_loop3A_1598, %parallel_loop3A_1599] {strides = array<i32>} : memref<64x96xf32, #tpu.memory_space<vmem>>, vector<16xf32>,
        %parallel_loop3A_1601 = arith.mulf %parallel_loop3A_1600, %parallel_loop3A_1550 : vector<16xf32>
        %parallel_loop3A_1602 = arith.index_cast %parallel_loop3A_1548 : i32 to index
        %parallel_loop3A_1603 = arith.constant 32 : index
        %parallel_loop3A_1604 = tpu.vector_load %arg27[%parallel_loop3A_1602, %parallel_loop3A_1603] {strides = array<i32>} : memref<64x96xf32, #tpu.memory_space<vmem>>, vector<16xf32>,
        %parallel_loop3A_1605 = arith.mulf %parallel_loop3A_1604, %parallel_loop3A_1551 : vector<16xf32>
        %parallel_loop3A_1606 = arith.addf %parallel_loop3A_1601, %parallel_loop3A_1605 : vector<16xf32>
        %parallel_loop3A_1607 = arith.index_cast %parallel_loop3A_1548 : i32 to index
        %parallel_loop3A_1608 = arith.constant 32 : index
        %parallel_loop3A_1609 = tpu.vector_load %arg28[%parallel_loop3A_1607, %parallel_loop3A_1608] {strides = array<i32>} : memref<64x96xf32, #tpu.memory_space<vmem>>, vector<16xf32>,
        %parallel_loop3A_1610 = arith.mulf %parallel_loop3A_1609, %parallel_loop3A_1552 : vector<16xf32>
        %parallel_loop3A_1611 = arith.index_cast %parallel_loop3A_1548 : i32 to index
        %parallel_loop3A_1612 = arith.constant 32 : index
        %parallel_loop3A_1613 = tpu.vector_load %arg29[%parallel_loop3A_1611, %parallel_loop3A_1612] {strides = array<i32>} : memref<64x96xf32, #tpu.memory_space<vmem>>, vector<16xf32>,
        %parallel_loop3A_1614 = arith.mulf %parallel_loop3A_1613, %parallel_loop3A_1553 : vector<16xf32>
        %parallel_loop3A_1615 = arith.addf %parallel_loop3A_1610, %parallel_loop3A_1614 : vector<16xf32>
        %parallel_loop3A_1616 = arith.addf %parallel_loop3A_1606, %parallel_loop3A_1615 : vector<16xf32>
        %parallel_loop3A_1617 = arith.index_cast %parallel_loop3A_1548 : i32 to index
        %parallel_loop3A_1618 = arith.constant 32 : index
        %parallel_loop3A_1619 = tpu.vector_load %arg30[%parallel_loop3A_1617, %parallel_loop3A_1618] {strides = array<i32>} : memref<64x96xf32, #tpu.memory_space<vmem>>, vector<16xf32>,
        tpu.vector_store %arg30[%parallel_loop3A_1617, %parallel_loop3A_1618], %parallel_loop3A_1616 {strides = array<i32>} : memref<64x96xf32, #tpu.memory_space<vmem>>, vector<16xf32>,
        %parallel_loop3A_1620 = arith.index_cast %parallel_loop3A_1548 : i32 to index
        %parallel_loop3A_1621 = arith.constant 48 : index
        %parallel_loop3A_1622 = tpu.vector_load %arg26[%parallel_loop3A_1620, %parallel_loop3A_1621] {strides = array<i32>} : memref<64x96xf32, #tpu.memory_space<vmem>>, vector<16xf32>,
        %parallel_loop3A_1623 = arith.mulf %parallel_loop3A_1622, %parallel_loop3A_1550 : vector<16xf32>
        %parallel_loop3A_1624 = arith.index_cast %parallel_loop3A_1548 : i32 to index
        %parallel_loop3A_1625 = arith.constant 48 : index
        %parallel_loop3A_1626 = tpu.vector_load %arg27[%parallel_loop3A_1624, %parallel_loop3A_1625] {strides = array<i32>} : memref<64x96xf32, #tpu.memory_space<vmem>>, vector<16xf32>,
        %parallel_loop3A_1627 = arith.mulf %parallel_loop3A_1626, %parallel_loop3A_1551 : vector<16xf32>
        %parallel_loop3A_1628 = arith.addf %parallel_loop3A_1623, %parallel_loop3A_1627 : vector<16xf32>
        %parallel_loop3A_1629 = arith.index_cast %parallel_loop3A_1548 : i32 to index
        %parallel_loop3A_1630 = arith.constant 48 : index
        %parallel_loop3A_1631 = tpu.vector_load %arg28[%parallel_loop3A_1629, %parallel_loop3A_1630] {strides = array<i32>} : memref<64x96xf32, #tpu.memory_space<vmem>>, vector<16xf32>,
        %parallel_loop3A_1632 = arith.mulf %parallel_loop3A_1631, %parallel_loop3A_1552 : vector<16xf32>
        %parallel_loop3A_1633 = arith.index_cast %parallel_loop3A_1548 : i32 to index
        %parallel_loop3A_1634 = arith.constant 48 : index
        %parallel_loop3A_1635 = tpu.vector_load %arg29[%parallel_loop3A_1633, %parallel_loop3A_1634] {strides = array<i32>} : memref<64x96xf32, #tpu.memory_space<vmem>>, vector<16xf32>,
        %parallel_loop3A_1636 = arith.mulf %parallel_loop3A_1635, %parallel_loop3A_1553 : vector<16xf32>
        %parallel_loop3A_1637 = arith.addf %parallel_loop3A_1632, %parallel_loop3A_1636 : vector<16xf32>
        %parallel_loop3A_1638 = arith.addf %parallel_loop3A_1628, %parallel_loop3A_1637 : vector<16xf32>
        %parallel_loop3A_1639 = arith.index_cast %parallel_loop3A_1548 : i32 to index
        %parallel_loop3A_1640 = arith.constant 48 : index
        %parallel_loop3A_1641 = tpu.vector_load %arg30[%parallel_loop3A_1639, %parallel_loop3A_1640] {strides = array<i32>} : memref<64x96xf32, #tpu.memory_space<vmem>>, vector<16xf32>,
        tpu.vector_store %arg30[%parallel_loop3A_1639, %parallel_loop3A_1640], %parallel_loop3A_1638 {strides = array<i32>} : memref<64x96xf32, #tpu.memory_space<vmem>>, vector<16xf32>,
        %parallel_loop3A_1642 = arith.index_cast %parallel_loop3A_1548 : i32 to index
        %parallel_loop3A_1643 = arith.constant 64 : index
        %parallel_loop3A_1644 = tpu.vector_load %arg26[%parallel_loop3A_1642, %parallel_loop3A_1643] {strides = array<i32>} : memref<64x96xf32, #tpu.memory_space<vmem>>, vector<16xf32>,
        %parallel_loop3A_1645 = arith.mulf %parallel_loop3A_1644, %parallel_loop3A_1550 : vector<16xf32>
        %parallel_loop3A_1646 = arith.index_cast %parallel_loop3A_1548 : i32 to index
        %parallel_loop3A_1647 = arith.constant 64 : index
        %parallel_loop3A_1648 = tpu.vector_load %arg27[%parallel_loop3A_1646, %parallel_loop3A_1647] {strides = array<i32>} : memref<64x96xf32, #tpu.memory_space<vmem>>, vector<16xf32>,
        %parallel_loop3A_1649 = arith.mulf %parallel_loop3A_1648, %parallel_loop3A_1551 : vector<16xf32>
        %parallel_loop3A_1650 = arith.addf %parallel_loop3A_1645, %parallel_loop3A_1649 : vector<16xf32>
        %parallel_loop3A_1651 = arith.index_cast %parallel_loop3A_1548 : i32 to index
        %parallel_loop3A_1652 = arith.constant 64 : index
        %parallel_loop3A_1653 = tpu.vector_load %arg28[%parallel_loop3A_1651, %parallel_loop3A_1652] {strides = array<i32>} : memref<64x96xf32, #tpu.memory_space<vmem>>, vector<16xf32>,
        %parallel_loop3A_1654 = arith.mulf %parallel_loop3A_1653, %parallel_loop3A_1552 : vector<16xf32>
        %parallel_loop3A_1655 = arith.index_cast %parallel_loop3A_1548 : i32 to index
        %parallel_loop3A_1656 = arith.constant 64 : index
        %parallel_loop3A_1657 = tpu.vector_load %arg29[%parallel_loop3A_1655, %parallel_loop3A_1656] {strides = array<i32>} : memref<64x96xf32, #tpu.memory_space<vmem>>, vector<16xf32>,
        %parallel_loop3A_1658 = arith.mulf %parallel_loop3A_1657, %parallel_loop3A_1553 : vector<16xf32>
        %parallel_loop3A_1659 = arith.addf %parallel_loop3A_1654, %parallel_loop3A_1658 : vector<16xf32>
        %parallel_loop3A_1660 = arith.addf %parallel_loop3A_1650, %parallel_loop3A_1659 : vector<16xf32>
        %parallel_loop3A_1661 = arith.index_cast %parallel_loop3A_1548 : i32 to index
        %parallel_loop3A_1662 = arith.constant 64 : index
        %parallel_loop3A_1663 = tpu.vector_load %arg30[%parallel_loop3A_1661, %parallel_loop3A_1662] {strides = array<i32>} : memref<64x96xf32, #tpu.memory_space<vmem>>, vector<16xf32>,
        tpu.vector_store %arg30[%parallel_loop3A_1661, %parallel_loop3A_1662], %parallel_loop3A_1660 {strides = array<i32>} : memref<64x96xf32, #tpu.memory_space<vmem>>, vector<16xf32>,
        %parallel_loop3A_1664 = arith.index_cast %parallel_loop3A_1548 : i32 to index
        %parallel_loop3A_1665 = arith.constant 80 : index
        %parallel_loop3A_1666 = tpu.vector_load %arg26[%parallel_loop3A_1664, %parallel_loop3A_1665] {strides = array<i32>} : memref<64x96xf32, #tpu.memory_space<vmem>>, vector<16xf32>,
        %parallel_loop3A_1667 = arith.mulf %parallel_loop3A_1666, %parallel_loop3A_1550 : vector<16xf32>
        %parallel_loop3A_1668 = arith.index_cast %parallel_loop3A_1548 : i32 to index
        %parallel_loop3A_1669 = arith.constant 80 : index
        %parallel_loop3A_1670 = tpu.vector_load %arg27[%parallel_loop3A_1668, %parallel_loop3A_1669] {strides = array<i32>} : memref<64x96xf32, #tpu.memory_space<vmem>>, vector<16xf32>,
        %parallel_loop3A_1671 = arith.mulf %parallel_loop3A_1670, %parallel_loop3A_1551 : vector<16xf32>
        %parallel_loop3A_1672 = arith.addf %parallel_loop3A_1667, %parallel_loop3A_1671 : vector<16xf32>
        %parallel_loop3A_1673 = arith.index_cast %parallel_loop3A_1548 : i32 to index
        %parallel_loop3A_1674 = arith.constant 80 : index
        %parallel_loop3A_1675 = tpu.vector_load %arg28[%parallel_loop3A_1673, %parallel_loop3A_1674] {strides = array<i32>} : memref<64x96xf32, #tpu.memory_space<vmem>>, vector<16xf32>,
        %parallel_loop3A_1676 = arith.mulf %parallel_loop3A_1675, %parallel_loop3A_1552 : vector<16xf32>
        %parallel_loop3A_1677 = arith.index_cast %parallel_loop3A_1548 : i32 to index
        %parallel_loop3A_1678 = arith.constant 80 : index
        %parallel_loop3A_1679 = tpu.vector_load %arg29[%parallel_loop3A_1677, %parallel_loop3A_1678] {strides = array<i32>} : memref<64x96xf32, #tpu.memory_space<vmem>>, vector<16xf32>,
        %parallel_loop3A_1680 = arith.mulf %parallel_loop3A_1679, %parallel_loop3A_1553 : vector<16xf32>
        %parallel_loop3A_1681 = arith.addf %parallel_loop3A_1676, %parallel_loop3A_1680 : vector<16xf32>
        %parallel_loop3A_1682 = arith.addf %parallel_loop3A_1672, %parallel_loop3A_1681 : vector<16xf32>
        %parallel_loop3A_1683 = arith.index_cast %parallel_loop3A_1548 : i32 to index
        %parallel_loop3A_1684 = arith.constant 80 : index
        %parallel_loop3A_1685 = tpu.vector_load %arg30[%parallel_loop3A_1683, %parallel_loop3A_1684] {strides = array<i32>} : memref<64x96xf32, #tpu.memory_space<vmem>>, vector<16xf32>,
        tpu.vector_store %arg30[%parallel_loop3A_1683, %parallel_loop3A_1684], %parallel_loop3A_1682 {strides = array<i32>} : memref<64x96xf32, #tpu.memory_space<vmem>>, vector<16xf32>,
      } {sc.loop_unroll_factor = 2 : i64, sc.parallel_access}
      %mul3A_1544 = arith.constant 64 : i32
      %mul3A_1545 = arith.muli %add3A_1528, %mul3A_1544 : i32
      %add3A_1546 = arith.addi %mul3A_2, %mul3A_1545 : i32
      "tpu.region"() ({
        %run_scoped3A = tpu.sem_alloc : memref<!tpu.dma_semaphore, #tpu.memory_space<semaphore_mem>>
        %dma_start3A_1548 = arith.constant 0 : i32
        %dma_start3A_1549 = tpu.memref_slice %arg4[%add3A_1546, %dma_start3A_1548] : memref<262144x96xf32, #tpu.memory_space<hbm>> -> memref<64x96xf32, #tpu.memory_space<hbm>>
        %dma_start3A_1550 = arith.constant 0 : i32
        %dma_start3A_1551 = tpu.memref_slice %arg4[%add3A_1546, %dma_start3A_1550] : memref<262144x96xf32, #tpu.memory_space<hbm>> -> memref<64x96xf32, #tpu.memory_space<hbm>>
        tpu.enqueue_dma source(%arg30 : memref<64x96xf32, #tpu.memory_space<vmem>>) target(%dma_start3A_1551 : memref<64x96xf32, #tpu.memory_space<hbm>>) target_semaphore(%run_scoped3A : memref<!tpu.dma_semaphore, #tpu.memory_space<semaphore_mem>>)
        %dma_wait3A_1552 = arith.constant 0 : i32
        %dma_wait3A_1553 = tpu.memref_slice %arg4[%add3A_1546, %dma_wait3A_1552] : memref<262144x96xf32, #tpu.memory_space<hbm>> -> memref<64x96xf32, #tpu.memory_space<hbm>>
        %dma_wait3A_1554 = arith.constant 0 : i32
        %dma_wait3A_1555 = tpu.memref_slice %arg4[%add3A_1546, %dma_wait3A_1554] : memref<262144x96xf32, #tpu.memory_space<hbm>> -> memref<64x96xf32, #tpu.memory_space<hbm>>
        tpu.wait_dma2 semaphore(%run_scoped3A : memref<!tpu.dma_semaphore, #tpu.memory_space<semaphore_mem>>) src(%arg30 : memref<64x96xf32, #tpu.memory_space<vmem>>) dst(%dma_wait3A_1555 : memref<64x96xf32, #tpu.memory_space<hbm>>)
        tpu.yield
      }) : () -> ()
      %scan3A_1547 = arith.constant 0 : i32
      scf.yield %scan3A_1547 : i32
    }
    %scan3A_735 = arith.constant 64 : i32
    return
  }
}

</mosaic_0001>

<sc_bundles>
// kernel: kernel.3.cloned.1.call-start
scs
__scs_entry_jumppad:
0x0: {  	(pc) =	sbr.rel $0x88, $3  }
0x1: {  	(tag) =	ssettag $0x0;
	lr =	simm.s32 $0x1  }
0x2: {  	[smem:$0x3F9F] =	sst lr;
	_ =	strace $0xD0000000  }
0x3: {  	_ = 	snop  }
0x4: {  	_ = 	snop  }
0x5: {  	_ = 	snop  }
0x6: {  	_ = 	snop  }
0x7: {  	_ = 	snop  }
__scs_overlays_trampoline_lowered:
0x8: {  	[smem:$0x3FAE] =	sst s0  }
0x9: {  	[smem:$0x3FAF] =	sst s1  }
0xa: {  	[smem:$0x3FB0] =	sst s2  }
0xb: {  	[smem:$0x3FB1] =	sst s3  }
0xc: {  	[smem:$0x3FB2] =	sst s4  }
0xd: {  	[smem:$0x3FB3] =	sst s5  }
0xe: {  	[smem:$0x3FB4] =	sst s6  }
0xf: {  	[smem:$0x3FB5] =	sst s7  }
0x10: {  	[smem:$0x3FB6] =	sst s8  }
0x11: {  	[smem:$0x3FB7] =	sst s9;
	s0 =	simm.s32 @!p0 $0x0  }
0x12: {  	s1 =	sld [smem:$0x3F9D];
	s0 =	simm.s32 @p0 $0x1  }
0x13: {  	[smem:$0x3FB8] =	sst s0;
	s0 =	simm.s32 @!p1 $0x0  }
0x14: {  	s2 =	sld [smem:$0x3F9C];
	s0 =	simm.s32 @p1 $0x1  }
0x15: {  	[smem:$0x3FB9] =	sst s0;
	s0 =	simm.s32 @!p2 $0x0  }
0x16: {  	s3 =	sld [smem:$0x3FDB];
	s0 =	simm.s32 @p2 $0x1  }
0x17: {  	s4 =	simm.s32 $0x1BF5;
	[smem:$0x3FBB] =	sst s0  }
0x18: {  	s0 =	sld [smem:$0x3F9E];
	_ =	swait.ge [sflag:s4], $0x0  }
0x19: {  	s7 =	sld [smem:$0x3F9F]  }
0x1a: {  	s8 =	sadd.s32 $0xFFFFE003, lr  }
0x1b: {  	s9 =	sadd.s32 $0xFFFFFEF7, lr;
	s5 =	simm.s32 $0xFFFFFFFF;
	p2 =	slt.u32 s8, $0xFFFFF086  }
0x1c: {  	p1 =	slt.u32 s9, $0xF7A;
	s5 =	simm.s32 @!p2 $0x0  }
0x1d: {  	s5 =	simm.s32 @p1 $0x1;
	p0 =	seq.s32 s7, s2  }
0x1e: {  	s7 =	smul.u32 @!p0 $0xF7A, s2;
	p2 =	seq.s32 @!p0 s5, $0x0  }
0x1f: {  	s9 =	smul.u32 $0xF7A, s1;
	s8 =	simm.s32 @!p0 $0x1BF5;
	p2 =	por !p2, p0  }
0x20: {  	[sflag:s8] =	ssyncset.s32 @!p0 $0xFFFFF086;
	s6 =	sadd.s32 @!p0 s3, s7;
	s7 =	simm.s32 @!p0 $0x108  }
0x21: {  	s3 =	sadd.s32 s3, s9;
	s6 =	sadd.s32 @!p0 $0x88, s6;
	s7 =	simm.s32 @p2 $0x1082  }
0x22: {  	[simem:s7], [sflag:s8] =	dma.local @!p0 [hbm:s6], $0xF7A  }
0x23: {  	s9 =	sor.u32 $0xD0000000, s2;
	s6 =	simm.s32 $0x108;
	_ =	swait.ge @!p0 [sflag:s8], $0x0  }
0x24: {  	s3 =	sadd.s32 $0x88, s3;
	s6 =	simm.s32 @!p1 $0x1082;
	[sflag:s4] =	ssyncset.s32 $0xFFFFF086  }
0x25: {  	[simem:s6], [sflag:s4] =	dma.local [hbm:s3], $0xF7A  }
0x26: {  	[smem:$0x3F9F] =	sst s1;
	(tag) =	ssettag s2;
	_ =	strace s9  }
0x27: {  	s1 =	sld [smem:$0x3FAF]  }
0x28: {  	s2 =	sld [smem:$0x3FB0]  }
0x29: {  	s4 =	sld [smem:$0x3FB2]  }
0x2a: {  	p0 =	seq.s32 s5, $0x0;
	s5 =	sld [smem:$0x3FB3]  }
0x2b: {  	s6 =	sld [smem:$0x3FB4]  }
0x2c: {  	s7 =	sld [smem:$0x3FB5]  }
0x2d: {  	s3 =	simm.s32 $0x108;
	s8 =	sld [smem:$0x3FB6]  }
0x2e: {  	s3 =	simm.s32 @!p0 $0x1082;
	s9 =	sld [smem:$0x3FB7]  }
0x2f: {  	lr =	sadd.s32 s0, s3;
	s0 =	sld [smem:$0x3FAE]  }
0x30: {  	s3 =	sld [smem:$0x3FB1]  }
0x31: {  	[smem:$0x3FBA] =	sst s10  }
0x32: {  	s10 =	sld [smem:$0x3FB8];
	_ =	sdelay $0x3  }
0x33: {  	p0 =	seq.s32 s10, $0x1;
	s10 =	sld [smem:$0x3FBA];
	_ =	sdelay $0x3  }
0x34: {  	[smem:$0x3FBA] =	sst s10  }
0x35: {  	s10 =	sld [smem:$0x3FB9];
	_ =	sdelay $0x3  }
0x36: {  	p1 =	seq.s32 s10, $0x1;
	s10 =	sld [smem:$0x3FBA];
	_ =	sdelay $0x3  }
0x37: {  	[smem:$0x3FBA] =	sst s10  }
0x38: {  	s10 =	sld [smem:$0x3FBB]  }
0x39: {  	_ = 	snop;
	(pc) =	sbr.ind lr, $3  }
0x3a: {  	_ = 	snop  }
0x3b: {  	_ = 	snop  }
0x3c: {  	p2 =	seq.s32 s10, $0x1;
	s10 =	sld [smem:$0x3FBA]  }
0x3d: {  	_ =	shalt  }
0x3e: {  	_ =	shalt  }
0x3f: {  	_ =	shalt  }
0x40: {  	_ =	shalt  }
0x41: {  	_ =	shalt  }
0x42: {  	_ =	shalt  }
0x43: {  	_ =	shalt  }
0x44: {  	_ =	shalt  }
0x45: {  	_ =	shalt  }
0x46: {  	_ =	shalt  }
0x47: {  	_ =	shalt  }
0x48: {  	_ =	shalt  }
0x49: {  	_ =	shalt  }
0x4a: {  	_ =	shalt  }
0x4b: {  	_ =	shalt  }
0x4c: {  	_ =	shalt  }
0x4d: {  	_ =	shalt  }
0x4e: {  	_ =	shalt  }
0x4f: {  	_ =	shalt  }
0x50: {  	_ =	shalt  }
0x51: {  	_ =	shalt  }
0x52: {  	_ =	shalt  }
0x53: {  	_ =	shalt  }
0x54: {  	_ =	shalt  }
0x55: {  	_ =	shalt  }
0x56: {  	_ =	shalt  }
0x57: {  	_ =	shalt  }
0x58: {  	_ =	shalt  }
0x59: {  	_ =	shalt  }
0x5a: {  	_ =	shalt  }
0x5b: {  	_ =	shalt  }
0x5c: {  	_ =	shalt  }
0x5d: {  	_ =	shalt  }
0x5e: {  	_ =	shalt  }
0x5f: {  	_ =	shalt  }
0x60: {  	_ =	shalt  }
0x61: {  	_ =	shalt  }
0x62: {  	_ =	shalt  }
0x63: {  	_ =	shalt  }
0x64: {  	_ =	shalt  }
0x65: {  	_ =	shalt  }
0x66: {  	_ =	shalt  }
0x67: {  	_ =	shalt  }
0x68: {  	_ =	shalt  }
0x69: {  	_ =	shalt  }
0x6a: {  	_ =	shalt  }
0x6b: {  	_ =	shalt  }
0x6c: {  	_ =	shalt  }
0x6d: {  	_ =	shalt  }
0x6e: {  	_ =	shalt  }
0x6f: {  	_ =	shalt  }
0x70: {  	_ =	shalt  }
0x71: {  	_ =	shalt  }
0x72: {  	_ =	shalt  }
0x73: {  	_ =	shalt  }
0x74: {  	_ =	shalt  }
0x75: {  	_ =	shalt  }
0x76: {  	_ =	shalt  }
0x77: {  	_ =	shalt  }
0x78: {  	_ =	shalt  }
0x79: {  	_ =	shalt  }
0x7a: {  	_ =	shalt  }
0x7b: {  	_ =	shalt  }
0x7c: {  	_ =	shalt  }
0x7d: {  	_ =	shalt  }
0x7e: {  	_ =	shalt  }
0x7f: {  	_ =	shalt  }
0x80: {  	_ =	shalt  }
0x81: {  	_ =	shalt  }
0x82: {  	_ =	shalt  }
0x83: {  	_ =	shalt  }
0x84: {  	_ =	shalt  }
0x85: {  	_ =	shalt  }
0x86: {  	_ =	shalt  }
0x87: {  	_ =	shalt  }
.Lfunc_end0:
.L_simem_size_0:
called_computation.2_lowered:
.L_overlay_start_0:
0x88: {  	s2 =	sld [smem:$0x3FD9]  }
0x89: {  	s3 =	sld [smem:$0x3FFE];
	_ =	sdelay $0x1  }
0x8a: {  	s1 =	srdreg.scid  }
0x8b: {  	s0 =	sand.u32 $0x1, s1  }
0x8c: {  	s17 =	sshll.u32 s0, $0xA;
	s2 =	sadd.s32 s3, s2  }
0x8d: {  	s2 =	sadd.s32 s2, s17  }
0x8e: {  	[smem:$0x3FC6] =	sst s2  }
0x8f: {  	_ = 	snop  }
0x90: {  	s2 =	sld [smem:$0x3FD0];
	(tm) =	ssettm $0x1  }
0x91: {  	s18 =	sld [smem:$0x3FFB];
	_ =	sdelay $0x3  }
0x92: {  	_ =	strace s18  }
0x93: {  	s3 =	sld [smem:$0x3FFC];
	_ =	sdelay $0x3  }
0x94: {  	_ =	strace s3  }
0x95: {  	s3 =	sld [smem:$0x3FFD];
	_ =	sdelay $0x3  }
0x96: {  	_ =	strace s3  }
0x97: {  	_ =	strace $0x8FFFFFFF  }
0x98: {  	s19 =	sld [smem:$0x3FDB];
	_ =	sdelay $0x1  }
0x99: {  	s4 =	simm.s32 $_scs_section_size  }
0x9a: {  	s5 =	simm.s32 $_size__tile_overlayer_lowered;
	s6 =	simm.s32 $_tile_overlayer_lowered  }
0x9b: {  	s22 =	simm.s32 $0x1BFF;
	s21 =	sshll.u32 s6, $0x1;
	s3 =	sadd.s32 s4, s19  }
0x9c: {  	s7 =	simm.s32 $0x0;
	s20 =	sshll.u32 s5, $0x1;
	s5 =	sadd.s32 s21, s3  }
0x9d: {  	[timem:s7], [sflag:s22] =	dma.local [hbm:s5], s20  }
0x9e: {  	_ =	swait.ge [sflag:s22], s20  }
0x9f: {  	s4 =	ssub.s32 $0x0, s20;
	[sflag:s22] =	ssyncset.done $0x0  }
0xa0: {  	[sflag:s22] =	ssyncadd.s32 s4;
	_ =	sdelay $0x1  }
0xa1: {  	s23 =	simm.s32 $0x1B8B  }
0xa2: {  	_ =	swait.ge [sflag:s23], $0x1  }
0xa3: {  	[sflag:s23] =	ssyncset.done $0x0  }
0xa4: {  	s25 =	simm.s32 $0x1B8E;
	s24 =	sld [smem:$0x3FFE];
	[sflag:s23] =	ssyncadd.s32 $0xFFFFFFFF  }
0xa5: {  	s26 =	simm.s32 $execute0_lowered;
	[smem:$0x3FD2] =	sst s25  }
0xa6: {  	s5 =	sshll.u32 s26, $0x1;
	_ =	strace $0x80000049;
	[dreg:$0x1] =	wrdreg $0xFFFFFFFF  }
0xa7: {  	s28 =	simm.s32 $_size_execute0_lowered;
	s3 =	sadd.s32 s3, s5;
	[dreg:$0x0] =	wrdreg $0x0  }
0xa8: {  	s5 =	sshll.u32 s28, $0x1;
	[dreg:$0x2] =	wrdreg s3  }
0xa9: {  	[dreg:$0x3] =	wrdreg s5  }
0xaa: {  	[dreg:$0x4] =	wrdreg $0xC0  }
0xab: {  	_ =	task [dreg:s7], $0x5FFFF  }
0xac: {  	[dreg:$0x1] =	wrdreg $0xFFFFFFFF  }
0xad: {  	[dreg:$0x0] =	wrdreg $0x60  }
0xae: {  	[dreg:$0x2] =	wrdreg s2  }
0xaf: {  	[dreg:$0x3] =	wrdreg s24  }
0xb0: {  	[dreg:$0x4] =	wrdreg $0x9  }
0xb1: {  	_ =	task.clear_ibuf [dreg:s7], $0x5FFFF;
	_ =	strace $0x90000049  }
0xb2: {  	s29 =	simm.s32 $0x9;
	_ =	strace $0x8000004B  }
0xb3: {  	_ =	swait.ge [sflag:s29], $0x1  }
0xb4: {  	[sflag:s29] =	ssyncadd.s32 $0xFFFFFFFF  }
0xb5: {  	_ =	strace $0x9000004B  }
0xb6: {  	_ =	sfence  }
0xb7: {  	s30 =	sld [smem:$0x0];
	_ =	sdelay $0x2  }
0xb8: {  	s31 =	sshll.u32 s1, $0xD;
	s1 =	sshrl.u32 s1, $0x2  }
0xb9: {  	s3 =	sand.u32 $0x4000, s31;
	s1 =	sadd.s32 s1, s30  }
0xba: {  	s0 =	sor.u32 s3, s0;
	s1 =	sshll.u32 s1, $0x11  }
0xbb: {  	s0 =	sor.u32 s1, s0  }
0xbc: {  	s0 =	sadd.s32 $0x8F2B, s0  }
0xbd: {  	[sflag:s0] =	ssyncadd.remote.s32 $0x1  }
0xbe: {  	_ =	sfence.sel $0xFFFF  }
0xbf: {  	[dreg:$0x0] =	wrdreg $0xFFFFFFFF;
	(pc) =	sbr.abs _section_cstart, $3  }
0xc0: {  	[dreg:$0x1] =	wrdreg $0xFFFFFFFF  }
0xc1: {  	_ =	task.clear_ibuf [dreg:s7], $0x2FFFF;
	_ =	strace $0x9FFFFFFF  }
0xc2: {  	(tm) =	ssettm $0x7FFFFFFF  }
0xc3: {  	_ =	shalt  }
tec
execute0_lowered:
.L_overlay_start_1:
0x0: {  	(tag) =	ssettag $0x1  }
0x1: {  	s0 =	rddreg [dreg:$0x1];
	s1 =	srdreg.scid  }
0x2: {  	s2 =	stileid.u32;
	s25 =	simm.s32 $0x0;
	s28 =	simm.s32 $0x4100  }
0x3: {  	s29 =	simm.s32 $0x4140;
	s30 =	simm.s32 $0x4180;
	s31 =	simm.s32 $0x41C0  }
0x4: {  	s6 =	simm.s32 $0x4300;
	s1 =	sand.u32 $0x1, s1;
	s2 =	sshll.u32 s2, $0x1  }
0x5: {  	v0 =	vlaneseq.u32;
	s7 =	simm.s32 $0x4340;
	s10 =	simm.s32 $0x4380;
	s2 =	sor.u32 s1, s2  }
0x6: {  	s11 =	simm.s32 $0x43C0;
	v0 =	vmul.u32 $0x2, v0;
	s1 =	ssub.s32 $0x2, s1;
	s4 =	sshll.u32 s2, $0xB  }
0x7: {  	[smem:$0x7FF] =	sst s25;
	s5 =	sshrl.u32 s1, $0x1;
	s4 =	sadd.s32 s4, s0  }
0x8: {  	v3 =	vimm.s32 $0x0;
	v2 =	vor.u32 $0x1, v0;
	s0 =	sadd.s32 $0xE00, s0;
	s24 =	ssub.s32 s1, s5;
	s5 =	sshll.u32 s2, $0xD  }
0x9: {  	_ =	strace $0x8000004A;
	v4 =	vor.u32 $0x20, v0;
	v5 =	vor.u32 $0x21, v0;
	[dreg:$0x3] =	wrdreg s0;
	s26 =	sadd.s32 $0x800E00, s4;
	v1 =	vmov s5  }
0xa: {  	v6 =	vor.u32 $0x40, v0;
	v7 =	vor.u32 $0x41, v0;
	s1 =	simm.s32 $0x2;
	s0 =	smax.u32 s24, $0x1;
	[dreg:$0x4] =	wrdreg s26;
	v1 =	vand.u32 $0xFFFFC000, v1  }
0xb: {  	v8 =	vor.u32 $0x60, v0;
	v9 =	vor.u32 $0x61, v0;
	s2 =	simm.s32 $0x0;
	[dreg:$0x5] =	wrdreg s0;
	s26 =	simm.s32 $0x1;
	v1 =	vbroadcast v1, $0x0  }
.LBB2_1:
0xc: {  	[dreg:$0x6] =	wrdreg s2  }
0xd: {  	s0 =	rddreg [dreg:$0x4];
	s18 =	simm.s32 $0x3  }
0xe: {  	[tilespmem:s25], [sflag:$0x3] =	stream.linear.gather [hbm4b:s0+s25], $0x4000, $0x38;
	[tilespmem:$0x11C00] =	vst v63  }
0xf: {  	_ =	swait.ge [sflag:s18], $0x4000  }
0x10: {  	[sflag:s18] =	ssyncset.done $0x0  }
0x11: {  	[sflag:s18] =	ssyncadd.s32 $0xFFFFC000  }
0x12: {  	v10 =	vld.idx.msk [tilespmem:v0+s25+$0x0], $0xffff  }
0x13: {  	v11 =	vld.idx.msk [tilespmem:v2+s25+$0x0], $0xffff;
	_ =	sdelay $0x3  }
0x14: {  	v10 =	vadd.f32 v10, v10  }
0x15: {  	v11 =	vadd.f32 v11, v11  }
0x16: {  	v10 =	vadd.f32 $-1.000000000e+00, v10  }
0x17: {  	v11 =	vadd.f32 $-1.000000000e+00, v11  }
0x18: {  	v10 =	vadd.f32 $1.000000000e+00, v10  }
0x19: {  	v11 =	vadd.f32 $1.000000000e+00, v11  }
0x1a: {  	v10 =	vmul.f32 $1.280000000e+02, v10  }
0x1b: {  	v11 =	vmul.f32 $1.280000000e+02, v11  }
0x1c: {  	v10 =	vadd.f32 $-1.000000000e+00, v10  }
0x1d: {  	v11 =	vadd.f32 $-1.000000000e+00, v11  }
0x1e: {  	v10 =	vmul.f32 $5.000000000e-01, v10  }
0x1f: {  	v11 =	vmul.f32 $5.000000000e-01, v11  }
0x20: {  	v12 =	vtrunc.f32 v10  }
0x21: {  	v14 =	vtrunc.f32 v11;
	v13 =	vcvt.f32.s32 v12  }
0x22: {  	vm0 =	vlt.f32 v10, v12;
	v61 =	vcvt.f32.s32 v14;
	vm1 =	vlt.f32 v11, v14  }
0x23: {  	v62 =	vsel vm0, $0xFFFFFFFF, v3;
	v15 =	vsel vm1, $0xFFFFFFFF, v3  }
0x24: {  	v13 =	vadd.s32 v13, v62;
	v12 =	vadd.s32 v61, v15  }
0x25: {  	v14 =	vcvt.s32.f32 v13;
	v15 =	vcvt.s32.f32 v12;
	v16 =	vadd.s32 $0x1, v13  }
0x26: {  	v17 =	vadd.s32 $0x1, v12;
	vm14 =	vlt.u32 v13, $0x80;
	vm15 =	vgt.s32 v13, $0x0  }
0x27: {  	vm4 =	vgt.s32 v12, $0x0;
	vm8 =	vlt.u32 v12, $0x80;
	v13 =	vnsel vm15, $0x0, v13  }
0x28: {  	vm5 =	vlt.u32 v16, $0x80;
	v18 =	vnsel vm4, $0x0, v12;
	vm6 =	vgt.s32 v17, $0x0  }
0x29: {  	vm7 =	vgt.s32 v16, $0x0;
	v10 =	vsub.f32 v10, v14;
	v11 =	vsub.f32 v11, v15  }
0x2a: {  	v13 =	vmin.u32 v13, $0x7F;
	v18 =	vmin.u32 v18, $0x7F;
	v19 =	vnsel vm6, $0x0, v17  }
0x2b: {  	v16 =	vnsel vm7, $0x0, v16;
	v18 =	vshll.u32 v18, $0x7;
	v19 =	vmin.u32 v19, $0x7F  }
0x2c: {  	v16 =	vmin.u32 v16, $0x7F;
	v14 =	vsub.f32 $1.000000000e+00, v10;
	v18 =	vor.u32 v1, v18  }
0x2d: {  	v15 =	vsub.f32 $1.000000000e+00, v11;
	v19 =	vshll.u32 v19, $0x7;
	v20 =	vor.u32 v13, v18  }
0x2e: {  	vm9 =	vlt.u32 v17, $0x80;
	v63 =	vor.u32 v1, v19;
	v18 =	vor.u32 v16, v18;
	[tilespmem:$0x4000] =	vst v20  }
0x2f: {  	v14 =	vnsel vm14, $0x0, v14;
	v15 =	vnsel vm8, $0x0, v15;
	[tilespmem:$0x4040] =	vst v18;
	v13 =	vor.u32 v13, v63  }
0x30: {  	v10 =	vnsel vm5, $0x0, v10;
	v12 =	vor.u32 v16, v63;
	[tilespmem:$0x4080] =	vst v13;
	v16 =	vmul.f32 v15, v14  }
0x31: {  	v11 =	vnsel vm9, $0x0, v11;
	[tilespmem:$0x40C0] =	vst v12;
	v17 =	vmul.f32 v15, v10  }
0x32: {  	v18 =	vmul.f32 v14, v11;
	[tilespmem:$0x4100] =	vst v16  }
0x33: {  	v10 =	vmul.f32 v11, v10;
	[tilespmem:$0x4140] =	vst v17  }
0x34: {  	[tilespmem:$0x4180] =	vst v18  }
0x35: {  	[tilespmem:$0x41C0] =	vst v10  }
0x36: {  	v10 =	vld.idx.msk [tilespmem:v4+s25+$0x0], $0xffff  }
0x37: {  	v11 =	vld.idx.msk [tilespmem:v5+s25+$0x0], $0xffff;
	_ =	sdelay $0x3  }
0x38: {  	v10 =	vadd.f32 v10, v10  }
0x39: {  	v11 =	vadd.f32 v11, v11  }
0x3a: {  	v10 =	vadd.f32 $-1.000000000e+00, v10  }
0x3b: {  	v11 =	vadd.f32 $-1.000000000e+00, v11  }
0x3c: {  	v10 =	vadd.f32 $1.000000000e+00, v10  }
0x3d: {  	v11 =	vadd.f32 $1.000000000e+00, v11  }
0x3e: {  	v10 =	vmul.f32 $1.280000000e+02, v10  }
0x3f: {  	v11 =	vmul.f32 $1.280000000e+02, v11  }
0x40: {  	v10 =	vadd.f32 $-1.000000000e+00, v10  }
0x41: {  	v11 =	vadd.f32 $-1.000000000e+00, v11  }
0x42: {  	v10 =	vmul.f32 $5.000000000e-01, v10  }
0x43: {  	v11 =	vmul.f32 $5.000000000e-01, v11  }
0x44: {  	v19 =	vtrunc.f32 v10  }
0x45: {  	v21 =	vtrunc.f32 v11;
	v20 =	vcvt.f32.s32 v19  }
0x46: {  	vm10 =	vlt.f32 v10, v19;
	v22 =	vcvt.f32.s32 v21;
	vm11 =	vlt.f32 v11, v21  }
0x47: {  	v23 =	vsel vm10, $0xFFFFFFFF, v3;
	v24 =	vsel vm11, $0xFFFFFFFF, v3  }
0x48: {  	v13 =	vadd.s32 v20, v23;
	v12 =	vadd.s32 v22, v24  }
0x49: {  	v14 =	vcvt.s32.f32 v13;
	v15 =	vcvt.s32.f32 v12;
	v25 =	vadd.s32 $0x1, v13  }
0x4a: {  	v26 =	vadd.s32 $0x1, v12;
	vm12 =	vlt.u32 v13, $0x80;
	vm13 =	vgt.s32 v13, $0x0  }
0x4b: {  	vm14 =	vgt.s32 v12, $0x0;
	vm6 =	vlt.u32 v12, $0x80;
	v13 =	vnsel vm13, $0x0, v13  }
0x4c: {  	vm15 =	vlt.u32 v25, $0x80;
	v27 =	vnsel vm14, $0x0, v12;
	vm4 =	vgt.s32 v26, $0x0  }
0x4d: {  	vm5 =	vgt.s32 v25, $0x0;
	v10 =	vsub.f32 v10, v14;
	v11 =	vsub.f32 v11, v15  }
0x4e: {  	v13 =	vmin.u32 v13, $0x7F;
	v18 =	vmin.u32 v27, $0x7F;
	v28 =	vnsel vm4, $0x0, v26  }
0x4f: {  	v16 =	vnsel vm5, $0x0, v25;
	v18 =	vshll.u32 v18, $0x7;
	v19 =	vmin.u32 v28, $0x7F  }
0x50: {  	v16 =	vmin.u32 v16, $0x7F;
	v14 =	vsub.f32 $1.000000000e+00, v10;
	v18 =	vor.u32 v1, v18  }
0x51: {  	v15 =	vsub.f32 $1.000000000e+00, v11;
	v19 =	vshll.u32 v19, $0x7;
	v29 =	vor.u32 v13, v18  }
0x52: {  	vm7 =	vlt.u32 v26, $0x80;
	v30 =	vor.u32 v1, v19;
	v18 =	vor.u32 v16, v18;
	[tilespmem:$0x4010] =	vst v29  }
0x53: {  	v14 =	vnsel vm12, $0x0, v14;
	v15 =	vnsel vm6, $0x0, v15;
	[tilespmem:$0x4050] =	vst v18;
	v13 =	vor.u32 v13, v30  }
0x54: {  	v10 =	vnsel vm15, $0x0, v10;
	v12 =	vor.u32 v16, v30;
	[tilespmem:$0x4090] =	vst v13;
	v31 =	vmul.f32 v15, v14  }
0x55: {  	v11 =	vnsel vm7, $0x0, v11;
	[tilespmem:$0x40D0] =	vst v12;
	v32 =	vmul.f32 v15, v10  }
0x56: {  	v33 =	vmul.f32 v14, v11;
	[tilespmem:$0x4110] =	vst v31  }
0x57: {  	v10 =	vmul.f32 v11, v10;
	[tilespmem:$0x4150] =	vst v32  }
0x58: {  	[tilespmem:$0x4190] =	vst v33  }
0x59: {  	[tilespmem:$0x41D0] =	vst v10  }
0x5a: {  	v10 =	vld.idx.msk [tilespmem:v6+s25+$0x0], $0xffff  }
0x5b: {  	v11 =	vld.idx.msk [tilespmem:v7+s25+$0x0], $0xffff;
	_ =	sdelay $0x3  }
0x5c: {  	v10 =	vadd.f32 v10, v10  }
0x5d: {  	v11 =	vadd.f32 v11, v11  }
0x5e: {  	v10 =	vadd.f32 $-1.000000000e+00, v10  }
0x5f: {  	v11 =	vadd.f32 $-1.000000000e+00, v11  }
0x60: {  	v10 =	vadd.f32 $1.000000000e+00, v10  }
0x61: {  	v11 =	vadd.f32 $1.000000000e+00, v11  }
0x62: {  	v10 =	vmul.f32 $1.280000000e+02, v10  }
0x63: {  	v11 =	vmul.f32 $1.280000000e+02, v11  }
0x64: {  	v10 =	vadd.f32 $-1.000000000e+00, v10  }
0x65: {  	v11 =	vadd.f32 $-1.000000000e+00, v11  }
0x66: {  	v10 =	vmul.f32 $5.000000000e-01, v10  }
0x67: {  	v11 =	vmul.f32 $5.000000000e-01, v11  }
0x68: {  	v34 =	vtrunc.f32 v10  }
0x69: {  	v36 =	vtrunc.f32 v11;
	v35 =	vcvt.f32.s32 v34  }
0x6a: {  	vm8 =	vlt.f32 v10, v34;
	v37 =	vcvt.f32.s32 v36;
	vm9 =	vlt.f32 v11, v36  }
0x6b: {  	v38 =	vsel vm8, $0xFFFFFFFF, v3;
	v39 =	vsel vm9, $0xFFFFFFFF, v3  }
0x6c: {  	v13 =	vadd.s32 v35, v38;
	v12 =	vadd.s32 v37, v39  }
0x6d: {  	v14 =	vcvt.s32.f32 v13;
	v15 =	vcvt.s32.f32 v12;
	v40 =	vadd.s32 $0x1, v13  }
0x6e: {  	v41 =	vadd.s32 $0x1, v12;
	vm10 =	vlt.u32 v13, $0x80;
	vm11 =	vgt.s32 v13, $0x0  }
0x6f: {  	vm12 =	vgt.s32 v12, $0x0;
	vm4 =	vlt.u32 v12, $0x80;
	v13 =	vnsel vm11, $0x0, v13  }
0x70: {  	vm13 =	vlt.u32 v40, $0x80;
	v42 =	vnsel vm12, $0x0, v12;
	vm14 =	vgt.s32 v41, $0x0  }
0x71: {  	vm15 =	vgt.s32 v40, $0x0;
	v10 =	vsub.f32 v10, v14;
	v11 =	vsub.f32 v11, v15  }
0x72: {  	v13 =	vmin.u32 v13, $0x7F;
	v18 =	vmin.u32 v42, $0x7F;
	v43 =	vnsel vm14, $0x0, v41  }
0x73: {  	v16 =	vnsel vm15, $0x0, v40;
	v18 =	vshll.u32 v18, $0x7;
	v19 =	vmin.u32 v43, $0x7F  }
0x74: {  	v16 =	vmin.u32 v16, $0x7F;
	v14 =	vsub.f32 $1.000000000e+00, v10;
	v18 =	vor.u32 v1, v18  }
0x75: {  	v15 =	vsub.f32 $1.000000000e+00, v11;
	v19 =	vshll.u32 v19, $0x7;
	v44 =	vor.u32 v13, v18  }
0x76: {  	vm5 =	vlt.u32 v41, $0x80;
	v45 =	vor.u32 v1, v19;
	v18 =	vor.u32 v16, v18;
	[tilespmem:$0x4020] =	vst v44  }
0x77: {  	v14 =	vnsel vm10, $0x0, v14;
	v15 =	vnsel vm4, $0x0, v15;
	[tilespmem:$0x4060] =	vst v18;
	v13 =	vor.u32 v13, v45  }
0x78: {  	v10 =	vnsel vm13, $0x0, v10;
	v12 =	vor.u32 v16, v45;
	[tilespmem:$0x40A0] =	vst v13;
	v46 =	vmul.f32 v15, v14  }
0x79: {  	v11 =	vnsel vm5, $0x0, v11;
	[tilespmem:$0x40E0] =	vst v12;
	v47 =	vmul.f32 v15, v10  }
0x7a: {  	v48 =	vmul.f32 v14, v11;
	[tilespmem:$0x4120] =	vst v46  }
0x7b: {  	v10 =	vmul.f32 v11, v10;
	[tilespmem:$0x4160] =	vst v47  }
0x7c: {  	[tilespmem:$0x41A0] =	vst v48  }
0x7d: {  	[tilespmem:$0x41E0] =	vst v10  }
0x7e: {  	v10 =	vld.idx.msk [tilespmem:v8+s25+$0x0], $0xffff  }
0x7f: {  	v11 =	vld.idx.msk [tilespmem:v9+s25+$0x0], $0xffff;
	_ =	sdelay $0x3  }
0x80: {  	v10 =	vadd.f32 v10, v10  }
0x81: {  	v11 =	vadd.f32 v11, v11  }
0x82: {  	v10 =	vadd.f32 $-1.000000000e+00, v10  }
0x83: {  	v11 =	vadd.f32 $-1.000000000e+00, v11  }
0x84: {  	v10 =	vadd.f32 $1.000000000e+00, v10  }
0x85: {  	v11 =	vadd.f32 $1.000000000e+00, v11  }
0x86: {  	v10 =	vmul.f32 $1.280000000e+02, v10  }
0x87: {  	v11 =	vmul.f32 $1.280000000e+02, v11  }
0x88: {  	v10 =	vadd.f32 $-1.000000000e+00, v10  }
0x89: {  	v11 =	vadd.f32 $-1.000000000e+00, v11  }
0x8a: {  	v10 =	vmul.f32 $5.000000000e-01, v10  }
0x8b: {  	v11 =	vmul.f32 $5.000000000e-01, v11  }
0x8c: {  	v49 =	vtrunc.f32 v10  }
0x8d: {  	v51 =	vtrunc.f32 v11;
	v50 =	vcvt.f32.s32 v49  }
0x8e: {  	vm6 =	vlt.f32 v10, v49;
	v52 =	vcvt.f32.s32 v51;
	vm7 =	vlt.f32 v11, v51  }
0x8f: {  	v53 =	vsel vm6, $0xFFFFFFFF, v3;
	v54 =	vsel vm7, $0xFFFFFFFF, v3  }
0x90: {  	v13 =	vadd.s32 v50, v53;
	v12 =	vadd.s32 v52, v54  }
0x91: {  	v14 =	vcvt.s32.f32 v13;
	v15 =	vcvt.s32.f32 v12;
	v55 =	vadd.s32 $0x1, v13  }
0x92: {  	v56 =	vadd.s32 $0x1, v12;
	vm8 =	vlt.u32 v13, $0x80;
	vm9 =	vgt.s32 v13, $0x0  }
0x93: {  	vm10 =	vgt.s32 v12, $0x0;
	vm14 =	vlt.u32 v12, $0x80;
	v13 =	vnsel vm9, $0x0, v13  }
0x94: {  	vm11 =	vlt.u32 v55, $0x80;
	v57 =	vnsel vm10, $0x0, v12;
	vm12 =	vgt.s32 v56, $0x0  }
0x95: {  	vm13 =	vgt.s32 v55, $0x0;
	v10 =	vsub.f32 v10, v14;
	v11 =	vsub.f32 v11, v15  }
0x96: {  	v13 =	vmin.u32 v13, $0x7F;
	v18 =	vmin.u32 v57, $0x7F;
	v58 =	vnsel vm12, $0x0, v56  }
0x97: {  	v16 =	vnsel vm13, $0x0, v55;
	v18 =	vshll.u32 v18, $0x7;
	v19 =	vmin.u32 v58, $0x7F  }
0x98: {  	v16 =	vmin.u32 v16, $0x7F;
	v14 =	vsub.f32 $1.000000000e+00, v10;
	v18 =	vor.u32 v1, v18  }
0x99: {  	v15 =	vsub.f32 $1.000000000e+00, v11;
	v19 =	vshll.u32 v19, $0x7;
	v59 =	vor.u32 v13, v18  }
0x9a: {  	vm15 =	vlt.u32 v56, $0x80;
	v60 =	vor.u32 v1, v19;
	v18 =	vor.u32 v16, v18;
	[tilespmem:$0x4030] =	vst v59  }
0x9b: {  	v14 =	vnsel vm8, $0x0, v14;
	v15 =	vnsel vm14, $0x0, v15;
	[tilespmem:$0x4070] =	vst v18;
	v13 =	vor.u32 v13, v60  }
0x9c: {  	v10 =	vnsel vm11, $0x0, v10;
	v12 =	vor.u32 v16, v60;
	[tilespmem:$0x40B0] =	vst v13;
	v61 =	vmul.f32 v15, v14  }
0x9d: {  	v11 =	vnsel vm15, $0x0, v11;
	[tilespmem:$0x40F0] =	vst v12;
	v62 =	vmul.f32 v15, v10  }
0x9e: {  	v63 =	vmul.f32 v14, v11;
	[tilespmem:$0x4130] =	vst v61  }
0x9f: {  	v10 =	vmul.f32 v11, v10;
	[tilespmem:$0x4170] =	vst v62  }
0xa0: {  	s19 =	simm.s32 $0x40;
	[tilespmem:$0x41B0] =	vst v63  }
0xa1: {  	s3 =	simm.s32 $0x4000;
	s4 =	simm.s32 $0x4400;
	s0 =	rddreg [dreg:$0x0];
	[tilespmem:$0x41F0] =	vst v10  }
0xa2: {  	[tilespmem:s4], [sflag:$0x1] =	stream.indirect.gather [hbm4b:s0+s19], $0x60, s3, s19, $0xb8;
	[tilespmem:$0x11C00] =	vst v63  }
0xa3: {  	s20 =	simm.s32 $0x4040;
	s21 =	simm.s32 $0x5C00  }
0xa4: {  	[tilespmem:s21], [sflag:$0x1] =	stream.indirect.gather [hbm4b:s0+s19], $0x60, s20, s19, $0xb8;
	[tilespmem:$0x11C00] =	vst v63  }
0xa5: {  	s22 =	simm.s32 $0x4080;
	s23 =	simm.s32 $0x7400  }
0xa6: {  	[tilespmem:s23], [sflag:$0x1] =	stream.indirect.gather [hbm4b:s0+s19], $0x60, s22, s19, $0xb8;
	[tilespmem:$0x11C00] =	vst v63  }
0xa7: {  	s24 =	simm.s32 $0x40C0;
	s12 =	simm.s32 $0x0;
	s25 =	simm.s32 $0x8C00  }
0xa8: {  	[tilespmem:s25], [sflag:$0x1] =	stream.indirect.gather [hbm4b:s0+s19], $0x60, s24, s19, $0xb8;
	[tilespmem:$0x11C00] =	vst v63  }
.LBB2_2:
0xa9: {  	s2 =	sshllo.u32 s12, $0x1  }
0xaa: {  	s0 =	sshll.u32 s2, $0x7  }
0xab: {  	v10 =	vor.u32 s0, v0;
	s0 =	sor.u32 $0x1, s0  }
0xac: {  	v11 =	vor.u32 s0, v0;
	_ =	sdelay $0x2  }
0xad: {  	s0 =	simm.s32 $0x0  }
0xae: {  	v10 =	vld.idx.msk [tilespmem:v10+s0+$0x0], $0xffff  }
0xaf: {  	v11 =	vld.idx.msk [tilespmem:v11+s0+$0x0], $0xffff;
	_ =	sdelay $0x3  }
0xb0: {  	v10 =	vadd.f32 v10, v10  }
0xb1: {  	v11 =	vadd.f32 v11, v11  }
0xb2: {  	v10 =	vadd.f32 $-1.000000000e+00, v10  }
0xb3: {  	v11 =	vadd.f32 $-1.000000000e+00, v11  }
0xb4: {  	v10 =	vadd.f32 $1.000000000e+00, v10  }
0xb5: {  	v11 =	vadd.f32 $1.000000000e+00, v11  }
0xb6: {  	v10 =	vmul.f32 $1.280000000e+02, v10  }
0xb7: {  	v11 =	vmul.f32 $1.280000000e+02, v11  }
0xb8: {  	v10 =	vadd.f32 $-1.000000000e+00, v10  }
0xb9: {  	v11 =	vadd.f32 $-1.000000000e+00, v11  }
0xba: {  	v10 =	vmul.f32 $5.000000000e-01, v10  }
0xbb: {  	s2 =	sshll.u32 s2, $0x6;
	v11 =	vmul.f32 $5.000000000e-01, v11  }
0xbc: {  	s13 =	sor.u32 s5, s2;
	v12 =	vtrunc.f32 v10  }
0xbd: {  	v18 =	vmov s13;
	v13 =	vcvt.f32.s32 v12;
	v14 =	vtrunc.f32 v11  }
0xbe: {  	vm0 =	vlt.f32 v10, v12;
	v12 =	vcvt.f32.s32 v14;
	vm1 =	vlt.f32 v11, v14  }
0xbf: {  	v18 =	vand.u32 $0xFFFFC000, v18;
	v14 =	vsel vm0, $0xFFFFFFFF, v3;
	v15 =	vsel vm1, $0xFFFFFFFF, v3  }
0xc0: {  	v18 =	vbroadcast v18, $0x0;
	v13 =	vadd.s32 v13, v14;
	v12 =	vadd.s32 v12, v15  }
0xc1: {  	v14 =	vcvt.s32.f32 v13;
	v16 =	vadd.s32 $0x1, v13;
	vm14 =	vlt.u32 v13, $0x80  }
0xc2: {  	vm4 =	vgt.s32 v13, $0x0;
	v15 =	vcvt.s32.f32 v12;
	v17 =	vadd.s32 $0x1, v12  }
0xc3: {  	vm15 =	vlt.u32 v16, $0x80;
	v13 =	vnsel vm4, $0x0, v13;
	vm5 =	vgt.s32 v12, $0x0  }
0xc4: {  	vm7 =	vgt.s32 v16, $0x0;
	vm8 =	vlt.u32 v12, $0x80;
	v10 =	vsub.f32 v10, v14  }
0xc5: {  	v13 =	vmin.u32 v13, $0x7F;
	v19 =	vnsel vm5, $0x0, v12;
	vm6 =	vgt.s32 v17, $0x0  }
0xc6: {  	v16 =	vnsel vm7, $0x0, v16;
	v11 =	vsub.f32 v11, v15;
	v19 =	vmin.u32 v19, $0x7F  }
0xc7: {  	v20 =	vnsel vm6, $0x0, v17;
	v16 =	vmin.u32 v16, $0x7F;
	v19 =	vshll.u32 v19, $0x7  }
0xc8: {  	v14 =	vsub.f32 $1.000000000e+00, v10;
	v20 =	vmin.u32 v20, $0x7F;
	v19 =	vor.u32 v18, v19  }
0xc9: {  	v15 =	vsub.f32 $1.000000000e+00, v11;
	v20 =	vshll.u32 v20, $0x7;
	v21 =	vor.u32 v13, v19  }
0xca: {  	vm9 =	vlt.u32 v17, $0x80;
	v12 =	vor.u32 v18, v20;
	v18 =	vor.u32 v16, v19;
	[tilespmem:$0x4200] =	vst v21  }
0xcb: {  	s4 =	sor.u32 $0x10, s2;
	v14 =	vnsel vm14, $0x0, v14;
	v15 =	vnsel vm8, $0x0, v15;
	[tilespmem:$0x4240] =	vst v18;
	v13 =	vor.u32 v13, v12  }
0xcc: {  	s8 =	sshll.u32 s4, $0x1;
	v10 =	vnsel vm15, $0x0, v10;
	v12 =	vor.u32 v16, v12;
	[tilespmem:$0x4280] =	vst v13;
	v13 =	vmul.f32 v15, v14  }
0xcd: {  	s19 =	sshllo.u32 s4, $0x1;
	v11 =	vnsel vm9, $0x0, v11;
	[tilespmem:$0x42C0] =	vst v12;
	v12 =	vmul.f32 v15, v10;
	v15 =	vor.u32 s8, v0  }
0xce: {  	v10 =	vmul.f32 v11, v10;
	[tilespmem:$0x4300] =	vst v13;
	v13 =	vmul.f32 v14, v11;
	v14 =	vor.u32 s19, v0  }
0xcf: {  	[tilespmem:$0x4340] =	vst v12  }
0xd0: {  	[tilespmem:$0x43C0] =	vst v10  }
0xd1: {  	[tilespmem:$0x4380] =	vst v13  }
0xd2: {  	v10 =	vld.idx.msk [tilespmem:v15+s0+$0x0], $0xffff  }
0xd3: {  	v11 =	vld.idx.msk [tilespmem:v14+s0+$0x0], $0xffff;
	_ =	sdelay $0x3  }
0xd4: {  	v10 =	vadd.f32 v10, v10  }
0xd5: {  	v11 =	vadd.f32 v11, v11  }
0xd6: {  	v10 =	vadd.f32 $-1.000000000e+00, v10  }
0xd7: {  	v11 =	vadd.f32 $-1.000000000e+00, v11  }
0xd8: {  	v10 =	vadd.f32 $1.000000000e+00, v10  }
0xd9: {  	v11 =	vadd.f32 $1.000000000e+00, v11  }
0xda: {  	v10 =	vmul.f32 $1.280000000e+02, v10  }
0xdb: {  	v11 =	vmul.f32 $1.280000000e+02, v11  }
0xdc: {  	v10 =	vadd.f32 $-1.000000000e+00, v10  }
0xdd: {  	v11 =	vadd.f32 $-1.000000000e+00, v11  }
0xde: {  	v10 =	vmul.f32 $5.000000000e-01, v10  }
0xdf: {  	v11 =	vmul.f32 $5.000000000e-01, v11  }
0xe0: {  	s4 =	sor.u32 s5, s4;
	v12 =	vtrunc.f32 v10  }
0xe1: {  	v18 =	vmov s4;
	v13 =	vcvt.f32.s32 v12;
	v14 =	vtrunc.f32 v11  }
0xe2: {  	vm10 =	vlt.f32 v10, v12;
	v12 =	vcvt.f32.s32 v14;
	vm11 =	vlt.f32 v11, v14  }
0xe3: {  	v18 =	vand.u32 $0xFFFFC000, v18;
	v14 =	vsel vm10, $0xFFFFFFFF, v3;
	v15 =	vsel vm11, $0xFFFFFFFF, v3  }
0xe4: {  	v18 =	vbroadcast v18, $0x0;
	v13 =	vadd.s32 v13, v14;
	v12 =	vadd.s32 v12, v15  }
0xe5: {  	v14 =	vcvt.s32.f32 v13;
	v16 =	vadd.s32 $0x1, v13;
	vm12 =	vlt.u32 v13, $0x80  }
0xe6: {  	vm14 =	vgt.s32 v13, $0x0;
	v15 =	vcvt.s32.f32 v12;
	v17 =	vadd.s32 $0x1, v12  }
0xe7: {  	vm13 =	vlt.u32 v16, $0x80;
	v13 =	vnsel vm14, $0x0, v13;
	vm15 =	vgt.s32 v12, $0x0  }
0xe8: {  	vm5 =	vgt.s32 v16, $0x0;
	vm6 =	vlt.u32 v12, $0x80;
	v10 =	vsub.f32 v10, v14  }
0xe9: {  	v13 =	vmin.u32 v13, $0x7F;
	v19 =	vnsel vm15, $0x0, v12;
	vm4 =	vgt.s32 v17, $0x0  }
0xea: {  	v16 =	vnsel vm5, $0x0, v16;
	v11 =	vsub.f32 v11, v15;
	v19 =	vmin.u32 v19, $0x7F  }
0xeb: {  	v20 =	vnsel vm4, $0x0, v17;
	v16 =	vmin.u32 v16, $0x7F;
	v19 =	vshll.u32 v19, $0x7  }
0xec: {  	v14 =	vsub.f32 $1.000000000e+00, v10;
	v20 =	vmin.u32 v20, $0x7F;
	v19 =	vor.u32 v18, v19  }
0xed: {  	v15 =	vsub.f32 $1.000000000e+00, v11;
	v20 =	vshll.u32 v20, $0x7;
	v21 =	vor.u32 v13, v19  }
0xee: {  	vm7 =	vlt.u32 v17, $0x80;
	v12 =	vor.u32 v18, v20;
	v18 =	vor.u32 v16, v19;
	[tilespmem:$0x4210] =	vst v21  }
0xef: {  	s20 =	sor.u32 $0x20, s2;
	v14 =	vnsel vm12, $0x0, v14;
	v15 =	vnsel vm6, $0x0, v15;
	[tilespmem:$0x4250] =	vst v18;
	v13 =	vor.u32 v13, v12  }
0xf0: {  	s21 =	sshll.u32 s20, $0x1;
	v10 =	vnsel vm13, $0x0, v10;
	v12 =	vor.u32 v16, v12;
	[tilespmem:$0x4290] =	vst v13;
	v13 =	vmul.f32 v15, v14  }
0xf1: {  	s22 =	sshllo.u32 s20, $0x1;
	v11 =	vnsel vm7, $0x0, v11;
	[tilespmem:$0x42D0] =	vst v12;
	v12 =	vmul.f32 v15, v10;
	v15 =	vor.u32 s21, v0  }
0xf2: {  	v10 =	vmul.f32 v11, v10;
	[tilespmem:$0x4310] =	vst v13;
	v13 =	vmul.f32 v14, v11;
	v14 =	vor.u32 s22, v0  }
0xf3: {  	[tilespmem:$0x4350] =	vst v12  }
0xf4: {  	[tilespmem:$0x43D0] =	vst v10  }
0xf5: {  	[tilespmem:$0x4390] =	vst v13  }
0xf6: {  	v10 =	vld.idx.msk [tilespmem:v15+s0+$0x0], $0xffff  }
0xf7: {  	v11 =	vld.idx.msk [tilespmem:v14+s0+$0x0], $0xffff;
	_ =	sdelay $0x3  }
0xf8: {  	v10 =	vadd.f32 v10, v10  }
0xf9: {  	v11 =	vadd.f32 v11, v11  }
0xfa: {  	v10 =	vadd.f32 $-1.000000000e+00, v10  }
0xfb: {  	v11 =	vadd.f32 $-1.000000000e+00, v11  }
0xfc: {  	v10 =	vadd.f32 $1.000000000e+00, v10  }
0xfd: {  	v11 =	vadd.f32 $1.000000000e+00, v11  }
0xfe: {  	v10 =	vmul.f32 $1.280000000e+02, v10  }
0xff: {  	v11 =	vmul.f32 $1.280000000e+02, v11  }
0x100: {  	v10 =	vadd.f32 $-1.000000000e+00, v10  }
0x101: {  	v11 =	vadd.f32 $-1.000000000e+00, v11  }
0x102: {  	v10 =	vmul.f32 $5.000000000e-01, v10  }
0x103: {  	v11 =	vmul.f32 $5.000000000e-01, v11  }
0x104: {  	s4 =	sor.u32 s5, s20;
	v12 =	vtrunc.f32 v10  }
0x105: {  	v18 =	vmov s4;
	v13 =	vcvt.f32.s32 v12;
	v14 =	vtrunc.f32 v11  }
0x106: {  	vm8 =	vlt.f32 v10, v12;
	v12 =	vcvt.f32.s32 v14;
	vm9 =	vlt.f32 v11, v14  }
0x107: {  	v18 =	vand.u32 $0xFFFFC000, v18;
	v14 =	vsel vm8, $0xFFFFFFFF, v3;
	v15 =	vsel vm9, $0xFFFFFFFF, v3  }
0x108: {  	v18 =	vbroadcast v18, $0x0;
	v13 =	vadd.s32 v13, v14;
	v12 =	vadd.s32 v12, v15  }
0x109: {  	v14 =	vcvt.s32.f32 v13;
	v16 =	vadd.s32 $0x1, v13;
	vm10 =	vlt.u32 v13, $0x80  }
0x10a: {  	vm12 =	vgt.s32 v13, $0x0;
	v15 =	vcvt.s32.f32 v12;
	v17 =	vadd.s32 $0x1, v12  }
0x10b: {  	vm11 =	vlt.u32 v16, $0x80;
	v13 =	vnsel vm12, $0x0, v13;
	vm13 =	vgt.s32 v12, $0x0  }
0x10c: {  	vm15 =	vgt.s32 v16, $0x0;
	vm4 =	vlt.u32 v12, $0x80;
	v10 =	vsub.f32 v10, v14  }
0x10d: {  	v13 =	vmin.u32 v13, $0x7F;
	v19 =	vnsel vm13, $0x0, v12;
	vm14 =	vgt.s32 v17, $0x0  }
0x10e: {  	v16 =	vnsel vm15, $0x0, v16;
	v11 =	vsub.f32 v11, v15;
	v19 =	vmin.u32 v19, $0x7F  }
0x10f: {  	v20 =	vnsel vm14, $0x0, v17;
	v16 =	vmin.u32 v16, $0x7F;
	v19 =	vshll.u32 v19, $0x7  }
0x110: {  	v14 =	vsub.f32 $1.000000000e+00, v10;
	v20 =	vmin.u32 v20, $0x7F;
	v19 =	vor.u32 v18, v19  }
0x111: {  	v15 =	vsub.f32 $1.000000000e+00, v11;
	v20 =	vshll.u32 v20, $0x7;
	v21 =	vor.u32 v13, v19  }
0x112: {  	vm5 =	vlt.u32 v17, $0x80;
	v12 =	vor.u32 v18, v20;
	v18 =	vor.u32 v16, v19;
	[tilespmem:$0x4220] =	vst v21  }
0x113: {  	s2 =	sor.u32 $0x30, s2;
	v14 =	vnsel vm10, $0x0, v14;
	v15 =	vnsel vm4, $0x0, v15;
	[tilespmem:$0x4260] =	vst v18;
	v13 =	vor.u32 v13, v12  }
0x114: {  	s23 =	sshll.u32 s2, $0x1;
	v10 =	vnsel vm11, $0x0, v10;
	v12 =	vor.u32 v16, v12;
	[tilespmem:$0x42A0] =	vst v13;
	v13 =	vmul.f32 v15, v14  }
0x115: {  	s24 =	sshllo.u32 s2, $0x1;
	v11 =	vnsel vm5, $0x0, v11;
	[tilespmem:$0x42E0] =	vst v12;
	v12 =	vmul.f32 v15, v10;
	v15 =	vor.u32 s23, v0  }
0x116: {  	v10 =	vmul.f32 v11, v10;
	[tilespmem:$0x4320] =	vst v13;
	v13 =	vmul.f32 v14, v11;
	v14 =	vor.u32 s24, v0  }
0x117: {  	[tilespmem:$0x4360] =	vst v12  }
0x118: {  	[tilespmem:$0x43E0] =	vst v10  }
0x119: {  	[tilespmem:$0x43A0] =	vst v13  }
0x11a: {  	v10 =	vld.idx.msk [tilespmem:v15+s0+$0x0], $0xffff  }
0x11b: {  	v11 =	vld.idx.msk [tilespmem:v14+s0+$0x0], $0xffff;
	_ =	sdelay $0x3  }
0x11c: {  	v10 =	vadd.f32 v10, v10  }
0x11d: {  	v11 =	vadd.f32 v11, v11  }
0x11e: {  	v10 =	vadd.f32 $-1.000000000e+00, v10  }
0x11f: {  	v11 =	vadd.f32 $-1.000000000e+00, v11  }
0x120: {  	v10 =	vadd.f32 $1.000000000e+00, v10  }
0x121: {  	v11 =	vadd.f32 $1.000000000e+00, v11  }
0x122: {  	v10 =	vmul.f32 $1.280000000e+02, v10  }
0x123: {  	v11 =	vmul.f32 $1.280000000e+02, v11  }
0x124: {  	v10 =	vadd.f32 $-1.000000000e+00, v10  }
0x125: {  	v11 =	vadd.f32 $-1.000000000e+00, v11  }
0x126: {  	v10 =	vmul.f32 $5.000000000e-01, v10  }
0x127: {  	v11 =	vmul.f32 $5.000000000e-01, v11  }
0x128: {  	s2 =	sor.u32 s5, s2;
	v12 =	vtrunc.f32 v10  }
0x129: {  	v18 =	vmov s2;
	v13 =	vcvt.f32.s32 v12;
	v14 =	vtrunc.f32 v11  }
0x12a: {  	vm6 =	vlt.f32 v10, v12;
	v12 =	vcvt.f32.s32 v14;
	vm7 =	vlt.f32 v11, v14  }
0x12b: {  	v18 =	vand.u32 $0xFFFFC000, v18;
	v14 =	vsel vm6, $0xFFFFFFFF, v3;
	v15 =	vsel vm7, $0xFFFFFFFF, v3  }
0x12c: {  	v18 =	vbroadcast v18, $0x0;
	v13 =	vadd.s32 v13, v14;
	v12 =	vadd.s32 v12, v15  }
0x12d: {  	v14 =	vcvt.s32.f32 v13;
	v16 =	vadd.s32 $0x1, v13;
	vm8 =	vlt.u32 v13, $0x80  }
0x12e: {  	vm10 =	vgt.s32 v13, $0x0;
	v15 =	vcvt.s32.f32 v12;
	v17 =	vadd.s32 $0x1, v12  }
0x12f: {  	vm9 =	vlt.u32 v16, $0x80;
	v13 =	vnsel vm10, $0x0, v13;
	vm11 =	vgt.s32 v12, $0x0  }
0x130: {  	vm13 =	vgt.s32 v16, $0x0;
	vm14 =	vlt.u32 v12, $0x80;
	v10 =	vsub.f32 v10, v14  }
0x131: {  	v13 =	vmin.u32 v13, $0x7F;
	v19 =	vnsel vm11, $0x0, v12;
	vm12 =	vgt.s32 v17, $0x0  }
0x132: {  	v16 =	vnsel vm13, $0x0, v16;
	v11 =	vsub.f32 v11, v15;
	v19 =	vmin.u32 v19, $0x7F  }
0x133: {  	v20 =	vnsel vm12, $0x0, v17;
	v16 =	vmin.u32 v16, $0x7F;
	v19 =	vshll.u32 v19, $0x7  }
0x134: {  	v14 =	vsub.f32 $1.000000000e+00, v10;
	v20 =	vmin.u32 v20, $0x7F;
	v19 =	vor.u32 v18, v19  }
0x135: {  	v15 =	vsub.f32 $1.000000000e+00, v11;
	v20 =	vshll.u32 v20, $0x7;
	v21 =	vor.u32 v13, v19  }
0x136: {  	vm15 =	vlt.u32 v17, $0x80;
	v12 =	vor.u32 v18, v20;
	v18 =	vor.u32 v16, v19;
	[tilespmem:$0x4230] =	vst v21  }
0x137: {  	v14 =	vnsel vm8, $0x0, v14;
	v15 =	vnsel vm14, $0x0, v15;
	[tilespmem:$0x4270] =	vst v18;
	v13 =	vor.u32 v13, v12  }
0x138: {  	v10 =	vnsel vm9, $0x0, v10;
	v12 =	vor.u32 v16, v12;
	[tilespmem:$0x42B0] =	vst v13;
	v13 =	vmul.f32 v15, v14  }
0x139: {  	v11 =	vnsel vm15, $0x0, v11;
	[tilespmem:$0x42F0] =	vst v12;
	v12 =	vmul.f32 v15, v10  }
0x13a: {  	v10 =	vmul.f32 v11, v10;
	[tilespmem:$0x4330] =	vst v13  }
0x13b: {  	v13 =	vmul.f32 v14, v11;
	[tilespmem:$0x4370] =	vst v12  }
0x13c: {  	s25 =	rddreg [dreg:$0x0];
	[tilespmem:$0x43F0] =	vst v10  }
0x13d: {  	s3 =	simm.s32 $0x40;
	s9 =	simm.s32 $0x4200;
	s14 =	simm.s32 $0xA400;
	[tilespmem:$0x43B0] =	vst v13  }
0x13e: {  	[tilespmem:s14], [sflag:$0x2] =	stream.indirect.gather [hbm4b:s25+s3], $0x60, s9, s3, $0xb8;
	[tilespmem:$0x11C00] =	vst v63  }
0x13f: {  	s15 =	simm.s32 $0x4240;
	s16 =	simm.s32 $0xBC00  }
0x140: {  	[tilespmem:s16], [sflag:$0x2] =	stream.indirect.gather [hbm4b:s25+s3], $0x60, s15, s3, $0xb8;
	[tilespmem:$0x11C00] =	vst v63  }
0x141: {  	s17 =	simm.s32 $0x4280;
	s18 =	simm.s32 $0xD400  }
0x142: {  	[tilespmem:s18], [sflag:$0x2] =	stream.indirect.gather [hbm4b:s25+s3], $0x60, s17, s3, $0xb8;
	[tilespmem:$0x11C00] =	vst v63  }
0x143: {  	s20 =	simm.s32 $0xEC00;
	s19 =	simm.s32 $0x42C0  }
0x144: {  	[tilespmem:s20], [sflag:$0x2] =	stream.indirect.gather [hbm4b:s25+s3], $0x60, s19, s3, $0xb8;
	[tilespmem:$0x11C00] =	vst v63  }
0x145: {  	_ =	swait.ge [sflag:s26], $0x1800  }
0x146: {  	[sflag:s26] =	ssyncset.done $0x0  }
0x147: {  	[sflag:s26] =	ssyncadd.s32 $0xFFFFE800  }
0x148: {  	_ =	swait.ge [sflag:s26], $0x1800  }
0x149: {  	[sflag:s26] =	ssyncset.done $0x0  }
0x14a: {  	[sflag:s26] =	ssyncadd.s32 $0xFFFFE800  }
0x14b: {  	_ =	swait.ge [sflag:s26], $0x1800  }
0x14c: {  	v10 =	vmov s0;
	[sflag:s26] =	ssyncset.done $0x0  }
0x14d: {  	v10 =	vand.u32 $0xFFFFFFFE, v10;
	[sflag:s26] =	ssyncadd.s32 $0xFFFFE800  }
0x14e: {  	v10 =	vbroadcast v10, $0x0;
	_ =	swait.ge [sflag:s26], $0x1800  }
0x14f: {  	[sflag:s26] =	ssyncset.done $0x0  }
0x150: {  	s18 =	simm.s32 $0x4460;
	[sflag:s26] =	ssyncadd.s32 $0xFFFFE800  }
0x151: {  	s15 =	simm.s32 $0x5C60;
	v11 =	vld [tilespmem:s18+$0xFFFFFFA0]  }
0x152: {  	s16 =	simm.s32 $0x7460;
	v12 =	vld [tilespmem:s15+$0xFFFFFFA0]  }
0x153: {  	v14 =	vld [tilespmem:s16+$0xFFFFFFA0]  }
0x154: {  	v24 =	vld.idx.msk [tilespmem:v10+s28+$0x0], $0xffff  }
0x155: {  	v28 =	vld.idx.msk [tilespmem:v10+s29+$0x0], $0xffff  }
0x156: {  	s21 =	simm.s32 $0x1;
	v26 =	vld.idx.msk [tilespmem:v10+s30+$0x0], $0xffff  }
0x157: {  	v15 =	vmov s21;
	s17 =	simm.s32 $0x8C60;
	v27 =	vld.idx.msk [tilespmem:v10+s31+$0x0], $0xffff  }
0x158: {  	v16 =	vld [tilespmem:s17+$0xFFFFFFA0];
	_ =	sdelay $0x3  }
0x159: {  	v10 =	vld.idx.msk [tilespmem:v15+s28+$0x0], $0xffff;
	v17 =	vmul.f32 v11, v24;
	v18 =	vmul.f32 v12, v28  }
0x15a: {  	v13 =	vld.idx.msk [tilespmem:v15+s29+$0x0], $0xffff;
	v14 =	vmul.f32 v14, v26;
	v16 =	vmul.f32 v16, v27  }
0x15b: {  	v11 =	vld.idx.msk [tilespmem:v15+s30+$0x0], $0xffff  }
0x15c: {  	v12 =	vld.idx.msk [tilespmem:v15+s31+$0x0], $0xffff;
	v15 =	vadd.f32 v18, v17;
	v14 =	vadd.f32 v16, v14  }
0x15d: {  	v16 =	vld [tilespmem:s18+$0x0]  }
0x15e: {  	v17 =	vld [tilespmem:s15+$0x0];
	v14 =	vadd.f32 v14, v15  }
0x15f: {  	s14 =	simm.s32 $0x10460;
	v18 =	vld [tilespmem:s17+$0x0]  }
0x160: {  	v15 =	vld [tilespmem:s16+$0x0];
	[tilespmem:s14+$0xFFFFFFA0] =	vst v14  }
0x161: {  	v14 =	vld [tilespmem:s18+$0xFFFFFFB0]  }
0x162: {  	v19 =	vld [tilespmem:s15+$0xFFFFFFB0]  }
0x163: {  	v20 =	vld [tilespmem:s16+$0xFFFFFFB0]  }
0x164: {  	v16 =	vmul.f32 v16, v10;
	v17 =	vmul.f32 v17, v13;
	v21 =	vld [tilespmem:s17+$0xFFFFFFB0]  }
0x165: {  	v18 =	vmul.f32 v18, v12;
	v15 =	vmul.f32 v15, v11;
	_ =	sdelay $0x1  }
0x166: {  	v16 =	vadd.f32 v17, v16;
	v15 =	vadd.f32 v18, v15  }
0x167: {  	v14 =	vmul.f32 v14, v24;
	v17 =	vmul.f32 v19, v28  }
0x168: {  	v18 =	vmul.f32 v21, v27;
	v15 =	vadd.f32 v15, v16;
	v16 =	vmul.f32 v20, v26;
	_ =	sdelay $0x1  }
0x169: {  	v14 =	vadd.f32 v17, v14;
	[tilespmem:s14+$0x0] =	vst v15;
	v15 =	vadd.f32 v18, v16  }
0x16a: {  	v16 =	vld [tilespmem:s18+$0x10]  }
0x16b: {  	v17 =	vld [tilespmem:s15+$0x10];
	v14 =	vadd.f32 v15, v14  }
0x16c: {  	v18 =	vld [tilespmem:s17+$0x10]  }
0x16d: {  	v15 =	vld [tilespmem:s16+$0x10];
	[tilespmem:s14+$0xFFFFFFB0] =	vst v14  }
0x16e: {  	v14 =	vld [tilespmem:s18+$0xFFFFFFC0]  }
0x16f: {  	v19 =	vld [tilespmem:s15+$0xFFFFFFC0]  }
0x170: {  	v20 =	vld [tilespmem:s16+$0xFFFFFFC0]  }
0x171: {  	v21 =	vld [tilespmem:s17+$0xFFFFFFC0]  }
0x172: {  	v16 =	vmul.f32 v16, v10;
	v17 =	vmul.f32 v17, v13  }
0x173: {  	v18 =	vmul.f32 v18, v12;
	v15 =	vmul.f32 v15, v11  }
0x174: {  	v16 =	vadd.f32 v17, v16  }
0x175: {  	v15 =	vadd.f32 v18, v15;
	v17 =	vmul.f32 v14, v24;
	v18 =	vmul.f32 v19, v28  }
0x176: {  	s21 =	simm.s32 $0x4520;
	v19 =	vmul.f32 v20, v26;
	v20 =	vmul.f32 v21, v27  }
0x177: {  	s20 =	simm.s32 $0x5D20;
	v30 =	vld [tilespmem:s21+$0xFFFFFFA0];
	v16 =	vadd.f32 v15, v16  }
0x178: {  	s22 =	simm.s32 $0x3;
	s19 =	simm.s32 $0x7520;
	v31 =	vld [tilespmem:s20+$0xFFFFFFA0];
	v17 =	vadd.f32 v18, v17;
	v18 =	vadd.f32 v20, v19  }
0x179: {  	v22 =	vmov s22;
	s22 =	simm.s32 $0x8D20;
	v32 =	vld [tilespmem:s19+$0xFFFFFFA0]  }
0x17a: {  	v47 =	vld [tilespmem:s22+$0xFFFFFFA0];
	[tilespmem:s14+$0x10] =	vst v16;
	v16 =	vadd.f32 v18, v17  }
0x17b: {  	s23 =	simm.s32 $0x2;
	v49 =	vld [tilespmem:s21+$0x0]  }
0x17c: {  	v36 =	vld [tilespmem:s20+$0x0];
	[tilespmem:s14+$0xFFFFFFC0] =	vst v16;
	v16 =	vmov s23  }
0x17d: {  	v50 =	vld [tilespmem:s19+$0x0];
	v16 =	vand.u32 $0xFFFFFFFE, v16  }
0x17e: {  	v17 =	vld [tilespmem:s18+$0xFFFFFFD0];
	v16 =	vbroadcast v16, $0x0  }
0x17f: {  	v18 =	vld [tilespmem:s15+$0xFFFFFFD0]  }
0x180: {  	v20 =	vld [tilespmem:s17+$0xFFFFFFD0]  }
0x181: {  	v19 =	vld [tilespmem:s16+$0xFFFFFFD0]  }
0x182: {  	v51 =	vld [tilespmem:s22+$0x0]  }
0x183: {  	v14 =	vld.idx.msk [tilespmem:v22+s28+$0x0], $0xffff  }
0x184: {  	v21 =	vmul.f32 v18, v28;
	v18 =	vld.idx.msk [tilespmem:v16+s28+$0x0], $0xffff  }
0x185: {  	v17 =	vmul.f32 v17, v24;
	v34 =	vmul.f32 v20, v27;
	v20 =	vld.idx.msk [tilespmem:v16+s29+$0x0], $0xffff  }
0x186: {  	v33 =	vmul.f32 v19, v26;
	v19 =	vld.idx.msk [tilespmem:v16+s30+$0x0], $0xffff  }
0x187: {  	v17 =	vadd.f32 v21, v17;
	v21 =	vld.idx.msk [tilespmem:v16+s31+$0x0], $0xffff  }
0x188: {  	v15 =	vld.idx.msk [tilespmem:v22+s29+$0x0], $0xffff  }
0x189: {  	v23 =	vld [tilespmem:s18+$0x20]  }
0x18a: {  	v25 =	vld [tilespmem:s15+$0x20];
	v33 =	vadd.f32 v34, v33  }
0x18b: {  	v29 =	vld [tilespmem:s16+$0x20];
	v30 =	vmul.f32 v30, v18;
	v31 =	vmul.f32 v31, v20  }
0x18c: {  	v35 =	vld [tilespmem:s17+$0x20];
	v33 =	vadd.f32 v33, v17;
	v32 =	vmul.f32 v32, v19;
	v48 =	vmul.f32 v47, v21  }
0x18d: {  	v16 =	vld.idx.msk [tilespmem:v22+s30+$0x0], $0xffff  }
0x18e: {  	v17 =	vld.idx.msk [tilespmem:v22+s31+$0x0], $0xffff;
	[tilespmem:s14+$0xFFFFFFD0] =	vst v33;
	v30 =	vadd.f32 v31, v30;
	v31 =	vadd.f32 v48, v32  }
0x18f: {  	v22 =	vld [tilespmem:s18+$0xFFFFFFE0]  }
0x190: {  	v23 =	vmul.f32 v23, v10;
	v25 =	vmul.f32 v25, v13;
	v37 =	vld [tilespmem:s15+$0xFFFFFFE0];
	v30 =	vadd.f32 v31, v30  }
0x191: {  	s8 =	simm.s32 $0x10520;
	v29 =	vmul.f32 v29, v11;
	v52 =	vld [tilespmem:s16+$0xFFFFFFE0];
	v31 =	vmul.f32 v35, v12  }
0x192: {  	v23 =	vadd.f32 v25, v23;
	v25 =	vld [tilespmem:s17+$0xFFFFFFE0];
	[tilespmem:s8+$0xFFFFFFA0] =	vst v30  }
0x193: {  	v29 =	vadd.f32 v31, v29;
	v53 =	vld [tilespmem:s21+$0xFFFFFFB0]  }
0x194: {  	v30 =	vmul.f32 v49, v14;
	v31 =	vmul.f32 v36, v15;
	v54 =	vld [tilespmem:s20+$0xFFFFFFB0]  }
0x195: {  	v32 =	vmul.f32 v50, v16;
	v33 =	vmul.f32 v51, v17;
	v23 =	vadd.f32 v29, v23;
	v29 =	vld [tilespmem:s19+$0xFFFFFFB0]  }
0x196: {  	v30 =	vadd.f32 v31, v30;
	v31 =	vld [tilespmem:s22+$0xFFFFFFB0]  }
0x197: {  	s24 =	simm.s32 $0x5;
	v32 =	vadd.f32 v33, v32;
	[tilespmem:s14+$0x20] =	vst v23  }
0x198: {  	v63 =	vmov s24;
	v22 =	vmul.f32 v22, v24;
	v23 =	vmul.f32 v37, v28;
	v56 =	vld [tilespmem:s18+$0x30]  }
0x199: {  	v55 =	vmul.f32 v52, v26;
	v25 =	vmul.f32 v25, v27;
	v30 =	vadd.f32 v32, v30;
	v57 =	vld [tilespmem:s15+$0x30]  }
0x19a: {  	v62 =	vld [tilespmem:s17+$0x30];
	v22 =	vadd.f32 v23, v22;
	v58 =	vmul.f32 v53, v18;
	v59 =	vmul.f32 v54, v20  }
0x19b: {  	s24 =	simm.s32 $0x45E0;
	v23 =	vadd.f32 v25, v55;
	v25 =	vld [tilespmem:s16+$0x30];
	[tilespmem:s8+$0x0] =	vst v30;
	v29 =	vmul.f32 v29, v19;
	v30 =	vmul.f32 v31, v21  }
0x19c: {  	v54 =	vld [tilespmem:s24+$0xFFFFFFA0]  }
0x19d: {  	v31 =	vld [tilespmem:s21+$0x10];
	v33 =	vadd.f32 v59, v58;
	v29 =	vadd.f32 v30, v29  }
0x19e: {  	v22 =	vadd.f32 v23, v22;
	v23 =	vld [tilespmem:s20+$0x10]  }
0x19f: {  	v30 =	vld [tilespmem:s19+$0x10];
	v29 =	vadd.f32 v29, v33  }
0x1a0: {  	[tilespmem:s14+$0xFFFFFFE0] =	vst v22;
	v22 =	vld [tilespmem:s22+$0x10]  }
0x1a1: {  	v60 =	vld [tilespmem:s18+$0xFFFFFFF0];
	[tilespmem:s8+$0xFFFFFFB0] =	vst v29  }
0x1a2: {  	v29 =	vmul.f32 v31, v14;
	v31 =	vld [tilespmem:s21+$0xFFFFFFC0]  }
0x1a3: {  	v23 =	vmul.f32 v23, v15;
	v38 =	vld [tilespmem:s20+$0xFFFFFFC0]  }
0x1a4: {  	v35 =	vmul.f32 v56, v10;
	v32 =	vmul.f32 v57, v13;
	v39 =	vld [tilespmem:s19+$0xFFFFFFC0]  }
0x1a5: {  	s0 =	simm.s32 $0x5DE0;
	v36 =	vmul.f32 v62, v12;
	v25 =	vmul.f32 v25, v11;
	v23 =	vadd.f32 v23, v29;
	v29 =	vld [tilespmem:s22+$0xFFFFFFC0]  }
0x1a6: {  	v56 =	vld [tilespmem:s0+$0xFFFFFFA0]  }
0x1a7: {  	v61 =	vld [tilespmem:s15+$0xFFFFFFF0];
	v32 =	vadd.f32 v32, v35;
	v25 =	vadd.f32 v36, v25;
	v30 =	vmul.f32 v30, v16  }
0x1a8: {  	v40 =	vld [tilespmem:s17+$0xFFFFFFF0];
	v22 =	vmul.f32 v22, v17;
	v34 =	vmul.f32 v60, v24  }
0x1a9: {  	s2 =	simm.s32 $0x8DE0;
	v25 =	vadd.f32 v25, v32;
	v24 =	vld.idx.msk [tilespmem:v63+s31+$0x0], $0xffff;
	v31 =	vmul.f32 v31, v18;
	v46 =	vmul.f32 v38, v20  }
0x1aa: {  	v60 =	vld [tilespmem:s2+$0xFFFFFFA0];
	v47 =	vmul.f32 v39, v19;
	v29 =	vmul.f32 v29, v21  }
0x1ab: {  	v22 =	vadd.f32 v22, v30;
	v30 =	vld [tilespmem:s16+$0xFFFFFFF0];
	[tilespmem:s14+$0x30] =	vst v25  }
0x1ac: {  	v52 =	vld [tilespmem:s15+$0x40];
	v31 =	vadd.f32 v46, v31;
	v29 =	vadd.f32 v29, v47  }
0x1ad: {  	v53 =	vld [tilespmem:s16+$0x40]  }
0x1ae: {  	v41 =	vadd.f32 v22, v23;
	v23 =	vld.idx.msk [tilespmem:v63+s28+$0x0], $0xffff;
	v25 =	vadd.f32 v29, v31  }
0x1af: {  	v22 =	vld.idx.msk [tilespmem:v63+s29+$0x0], $0xffff  }
0x1b0: {  	v46 =	vld [tilespmem:s17+$0x40];
	[tilespmem:s8+$0xFFFFFFC0] =	vst v25  }
0x1b1: {  	v29 =	vld [tilespmem:s21+$0xFFFFFFD0]  }
0x1b2: {  	v42 =	vld [tilespmem:s20+$0xFFFFFFD0]  }
0x1b3: {  	s25 =	simm.s32 $0x4;
	v43 =	vld [tilespmem:s19+$0xFFFFFFD0]  }
0x1b4: {  	[tilespmem:s8+$0x10] =	vst v41;
	v25 =	vmov s25;
	v44 =	vld [tilespmem:s22+$0xFFFFFFD0]  }
0x1b5: {  	v48 =	vld [tilespmem:s21+$0x20];
	v25 =	vand.u32 $0xFFFFFFFE, v25  }
0x1b6: {  	v49 =	vld [tilespmem:s20+$0x20];
	v45 =	vbroadcast v25, $0x0  }
0x1b7: {  	v28 =	vmul.f32 v61, v28;
	v50 =	vld [tilespmem:s19+$0x20]  }
0x1b8: {  	v51 =	vld [tilespmem:s22+$0x20];
	v29 =	vmul.f32 v29, v18;
	v55 =	vmul.f32 v42, v20  }
0x1b9: {  	v31 =	vld [tilespmem:s18+$0x40];
	s25 =	simm.s32 $0x75E0;
	v43 =	vmul.f32 v43, v19;
	v44 =	vmul.f32 v44, v21  }
0x1ba: {  	v27 =	vmul.f32 v40, v27;
	v34 =	vadd.f32 v28, v34;
	v30 =	vmul.f32 v30, v26;
	v57 =	vld [tilespmem:s25+$0xFFFFFFA0]  }
0x1bb: {  	v25 =	vld.idx.msk [tilespmem:v63+s30+$0x0], $0xffff;
	v28 =	vadd.f32 v55, v29;
	v58 =	vadd.f32 v44, v43  }
0x1bc: {  	v39 =	vmul.f32 v52, v13;
	v41 =	vmul.f32 v53, v11;
	v30 =	vadd.f32 v27, v30;
	v26 =	vld.idx.msk [tilespmem:v45+s28+$0x0], $0xffff  }
0x1bd: {  	v59 =	vmul.f32 v46, v12;
	v38 =	vmul.f32 v48, v14;
	v29 =	vld.idx.msk [tilespmem:v45+s29+$0x0], $0xffff;
	v33 =	vadd.f32 v58, v28  }
0x1be: {  	v34 =	vadd.f32 v30, v34;
	v32 =	vmul.f32 v49, v15;
	v31 =	vmul.f32 v31, v10;
	v27 =	vld.idx.msk [tilespmem:v45+s30+$0x0], $0xffff  }
0x1bf: {  	v35 =	vmul.f32 v50, v16;
	v36 =	vmul.f32 v51, v17;
	v28 =	vld.idx.msk [tilespmem:v45+s31+$0x0], $0xffff;
	[tilespmem:s8+$0xFFFFFFD0] =	vst v33  }
0x1c0: {  	v63 =	vadd.f32 v59, v41;
	v62 =	vadd.f32 v39, v31;
	v30 =	vld [tilespmem:s21+$0xFFFFFFE0]  }
0x1c1: {  	v61 =	vadd.f32 v32, v38;
	v35 =	vadd.f32 v36, v35;
	v32 =	vld [tilespmem:s20+$0xFFFFFFE0]  }
0x1c2: {  	v38 =	vadd.f32 v63, v62;
	v31 =	vld [tilespmem:s19+$0xFFFFFFE0]  }
0x1c3: {  	[tilespmem:s14+$0xFFFFFFF0] =	vst v34;
	v35 =	vadd.f32 v35, v61;
	v33 =	vld [tilespmem:s22+$0xFFFFFFE0];
	v36 =	vmul.f32 v54, v26;
	v37 =	vmul.f32 v56, v29  }
0x1c4: {  	v34 =	vld [tilespmem:s24+$0x0];
	[tilespmem:s14+$0x40] =	vst v38;
	v38 =	vmul.f32 v57, v27;
	v39 =	vmul.f32 v60, v28  }
0x1c5: {  	s4 =	simm.s32 $0x10520;
	s9 =	simm.s32 $0x6;
	s23 =	sshll.u32 s12, $0x1;
	[tilespmem:s8+$0x20] =	vst v35;
	v35 =	vld [tilespmem:s0+$0x0]  }
.LBB2_3:
0x1c6: {  	p0 =	slt.u32 s9, $0x3E;
	v36 =	vadd.f32 v37, v36;
	v37 =	vadd.f32 v39, v38;
	v38 =	vld [tilespmem:s25+$0x0]  }
0x1c7: {  	v30 =	vmul.f32 v30, v18;
	v32 =	vmul.f32 v32, v20;
	v39 =	vld [tilespmem:s2+$0x0]  }
0x1c8: {  	v31 =	vmul.f32 v31, v19;
	v36 =	vadd.f32 v37, v36;
	v33 =	vmul.f32 v33, v21;
	v37 =	vld [tilespmem:s21+$0x30]  }
0x1c9: {  	s8 =	sadd.s32 $0xC0, s8;
	v34 =	vmul.f32 v34, v23;
	v40 =	vld [tilespmem:s20+$0x30]  }
0x1ca: {  	v30 =	vadd.f32 v32, v30;
	[tilespmem:s8+$0xFFFFFFA0] =	vst v36;
	v35 =	vmul.f32 v35, v22;
	v31 =	vadd.f32 v33, v31;
	v32 =	vld [tilespmem:s19+$0x30]  }
0x1cb: {  	v33 =	vld [tilespmem:s24+$0xFFFFFFB0];
	v36 =	vmul.f32 v38, v25  }
0x1cc: {  	v38 =	vld [tilespmem:s0+$0xFFFFFFB0];
	v34 =	vadd.f32 v35, v34;
	v35 =	vmul.f32 v39, v24;
	v30 =	vadd.f32 v31, v30  }
0x1cd: {  	v31 =	vld [tilespmem:s25+$0xFFFFFFB0];
	v37 =	vmul.f32 v37, v14  }
0x1ce: {  	v39 =	vld [tilespmem:s2+$0xFFFFFFB0];
	v35 =	vadd.f32 v35, v36;
	[tilespmem:s4+$0xFFFFFFE0] =	vst v30;
	v30 =	vmul.f32 v40, v15  }
0x1cf: {  	v36 =	vld [tilespmem:s21+$0xFFFFFFF0];
	v32 =	vmul.f32 v32, v16  }
0x1d0: {  	v34 =	vadd.f32 v35, v34;
	v35 =	vld [tilespmem:s20+$0xFFFFFFF0];
	v30 =	vadd.f32 v30, v37  }
0x1d1: {  	v37 =	vld [tilespmem:s19+$0xFFFFFFF0]  }
0x1d2: {  	v33 =	vmul.f32 v33, v26;
	v38 =	vmul.f32 v38, v29;
	[tilespmem:s8+$0x0] =	vst v34;
	v34 =	vld [tilespmem:s22+$0xFFFFFFF0]  }
0x1d3: {  	v31 =	vmul.f32 v31, v27;
	v39 =	vmul.f32 v39, v28;
	v40 =	vld [tilespmem:s24+$0x10]  }
0x1d4: {  	v41 =	vld [tilespmem:s0+$0x10]  }
0x1d5: {  	v33 =	vadd.f32 v38, v33;
	v31 =	vadd.f32 v39, v31;
	v38 =	vld [tilespmem:s25+$0x10]  }
0x1d6: {  	v36 =	vmul.f32 v36, v18;
	v18 =	vmovc v26;
	v35 =	vmul.f32 v35, v20;
	v20 =	vmov v29;
	v39 =	vld [tilespmem:s2+$0x10]  }
0x1d7: {  	v29 =	vmul.f32 v37, v19;
	v19 =	vmovc v27;
	v26 =	vadd.f32 v31, v33;
	v31 =	vmul.f32 v34, v21;
	v33 =	vld [tilespmem:s22+$0x30]  }
0x1d8: {  	v21 =	vmov v28;
	v27 =	vmul.f32 v40, v23;
	v34 =	vld [tilespmem:s18+$0x50];
	s18 =	smov.u32 s21;
	s21 =	smov.u32 s24  }
0x1d9: {  	s3 =	sadd.s32 $0x1, s9;
	v28 =	vadd.f32 v35, v36;
	[tilespmem:s8+$0xFFFFFFB0] =	vst v26;
	v26 =	vmul.f32 v41, v22;
	v29 =	vadd.f32 v31, v29;
	v31 =	vld [tilespmem:s15+$0x50];
	s15 =	smov.u32 s20;
	s20 =	smov.u32 s0  }
0x1da: {  	v35 =	vmov s3;
	v36 =	vld [tilespmem:s24+$0xFFFFFFC0];
	v37 =	vmul.f32 v38, v25  }
0x1db: {  	v38 =	vld [tilespmem:s0+$0xFFFFFFC0];
	v26 =	vadd.f32 v26, v27;
	v27 =	vmul.f32 v39, v24;
	v28 =	vadd.f32 v29, v28  }
0x1dc: {  	v29 =	vld [tilespmem:s25+$0xFFFFFFC0];
	v33 =	vmul.f32 v33, v17  }
0x1dd: {  	v39 =	vld [tilespmem:s2+$0xFFFFFFC0];
	v27 =	vadd.f32 v27, v37;
	[tilespmem:s4+$0xFFFFFFF0] =	vst v28;
	v28 =	vmul.f32 v34, v10;
	v10 =	vmovc v14;
	v14 =	vmov v23  }
0x1de: {  	v32 =	vadd.f32 v33, v32;
	v31 =	vmul.f32 v31, v13;
	v33 =	vld [tilespmem:s16+$0x50];
	v13 =	vmovc v15;
	v15 =	vmov v22;
	s16 =	smov.u32 s19;
	s19 =	smov.u32 s25  }
0x1df: {  	v26 =	vadd.f32 v27, v26;
	v27 =	vld [tilespmem:s17+$0x50];
	s17 =	smov.u32 s22;
	s22 =	smov.u32 s2  }
0x1e0: {  	v23 =	vld.idx.msk [tilespmem:v35+s28+$0x0], $0xffff;
	v30 =	vadd.f32 v32, v30;
	v28 =	vadd.f32 v31, v28  }
0x1e1: {  	v31 =	vmul.f32 v36, v18;
	v32 =	vmul.f32 v38, v20;
	v22 =	vld.idx.msk [tilespmem:v35+s29+$0x0], $0xffff;
	[tilespmem:s8+$0x10] =	vst v26  }
0x1e2: {  	v26 =	vmul.f32 v29, v19;
	v29 =	vmul.f32 v39, v21;
	v34 =	vld [tilespmem:s24+$0x20];
	[tilespmem:s4+$0x30] =	vst v30  }
0x1e3: {  	v30 =	vld [tilespmem:s0+$0x20];
	v33 =	vmul.f32 v33, v11;
	v11 =	vmov v16;
	v16 =	vmov v25  }
0x1e4: {  	v25 =	vadd.f32 v32, v31;
	v26 =	vadd.f32 v29, v26;
	v29 =	vld [tilespmem:s25+$0x20];
	v27 =	vmul.f32 v27, v12;
	v12 =	vmovc v17  }
0x1e5: {  	v17 =	vmov v24;
	v31 =	vld [tilespmem:s2+$0x20]  }
0x1e6: {  	v24 =	vadd.f32 v26, v25;
	v25 =	vld [tilespmem:s18+$0x40];
	v26 =	vadd.f32 v27, v33  }
0x1e7: {  	v27 =	vmul.f32 v34, v14;
	v32 =	vld [tilespmem:s15+$0x40]  }
0x1e8: {  	[tilespmem:s8+$0xFFFFFFC0] =	vst v24;
	v24 =	vmul.f32 v30, v15;
	v30 =	vld [tilespmem:s16+$0x40];
	v26 =	vadd.f32 v26, v28  }
0x1e9: {  	v28 =	vld [tilespmem:s24+$0xFFFFFFD0];
	v29 =	vmul.f32 v29, v16  }
0x1ea: {  	v33 =	vld [tilespmem:s0+$0xFFFFFFD0];
	v24 =	vadd.f32 v24, v27;
	v27 =	vmul.f32 v31, v17;
	[tilespmem:s14+$0x50] =	vst v26;
	s14 =	smov.u32 s4;
	s4 =	smov.u32 s8  }
0x1eb: {  	v26 =	vmov s9;
	v31 =	vld [tilespmem:s25+$0xFFFFFFD0];
	v34 =	vmul.f32 v25, v10  }
0x1ec: {  	v25 =	vand.u32 $0xFFFFFFFE, v26;
	v26 =	vld [tilespmem:s2+$0xFFFFFFD0];
	v27 =	vadd.f32 v27, v29;
	v29 =	vmul.f32 v32, v13  }
0x1ed: {  	v32 =	vbroadcast v25, $0x0;
	v30 =	vmul.f32 v30, v11;
	v36 =	vld [tilespmem:s17+$0x40]  }
0x1ee: {  	v25 =	vld.idx.msk [tilespmem:v35+s30+$0x0], $0xffff;
	v27 =	vadd.f32 v27, v24;
	v34 =	vadd.f32 v29, v34  }
0x1ef: {  	s24 =	sadd.s32 $0xC0, s24;
	v24 =	vld.idx.msk [tilespmem:v35+s31+$0x0], $0xffff  }
0x1f0: {  	s0 =	sadd.s32 $0xC0, s0;
	v28 =	vmul.f32 v28, v18;
	v29 =	vmul.f32 v33, v20;
	v35 =	vld [tilespmem:s24+$0xFFFFFFA0];
	[tilespmem:s8+$0x20] =	vst v27  }
0x1f1: {  	s25 =	sadd.s32 $0xC0, s25;
	v27 =	vmul.f32 v31, v19;
	v33 =	vld [tilespmem:s0+$0xFFFFFFA0];
	v31 =	vmul.f32 v26, v21  }
0x1f2: {  	v38 =	vld [tilespmem:s25+$0xFFFFFFA0];
	v36 =	vmul.f32 v36, v12  }
0x1f3: {  	v28 =	vadd.f32 v29, v28;
	v26 =	vld.idx.msk [tilespmem:v32+s28+$0x0], $0xffff;
	v31 =	vadd.f32 v31, v27  }
0x1f4: {  	v29 =	vld.idx.msk [tilespmem:v32+s29+$0x0], $0xffff;
	v30 =	vadd.f32 v36, v30  }
0x1f5: {  	v27 =	vld.idx.msk [tilespmem:v32+s30+$0x0], $0xffff;
	v31 =	vadd.f32 v31, v28  }
0x1f6: {  	s2 =	sadd.s32 $0xC0, s2;
	v28 =	vld.idx.msk [tilespmem:v32+s31+$0x0], $0xffff;
	v32 =	vadd.f32 v30, v34  }
0x1f7: {  	v34 =	vld [tilespmem:s2+$0xFFFFFFA0];
	[tilespmem:s8+$0xFFFFFFD0] =	vst v31  }
0x1f8: {  	v30 =	vld [tilespmem:s21+$0xFFFFFFE0];
	[tilespmem:s14+$0x40] =	vst v32  }
.Ltmp0:
0x1f9: {  	v32 =	vld [tilespmem:s20+$0xFFFFFFE0];
	(pc) =	sbr.rel @p0 .LBB2_3-.Ltmp0, $4  }
0x1fa: {  	v31 =	vld [tilespmem:s19+$0xFFFFFFE0]  }
0x1fb: {  	v36 =	vmul.f32 v35, v26;
	v37 =	vmul.f32 v33, v29;
	v33 =	vld [tilespmem:s22+$0xFFFFFFE0]  }
0x1fc: {  	v38 =	vmul.f32 v38, v27;
	v39 =	vmul.f32 v34, v28;
	v34 =	vld [tilespmem:s24+$0x0]  }
0x1fd: {  	s9 =	sadd.s32 $0x2, s9;
	v35 =	vld [tilespmem:s0+$0x0]  }
0x1fe: {  	v36 =	vadd.f32 v37, v36;
	v59 =	vadd.f32 v39, v38;
	v60 =	vld [tilespmem:s25+$0x0]  }
0x1ff: {  	v61 =	vld [tilespmem:s2+$0x0]  }
0x200: {  	v36 =	vadd.f32 v59, v36  }
0x201: {  	s8 =	sadd.s32 $0xC0, s8  }
0x202: {  	[tilespmem:s8+$0xFFFFFFA0] =	vst v36  }
0x203: {  	v34 =	vmul.f32 v34, v23;
	v35 =	vmul.f32 v35, v22;
	v36 =	vld [tilespmem:s24+$0xFFFFFFB0]  }
0x204: {  	v62 =	vmul.f32 v60, v25;
	v63 =	vld [tilespmem:s0+$0xFFFFFFB0];
	v39 =	vmul.f32 v61, v24  }
0x205: {  	v40 =	vld [tilespmem:s25+$0xFFFFFFB0]  }
0x206: {  	v42 =	vld [tilespmem:s2+$0xFFFFFFB0];
	v34 =	vadd.f32 v35, v34;
	v37 =	vadd.f32 v39, v62;
	_ =	sdelay $0x1  }
0x207: {  	v34 =	vadd.f32 v37, v34;
	_ =	sdelay $0x1  }
0x208: {  	v36 =	vmul.f32 v36, v26;
	v43 =	vmul.f32 v63, v29;
	[tilespmem:s8+$0x0] =	vst v34  }
0x209: {  	v44 =	vmul.f32 v40, v27;
	v35 =	vmul.f32 v42, v28;
	v45 =	vld [tilespmem:s24+$0x10]  }
0x20a: {  	v46 =	vld [tilespmem:s0+$0x10]  }
0x20b: {  	v36 =	vadd.f32 v43, v36;
	v34 =	vadd.f32 v35, v44;
	v47 =	vld [tilespmem:s25+$0x10]  }
0x20c: {  	v48 =	vld [tilespmem:s2+$0x10]  }
0x20d: {  	v34 =	vadd.f32 v34, v36;
	_ =	sdelay $0x1  }
0x20e: {  	[tilespmem:s8+$0xFFFFFFB0] =	vst v34  }
0x20f: {  	v49 =	vmul.f32 v45, v23;
	v50 =	vmul.f32 v46, v22;
	v51 =	vld [tilespmem:s24+$0xFFFFFFC0]  }
0x210: {  	v35 =	vmul.f32 v47, v25;
	v52 =	vld [tilespmem:s0+$0xFFFFFFC0];
	v37 =	vmul.f32 v48, v24  }
0x211: {  	v53 =	vld [tilespmem:s25+$0xFFFFFFC0]  }
0x212: {  	v54 =	vld [tilespmem:s2+$0xFFFFFFC0];
	v34 =	vadd.f32 v50, v49;
	v35 =	vadd.f32 v37, v35;
	_ =	sdelay $0x1  }
0x213: {  	v30 =	vmul.f32 v30, v18;
	v32 =	vmul.f32 v32, v20;
	v34 =	vadd.f32 v35, v34  }
0x214: {  	v31 =	vmul.f32 v31, v19;
	v33 =	vmul.f32 v33, v21  }
0x215: {  	v55 =	vmul.f32 v51, v26;
	v56 =	vmul.f32 v52, v29;
	[tilespmem:s8+$0x10] =	vst v34  }
0x216: {  	v57 =	vmul.f32 v53, v27;
	v36 =	vmul.f32 v54, v28;
	v58 =	vld [tilespmem:s24+$0x20]  }
0x217: {  	v30 =	vadd.f32 v32, v30;
	v31 =	vadd.f32 v33, v31;
	v59 =	vld [tilespmem:s0+$0x20]  }
0x218: {  	v35 =	vadd.f32 v56, v55;
	v34 =	vadd.f32 v36, v57;
	v60 =	vld [tilespmem:s25+$0x20]  }
0x219: {  	v30 =	vadd.f32 v31, v30;
	v61 =	vld [tilespmem:s2+$0x20]  }
0x21a: {  	v34 =	vadd.f32 v34, v35  }
0x21b: {  	v62 =	vld [tilespmem:s21+$0x30];
	[tilespmem:s4+$0xFFFFFFE0] =	vst v30  }
0x21c: {  	v30 =	vld [tilespmem:s21+$0xFFFFFFF0];
	[tilespmem:s8+$0xFFFFFFC0] =	vst v34  }
0x21d: {  	v44 =	vmul.f32 v58, v23;
	v45 =	vmul.f32 v59, v22;
	v34 =	vld [tilespmem:s24+$0xFFFFFFD0]  }
0x21e: {  	v36 =	vmul.f32 v60, v25;
	v46 =	vld [tilespmem:s0+$0xFFFFFFD0];
	v37 =	vmul.f32 v61, v24  }
0x21f: {  	v47 =	vld [tilespmem:s25+$0xFFFFFFD0]  }
0x220: {  	v48 =	vld [tilespmem:s2+$0xFFFFFFD0];
	v32 =	vadd.f32 v45, v44;
	v36 =	vadd.f32 v37, v36  }
0x221: {  	v63 =	vld [tilespmem:s20+$0x30]  }
0x222: {  	v42 =	vld [tilespmem:s19+$0xFFFFFFF0];
	v32 =	vadd.f32 v36, v32  }
0x223: {  	v50 =	vld [tilespmem:s22+$0x30]  }
0x224: {  	v49 =	vld [tilespmem:s19+$0x30];
	v34 =	vmul.f32 v34, v26;
	v38 =	vmul.f32 v46, v29;
	[tilespmem:s8+$0x20] =	vst v32  }
0x225: {  	v31 =	vmul.f32 v47, v27;
	v51 =	vmul.f32 v48, v28;
	v52 =	vld [tilespmem:s24+$0x30]  }
0x226: {  	v54 =	vmul.f32 v63, v15;
	v41 =	vld [tilespmem:s0+$0x30]  }
0x227: {  	v35 =	vmul.f32 v62, v14;
	v34 =	vadd.f32 v38, v34;
	v31 =	vadd.f32 v51, v31;
	v53 =	vld [tilespmem:s25+$0x30]  }
0x228: {  	v39 =	vmul.f32 v50, v17;
	v55 =	vld [tilespmem:s2+$0x30]  }
0x229: {  	v35 =	vadd.f32 v54, v35;
	v54 =	vld [tilespmem:s17+$0x50];
	v37 =	vmul.f32 v49, v16;
	v31 =	vadd.f32 v31, v34  }
0x22a: {  	v45 =	vld [tilespmem:s15+$0x50]  }
0x22b: {  	v36 =	vld [tilespmem:s20+$0xFFFFFFF0];
	v37 =	vadd.f32 v39, v37;
	[tilespmem:s8+$0xFFFFFFD0] =	vst v31  }
0x22c: {  	v31 =	vld [tilespmem:s24+$0xFFFFFFE0];
	v33 =	vmul.f32 v52, v23;
	v56 =	vmul.f32 v41, v22  }
0x22d: {  	v35 =	vadd.f32 v37, v35;
	v57 =	vld [tilespmem:s0+$0xFFFFFFE0];
	v32 =	vmul.f32 v53, v25;
	v40 =	vmul.f32 v55, v24  }
0x22e: {  	v58 =	vld [tilespmem:s25+$0xFFFFFFE0]  }
0x22f: {  	[tilespmem:s4+$0x30] =	vst v35;
	v59 =	vld [tilespmem:s2+$0xFFFFFFE0];
	v33 =	vadd.f32 v56, v33;
	v32 =	vadd.f32 v40, v32  }
0x230: {  	v60 =	vld [tilespmem:s21+$0x40]  }
0x231: {  	v61 =	vld [tilespmem:s20+$0x40];
	v32 =	vadd.f32 v32, v33  }
0x232: {  	v62 =	vld [tilespmem:s19+$0x40]  }
0x233: {  	v43 =	vld [tilespmem:s22+$0x40];
	v31 =	vmul.f32 v31, v26;
	v37 =	vmul.f32 v57, v29;
	[tilespmem:s8+$0x30] =	vst v32  }
0x234: {  	v63 =	vmul.f32 v58, v27;
	v35 =	vmul.f32 v59, v28;
	v48 =	vld [tilespmem:s24+$0x40]  }
0x235: {  	v44 =	vld [tilespmem:s0+$0x40]  }
0x236: {  	v31 =	vadd.f32 v37, v31;
	v32 =	vadd.f32 v35, v63;
	v49 =	vld [tilespmem:s25+$0x40]  }
0x237: {  	v50 =	vmul.f32 v60, v14;
	v51 =	vmul.f32 v61, v15;
	v52 =	vld [tilespmem:s2+$0x40]  }
0x238: {  	v38 =	vld [tilespmem:s18+$0x50];
	v43 =	vmul.f32 v43, v17;
	v33 =	vmul.f32 v62, v16;
	v31 =	vadd.f32 v32, v31  }
0x239: {  	v34 =	vld [tilespmem:s22+$0xFFFFFFF0]  }
0x23a: {  	v53 =	vld [tilespmem:s16+$0x50];
	v33 =	vadd.f32 v43, v33;
	v37 =	vadd.f32 v51, v50;
	[tilespmem:s8+$0xFFFFFFE0] =	vst v31  }
0x23b: {  	v31 =	vld [tilespmem:s24+$0xFFFFFFF0];
	v41 =	vmul.f32 v48, v23;
	v55 =	vmul.f32 v44, v22  }
0x23c: {  	v33 =	vadd.f32 v33, v37;
	v56 =	vld [tilespmem:s0+$0xFFFFFFF0];
	v35 =	vmul.f32 v49, v25;
	v40 =	vmul.f32 v52, v24  }
0x23d: {  	v57 =	vld [tilespmem:s25+$0xFFFFFFF0]  }
0x23e: {  	[tilespmem:s4+$0x40] =	vst v33;
	v59 =	vld [tilespmem:s2+$0xFFFFFFF0];
	v58 =	vadd.f32 v55, v41;
	v35 =	vadd.f32 v40, v35  }
0x23f: {  	v60 =	vld [tilespmem:s21+$0x50]  }
0x240: {  	v62 =	vmul.f32 v36, v20;
	v36 =	vld [tilespmem:s20+$0x50];
	v63 =	vadd.f32 v35, v58  }
0x241: {  	v12 =	vmul.f32 v54, v12;
	v46 =	vld [tilespmem:s19+$0x50]  }
0x242: {  	v13 =	vmul.f32 v45, v13;
	v10 =	vmul.f32 v38, v10;
	v47 =	vld [tilespmem:s22+$0x50];
	[tilespmem:s8+$0x40] =	vst v63  }
0x243: {  	v61 =	vmul.f32 v30, v18;
	v11 =	vmul.f32 v53, v11;
	v48 =	vld [tilespmem:s24+$0x50]  }
0x244: {  	v42 =	vmul.f32 v42, v19;
	v10 =	vadd.f32 v13, v10;
	v43 =	vmul.f32 v34, v21;
	v49 =	vld [tilespmem:s0+$0x50]  }
0x245: {  	v18 =	vadd.f32 v62, v61;
	v11 =	vadd.f32 v12, v11;
	v50 =	vld [tilespmem:s25+$0x50]  }
0x246: {  	v19 =	vadd.f32 v43, v42;
	v51 =	vmul.f32 v31, v26;
	v52 =	vmul.f32 v56, v29;
	v53 =	vld [tilespmem:s2+$0x50]  }
0x247: {  	v10 =	vadd.f32 v11, v10;
	v54 =	vmul.f32 v57, v27;
	v55 =	vmul.f32 v59, v28  }
0x248: {  	v18 =	vadd.f32 v19, v18;
	v56 =	vmul.f32 v60, v14;
	v57 =	vmul.f32 v36, v15  }
0x249: {  	v58 =	vmul.f32 v46, v16;
	v59 =	vmul.f32 v47, v17;
	v13 =	vadd.f32 v52, v51  }
0x24a: {  	v12 =	vadd.f32 v55, v54;
	v11 =	vmul.f32 v48, v23;
	v60 =	vmul.f32 v49, v22  }
0x24b: {  	v14 =	vadd.f32 v57, v56;
	v61 =	vmul.f32 v50, v25;
	v62 =	vmul.f32 v53, v24  }
0x24c: {  	v63 =	vadd.f32 v59, v58;
	v12 =	vadd.f32 v12, v13  }
0x24d: {  	[tilespmem:s14+$0x50] =	vst v10;
	v11 =	vadd.f32 v60, v11;
	v13 =	vadd.f32 v62, v61  }
0x24e: {  	[tilespmem:s4+$0xFFFFFFF0] =	vst v18;
	v10 =	vadd.f32 v63, v14  }
0x24f: {  	s20 =	sshll.u32 s12, $0x7;
	[tilespmem:s8+$0xFFFFFFF0] =	vst v12;
	v11 =	vadd.f32 v13, v11  }
0x250: {  	s0 =	sadd.s32 s5, s20;
	[tilespmem:s4+$0x50] =	vst v10  }
0x251: {  	p0 =	seq.s32 s12, $0x3F;
	s0 =	smul.u32 $0xC, s0;
	[tilespmem:s8+$0x50] =	vst v11  }
0x252: {  	s22 =	simm.s32 $0x10400;
	s25 =	simm.s32 $0x0;
	s21 =	rddreg [dreg:$0x3]  }
.Ltmp1:
0x253: {  	s24 =	simm.s32 $0x3;
	s0 =	sadd.s32 s21, s0;
	(pc) =	sbr.rel @p0 .LBB2_6-.Ltmp1, $4  }
0x254: {  	[hbm4b:s0+s25] =	stream.linear.scatter [tilespmem:s22], [sflag:$0x3], $0x1800, $0x38;
	[tilespmem:$0x11C00] =	vst v63  }
0x255: {  	_ =	swait.ge [sflag:s24], $0x1800  }
0x256: {  	[sflag:s24] =	ssyncset.done $0x0  }
0x257: {  	[sflag:s24] =	ssyncadd.s32 $0xFFFFE800  }
0x258: {  	s0 =	sadd.s32 $0x2, s23  }
0x259: {  	s2 =	sshll.u32 s0, $0x7  }
0x25a: {  	v10 =	vor.u32 s2, v0;
	s2 =	sor.u32 $0x1, s2  }
0x25b: {  	v11 =	vor.u32 s2, v0;
	_ =	sdelay $0x3  }
0x25c: {  	v10 =	vld.idx.msk [tilespmem:v10+s25+$0x0], $0xffff  }
0x25d: {  	v11 =	vld.idx.msk [tilespmem:v11+s25+$0x0], $0xffff;
	_ =	sdelay $0x3  }
0x25e: {  	v10 =	vadd.f32 v10, v10  }
0x25f: {  	v11 =	vadd.f32 v11, v11  }
0x260: {  	v10 =	vadd.f32 $-1.000000000e+00, v10  }
0x261: {  	v11 =	vadd.f32 $-1.000000000e+00, v11  }
0x262: {  	v10 =	vadd.f32 $1.000000000e+00, v10  }
0x263: {  	v11 =	vadd.f32 $1.000000000e+00, v11  }
0x264: {  	v10 =	vmul.f32 $1.280000000e+02, v10  }
0x265: {  	v11 =	vmul.f32 $1.280000000e+02, v11  }
0x266: {  	v10 =	vadd.f32 $-1.000000000e+00, v10  }
0x267: {  	v11 =	vadd.f32 $-1.000000000e+00, v11  }
0x268: {  	v10 =	vmul.f32 $5.000000000e-01, v10  }
0x269: {  	s0 =	sshll.u32 s0, $0x6;
	v11 =	vmul.f32 $5.000000000e-01, v11  }
0x26a: {  	s22 =	sadd.s32 s5, s0;
	v12 =	vtrunc.f32 v10  }
0x26b: {  	v18 =	vmov s22;
	v13 =	vcvt.f32.s32 v12;
	v14 =	vtrunc.f32 v11  }
0x26c: {  	vm0 =	vlt.f32 v10, v12;
	v42 =	vcvt.f32.s32 v14;
	vm1 =	vlt.f32 v11, v14  }
0x26d: {  	v18 =	vand.u32 $0xFFFFC000, v18;
	v43 =	vsel vm0, $0xFFFFFFFF, v3;
	v15 =	vsel vm1, $0xFFFFFFFF, v3  }
0x26e: {  	v18 =	vbroadcast v18, $0x0;
	v13 =	vadd.s32 v13, v43;
	v12 =	vadd.s32 v42, v15  }
0x26f: {  	v14 =	vcvt.s32.f32 v13;
	v16 =	vadd.s32 $0x1, v13;
	vm14 =	vlt.u32 v13, $0x80  }
0x270: {  	vm4 =	vgt.s32 v13, $0x0;
	v15 =	vcvt.s32.f32 v12;
	v17 =	vadd.s32 $0x1, v12  }
0x271: {  	vm15 =	vlt.u32 v16, $0x80;
	v13 =	vnsel vm4, $0x0, v13;
	vm5 =	vgt.s32 v12, $0x0  }
0x272: {  	vm7 =	vgt.s32 v16, $0x0;
	vm8 =	vlt.u32 v12, $0x80;
	v10 =	vsub.f32 v10, v14  }
0x273: {  	v13 =	vmin.u32 v13, $0x7F;
	v19 =	vnsel vm5, $0x0, v12;
	vm6 =	vgt.s32 v17, $0x0  }
0x274: {  	v16 =	vnsel vm7, $0x0, v16;
	vm9 =	vlt.u32 v17, $0x80;
	v19 =	vmin.u32 v19, $0x7F  }
0x275: {  	v11 =	vsub.f32 v11, v15;
	v20 =	vnsel vm6, $0x0, v17;
	v19 =	vshll.u32 v19, $0x7  }
0x276: {  	v16 =	vmin.u32 v16, $0x7F;
	v20 =	vmin.u32 v20, $0x7F;
	v19 =	vor.u32 v18, v19  }
0x277: {  	v14 =	vsub.f32 $1.000000000e+00, v10;
	v20 =	vshll.u32 v20, $0x7;
	v21 =	vor.u32 v13, v19  }
0x278: {  	v15 =	vsub.f32 $1.000000000e+00, v11;
	v44 =	vor.u32 v18, v20;
	v45 =	vor.u32 v16, v19;
	[tilespmem:$0x4000] =	vst v21  }
0x279: {  	s23 =	sor.u32 $0x10, s0;
	v11 =	vnsel vm9, $0x0, v11;
	v14 =	vnsel vm14, $0x0, v14;
	[tilespmem:$0x4040] =	vst v45;
	v13 =	vor.u32 v13, v44  }
0x27a: {  	s3 =	sshll.u32 s23, $0x1;
	v15 =	vnsel vm8, $0x0, v15;
	v12 =	vor.u32 v16, v44;
	v49 =	vmul.f32 v14, v11;
	[tilespmem:$0x4080] =	vst v13  }
0x27b: {  	s24 =	sshllo.u32 s23, $0x1;
	v48 =	vor.u32 s3, v0;
	v10 =	vnsel vm15, $0x0, v10;
	v46 =	vmul.f32 v15, v14;
	[tilespmem:$0x40C0] =	vst v12  }
0x27c: {  	v50 =	vor.u32 s24, v0;
	v47 =	vmul.f32 v15, v10;
	[tilespmem:$0x4180] =	vst v49  }
0x27d: {  	v10 =	vmul.f32 v11, v10;
	[tilespmem:$0x4100] =	vst v46  }
0x27e: {  	[tilespmem:$0x4140] =	vst v47  }
0x27f: {  	[tilespmem:$0x41C0] =	vst v10  }
0x280: {  	v10 =	vld.idx.msk [tilespmem:v48+s25+$0x0], $0xffff  }
0x281: {  	v11 =	vld.idx.msk [tilespmem:v50+s25+$0x0], $0xffff;
	_ =	sdelay $0x3  }
0x282: {  	v10 =	vadd.f32 v10, v10  }
0x283: {  	v11 =	vadd.f32 v11, v11  }
0x284: {  	v10 =	vadd.f32 $-1.000000000e+00, v10  }
0x285: {  	v11 =	vadd.f32 $-1.000000000e+00, v11  }
0x286: {  	v10 =	vadd.f32 $1.000000000e+00, v10  }
0x287: {  	v11 =	vadd.f32 $1.000000000e+00, v11  }
0x288: {  	v10 =	vmul.f32 $1.280000000e+02, v10  }
0x289: {  	v11 =	vmul.f32 $1.280000000e+02, v11  }
0x28a: {  	v10 =	vadd.f32 $-1.000000000e+00, v10  }
0x28b: {  	v11 =	vadd.f32 $-1.000000000e+00, v11  }
0x28c: {  	v10 =	vmul.f32 $5.000000000e-01, v10  }
0x28d: {  	v11 =	vmul.f32 $5.000000000e-01, v11  }
0x28e: {  	s2 =	sadd.s32 s5, s23;
	v51 =	vtrunc.f32 v10  }
0x28f: {  	v59 =	vmov s2;
	v53 =	vtrunc.f32 v11;
	v52 =	vcvt.f32.s32 v51  }
0x290: {  	vm10 =	vlt.f32 v10, v51;
	v54 =	vcvt.f32.s32 v53;
	vm11 =	vlt.f32 v11, v53  }
0x291: {  	v18 =	vand.u32 $0xFFFFC000, v59;
	v55 =	vsel vm10, $0xFFFFFFFF, v3;
	v56 =	vsel vm11, $0xFFFFFFFF, v3  }
0x292: {  	v18 =	vbroadcast v18, $0x0;
	v13 =	vadd.s32 v52, v55;
	v12 =	vadd.s32 v54, v56  }
0x293: {  	v14 =	vcvt.s32.f32 v13;
	v15 =	vcvt.s32.f32 v12;
	v57 =	vadd.s32 $0x1, v13  }
0x294: {  	v58 =	vadd.s32 $0x1, v12;
	vm12 =	vlt.u32 v13, $0x80;
	vm14 =	vgt.s32 v13, $0x0  }
0x295: {  	vm15 =	vgt.s32 v12, $0x0;
	vm6 =	vlt.u32 v12, $0x80;
	vm13 =	vlt.u32 v57, $0x80  }
0x296: {  	v13 =	vnsel vm14, $0x0, v13;
	v60 =	vnsel vm15, $0x0, v12;
	vm4 =	vgt.s32 v58, $0x0  }
0x297: {  	vm5 =	vgt.s32 v57, $0x0;
	v10 =	vsub.f32 v10, v14;
	v11 =	vsub.f32 v11, v15  }
0x298: {  	v13 =	vmin.u32 v13, $0x7F;
	v19 =	vmin.u32 v60, $0x7F;
	v61 =	vnsel vm4, $0x0, v58  }
0x299: {  	v16 =	vnsel vm5, $0x0, v57;
	v19 =	vshll.u32 v19, $0x7;
	v20 =	vmin.u32 v61, $0x7F  }
0x29a: {  	v16 =	vmin.u32 v16, $0x7F;
	v14 =	vsub.f32 $1.000000000e+00, v10;
	v19 =	vor.u32 v18, v19  }
0x29b: {  	v15 =	vsub.f32 $1.000000000e+00, v11;
	v20 =	vshll.u32 v20, $0x7;
	v62 =	vor.u32 v13, v19  }
0x29c: {  	vm7 =	vlt.u32 v58, $0x80;
	v63 =	vor.u32 v18, v20;
	v22 =	vor.u32 v16, v19;
	[tilespmem:$0x4010] =	vst v62  }
0x29d: {  	s4 =	sor.u32 $0x20, s0;
	v14 =	vnsel vm12, $0x0, v14;
	v15 =	vnsel vm6, $0x0, v15;
	[tilespmem:$0x4050] =	vst v22;
	v13 =	vor.u32 v13, v63  }
0x29e: {  	s8 =	sshll.u32 s4, $0x1;
	v10 =	vnsel vm13, $0x0, v10;
	v12 =	vor.u32 v16, v63;
	[tilespmem:$0x4090] =	vst v13;
	v23 =	vmul.f32 v15, v14  }
0x29f: {  	s9 =	sshllo.u32 s4, $0x1;
	v25 =	vor.u32 s8, v0;
	v11 =	vnsel vm7, $0x0, v11;
	[tilespmem:$0x40D0] =	vst v12;
	v24 =	vmul.f32 v15, v10  }
0x2a0: {  	v27 =	vor.u32 s9, v0;
	v26 =	vmul.f32 v14, v11;
	[tilespmem:$0x4110] =	vst v23  }
0x2a1: {  	v10 =	vmul.f32 v11, v10;
	[tilespmem:$0x4150] =	vst v24  }
0x2a2: {  	[tilespmem:$0x4190] =	vst v26  }
0x2a3: {  	[tilespmem:$0x41D0] =	vst v10  }
0x2a4: {  	v10 =	vld.idx.msk [tilespmem:v25+s25+$0x0], $0xffff  }
0x2a5: {  	v11 =	vld.idx.msk [tilespmem:v27+s25+$0x0], $0xffff;
	_ =	sdelay $0x3  }
0x2a6: {  	v10 =	vadd.f32 v10, v10  }
0x2a7: {  	v11 =	vadd.f32 v11, v11  }
0x2a8: {  	v10 =	vadd.f32 $-1.000000000e+00, v10  }
0x2a9: {  	v11 =	vadd.f32 $-1.000000000e+00, v11  }
0x2aa: {  	v10 =	vadd.f32 $1.000000000e+00, v10  }
0x2ab: {  	v11 =	vadd.f32 $1.000000000e+00, v11  }
0x2ac: {  	v10 =	vmul.f32 $1.280000000e+02, v10  }
0x2ad: {  	v11 =	vmul.f32 $1.280000000e+02, v11  }
0x2ae: {  	v10 =	vadd.f32 $-1.000000000e+00, v10  }
0x2af: {  	v11 =	vadd.f32 $-1.000000000e+00, v11  }
0x2b0: {  	v10 =	vmul.f32 $5.000000000e-01, v10  }
0x2b1: {  	v11 =	vmul.f32 $5.000000000e-01, v11  }
0x2b2: {  	s2 =	sadd.s32 s5, s4;
	v28 =	vtrunc.f32 v10  }
0x2b3: {  	v36 =	vmov s2;
	v30 =	vtrunc.f32 v11;
	v29 =	vcvt.f32.s32 v28  }
0x2b4: {  	vm8 =	vlt.f32 v10, v28;
	v31 =	vcvt.f32.s32 v30;
	vm9 =	vlt.f32 v11, v30  }
0x2b5: {  	v18 =	vand.u32 $0xFFFFC000, v36;
	v32 =	vsel vm8, $0xFFFFFFFF, v3;
	v33 =	vsel vm9, $0xFFFFFFFF, v3  }
0x2b6: {  	v18 =	vbroadcast v18, $0x0;
	v13 =	vadd.s32 v29, v32;
	v12 =	vadd.s32 v31, v33  }
0x2b7: {  	v14 =	vcvt.s32.f32 v13;
	v15 =	vcvt.s32.f32 v12;
	v34 =	vadd.s32 $0x1, v13  }
0x2b8: {  	v35 =	vadd.s32 $0x1, v12;
	vm10 =	vlt.u32 v13, $0x80;
	vm12 =	vgt.s32 v13, $0x0  }
0x2b9: {  	vm13 =	vgt.s32 v12, $0x0;
	vm4 =	vlt.u32 v12, $0x80;
	vm11 =	vlt.u32 v34, $0x80  }
0x2ba: {  	v13 =	vnsel vm12, $0x0, v13;
	v37 =	vnsel vm13, $0x0, v12;
	vm14 =	vgt.s32 v35, $0x0  }
0x2bb: {  	vm15 =	vgt.s32 v34, $0x0;
	v10 =	vsub.f32 v10, v14;
	v11 =	vsub.f32 v11, v15  }
0x2bc: {  	v13 =	vmin.u32 v13, $0x7F;
	v19 =	vmin.u32 v37, $0x7F;
	v38 =	vnsel vm14, $0x0, v35  }
0x2bd: {  	v16 =	vnsel vm15, $0x0, v34;
	v19 =	vshll.u32 v19, $0x7;
	v20 =	vmin.u32 v38, $0x7F  }
0x2be: {  	v16 =	vmin.u32 v16, $0x7F;
	v14 =	vsub.f32 $1.000000000e+00, v10;
	v19 =	vor.u32 v18, v19  }
0x2bf: {  	v15 =	vsub.f32 $1.000000000e+00, v11;
	v20 =	vshll.u32 v20, $0x7;
	v39 =	vor.u32 v13, v19  }
0x2c0: {  	vm5 =	vlt.u32 v35, $0x80;
	v40 =	vor.u32 v18, v20;
	v41 =	vor.u32 v16, v19;
	[tilespmem:$0x4020] =	vst v39  }
0x2c1: {  	s0 =	sor.u32 $0x30, s0;
	v14 =	vnsel vm10, $0x0, v14;
	v15 =	vnsel vm4, $0x0, v15;
	[tilespmem:$0x4060] =	vst v41;
	v13 =	vor.u32 v13, v40  }
0x2c2: {  	s14 =	sshll.u32 s0, $0x1;
	v10 =	vnsel vm11, $0x0, v10;
	v12 =	vor.u32 v16, v40;
	[tilespmem:$0x40A0] =	vst v13;
	v42 =	vmul.f32 v15, v14  }
0x2c3: {  	s15 =	sshllo.u32 s0, $0x1;
	v44 =	vor.u32 s14, v0;
	v11 =	vnsel vm5, $0x0, v11;
	[tilespmem:$0x40E0] =	vst v12;
	v43 =	vmul.f32 v15, v10  }
0x2c4: {  	v46 =	vor.u32 s15, v0;
	v45 =	vmul.f32 v14, v11;
	[tilespmem:$0x4120] =	vst v42  }
0x2c5: {  	v10 =	vmul.f32 v11, v10;
	[tilespmem:$0x4160] =	vst v43  }
0x2c6: {  	[tilespmem:$0x41A0] =	vst v45  }
0x2c7: {  	[tilespmem:$0x41E0] =	vst v10  }
0x2c8: {  	v10 =	vld.idx.msk [tilespmem:v44+s25+$0x0], $0xffff  }
0x2c9: {  	v11 =	vld.idx.msk [tilespmem:v46+s25+$0x0], $0xffff;
	_ =	sdelay $0x3  }
0x2ca: {  	v10 =	vadd.f32 v10, v10  }
0x2cb: {  	v11 =	vadd.f32 v11, v11  }
0x2cc: {  	v10 =	vadd.f32 $-1.000000000e+00, v10  }
0x2cd: {  	v11 =	vadd.f32 $-1.000000000e+00, v11  }
0x2ce: {  	v10 =	vadd.f32 $1.000000000e+00, v10  }
0x2cf: {  	v11 =	vadd.f32 $1.000000000e+00, v11  }
0x2d0: {  	v10 =	vmul.f32 $1.280000000e+02, v10  }
0x2d1: {  	v11 =	vmul.f32 $1.280000000e+02, v11  }
0x2d2: {  	v10 =	vadd.f32 $-1.000000000e+00, v10  }
0x2d3: {  	v11 =	vadd.f32 $-1.000000000e+00, v11  }
0x2d4: {  	v10 =	vmul.f32 $5.000000000e-01, v10  }
0x2d5: {  	v11 =	vmul.f32 $5.000000000e-01, v11  }
0x2d6: {  	s0 =	sadd.s32 s5, s0;
	v47 =	vtrunc.f32 v10  }
0x2d7: {  	v55 =	vmov s0;
	v49 =	vtrunc.f32 v11;
	v48 =	vcvt.f32.s32 v47  }
0x2d8: {  	vm6 =	vlt.f32 v10, v47;
	v50 =	vcvt.f32.s32 v49;
	vm7 =	vlt.f32 v11, v49  }
0x2d9: {  	v18 =	vand.u32 $0xFFFFC000, v55;
	v51 =	vsel vm6, $0xFFFFFFFF, v3;
	v52 =	vsel vm7, $0xFFFFFFFF, v3  }
0x2da: {  	v18 =	vbroadcast v18, $0x0;
	v13 =	vadd.s32 v48, v51;
	v12 =	vadd.s32 v50, v52  }
0x2db: {  	v14 =	vcvt.s32.f32 v13;
	v15 =	vcvt.s32.f32 v12;
	v53 =	vadd.s32 $0x1, v13  }
0x2dc: {  	v54 =	vadd.s32 $0x1, v12;
	vm8 =	vlt.u32 v13, $0x80;
	vm10 =	vgt.s32 v13, $0x0  }
0x2dd: {  	vm11 =	vgt.s32 v12, $0x0;
	vm14 =	vlt.u32 v12, $0x80;
	vm9 =	vlt.u32 v53, $0x80  }
0x2de: {  	v13 =	vnsel vm10, $0x0, v13;
	v56 =	vnsel vm11, $0x0, v12;
	vm12 =	vgt.s32 v54, $0x0  }
0x2df: {  	vm13 =	vgt.s32 v53, $0x0;
	v10 =	vsub.f32 v10, v14;
	v11 =	vsub.f32 v11, v15  }
0x2e0: {  	v13 =	vmin.u32 v13, $0x7F;
	v19 =	vmin.u32 v56, $0x7F;
	v57 =	vnsel vm12, $0x0, v54  }
0x2e1: {  	v16 =	vnsel vm13, $0x0, v53;
	v19 =	vshll.u32 v19, $0x7;
	v20 =	vmin.u32 v57, $0x7F  }
0x2e2: {  	v16 =	vmin.u32 v16, $0x7F;
	v14 =	vsub.f32 $1.000000000e+00, v10;
	v19 =	vor.u32 v18, v19  }
0x2e3: {  	v15 =	vsub.f32 $1.000000000e+00, v11;
	v20 =	vshll.u32 v20, $0x7;
	v58 =	vor.u32 v13, v19  }
0x2e4: {  	vm15 =	vlt.u32 v54, $0x80;
	v59 =	vor.u32 v18, v20;
	v60 =	vor.u32 v16, v19;
	[tilespmem:$0x4030] =	vst v58  }
0x2e5: {  	v14 =	vnsel vm8, $0x0, v14;
	v15 =	vnsel vm14, $0x0, v15;
	[tilespmem:$0x4070] =	vst v60;
	v13 =	vor.u32 v13, v59  }
0x2e6: {  	v10 =	vnsel vm9, $0x0, v10;
	v12 =	vor.u32 v16, v59;
	[tilespmem:$0x40B0] =	vst v13;
	v61 =	vmul.f32 v15, v14  }
0x2e7: {  	v11 =	vnsel vm15, $0x0, v11;
	[tilespmem:$0x40F0] =	vst v12;
	v62 =	vmul.f32 v15, v10  }
0x2e8: {  	v63 =	vmul.f32 v14, v11;
	[tilespmem:$0x4130] =	vst v61  }
0x2e9: {  	v10 =	vmul.f32 v11, v10;
	[tilespmem:$0x4170] =	vst v62  }
0x2ea: {  	s16 =	rddreg [dreg:$0x0];
	[tilespmem:$0x41B0] =	vst v63  }
0x2eb: {  	s17 =	simm.s32 $0x40;
	s18 =	simm.s32 $0x4000;
	s4 =	simm.s32 $0x4400;
	[tilespmem:$0x41F0] =	vst v10  }
0x2ec: {  	[tilespmem:s4], [sflag:$0x1] =	stream.indirect.gather [hbm4b:s16+s17], $0x60, s18, s17, $0xb8;
	[tilespmem:$0x11C00] =	vst v63  }
0x2ed: {  	s19 =	simm.s32 $0x4040;
	s20 =	simm.s32 $0x5C00  }
0x2ee: {  	[tilespmem:s20], [sflag:$0x1] =	stream.indirect.gather [hbm4b:s16+s17], $0x60, s19, s17, $0xb8;
	[tilespmem:$0x11C00] =	vst v63  }
0x2ef: {  	s21 =	simm.s32 $0x4080;
	s22 =	simm.s32 $0x7400  }
0x2f0: {  	[tilespmem:s22], [sflag:$0x1] =	stream.indirect.gather [hbm4b:s16+s17], $0x60, s21, s17, $0xb8;
	[tilespmem:$0x11C00] =	vst v63  }
0x2f1: {  	s23 =	simm.s32 $0x40C0;
	s24 =	simm.s32 $0x8C00  }
0x2f2: {  	[tilespmem:s24], [sflag:$0x1] =	stream.indirect.gather [hbm4b:s16+s17], $0x60, s23, s17, $0xb8;
	[tilespmem:$0x11C00] =	vst v63  }
.LBB2_6:
0x2f3: {  	_ =	swait.ge [sflag:s1], $0x1800  }
0x2f4: {  	[sflag:s1] =	ssyncset.done $0x0  }
0x2f5: {  	[sflag:s1] =	ssyncadd.s32 $0xFFFFE800  }
0x2f6: {  	_ =	swait.ge [sflag:s1], $0x1800  }
0x2f7: {  	[sflag:s1] =	ssyncset.done $0x0  }
0x2f8: {  	[sflag:s1] =	ssyncadd.s32 $0xFFFFE800  }
0x2f9: {  	s0 =	simm.s32 $0x0;
	_ =	swait.ge [sflag:s1], $0x1800  }
0x2fa: {  	v10 =	vmov s0;
	[sflag:s1] =	ssyncset.done $0x0  }
0x2fb: {  	v10 =	vand.u32 $0xFFFFFFFE, v10;
	[sflag:s1] =	ssyncadd.s32 $0xFFFFE800  }
0x2fc: {  	v10 =	vbroadcast v10, $0x0;
	_ =	swait.ge [sflag:s1], $0x1800  }
0x2fd: {  	[sflag:s1] =	ssyncset.done $0x0  }
0x2fe: {  	s18 =	simm.s32 $0xA460;
	[sflag:s1] =	ssyncadd.s32 $0xFFFFE800  }
0x2ff: {  	s15 =	simm.s32 $0xBC60;
	v11 =	vld [tilespmem:s18+$0xFFFFFFA0]  }
0x300: {  	s16 =	simm.s32 $0xD460;
	v12 =	vld [tilespmem:s15+$0xFFFFFFA0]  }
0x301: {  	v14 =	vld [tilespmem:s16+$0xFFFFFFA0]  }
0x302: {  	v24 =	vld.idx.msk [tilespmem:v10+s6+$0x0], $0xffff  }
0x303: {  	v28 =	vld.idx.msk [tilespmem:v10+s7+$0x0], $0xffff  }
0x304: {  	s20 =	simm.s32 $0x1;
	v26 =	vld.idx.msk [tilespmem:v10+s10+$0x0], $0xffff  }
0x305: {  	s17 =	simm.s32 $0xEC60;
	v15 =	vmov s20;
	v27 =	vld.idx.msk [tilespmem:v10+s11+$0x0], $0xffff  }
0x306: {  	v16 =	vld [tilespmem:s17+$0xFFFFFFA0];
	_ =	sdelay $0x3  }
0x307: {  	v10 =	vld.idx.msk [tilespmem:v15+s6+$0x0], $0xffff;
	v17 =	vmul.f32 v11, v24;
	v18 =	vmul.f32 v12, v28  }
0x308: {  	v13 =	vld.idx.msk [tilespmem:v15+s7+$0x0], $0xffff;
	v14 =	vmul.f32 v14, v26;
	v16 =	vmul.f32 v16, v27  }
0x309: {  	v11 =	vld.idx.msk [tilespmem:v15+s10+$0x0], $0xffff  }
0x30a: {  	v12 =	vld.idx.msk [tilespmem:v15+s11+$0x0], $0xffff;
	v15 =	vadd.f32 v18, v17;
	v14 =	vadd.f32 v16, v14  }
0x30b: {  	v16 =	vld [tilespmem:s18+$0x0]  }
0x30c: {  	v17 =	vld [tilespmem:s15+$0x0];
	v14 =	vadd.f32 v14, v15  }
0x30d: {  	s14 =	simm.s32 $0x10460;
	v18 =	vld [tilespmem:s17+$0x0]  }
0x30e: {  	v15 =	vld [tilespmem:s16+$0x0];
	[tilespmem:s14+$0xFFFFFFA0] =	vst v14  }
0x30f: {  	v14 =	vld [tilespmem:s18+$0xFFFFFFB0]  }
0x310: {  	v19 =	vld [tilespmem:s15+$0xFFFFFFB0]  }
0x311: {  	v20 =	vld [tilespmem:s16+$0xFFFFFFB0]  }
0x312: {  	v16 =	vmul.f32 v16, v10;
	v17 =	vmul.f32 v17, v13;
	v21 =	vld [tilespmem:s17+$0xFFFFFFB0]  }
0x313: {  	v18 =	vmul.f32 v18, v12;
	v15 =	vmul.f32 v15, v11;
	_ =	sdelay $0x1  }
0x314: {  	v16 =	vadd.f32 v17, v16;
	v15 =	vadd.f32 v18, v15  }
0x315: {  	v14 =	vmul.f32 v14, v24;
	v17 =	vmul.f32 v19, v28  }
0x316: {  	v18 =	vmul.f32 v21, v27;
	v15 =	vadd.f32 v15, v16;
	v16 =	vmul.f32 v20, v26;
	_ =	sdelay $0x1  }
0x317: {  	v14 =	vadd.f32 v17, v14;
	[tilespmem:s14+$0x0] =	vst v15;
	v15 =	vadd.f32 v18, v16  }
0x318: {  	v16 =	vld [tilespmem:s18+$0x10]  }
0x319: {  	v17 =	vld [tilespmem:s15+$0x10];
	v14 =	vadd.f32 v15, v14  }
0x31a: {  	v18 =	vld [tilespmem:s17+$0x10]  }
0x31b: {  	v15 =	vld [tilespmem:s16+$0x10];
	[tilespmem:s14+$0xFFFFFFB0] =	vst v14  }
0x31c: {  	v14 =	vld [tilespmem:s18+$0xFFFFFFC0]  }
0x31d: {  	v19 =	vld [tilespmem:s15+$0xFFFFFFC0]  }
0x31e: {  	v20 =	vld [tilespmem:s16+$0xFFFFFFC0]  }
0x31f: {  	v21 =	vld [tilespmem:s17+$0xFFFFFFC0]  }
0x320: {  	v16 =	vmul.f32 v16, v10;
	v17 =	vmul.f32 v17, v13  }
0x321: {  	v18 =	vmul.f32 v18, v12;
	v15 =	vmul.f32 v15, v11  }
0x322: {  	v16 =	vadd.f32 v17, v16  }
0x323: {  	s21 =	simm.s32 $0x3;
	v15 =	vadd.f32 v18, v15;
	v17 =	vmul.f32 v14, v24;
	v18 =	vmul.f32 v19, v28  }
0x324: {  	v22 =	vmov s21;
	s21 =	simm.s32 $0xA520;
	v19 =	vmul.f32 v20, v26;
	v20 =	vmul.f32 v21, v27  }
0x325: {  	s20 =	simm.s32 $0xBD20;
	v30 =	vld [tilespmem:s21+$0xFFFFFFA0];
	v16 =	vadd.f32 v15, v16  }
0x326: {  	s19 =	simm.s32 $0xD520;
	v31 =	vld [tilespmem:s20+$0xFFFFFFA0];
	v17 =	vadd.f32 v18, v17;
	v18 =	vadd.f32 v20, v19  }
0x327: {  	v32 =	vld [tilespmem:s19+$0xFFFFFFA0]  }
0x328: {  	v49 =	vld [tilespmem:s21+$0x0];
	[tilespmem:s14+$0x10] =	vst v16;
	v16 =	vadd.f32 v18, v17  }
0x329: {  	s22 =	simm.s32 $0x2;
	v36 =	vld [tilespmem:s20+$0x0]  }
0x32a: {  	v50 =	vld [tilespmem:s19+$0x0];
	[tilespmem:s14+$0xFFFFFFC0] =	vst v16;
	v16 =	vmov s22  }
0x32b: {  	v14 =	vld.idx.msk [tilespmem:v22+s6+$0x0], $0xffff;
	v16 =	vand.u32 $0xFFFFFFFE, v16  }
0x32c: {  	v17 =	vld [tilespmem:s18+$0xFFFFFFD0];
	v16 =	vbroadcast v16, $0x0  }
0x32d: {  	v18 =	vld [tilespmem:s15+$0xFFFFFFD0]  }
0x32e: {  	v20 =	vld [tilespmem:s17+$0xFFFFFFD0]  }
0x32f: {  	v19 =	vld [tilespmem:s16+$0xFFFFFFD0]  }
0x330: {  	v15 =	vld.idx.msk [tilespmem:v22+s7+$0x0], $0xffff;
	s22 =	simm.s32 $0xED20  }
0x331: {  	v47 =	vld [tilespmem:s22+$0xFFFFFFA0]  }
0x332: {  	v21 =	vmul.f32 v18, v28;
	v18 =	vld.idx.msk [tilespmem:v16+s6+$0x0], $0xffff  }
0x333: {  	v17 =	vmul.f32 v17, v24;
	v34 =	vmul.f32 v20, v27;
	v20 =	vld.idx.msk [tilespmem:v16+s7+$0x0], $0xffff  }
0x334: {  	v33 =	vmul.f32 v19, v26;
	v19 =	vld.idx.msk [tilespmem:v16+s10+$0x0], $0xffff  }
0x335: {  	v17 =	vadd.f32 v21, v17;
	v21 =	vld.idx.msk [tilespmem:v16+s11+$0x0], $0xffff  }
0x336: {  	v23 =	vld [tilespmem:s18+$0x20]  }
0x337: {  	v25 =	vld [tilespmem:s15+$0x20]  }
0x338: {  	v29 =	vld [tilespmem:s16+$0x20];
	v33 =	vadd.f32 v34, v33  }
0x339: {  	v35 =	vld [tilespmem:s17+$0x20];
	v30 =	vmul.f32 v30, v18;
	v31 =	vmul.f32 v31, v20  }
0x33a: {  	v51 =	vld [tilespmem:s22+$0x0];
	v33 =	vadd.f32 v33, v17;
	v32 =	vmul.f32 v32, v19;
	v48 =	vmul.f32 v47, v21  }
0x33b: {  	v16 =	vld.idx.msk [tilespmem:v22+s10+$0x0], $0xffff  }
0x33c: {  	v17 =	vld.idx.msk [tilespmem:v22+s11+$0x0], $0xffff;
	[tilespmem:s14+$0xFFFFFFD0] =	vst v33;
	v30 =	vadd.f32 v31, v30;
	v31 =	vadd.f32 v48, v32  }
0x33d: {  	v22 =	vld [tilespmem:s18+$0xFFFFFFE0]  }
0x33e: {  	v23 =	vmul.f32 v23, v10;
	v25 =	vmul.f32 v25, v13;
	v37 =	vld [tilespmem:s15+$0xFFFFFFE0];
	v30 =	vadd.f32 v31, v30  }
0x33f: {  	s8 =	simm.s32 $0x10520;
	v29 =	vmul.f32 v29, v11;
	v52 =	vld [tilespmem:s16+$0xFFFFFFE0];
	v31 =	vmul.f32 v35, v12  }
0x340: {  	v23 =	vadd.f32 v25, v23;
	v25 =	vld [tilespmem:s17+$0xFFFFFFE0];
	[tilespmem:s8+$0xFFFFFFA0] =	vst v30  }
0x341: {  	v29 =	vadd.f32 v31, v29;
	v53 =	vld [tilespmem:s21+$0xFFFFFFB0]  }
0x342: {  	v30 =	vmul.f32 v49, v14;
	v31 =	vmul.f32 v36, v15;
	v54 =	vld [tilespmem:s20+$0xFFFFFFB0]  }
0x343: {  	v32 =	vmul.f32 v50, v16;
	v33 =	vmul.f32 v51, v17;
	v23 =	vadd.f32 v29, v23;
	v29 =	vld [tilespmem:s19+$0xFFFFFFB0]  }
0x344: {  	v30 =	vadd.f32 v31, v30;
	v31 =	vld [tilespmem:s22+$0xFFFFFFB0]  }
0x345: {  	v32 =	vadd.f32 v33, v32;
	[tilespmem:s14+$0x20] =	vst v23  }
0x346: {  	v22 =	vmul.f32 v22, v24;
	v23 =	vmul.f32 v37, v28;
	v56 =	vld [tilespmem:s18+$0x30]  }
0x347: {  	v55 =	vmul.f32 v52, v26;
	v25 =	vmul.f32 v25, v27;
	v30 =	vadd.f32 v32, v30;
	v57 =	vld [tilespmem:s15+$0x30]  }
0x348: {  	v62 =	vld [tilespmem:s17+$0x30];
	v22 =	vadd.f32 v23, v22;
	v58 =	vmul.f32 v53, v18;
	v59 =	vmul.f32 v54, v20  }
0x349: {  	s0 =	simm.s32 $0xA5E0;
	v23 =	vadd.f32 v25, v55;
	v25 =	vld [tilespmem:s16+$0x30];
	[tilespmem:s8+$0x0] =	vst v30;
	v29 =	vmul.f32 v29, v19;
	v30 =	vmul.f32 v31, v21  }
0x34a: {  	v54 =	vld [tilespmem:s0+$0xFFFFFFA0]  }
0x34b: {  	v31 =	vld [tilespmem:s21+$0x10];
	v33 =	vadd.f32 v59, v58;
	v29 =	vadd.f32 v30, v29  }
0x34c: {  	v22 =	vadd.f32 v23, v22;
	v23 =	vld [tilespmem:s20+$0x10]  }
0x34d: {  	v30 =	vld [tilespmem:s19+$0x10];
	v29 =	vadd.f32 v29, v33  }
0x34e: {  	[tilespmem:s14+$0xFFFFFFE0] =	vst v22;
	v22 =	vld [tilespmem:s22+$0x10]  }
0x34f: {  	v60 =	vld [tilespmem:s18+$0xFFFFFFF0];
	[tilespmem:s8+$0xFFFFFFB0] =	vst v29  }
0x350: {  	v29 =	vmul.f32 v31, v14;
	v31 =	vld [tilespmem:s21+$0xFFFFFFC0]  }
0x351: {  	s23 =	simm.s32 $0x5;
	v23 =	vmul.f32 v23, v15;
	v38 =	vld [tilespmem:s20+$0xFFFFFFC0]  }
0x352: {  	v63 =	vmov s23;
	v35 =	vmul.f32 v56, v10;
	v32 =	vmul.f32 v57, v13;
	v39 =	vld [tilespmem:s19+$0xFFFFFFC0]  }
0x353: {  	s23 =	simm.s32 $0xD5E0;
	v36 =	vmul.f32 v62, v12;
	v25 =	vmul.f32 v25, v11;
	v23 =	vadd.f32 v23, v29;
	v29 =	vld [tilespmem:s22+$0xFFFFFFC0]  }
0x354: {  	v57 =	vld [tilespmem:s23+$0xFFFFFFA0]  }
0x355: {  	v61 =	vld [tilespmem:s15+$0xFFFFFFF0];
	v32 =	vadd.f32 v32, v35;
	v25 =	vadd.f32 v36, v25;
	v30 =	vmul.f32 v30, v16  }
0x356: {  	v40 =	vld [tilespmem:s17+$0xFFFFFFF0];
	v22 =	vmul.f32 v22, v17;
	v34 =	vmul.f32 v60, v24  }
0x357: {  	s2 =	simm.s32 $0xEDE0;
	v25 =	vadd.f32 v25, v32;
	v24 =	vld.idx.msk [tilespmem:v63+s11+$0x0], $0xffff;
	v31 =	vmul.f32 v31, v18;
	v46 =	vmul.f32 v38, v20  }
0x358: {  	v60 =	vld [tilespmem:s2+$0xFFFFFFA0];
	v47 =	vmul.f32 v39, v19;
	v29 =	vmul.f32 v29, v21  }
0x359: {  	v22 =	vadd.f32 v22, v30;
	v30 =	vld [tilespmem:s16+$0xFFFFFFF0];
	[tilespmem:s14+$0x30] =	vst v25  }
0x35a: {  	v52 =	vld [tilespmem:s15+$0x40];
	v31 =	vadd.f32 v46, v31;
	v29 =	vadd.f32 v29, v47  }
0x35b: {  	v53 =	vld [tilespmem:s16+$0x40]  }
0x35c: {  	v41 =	vadd.f32 v22, v23;
	v23 =	vld.idx.msk [tilespmem:v63+s6+$0x0], $0xffff;
	v25 =	vadd.f32 v29, v31  }
0x35d: {  	v22 =	vld.idx.msk [tilespmem:v63+s7+$0x0], $0xffff  }
0x35e: {  	v46 =	vld [tilespmem:s17+$0x40];
	[tilespmem:s8+$0xFFFFFFC0] =	vst v25  }
0x35f: {  	v29 =	vld [tilespmem:s21+$0xFFFFFFD0]  }
0x360: {  	v42 =	vld [tilespmem:s20+$0xFFFFFFD0]  }
0x361: {  	s24 =	simm.s32 $0x4;
	v43 =	vld [tilespmem:s19+$0xFFFFFFD0]  }
0x362: {  	[tilespmem:s8+$0x10] =	vst v41;
	v25 =	vmov s24;
	v44 =	vld [tilespmem:s22+$0xFFFFFFD0]  }
0x363: {  	v48 =	vld [tilespmem:s21+$0x20];
	v25 =	vand.u32 $0xFFFFFFFE, v25  }
0x364: {  	v49 =	vld [tilespmem:s20+$0x20];
	v45 =	vbroadcast v25, $0x0  }
0x365: {  	v28 =	vmul.f32 v61, v28;
	v50 =	vld [tilespmem:s19+$0x20]  }
0x366: {  	v51 =	vld [tilespmem:s22+$0x20];
	v29 =	vmul.f32 v29, v18;
	v55 =	vmul.f32 v42, v20  }
0x367: {  	v31 =	vld [tilespmem:s18+$0x40];
	s24 =	simm.s32 $0xBDE0;
	v43 =	vmul.f32 v43, v19;
	v44 =	vmul.f32 v44, v21  }
0x368: {  	v27 =	vmul.f32 v40, v27;
	v34 =	vadd.f32 v28, v34;
	v30 =	vmul.f32 v30, v26;
	v56 =	vld [tilespmem:s24+$0xFFFFFFA0]  }
0x369: {  	v25 =	vld.idx.msk [tilespmem:v63+s10+$0x0], $0xffff;
	v28 =	vadd.f32 v55, v29;
	v58 =	vadd.f32 v44, v43  }
0x36a: {  	v39 =	vmul.f32 v52, v13;
	v41 =	vmul.f32 v53, v11;
	v30 =	vadd.f32 v27, v30;
	v26 =	vld.idx.msk [tilespmem:v45+s6+$0x0], $0xffff  }
0x36b: {  	v59 =	vmul.f32 v46, v12;
	v38 =	vmul.f32 v48, v14;
	v29 =	vld.idx.msk [tilespmem:v45+s7+$0x0], $0xffff;
	v33 =	vadd.f32 v58, v28  }
0x36c: {  	v34 =	vadd.f32 v30, v34;
	v32 =	vmul.f32 v49, v15;
	v31 =	vmul.f32 v31, v10;
	v27 =	vld.idx.msk [tilespmem:v45+s10+$0x0], $0xffff  }
0x36d: {  	v35 =	vmul.f32 v50, v16;
	v36 =	vmul.f32 v51, v17;
	v28 =	vld.idx.msk [tilespmem:v45+s11+$0x0], $0xffff;
	[tilespmem:s8+$0xFFFFFFD0] =	vst v33  }
0x36e: {  	v63 =	vadd.f32 v59, v41;
	v62 =	vadd.f32 v39, v31;
	v30 =	vld [tilespmem:s21+$0xFFFFFFE0]  }
0x36f: {  	v61 =	vadd.f32 v32, v38;
	v35 =	vadd.f32 v36, v35;
	v32 =	vld [tilespmem:s20+$0xFFFFFFE0]  }
0x370: {  	v38 =	vadd.f32 v63, v62;
	v31 =	vld [tilespmem:s19+$0xFFFFFFE0]  }
0x371: {  	[tilespmem:s14+$0xFFFFFFF0] =	vst v34;
	v35 =	vadd.f32 v35, v61;
	v33 =	vld [tilespmem:s22+$0xFFFFFFE0];
	v36 =	vmul.f32 v54, v26;
	v37 =	vmul.f32 v56, v29  }
0x372: {  	v34 =	vld [tilespmem:s0+$0x0];
	[tilespmem:s14+$0x40] =	vst v38;
	v38 =	vmul.f32 v57, v27;
	v39 =	vmul.f32 v60, v28  }
0x373: {  	s9 =	simm.s32 $0x6;
	s4 =	simm.s32 $0x10520;
	[tilespmem:s8+$0x20] =	vst v35;
	v35 =	vld [tilespmem:s24+$0x0]  }
.LBB2_7:
0x374: {  	p0 =	slt.u32 s9, $0x3E;
	v36 =	vadd.f32 v37, v36;
	v37 =	vadd.f32 v39, v38;
	v38 =	vld [tilespmem:s23+$0x0]  }
0x375: {  	v30 =	vmul.f32 v30, v18;
	v32 =	vmul.f32 v32, v20;
	v39 =	vld [tilespmem:s2+$0x0]  }
0x376: {  	v31 =	vmul.f32 v31, v19;
	v36 =	vadd.f32 v37, v36;
	v33 =	vmul.f32 v33, v21;
	v37 =	vld [tilespmem:s21+$0x30]  }
0x377: {  	s8 =	sadd.s32 $0xC0, s8;
	v34 =	vmul.f32 v34, v23;
	v40 =	vld [tilespmem:s20+$0x30]  }
0x378: {  	v30 =	vadd.f32 v32, v30;
	[tilespmem:s8+$0xFFFFFFA0] =	vst v36;
	v35 =	vmul.f32 v35, v22;
	v31 =	vadd.f32 v33, v31;
	v32 =	vld [tilespmem:s19+$0x30]  }
0x379: {  	v33 =	vld [tilespmem:s0+$0xFFFFFFB0];
	v36 =	vmul.f32 v38, v25  }
0x37a: {  	v38 =	vld [tilespmem:s24+$0xFFFFFFB0];
	v34 =	vadd.f32 v35, v34;
	v35 =	vmul.f32 v39, v24;
	v30 =	vadd.f32 v31, v30  }
0x37b: {  	v31 =	vld [tilespmem:s23+$0xFFFFFFB0];
	v37 =	vmul.f32 v37, v14  }
0x37c: {  	v39 =	vld [tilespmem:s2+$0xFFFFFFB0];
	v35 =	vadd.f32 v35, v36;
	[tilespmem:s4+$0xFFFFFFE0] =	vst v30;
	v30 =	vmul.f32 v40, v15  }
0x37d: {  	v36 =	vld [tilespmem:s21+$0xFFFFFFF0];
	v32 =	vmul.f32 v32, v16  }
0x37e: {  	v34 =	vadd.f32 v35, v34;
	v35 =	vld [tilespmem:s20+$0xFFFFFFF0];
	v30 =	vadd.f32 v30, v37  }
0x37f: {  	v37 =	vld [tilespmem:s19+$0xFFFFFFF0]  }
0x380: {  	v33 =	vmul.f32 v33, v26;
	v38 =	vmul.f32 v38, v29;
	[tilespmem:s8+$0x0] =	vst v34;
	v34 =	vld [tilespmem:s22+$0xFFFFFFF0]  }
0x381: {  	v31 =	vmul.f32 v31, v27;
	v39 =	vmul.f32 v39, v28;
	v40 =	vld [tilespmem:s0+$0x10]  }
0x382: {  	v41 =	vld [tilespmem:s24+$0x10]  }
0x383: {  	v33 =	vadd.f32 v38, v33;
	v31 =	vadd.f32 v39, v31;
	v38 =	vld [tilespmem:s23+$0x10]  }
0x384: {  	v36 =	vmul.f32 v36, v18;
	v18 =	vmovc v26;
	v35 =	vmul.f32 v35, v20;
	v20 =	vmov v29;
	v39 =	vld [tilespmem:s2+$0x10]  }
0x385: {  	v29 =	vmul.f32 v37, v19;
	v19 =	vmovc v27;
	v26 =	vadd.f32 v31, v33;
	v31 =	vmul.f32 v34, v21;
	v33 =	vld [tilespmem:s22+$0x30]  }
0x386: {  	v21 =	vmov v28;
	v27 =	vmul.f32 v40, v23;
	v34 =	vld [tilespmem:s18+$0x50];
	s18 =	smov.u32 s21;
	s21 =	smov.u32 s0  }
0x387: {  	s3 =	sadd.s32 $0x1, s9;
	v28 =	vadd.f32 v35, v36;
	[tilespmem:s8+$0xFFFFFFB0] =	vst v26;
	v26 =	vmul.f32 v41, v22;
	v29 =	vadd.f32 v31, v29;
	v31 =	vld [tilespmem:s15+$0x50];
	s15 =	smov.u32 s20;
	s20 =	smov.u32 s24  }
0x388: {  	v35 =	vmov s3;
	v36 =	vld [tilespmem:s0+$0xFFFFFFC0];
	v37 =	vmul.f32 v38, v25  }
0x389: {  	v38 =	vld [tilespmem:s24+$0xFFFFFFC0];
	v26 =	vadd.f32 v26, v27;
	v27 =	vmul.f32 v39, v24;
	v28 =	vadd.f32 v29, v28  }
0x38a: {  	v29 =	vld [tilespmem:s23+$0xFFFFFFC0];
	v33 =	vmul.f32 v33, v17  }
0x38b: {  	v39 =	vld [tilespmem:s2+$0xFFFFFFC0];
	v27 =	vadd.f32 v27, v37;
	[tilespmem:s4+$0xFFFFFFF0] =	vst v28;
	v28 =	vmul.f32 v34, v10;
	v10 =	vmovc v14;
	v14 =	vmov v23  }
0x38c: {  	v32 =	vadd.f32 v33, v32;
	v31 =	vmul.f32 v31, v13;
	v33 =	vld [tilespmem:s16+$0x50];
	v13 =	vmovc v15;
	v15 =	vmov v22;
	s16 =	smov.u32 s19;
	s19 =	smov.u32 s23  }
0x38d: {  	v26 =	vadd.f32 v27, v26;
	v27 =	vld [tilespmem:s17+$0x50];
	s17 =	smov.u32 s22;
	s22 =	smov.u32 s2  }
0x38e: {  	v23 =	vld.idx.msk [tilespmem:v35+s6+$0x0], $0xffff;
	v30 =	vadd.f32 v32, v30;
	v28 =	vadd.f32 v31, v28  }
0x38f: {  	v31 =	vmul.f32 v36, v18;
	v32 =	vmul.f32 v38, v20;
	v22 =	vld.idx.msk [tilespmem:v35+s7+$0x0], $0xffff;
	[tilespmem:s8+$0x10] =	vst v26  }
0x390: {  	v26 =	vmul.f32 v29, v19;
	v29 =	vmul.f32 v39, v21;
	v34 =	vld [tilespmem:s0+$0x20];
	[tilespmem:s4+$0x30] =	vst v30  }
0x391: {  	v30 =	vld [tilespmem:s24+$0x20];
	v33 =	vmul.f32 v33, v11;
	v11 =	vmov v16;
	v16 =	vmov v25  }
0x392: {  	v25 =	vadd.f32 v32, v31;
	v26 =	vadd.f32 v29, v26;
	v29 =	vld [tilespmem:s23+$0x20];
	v27 =	vmul.f32 v27, v12;
	v12 =	vmovc v17  }
0x393: {  	v17 =	vmov v24;
	v31 =	vld [tilespmem:s2+$0x20]  }
0x394: {  	v24 =	vadd.f32 v26, v25;
	v25 =	vld [tilespmem:s18+$0x40];
	v26 =	vadd.f32 v27, v33  }
0x395: {  	v27 =	vmul.f32 v34, v14;
	v32 =	vld [tilespmem:s15+$0x40]  }
0x396: {  	[tilespmem:s8+$0xFFFFFFC0] =	vst v24;
	v24 =	vmul.f32 v30, v15;
	v30 =	vld [tilespmem:s16+$0x40];
	v26 =	vadd.f32 v26, v28  }
0x397: {  	v28 =	vld [tilespmem:s0+$0xFFFFFFD0];
	v29 =	vmul.f32 v29, v16  }
0x398: {  	v33 =	vld [tilespmem:s24+$0xFFFFFFD0];
	v24 =	vadd.f32 v24, v27;
	v27 =	vmul.f32 v31, v17;
	[tilespmem:s14+$0x50] =	vst v26;
	s14 =	smov.u32 s4;
	s4 =	smov.u32 s8  }
0x399: {  	v26 =	vmov s9;
	v31 =	vld [tilespmem:s23+$0xFFFFFFD0];
	v34 =	vmul.f32 v25, v10  }
0x39a: {  	v25 =	vand.u32 $0xFFFFFFFE, v26;
	v26 =	vld [tilespmem:s2+$0xFFFFFFD0];
	v27 =	vadd.f32 v27, v29;
	v29 =	vmul.f32 v32, v13  }
0x39b: {  	v32 =	vbroadcast v25, $0x0;
	v30 =	vmul.f32 v30, v11;
	v36 =	vld [tilespmem:s17+$0x40]  }
0x39c: {  	v25 =	vld.idx.msk [tilespmem:v35+s10+$0x0], $0xffff;
	v27 =	vadd.f32 v27, v24;
	v34 =	vadd.f32 v29, v34  }
0x39d: {  	s0 =	sadd.s32 $0xC0, s0;
	v24 =	vld.idx.msk [tilespmem:v35+s11+$0x0], $0xffff  }
0x39e: {  	s24 =	sadd.s32 $0xC0, s24;
	v28 =	vmul.f32 v28, v18;
	v29 =	vmul.f32 v33, v20;
	v35 =	vld [tilespmem:s0+$0xFFFFFFA0];
	[tilespmem:s8+$0x20] =	vst v27  }
0x39f: {  	s23 =	sadd.s32 $0xC0, s23;
	v27 =	vmul.f32 v31, v19;
	v33 =	vld [tilespmem:s24+$0xFFFFFFA0];
	v31 =	vmul.f32 v26, v21  }
0x3a0: {  	v38 =	vld [tilespmem:s23+$0xFFFFFFA0];
	v36 =	vmul.f32 v36, v12  }
0x3a1: {  	v28 =	vadd.f32 v29, v28;
	v26 =	vld.idx.msk [tilespmem:v32+s6+$0x0], $0xffff;
	v31 =	vadd.f32 v31, v27  }
0x3a2: {  	v29 =	vld.idx.msk [tilespmem:v32+s7+$0x0], $0xffff;
	v30 =	vadd.f32 v36, v30  }
0x3a3: {  	v27 =	vld.idx.msk [tilespmem:v32+s10+$0x0], $0xffff;
	v31 =	vadd.f32 v31, v28  }
0x3a4: {  	s2 =	sadd.s32 $0xC0, s2;
	v28 =	vld.idx.msk [tilespmem:v32+s11+$0x0], $0xffff;
	v32 =	vadd.f32 v30, v34  }
0x3a5: {  	v34 =	vld [tilespmem:s2+$0xFFFFFFA0];
	[tilespmem:s8+$0xFFFFFFD0] =	vst v31  }
0x3a6: {  	v30 =	vld [tilespmem:s21+$0xFFFFFFE0];
	[tilespmem:s14+$0x40] =	vst v32  }
.Ltmp2:
0x3a7: {  	v32 =	vld [tilespmem:s20+$0xFFFFFFE0];
	(pc) =	sbr.rel @p0 .LBB2_7-.Ltmp2, $4  }
0x3a8: {  	v31 =	vld [tilespmem:s19+$0xFFFFFFE0]  }
0x3a9: {  	v36 =	vmul.f32 v35, v26;
	v37 =	vmul.f32 v33, v29;
	v33 =	vld [tilespmem:s22+$0xFFFFFFE0]  }
0x3aa: {  	v38 =	vmul.f32 v38, v27;
	v39 =	vmul.f32 v34, v28;
	v34 =	vld [tilespmem:s0+$0x0]  }
0x3ab: {  	s9 =	sadd.s32 $0x2, s9;
	v35 =	vld [tilespmem:s24+$0x0]  }
0x3ac: {  	v36 =	vadd.f32 v37, v36;
	v59 =	vadd.f32 v39, v38;
	v60 =	vld [tilespmem:s23+$0x0]  }
0x3ad: {  	v61 =	vld [tilespmem:s2+$0x0]  }
0x3ae: {  	v36 =	vadd.f32 v59, v36  }
0x3af: {  	s8 =	sadd.s32 $0xC0, s8  }
0x3b0: {  	[tilespmem:s8+$0xFFFFFFA0] =	vst v36  }
0x3b1: {  	v34 =	vmul.f32 v34, v23;
	v35 =	vmul.f32 v35, v22;
	v36 =	vld [tilespmem:s0+$0xFFFFFFB0]  }
0x3b2: {  	v62 =	vmul.f32 v60, v25;
	v63 =	vld [tilespmem:s24+$0xFFFFFFB0];
	v39 =	vmul.f32 v61, v24  }
0x3b3: {  	v40 =	vld [tilespmem:s23+$0xFFFFFFB0]  }
0x3b4: {  	v42 =	vld [tilespmem:s2+$0xFFFFFFB0];
	v34 =	vadd.f32 v35, v34;
	v37 =	vadd.f32 v39, v62;
	_ =	sdelay $0x1  }
0x3b5: {  	v34 =	vadd.f32 v37, v34;
	_ =	sdelay $0x1  }
0x3b6: {  	v36 =	vmul.f32 v36, v26;
	v43 =	vmul.f32 v63, v29;
	[tilespmem:s8+$0x0] =	vst v34  }
0x3b7: {  	v44 =	vmul.f32 v40, v27;
	v35 =	vmul.f32 v42, v28;
	v45 =	vld [tilespmem:s0+$0x10]  }
0x3b8: {  	v46 =	vld [tilespmem:s24+$0x10]  }
0x3b9: {  	v36 =	vadd.f32 v43, v36;
	v34 =	vadd.f32 v35, v44;
	v47 =	vld [tilespmem:s23+$0x10]  }
0x3ba: {  	v48 =	vld [tilespmem:s2+$0x10]  }
0x3bb: {  	v34 =	vadd.f32 v34, v36;
	_ =	sdelay $0x1  }
0x3bc: {  	[tilespmem:s8+$0xFFFFFFB0] =	vst v34  }
0x3bd: {  	v49 =	vmul.f32 v45, v23;
	v50 =	vmul.f32 v46, v22;
	v51 =	vld [tilespmem:s0+$0xFFFFFFC0]  }
0x3be: {  	v35 =	vmul.f32 v47, v25;
	v52 =	vld [tilespmem:s24+$0xFFFFFFC0];
	v37 =	vmul.f32 v48, v24  }
0x3bf: {  	v53 =	vld [tilespmem:s23+$0xFFFFFFC0]  }
0x3c0: {  	v54 =	vld [tilespmem:s2+$0xFFFFFFC0];
	v34 =	vadd.f32 v50, v49;
	v35 =	vadd.f32 v37, v35;
	_ =	sdelay $0x1  }
0x3c1: {  	v30 =	vmul.f32 v30, v18;
	v32 =	vmul.f32 v32, v20;
	v34 =	vadd.f32 v35, v34  }
0x3c2: {  	v31 =	vmul.f32 v31, v19;
	v33 =	vmul.f32 v33, v21  }
0x3c3: {  	v55 =	vmul.f32 v51, v26;
	v56 =	vmul.f32 v52, v29;
	[tilespmem:s8+$0x10] =	vst v34  }
0x3c4: {  	v57 =	vmul.f32 v53, v27;
	v36 =	vmul.f32 v54, v28;
	v58 =	vld [tilespmem:s0+$0x20]  }
0x3c5: {  	v30 =	vadd.f32 v32, v30;
	v31 =	vadd.f32 v33, v31;
	v59 =	vld [tilespmem:s24+$0x20]  }
0x3c6: {  	v35 =	vadd.f32 v56, v55;
	v34 =	vadd.f32 v36, v57;
	v60 =	vld [tilespmem:s23+$0x20]  }
0x3c7: {  	v30 =	vadd.f32 v31, v30;
	v61 =	vld [tilespmem:s2+$0x20]  }
0x3c8: {  	v34 =	vadd.f32 v34, v35  }
0x3c9: {  	v62 =	vld [tilespmem:s21+$0x30];
	[tilespmem:s4+$0xFFFFFFE0] =	vst v30  }
0x3ca: {  	v30 =	vld [tilespmem:s21+$0xFFFFFFF0];
	[tilespmem:s8+$0xFFFFFFC0] =	vst v34  }
0x3cb: {  	v44 =	vmul.f32 v58, v23;
	v45 =	vmul.f32 v59, v22;
	v34 =	vld [tilespmem:s0+$0xFFFFFFD0]  }
0x3cc: {  	v36 =	vmul.f32 v60, v25;
	v46 =	vld [tilespmem:s24+$0xFFFFFFD0];
	v37 =	vmul.f32 v61, v24  }
0x3cd: {  	v47 =	vld [tilespmem:s23+$0xFFFFFFD0]  }
0x3ce: {  	v48 =	vld [tilespmem:s2+$0xFFFFFFD0];
	v32 =	vadd.f32 v45, v44;
	v36 =	vadd.f32 v37, v36  }
0x3cf: {  	v63 =	vld [tilespmem:s20+$0x30]  }
0x3d0: {  	v42 =	vld [tilespmem:s19+$0xFFFFFFF0];
	v32 =	vadd.f32 v36, v32  }
0x3d1: {  	v50 =	vld [tilespmem:s22+$0x30]  }
0x3d2: {  	v49 =	vld [tilespmem:s19+$0x30];
	v34 =	vmul.f32 v34, v26;
	v38 =	vmul.f32 v46, v29;
	[tilespmem:s8+$0x20] =	vst v32  }
0x3d3: {  	v31 =	vmul.f32 v47, v27;
	v51 =	vmul.f32 v48, v28;
	v52 =	vld [tilespmem:s0+$0x30]  }
0x3d4: {  	v54 =	vmul.f32 v63, v15;
	v41 =	vld [tilespmem:s24+$0x30]  }
0x3d5: {  	v35 =	vmul.f32 v62, v14;
	v34 =	vadd.f32 v38, v34;
	v31 =	vadd.f32 v51, v31;
	v53 =	vld [tilespmem:s23+$0x30]  }
0x3d6: {  	v39 =	vmul.f32 v50, v17;
	v55 =	vld [tilespmem:s2+$0x30]  }
0x3d7: {  	v35 =	vadd.f32 v54, v35;
	v54 =	vld [tilespmem:s17+$0x50];
	v37 =	vmul.f32 v49, v16;
	v31 =	vadd.f32 v31, v34  }
0x3d8: {  	v45 =	vld [tilespmem:s15+$0x50]  }
0x3d9: {  	v36 =	vld [tilespmem:s20+$0xFFFFFFF0];
	v37 =	vadd.f32 v39, v37;
	[tilespmem:s8+$0xFFFFFFD0] =	vst v31  }
0x3da: {  	v31 =	vld [tilespmem:s0+$0xFFFFFFE0];
	v33 =	vmul.f32 v52, v23;
	v56 =	vmul.f32 v41, v22  }
0x3db: {  	v35 =	vadd.f32 v37, v35;
	v57 =	vld [tilespmem:s24+$0xFFFFFFE0];
	v32 =	vmul.f32 v53, v25;
	v40 =	vmul.f32 v55, v24  }
0x3dc: {  	v58 =	vld [tilespmem:s23+$0xFFFFFFE0]  }
0x3dd: {  	[tilespmem:s4+$0x30] =	vst v35;
	v59 =	vld [tilespmem:s2+$0xFFFFFFE0];
	v33 =	vadd.f32 v56, v33;
	v32 =	vadd.f32 v40, v32  }
0x3de: {  	v60 =	vld [tilespmem:s21+$0x40]  }
0x3df: {  	v61 =	vld [tilespmem:s20+$0x40];
	v32 =	vadd.f32 v32, v33  }
0x3e0: {  	v62 =	vld [tilespmem:s19+$0x40]  }
0x3e1: {  	v43 =	vld [tilespmem:s22+$0x40];
	v31 =	vmul.f32 v31, v26;
	v37 =	vmul.f32 v57, v29;
	[tilespmem:s8+$0x30] =	vst v32  }
0x3e2: {  	v63 =	vmul.f32 v58, v27;
	v35 =	vmul.f32 v59, v28;
	v48 =	vld [tilespmem:s0+$0x40]  }
0x3e3: {  	v44 =	vld [tilespmem:s24+$0x40]  }
0x3e4: {  	v31 =	vadd.f32 v37, v31;
	v32 =	vadd.f32 v35, v63;
	v49 =	vld [tilespmem:s23+$0x40]  }
0x3e5: {  	v50 =	vmul.f32 v60, v14;
	v51 =	vmul.f32 v61, v15;
	v52 =	vld [tilespmem:s2+$0x40]  }
0x3e6: {  	v38 =	vld [tilespmem:s18+$0x50];
	v43 =	vmul.f32 v43, v17;
	v33 =	vmul.f32 v62, v16;
	v31 =	vadd.f32 v32, v31  }
0x3e7: {  	v34 =	vld [tilespmem:s22+$0xFFFFFFF0]  }
0x3e8: {  	v53 =	vld [tilespmem:s16+$0x50];
	v33 =	vadd.f32 v43, v33;
	v37 =	vadd.f32 v51, v50;
	[tilespmem:s8+$0xFFFFFFE0] =	vst v31  }
0x3e9: {  	v31 =	vld [tilespmem:s0+$0xFFFFFFF0];
	v41 =	vmul.f32 v48, v23;
	v55 =	vmul.f32 v44, v22  }
0x3ea: {  	v33 =	vadd.f32 v33, v37;
	v56 =	vld [tilespmem:s24+$0xFFFFFFF0];
	v35 =	vmul.f32 v49, v25;
	v40 =	vmul.f32 v52, v24  }
0x3eb: {  	v57 =	vld [tilespmem:s23+$0xFFFFFFF0]  }
0x3ec: {  	[tilespmem:s4+$0x40] =	vst v33;
	v59 =	vld [tilespmem:s2+$0xFFFFFFF0];
	v58 =	vadd.f32 v55, v41;
	v35 =	vadd.f32 v40, v35  }
0x3ed: {  	v60 =	vld [tilespmem:s21+$0x50]  }
0x3ee: {  	v62 =	vmul.f32 v36, v20;
	v36 =	vld [tilespmem:s20+$0x50];
	v63 =	vadd.f32 v35, v58  }
0x3ef: {  	v12 =	vmul.f32 v54, v12;
	v46 =	vld [tilespmem:s19+$0x50]  }
0x3f0: {  	v13 =	vmul.f32 v45, v13;
	v10 =	vmul.f32 v38, v10;
	v47 =	vld [tilespmem:s22+$0x50];
	[tilespmem:s8+$0x40] =	vst v63  }
0x3f1: {  	v61 =	vmul.f32 v30, v18;
	v11 =	vmul.f32 v53, v11;
	v48 =	vld [tilespmem:s0+$0x50]  }
0x3f2: {  	v42 =	vmul.f32 v42, v19;
	v10 =	vadd.f32 v13, v10;
	v43 =	vmul.f32 v34, v21;
	v49 =	vld [tilespmem:s24+$0x50]  }
0x3f3: {  	v18 =	vadd.f32 v62, v61;
	v11 =	vadd.f32 v12, v11;
	v50 =	vld [tilespmem:s23+$0x50]  }
0x3f4: {  	v19 =	vadd.f32 v43, v42;
	v51 =	vmul.f32 v31, v26;
	v52 =	vmul.f32 v56, v29;
	v53 =	vld [tilespmem:s2+$0x50]  }
0x3f5: {  	v10 =	vadd.f32 v11, v10;
	v54 =	vmul.f32 v57, v27;
	v55 =	vmul.f32 v59, v28  }
0x3f6: {  	v18 =	vadd.f32 v19, v18;
	v56 =	vmul.f32 v60, v14;
	v57 =	vmul.f32 v36, v15  }
0x3f7: {  	v58 =	vmul.f32 v46, v16;
	v59 =	vmul.f32 v47, v17;
	v13 =	vadd.f32 v52, v51  }
0x3f8: {  	v12 =	vadd.f32 v55, v54;
	v11 =	vmul.f32 v48, v23;
	v60 =	vmul.f32 v49, v22  }
0x3f9: {  	v14 =	vadd.f32 v57, v56;
	v61 =	vmul.f32 v50, v25;
	v62 =	vmul.f32 v53, v24  }
0x3fa: {  	v63 =	vadd.f32 v59, v58;
	v12 =	vadd.f32 v12, v13  }
0x3fb: {  	[tilespmem:s14+$0x50] =	vst v10;
	v11 =	vadd.f32 v60, v11;
	v13 =	vadd.f32 v62, v61  }
0x3fc: {  	[tilespmem:s4+$0xFFFFFFF0] =	vst v18;
	v10 =	vadd.f32 v63, v14  }
0x3fd: {  	[tilespmem:s8+$0xFFFFFFF0] =	vst v12;
	v11 =	vadd.f32 v13, v11  }
0x3fe: {  	[tilespmem:s4+$0x50] =	vst v10  }
0x3ff: {  	s12 =	sadd.s32 $0x1, s12;
	s21 =	smul.u32 $0xC, s13;
	[tilespmem:s8+$0x50] =	vst v11  }
0x400: {  	p0 =	sne.s32 s12, $0x40;
	s23 =	simm.s32 $0x10400;
	s22 =	rddreg [dreg:$0x3]  }
.Ltmp3:
0x401: {  	s24 =	simm.s32 $0x3;
	s0 =	sadd.s32 s22, s21;
	(pc) =	sbr.rel @p0 .LBB2_2-.Ltmp3, $4  }
0x402: {  	[hbm4b:s0+s25] =	stream.linear.scatter [tilespmem:s23], [sflag:$0x3], $0x1800, $0x38;
	[tilespmem:$0x11C00] =	vst v63  }
0x403: {  	_ =	swait.ge [sflag:s24], $0x1800  }
0x404: {  	[sflag:s24] =	ssyncset.done $0x0  }
0x405: {  	[sflag:s24] =	ssyncadd.s32 $0xFFFFE800  }
0x406: {  	s2 =	rddreg [dreg:$0x6]  }
0x407: {  	s0 =	rddreg [dreg:$0x5];
	s2 =	sadd.s32 $0x1, s2  }
0x408: {  	p0 =	sne.s32 s2, s0  }
.Ltmp4:
0x409: {  	_ = 	snop;
	(pc) =	sbr.rel @p0 .LBB2_1-.Ltmp4, $1  }
0x40a: {  	_ =	sdelay $0x3  }
0x40b: {  	_ =	sfence.sel $0x180000  }
0x40c: {  	[bflag:$0x0] =	sbarrier.arrive $0xFFFF  }
0x40d: {  	_ =	strace $0x9000004A  }
0x40e: {  	s0 =	stileid.u32;
	[bflag:$0x2] =	sbarrier.arrive $0xFFFF  }
0x40f: {  	p0 =	sne.s32 s0, $0x0;
	s0 =	rddreg [dreg:$0x2]  }
0x410: {  	s0 =	sadd.s32 @!p0 $0x100000, s0  }
0x411: {  	[sflag:s0] =	ssyncadd.tile.s32 @!p0 $0x1;
	_ =	shalt  }
.Lfunc_end2:
_tile_overlayer_lowered:
.L_overlay_start_2:
0x412: {  	(tag) =	ssettag $0x2  }
0x413: {  	s0 =	rddreg [dreg:$0x0];
	s2 =	stileid.u32  }
0x414: {  	s1 =	rddreg [dreg:$0x1];
	p0 =	sne.s32 s2, $0x0  }
0x415: {  	s3 =	rddreg [dreg:$0x2];
	[bflag:$0x3] =	sbarrier.arrive $0xFFFF;
	s2 =	simm.s32 @!p0 $0x1C03  }
0x416: {  	[timem:s3], [sflag:s2] =	dma.local @!p0 [hbm:s0], s1  }
0x417: {  	s0 =	simm.s32 @!p0 $0x3  }
0x418: {  	_ =	swait.ge @!p0 [sflag:s0], s1  }
0x419: {  	s1 =	ssub.s32 @!p0 $0x0, s1;
	[sflag:s0] =	ssyncset.done @!p0 $0x0  }
0x41a: {  	[sflag:s0] =	ssyncadd.s32 @!p0 s1  }
0x41b: {  	[bflag:$0x3] =	sbarrier.arrive $0xFFFF  }
0x41c: {  	_ =	shalt  }

// kernel: sparse-core-data-format-call.1.cloned.1.call-start
scs
called_computation.1_lowered:
.L_overlay_start_0:
0x0: {  	s2 =	sld [smem:$0x3FD9]  }
0x1: {  	s3 =	sld [smem:$0x3FFE];
	_ =	sdelay $0x1  }
0x2: {  	s1 =	srdreg.scid  }
0x3: {  	s0 =	sand.u32 $0x1, s1  }
0x4: {  	s18 =	sshll.u32 s0, $0xA;
	s2 =	sadd.s32 s3, s2  }
0x5: {  	s2 =	sadd.s32 s2, s18  }
0x6: {  	[smem:$0x3FC6] =	sst s2  }
0x7: {  	_ = 	snop  }
0x8: {  	s2 =	sld [smem:$0x3FC9];
	(tm) =	ssettm $0x1  }
0x9: {  	s19 =	sld [smem:$0x3FFB];
	_ =	sdelay $0x3  }
0xa: {  	_ =	strace s19  }
0xb: {  	s3 =	sld [smem:$0x3FFC];
	_ =	sdelay $0x3  }
0xc: {  	_ =	strace s3  }
0xd: {  	s3 =	sld [smem:$0x3FFD];
	_ =	sdelay $0x3  }
0xe: {  	_ =	strace s3  }
0xf: {  	_ =	strace $0x8FFFFFFF  }
0x10: {  	s20 =	sld [smem:$0x3FDB];
	_ =	sdelay $0x1  }
0x11: {  	s4 =	simm.s32 $_scs_section_size  }
0x12: {  	s5 =	simm.s32 $_size__tile_overlayer_lowered;
	s6 =	simm.s32 $_tile_overlayer_lowered  }
0x13: {  	s23 =	simm.s32 $0x1BFF;
	s22 =	sshll.u32 s6, $0x1;
	s3 =	sadd.s32 s4, s20  }
0x14: {  	s7 =	simm.s32 $0x0;
	s21 =	sshll.u32 s5, $0x1;
	s5 =	sadd.s32 s22, s3  }
0x15: {  	[timem:s7], [sflag:s23] =	dma.local [hbm:s5], s21  }
0x16: {  	_ =	swait.ge [sflag:s23], s21  }
0x17: {  	s4 =	ssub.s32 $0x0, s21;
	[sflag:s23] =	ssyncset.done $0x0  }
0x18: {  	[sflag:s23] =	ssyncadd.s32 s4;
	_ =	sdelay $0x1  }
0x19: {  	s24 =	simm.s32 $0x1B8B  }
0x1a: {  	_ =	swait.ge [sflag:s24], $0x1  }
0x1b: {  	[sflag:s24] =	ssyncset.done $0x0  }
0x1c: {  	s26 =	simm.s32 $0x1B8E;
	s25 =	sld [smem:$0x3FFE];
	[sflag:s24] =	ssyncadd.s32 $0xFFFFFFFF  }
0x1d: {  	s27 =	simm.s32 $execute0_lowered;
	[smem:$0x3FD2] =	sst s26  }
0x1e: {  	s5 =	sshll.u32 s27, $0x1;
	_ =	strace $0x80000046;
	[dreg:$0x1] =	wrdreg $0xFFFFFFFF  }
0x1f: {  	s28 =	simm.s32 $_size_execute0_lowered;
	s3 =	sadd.s32 s3, s5;
	[dreg:$0x0] =	wrdreg $0x0  }
0x20: {  	s5 =	sshll.u32 s28, $0x1;
	[dreg:$0x2] =	wrdreg s3  }
0x21: {  	[dreg:$0x3] =	wrdreg s5  }
0x22: {  	[dreg:$0x4] =	wrdreg $0xC0  }
0x23: {  	_ =	task [dreg:s7], $0x5FFFF  }
0x24: {  	[dreg:$0x1] =	wrdreg $0xFFFFFFFF  }
0x25: {  	[dreg:$0x0] =	wrdreg $0x60  }
0x26: {  	[dreg:$0x2] =	wrdreg s2  }
0x27: {  	[dreg:$0x3] =	wrdreg s25  }
0x28: {  	[dreg:$0x4] =	wrdreg $0x9  }
0x29: {  	_ =	task.clear_ibuf [dreg:s7], $0x5FFFF;
	_ =	strace $0x90000046  }
0x2a: {  	s29 =	simm.s32 $0x9;
	_ =	strace $0x80000048  }
0x2b: {  	_ =	swait.ge [sflag:s29], $0x1  }
0x2c: {  	[sflag:s29] =	ssyncadd.s32 $0xFFFFFFFF  }
0x2d: {  	_ =	strace $0x90000048  }
0x2e: {  	_ =	sfence  }
0x2f: {  	s30 =	sld [smem:$0x0];
	_ =	sdelay $0x2  }
0x30: {  	s31 =	sshll.u32 s1, $0xD;
	s1 =	sshrl.u32 s1, $0x2  }
0x31: {  	s3 =	sand.u32 $0x4000, s31;
	s1 =	sadd.s32 s1, s30  }
0x32: {  	s0 =	sor.u32 s3, s0;
	s1 =	sshll.u32 s1, $0x11  }
0x33: {  	s0 =	sor.u32 s1, s0  }
0x34: {  	s0 =	sadd.s32 $0x8F2B, s0  }
0x35: {  	[sflag:s0] =	ssyncadd.remote.s32 $0x1  }
0x36: {  	_ =	sfence.sel $0xFFFF  }
0x37: {  	[dreg:$0x0] =	wrdreg $0xFFFFFFFF;
	(pc) =	sbr.abs _section_cstart, $3  }
0x38: {  	[dreg:$0x1] =	wrdreg $0xFFFFFFFF  }
0x39: {  	_ =	task.clear_ibuf [dreg:s7], $0x2FFFF;
	_ =	strace $0x9FFFFFFF  }
0x3a: {  	(tm) =	ssettm $0x7FFFFFFF  }
0x3b: {  	_ =	shalt  }
tec
execute0_lowered:
.L_overlay_start_1:
0x0: {  	(tag) =	ssettag $0x1  }
0x1: {  	s2 =	rddreg [dreg:$0x0]  }
0x2: {  	s1 =	rddreg [dreg:$0x1]  }
0x3: {  	s3 =	srdreg.scid;
	s0 =	rddreg [dreg:$0x2]  }
0x4: {  	_ =	strace $0x80000047;
	s5 =	simm.s32 $0x1;
	s8 =	simm.s32 $0x2  }
0x5: {  	s13 =	simm.s32 $0x0;
	p0 =	por $0x0, $0x0;
	s12 =	simm.s32 $0x0  }
.Ltmp0:
0x6: {  	s14 =	simm.s32 $0x0;
	s3 =	sand.u32 $0x1, s3;
	(pc) =	sbr.rel .LBB1_1-.Ltmp0, $4  }
0x7: {  	s9 =	simm.s32 $0x0;
	s10 =	stileid.u32;
	s6 =	ssub.s32 $0x80, s3  }
0x8: {  	s11 =	simm.s32 $0x0;
	s4 =	sadd.s32 $0xE00, s1;
	s7 =	sshrl.u32 s6, $0x1  }
0x9: {  	s1 =	stileid.u32;
	[sflag:s5] =	ssyncpa.u1 $0x0;
	s6 =	ssub.s32 s6, s7  }
0xa: {  	[sflag:s8] =	ssyncpa.u1 $0x0;
	s8 =	smov.u32 s3;
	s7 =	sadd.s32 $0x1, s6  }
.LBB1_4:
0xb: {  	v5 =	vld [tilespmem:s18+$0xFFFFFFD0];
	[tilespmem:s17+$0x2040 ss:$0x81] =	vst.msk $0xffff, v1  }
0xc: {  	v58 =	vld [tilespmem:s18+$0xFFFFFFE0];
	[tilespmem:s17+$0x2850 ss:$0x81] =	vst.msk $0xffff, v2  }
0xd: {  	s19 =	sshra.s32 s19, $0x2;
	v59 =	vld [tilespmem:s18+$0xFFFFFFF0];
	[tilespmem:s17+$0x3060 ss:$0x81] =	vst.msk $0xffff, v3  }
0xe: {  	v60 =	vld [tilespmem:s18+$0x0];
	[tilespmem:s17+$0x0 ss:$0x81] =	vst.msk $0xffff, v0;
	s16 =	sadd.s32 s19, s16  }
0xf: {  	v61 =	vld [tilespmem:s18+$0x10];
	[tilespmem:s16+$0x3870 ss:$0x81] =	vst.msk $0xffff, v4  }
0x10: {  	v62 =	vld [tilespmem:s18+$0x20];
	[tilespmem:s16+$0x810 ss:$0x81] =	vst.msk $0xffff, v5  }
0x11: {  	v63 =	vld [tilespmem:s18+$0xFFFFFFC0];
	[tilespmem:s16+$0x1020 ss:$0x81] =	vst.msk $0xffff, v58  }
0x12: {  	s14 =	sshll.u32 s14, $0x12;
	[tilespmem:s16+$0x1830 ss:$0x81] =	vst.msk $0xffff, v59  }
0x13: {  	s28 =	sand.u32 $0x780, s12;
	s14 =	sadd.s32 s4, s14;
	[tilespmem:s16+$0x2040 ss:$0x81] =	vst.msk $0xffff, v60  }
0x14: {  	s13 =	sshll.u32 s13, $0xB;
	s29 =	sshrl.u32 s12, $0x3;
	s14 =	sadd.s32 s28, s14;
	[tilespmem:s16+$0x2850 ss:$0x81] =	vst.msk $0xffff, v61  }
0x15: {  	s30 =	sand.u32 $0xF, s29;
	s13 =	sadd.s32 s13, s14;
	[tilespmem:s16+$0x3060 ss:$0x81] =	vst.msk $0xffff, v62  }
0x16: {  	s31 =	sand.u32 $0x7, s12;
	s13 =	sadd.s32 s30, s13;
	[tilespmem:s16+$0x0 ss:$0x81] =	vst.msk $0xffff, v63  }
0x17: {  	[hbm4b:s13+s31] =	stream.linear.scatter [tilespmem:s15], [sflag:$0x2], $0x4000, $0x20;
	[tilespmem:$0x10100] =	vst v63  }
.LBB1_5:
0x18: {  	s15 =	sadd.s32 $0x2, s8  }
0x19: {  	s12 =	sadd.s32 $0x80, s9;
	s16 =	smov.u32 s9;
	p2 =	sgt.s32 s15, $0x7F  }
0x1a: {  	s16 =	smov.u32 @p2 s12  }
0x1b: {  	s18 =	smov.u32 s10;
	s12 =	sadd.s32 $0x10, s10;
	p3 =	sgt.s32 s16, $0x5F  }
0x1c: {  	s18 =	smov.u32 @p3 s12  }
0x1d: {  	s15 =	smov.u32 @p2 s3;
	p2 =	sgt.s32 s18, $0xF  }
0x1e: {  	p1 =	slt.u32 s11, $0x2;
	s18 =	smov.u32 @p2 s1;
	p2 =	sne.s32 s11, s7  }
.Ltmp1:
0x1f: {  	s17 =	simm.s32 @!p1 $0x2;
	(pc) =	sbr.rel @!p2 .LBB1_6-.Ltmp1, $4  }
0x20: {  	s13 =	smov.u32 s8;
	s14 =	smov.u32 s10;
	_ =	swait.ge @!p1 [sflag:s17], $0x4000  }
0x21: {  	p0 =	por !p0, !p0;
	[sflag:s17] =	ssyncset.done @!p1 $0x0;
	s8 =	smov.u32 s15  }
0x22: {  	s16 =	simm.s32 @p3 $0x0;
	s12 =	smov.u32 s9;
	[sflag:s17] =	ssyncadd.s32 @!p1 $0xFFFFC000  }
0x23: {  	s9 =	smov.u32 s16;
	s11 =	sadd.s32 $0x1, s11;
	s10 =	smov.u32 s18  }
.LBB1_1:
0x24: {  	p1 =	sge.u32 s11, s6;
	s15 =	smov.u32 s10;
	s18 =	smov.u32 s9  }
0x25: {  	s31 =	sadd.s32 $0xFFFFFFFF, s11;
	p2 =	sgt.s32 @!p1 s10, $0xF;
	s16 =	sxor.u32 @!p1 $0xFFFFFFFF, s11  }
0x26: {  	s17 =	sshra.s32 @!p1 s10, $0x1F;
	s19 =	sshra.s32 @!p1 s9, $0x1F;
	p2 =	por !p2, p1  }
0x27: {  	s17 =	sand.u32 @!p1 s17, s10;
	s15 =	simm.s32 @p2 $0xF;
	p2 =	sgt.s32 @!p1 s9, $0xFFFFFFE0  }
0x28: {  	s19 =	sand.u32 @!p1 s19, s9;
	p2 =	por !p2, p1;
	s15 =	ssub.s32 @!p1 s15, s17  }
0x29: {  	s18 =	simm.s32 @p2 $0xFFFFFFE0;
	p2 =	sgt.s32 @!p1 s8, $0x7F;
	s15 =	sadd.s32 @!p1 $0xFFFFFFF1, s15  }
0x2a: {  	s17 =	ssub.s32 @!p1 s18, s19;
	p2 =	por !p2, p1;
	s19 =	smov.u32 s8  }
0x2b: {  	s18 =	sadd.s32 @!p1 $0x20, s17;
	s19 =	simm.s32 @p2 $0x7F;
	p2 =	sgt.s32 @!p1 s15, $0x0  }
0x2c: {  	s15 =	sshll.u32 @!p1 s15, $0x7;
	p3 =	sgt.s32 @!p1 s18, $0x7F;
	s18 =	sshra.s32 @!p1 s8, $0x1F  }
0x2d: {  	s17 =	ssub.s32 @!p1 $0x60, s17;
	s15 =	ssub.s32 @!p1 $0x80, s15;
	s18 =	sand.u32 @!p1 s18, s8  }
0x2e: {  	p2 =	por !p2, p1;
	p3 =	por !p3, p1;
	s18 =	ssub.s32 @!p1 s19, s18  }
0x2f: {  	s15 =	simm.s32 @!p2 $0x0;
	s17 =	simm.s32 @!p3 $0x0;
	s19 =	sadd.s32 @!p1 $0xFFFFFF81, s18  }
0x30: {  	s16 =	sshll.u32 @!p1 s16, $0xE;
	s15 =	smul.u32 @!p1 s17, s15;
	p3 =	sgt.s32 @!p1 s19, $0x0  }
0x31: {  	s18 =	ssub.s32 @!p1 $0x80, s18;
	s17 =	smul.u32 @!p1 $0x30000, s10;
	p2 =	por !p3, p1  }
0x32: {  	s16 =	sand.u32 @!p1 $0x4000, s16;
	s19 =	sshll.u32 @!p1 s8, $0x4;
	s18 =	simm.s32 @!p2 $0x0  }
0x33: {  	s17 =	sadd.s32 @!p1 s2, s17;
	s15 =	smul.u32 @!p1 s18, s15;
	s18 =	sshll.u32 @!p1 s9, $0xB  }
0x34: {  	s19 =	sand.u32 @!p1 $0x7F0, s19;
	s17 =	sadd.s32 @!p1 s18, s17;
	s18 =	simm.s32 @!p1 $0x80  }
0x35: {  	s15 =	sand.u32 @!p1 $0x3FFFFF80, s15;
	s17 =	sadd.s32 @!p1 s19, s17;
	s19 =	simm.s32 @!p1 $0x4000  }
0x36: {  	[tilespmem:s16], [sflag:$0x1] =	stream.strided.gather @!p1 [hbm4b:s17+s18], s15, s19, s18, $0x38;
	[tilespmem:$0x10100] =	vst v63  }
0x37: {  	p1 =	sge.u32 s31, s6  }
.Ltmp2:
0x38: {  	_ = 	snop;
	(pc) =	sbr.rel @p1 .LBB1_5-.Ltmp2, $1  }
0x39: {  	_ =	sdelay $0x3  }
0x3a: {  	p1 =	sgt.s32 s14, $0xF  }
0x3b: {  	s15 =	smov.u32 s14;
	s16 =	sshra.s32 s14, $0x1F;
	s17 =	sshra.s32 s12, $0x1F  }
0x3c: {  	p2 =	sgt.s32 s13, $0x7F;
	s15 =	simm.s32 @!p1 $0xF;
	s16 =	sand.u32 s16, s14  }
0x3d: {  	s19 =	sshra.s32 s13, $0x1F;
	p1 =	sgt.s32 s12, $0xFFFFFFE0;
	s15 =	ssub.s32 s15, s16  }
0x3e: {  	s17 =	sand.u32 s17, s12;
	s16 =	smov.u32 s12;
	s15 =	sadd.s32 $0xFFFFFFF1, s15  }
0x3f: {  	s27 =	sand.u32 s19, s13;
	s16 =	simm.s32 @!p1 $0xFFFFFFE0;
	p1 =	sgt.s32 s15, $0x0  }
0x40: {  	s16 =	ssub.s32 s16, s17;
	s17 =	smov.u32 s13;
	s15 =	sshll.u32 s15, $0x7  }
0x41: {  	s18 =	sadd.s32 $0x20, s16;
	s17 =	simm.s32 @!p2 $0x7F;
	s16 =	ssub.s32 $0x60, s16  }
0x42: {  	s15 =	ssub.s32 $0x80, s15;
	p2 =	sgt.s32 s18, $0x7F;
	s17 =	ssub.s32 s17, s27  }
0x43: {  	s15 =	simm.s32 @p1 $0x0;
	s16 =	simm.s32 @p2 $0x0;
	s18 =	sadd.s32 $0xFFFFFF81, s17  }
0x44: {  	s17 =	ssub.s32 $0x80, s17;
	p1 =	sgt.s32 s18, $0x0;
	s15 =	smul.u32 s16, s15  }
0x45: {  	s17 =	simm.s32 @p1 $0x0  }
0x46: {  	s15 =	smul.u32 s17, s15;
	_ =	sdelay $0x1  }
0x47: {  	s16 =	simm.s32 $0x1;
	s15 =	sand.u32 $0x3FFFFF80, s15  }
0x48: {  	s16 =	simm.s32 @!p0 $0x0;
	_ =	swait.ge [sflag:s5], s15  }
0x49: {  	s28 =	sshll.u32 s16, $0xE;
	s15 =	ssub.s32 $0x0, s15;
	[sflag:s5] =	ssyncset.done $0x0  }
0x4a: {  	s29 =	sor.u32 $0x40, s28;
	[sflag:s5] =	ssyncadd.s32 s15  }
0x4b: {  	s30 =	smul.u32 $0x10200, s16;
	v0 =	vld [tilespmem:s29+$0x30]  }
0x4c: {  	v3 =	vld [tilespmem:s29+$0xFFFFFFD0]  }
0x4d: {  	s15 =	sshrl.u32 s30, $0x2;
	v4 =	vld [tilespmem:s29+$0xFFFFFFE0]  }
0x4e: {  	s16 =	sor.u32 $0x8000, s15;
	v5 =	vld [tilespmem:s29+$0xFFFFFFF0]  }
0x4f: {  	s31 =	sand.u32 $0x1, s11;
	v1 =	vld [tilespmem:s29+$0x0];
	s17 =	sadd.s32 $0x0, s16  }
0x50: {  	s15 =	smul.u32 $0x10200, s31;
	v2 =	vld [tilespmem:s29+$0x10];
	[tilespmem:s17+$0x3870 ss:$0x81] =	vst.msk $0xffff, v0  }
0x51: {  	[tilespmem:s17+$0x810 ss:$0x81] =	vst.msk $0xffff, v3;
	v3 =	vld [tilespmem:s29+$0x20]  }
0x52: {  	s18 =	sadd.s32 $0x80, s29;
	s15 =	sshrl.u32 s15, $0x2;
	v0 =	vld [tilespmem:s29+$0xFFFFFFC0];
	[tilespmem:s17+$0x1020 ss:$0x81] =	vst.msk $0xffff, v4  }
0x53: {  	s20 =	simm.s32 $0x8;
	s19 =	simm.s32 $0x4;
	s15 =	sor.u32 $0x8000, s15;
	v4 =	vld [tilespmem:s18+$0x30];
	[tilespmem:s17+$0x1830 ss:$0x81] =	vst.msk $0xffff, v5  }
.LBB1_3:
0x54: {  	p1 =	sne.s32 s20, $0x1FC;
	v5 =	vld [tilespmem:s18+$0xFFFFFFD0];
	[tilespmem:s17+$0x2040 ss:$0x81] =	vst.msk $0xffff, v1  }
0x55: {  	v6 =	vld [tilespmem:s18+$0xFFFFFFE0];
	[tilespmem:s17+$0x2850 ss:$0x81] =	vst.msk $0xffff, v2  }
0x56: {  	s21 =	sshra.s32 s19, $0x2;
	s19 =	smov.u32 s20;
	v7 =	vld [tilespmem:s18+$0xFFFFFFF0];
	[tilespmem:s17+$0x3060 ss:$0x81] =	vst.msk $0xffff, v3  }
.Ltmp3:
0x57: {  	v1 =	vld [tilespmem:s18+$0x0];
	[tilespmem:s17+$0x0 ss:$0x81] =	vst.msk $0xffff, v0;
	s17 =	sadd.s32 s21, s16;
	(pc) =	sbr.rel @p1 .LBB1_3-.Ltmp3, $4  }
0x58: {  	v2 =	vld [tilespmem:s18+$0x10];
	[tilespmem:s17+$0x3870 ss:$0x81] =	vst.msk $0xffff, v4  }
0x59: {  	[tilespmem:s17+$0x810 ss:$0x81] =	vst.msk $0xffff, v5;
	v3 =	vld [tilespmem:s18+$0x20]  }
0x5a: {  	v0 =	vld [tilespmem:s18+$0xFFFFFFC0];
	[tilespmem:s17+$0x1020 ss:$0x81] =	vst.msk $0xffff, v6;
	s18 =	sadd.s32 $0x80, s18  }
0x5b: {  	s20 =	sadd.s32 $0x4, s20;
	v4 =	vld [tilespmem:s18+$0x30];
	[tilespmem:s17+$0x1830 ss:$0x81] =	vst.msk $0xffff, v7  }
.Ltmp4:
0x5c: {  	_ = 	snop;
	(pc) =	sbr.rel .LBB1_4-.Ltmp4, $1  }
0x5d: {  	_ =	sdelay $0x3  }
.LBB1_6:
0x5e: {  	_ =	sfence.sel $0x180000  }
0x5f: {  	s2 =	simm.s32 $0x1;
	[bflag:$0x0] =	sbarrier.arrive $0xFFFF  }
0x60: {  	s31 =	simm.s32 $0x2;
	[sflag:s2] =	ssyncpa.u1 $0x1  }
0x61: {  	[sflag:s31] =	ssyncpa.u1 $0x1  }
0x62: {  	p0 =	sne.s32 s1, $0x0;
	_ =	strace $0x90000047  }
0x63: {  	s0 =	sadd.s32 @!p0 $0x100000, s0;
	[bflag:$0x2] =	sbarrier.arrive $0xFFFF  }
0x64: {  	[sflag:s0] =	ssyncadd.tile.s32 @!p0 $0x1;
	_ =	shalt  }
.Lfunc_end1:
_tile_overlayer_lowered:
.L_overlay_start_2:
0x65: {  	(tag) =	ssettag $0x2  }
0x66: {  	s0 =	rddreg [dreg:$0x0];
	s2 =	stileid.u32  }
0x67: {  	s1 =	rddreg [dreg:$0x1];
	p0 =	sne.s32 s2, $0x0  }
0x68: {  	s3 =	rddreg [dreg:$0x2];
	[bflag:$0x3] =	sbarrier.arrive $0xFFFF;
	s2 =	simm.s32 @!p0 $0x1C01  }
0x69: {  	[timem:s3], [sflag:s2] =	dma.local @!p0 [hbm:s0], s1  }
0x6a: {  	s0 =	simm.s32 @!p0 $0x1  }
0x6b: {  	_ =	swait.ge @!p0 [sflag:s0], s1  }
0x6c: {  	s1 =	ssub.s32 @!p0 $0x0, s1;
	[sflag:s0] =	ssyncset.done @!p0 $0x0  }
0x6d: {  	[sflag:s0] =	ssyncadd.s32 @!p0 s1  }
0x6e: {  	[bflag:$0x3] =	sbarrier.arrive $0xFFFF  }
0x6f: {  	_ =	shalt  }

// kernel: sparse-core-data-format-call.cloned.1.call-start
scs
called_computation_lowered:
.L_overlay_start_0:
0x0: {  	s2 =	sld [smem:$0x3FD9]  }
0x1: {  	s3 =	sld [smem:$0x3FFE];
	_ =	sdelay $0x1  }
0x2: {  	s1 =	srdreg.scid  }
0x3: {  	s0 =	sand.u32 $0x1, s1  }
0x4: {  	s18 =	sshll.u32 s0, $0xA;
	s2 =	sadd.s32 s3, s2  }
0x5: {  	s2 =	sadd.s32 s2, s18  }
0x6: {  	[smem:$0x3FC6] =	sst s2  }
0x7: {  	_ = 	snop  }
0x8: {  	s2 =	sld [smem:$0x3FD0];
	(tm) =	ssettm $0x1  }
0x9: {  	s19 =	sld [smem:$0x3FFB];
	_ =	sdelay $0x3  }
0xa: {  	_ =	strace s19  }
0xb: {  	s3 =	sld [smem:$0x3FFC];
	_ =	sdelay $0x3  }
0xc: {  	_ =	strace s3  }
0xd: {  	s3 =	sld [smem:$0x3FFD];
	_ =	sdelay $0x3  }
0xe: {  	_ =	strace s3  }
0xf: {  	_ =	strace $0x8FFFFFFF  }
0x10: {  	s20 =	sld [smem:$0x3FDB];
	_ =	sdelay $0x1  }
0x11: {  	s4 =	simm.s32 $_scs_section_size  }
0x12: {  	s5 =	simm.s32 $_size__tile_overlayer_lowered;
	s6 =	simm.s32 $_tile_overlayer_lowered  }
0x13: {  	s23 =	simm.s32 $0x1BFF;
	s22 =	sshll.u32 s6, $0x1;
	s3 =	sadd.s32 s4, s20  }
0x14: {  	s7 =	simm.s32 $0x0;
	s21 =	sshll.u32 s5, $0x1;
	s5 =	sadd.s32 s22, s3  }
0x15: {  	[timem:s7], [sflag:s23] =	dma.local [hbm:s5], s21  }
0x16: {  	_ =	swait.ge [sflag:s23], s21  }
0x17: {  	s4 =	ssub.s32 $0x0, s21;
	[sflag:s23] =	ssyncset.done $0x0  }
0x18: {  	[sflag:s23] =	ssyncadd.s32 s4;
	_ =	sdelay $0x1  }
0x19: {  	s24 =	simm.s32 $0x1B8B  }
0x1a: {  	_ =	swait.ge [sflag:s24], $0x1  }
0x1b: {  	[sflag:s24] =	ssyncset.done $0x0  }
0x1c: {  	s26 =	simm.s32 $0x1B8E;
	s25 =	sld [smem:$0x3FFE];
	[sflag:s24] =	ssyncadd.s32 $0xFFFFFFFF  }
0x1d: {  	s27 =	simm.s32 $execute0_lowered;
	[smem:$0x3FD2] =	sst s26  }
0x1e: {  	s5 =	sshll.u32 s27, $0x1;
	_ =	strace $0x8000004C;
	[dreg:$0x1] =	wrdreg $0xFFFFFFFF  }
0x1f: {  	s28 =	simm.s32 $_size_execute0_lowered;
	s3 =	sadd.s32 s3, s5;
	[dreg:$0x0] =	wrdreg $0x0  }
0x20: {  	s5 =	sshll.u32 s28, $0x1;
	[dreg:$0x2] =	wrdreg s3  }
0x21: {  	[dreg:$0x3] =	wrdreg s5  }
0x22: {  	[dreg:$0x4] =	wrdreg $0xC0  }
0x23: {  	_ =	task [dreg:s7], $0x5FFFF  }
0x24: {  	[dreg:$0x1] =	wrdreg $0xFFFFFFFF  }
0x25: {  	[dreg:$0x0] =	wrdreg $0x60  }
0x26: {  	[dreg:$0x2] =	wrdreg s25  }
0x27: {  	[dreg:$0x3] =	wrdreg s2  }
0x28: {  	[dreg:$0x4] =	wrdreg $0x9  }
0x29: {  	_ =	task.clear_ibuf [dreg:s7], $0x5FFFF;
	_ =	strace $0x9000004C  }
0x2a: {  	s29 =	simm.s32 $0x9;
	_ =	strace $0x8000004E  }
0x2b: {  	_ =	swait.ge [sflag:s29], $0x1  }
0x2c: {  	[sflag:s29] =	ssyncadd.s32 $0xFFFFFFFF  }
0x2d: {  	_ =	strace $0x9000004E  }
0x2e: {  	_ =	sfence  }
0x2f: {  	s30 =	sld [smem:$0x0];
	_ =	sdelay $0x2  }
0x30: {  	s31 =	sshll.u32 s1, $0xD;
	s1 =	sshrl.u32 s1, $0x2  }
0x31: {  	s3 =	sand.u32 $0x4000, s31;
	s1 =	sadd.s32 s1, s30  }
0x32: {  	s0 =	sor.u32 s3, s0;
	s1 =	sshll.u32 s1, $0x11  }
0x33: {  	s0 =	sor.u32 s1, s0  }
0x34: {  	s0 =	sadd.s32 $0x8F2B, s0  }
0x35: {  	[sflag:s0] =	ssyncadd.remote.s32 $0x1  }
0x36: {  	_ =	sfence.sel $0xFFFF  }
0x37: {  	[dreg:$0x0] =	wrdreg $0xFFFFFFFF;
	(pc) =	sbr.abs _section_cstart, $3  }
0x38: {  	[dreg:$0x1] =	wrdreg $0xFFFFFFFF  }
0x39: {  	_ =	task.clear_ibuf [dreg:s7], $0x2FFFF;
	_ =	strace $0x9FFFFFFF  }
0x3a: {  	(tm) =	ssettm $0x7FFFFFFF  }
0x3b: {  	_ =	shalt  }
tec
execute0_lowered:
.L_overlay_start_1:
0x0: {  	(tag) =	ssettag $0x1  }
0x1: {  	s3 =	rddreg [dreg:$0x0];
	s0 =	srdreg.scid  }
0x2: {  	s1 =	rddreg [dreg:$0x1];
	s4 =	simm.s32 $0x1;
	s7 =	simm.s32 $0x2  }
0x3: {  	s14 =	simm.s32 $0x0;
	p0 =	por $0x0, $0x0;
	s15 =	simm.s32 $0x0  }
0x4: {  	s9 =	simm.s32 $0x0;
	s10 =	simm.s32 $0x0;
	s2 =	sshll.u32 s0, $0x7  }
0x5: {  	s12 =	stileid.u32;
	s13 =	simm.s32 $0x0;
	s2 =	sand.u32 $0x80, s2  }
.Ltmp0:
0x6: {  	s0 =	rddreg [dreg:$0x2];
	s6 =	ssub.s32 $0x4000, s2;
	(pc) =	sbr.rel .LBB1_1-.Ltmp0, $4  }
0x7: {  	_ =	strace $0x8000004D;
	s5 =	sadd.s32 $0x300E00, s3;
	s31 =	sshrl.u32 s6, $0x7  }
0x8: {  	[sflag:s4] =	ssyncpa.u1 $0x0;
	s6 =	sshrl.u32 s6, $0x8;
	s8 =	sand.u32 $0x1, s31  }
0x9: {  	s3 =	stileid.u32;
	[sflag:s7] =	ssyncpa.u1 $0x0;
	s6 =	sadd.s32 s6, s8  }
0xa: {  	s11 =	smov.u32 s2;
	s8 =	simm.s32 $0x20000;
	s7 =	sadd.s32 $0x1, s6  }
.LBB1_4:
0xb: {  	s20 =	sshra.s32 s20, $0x2;
	s28 =	sshll.u32 s9, $0x3;
	p1 =	sgt.s32 s10, $0xF  }
0xc: {  	s21 =	smov.u32 s10;
	s23 =	sshra.s32 s10, $0x1F;
	s24 =	smov.u32 s9  }
0xd: {  	v5 =	vld [tilespmem:s17+$0xFFFFFFD0];
	[tilespmem:s18+$0x2040 ss:$0x81] =	vst.msk $0xffff, v4;
	s25 =	sshra.s32 s9, $0x1F;
	s26 =	sand.u32 $0x78, s9;
	s19 =	sadd.s32 s20, s19  }
0xe: {  	v58 =	vld [tilespmem:s17+$0xFFFFFFE0];
	[tilespmem:s18+$0x2850 ss:$0x81] =	vst.msk $0xffff, v3;
	s22 =	sshrl.u32 s28, $0xE;
	s21 =	simm.s32 @!p1 $0xF;
	s23 =	sand.u32 s23, s10  }
0xf: {  	v59 =	vld [tilespmem:s17+$0xFFFFFFF0];
	[tilespmem:s18+$0x3060 ss:$0x81] =	vst.msk $0xffff, v2;
	p1 =	sgt.s32 s9, $0x3F80;
	s29 =	sand.u32 s25, s9;
	s20 =	sand.u32 $0x3C00, s28  }
0x10: {  	v60 =	vld [tilespmem:s17+$0x0];
	[tilespmem:s18+$0x0 ss:$0x81] =	vst.msk $0xffff, v0;
	s28 =	smul.u32 $0x30000, s10;
	s21 =	ssub.s32 s21, s23;
	s24 =	simm.s32 @!p1 $0x3F80  }
0x11: {  	v61 =	vld [tilespmem:s17+$0x10];
	s30 =	smulhi.u32 $0x2AAAAAB, s22;
	[tilespmem:s19+$0x3870 ss:$0x81] =	vst.msk $0xffff, v1;
	s20 =	sor.u32 s26, s20;
	s31 =	ssub.s32 $0x10, s21  }
0x12: {  	v62 =	vld [tilespmem:s17+$0x20];
	s23 =	ssub.s32 s24, s29;
	s21 =	sadd.s32 $0xFFFFFFF1, s21;
	s25 =	smul.u32 $0x60, s31;
	[tilespmem:s19+$0x810 ss:$0x81] =	vst.msk $0xffff, v5  }
0x13: {  	v63 =	vld [tilespmem:s17+$0xFFFFFFC0];
	s18 =	smul.u32 $0x60, s30;
	p1 =	sgt.s32 s21, $0x0;
	s27 =	sadd.s32 $0xFFFFC080, s23;
	[tilespmem:s19+$0x1020 ss:$0x81] =	vst.msk $0xffff, v58  }
0x14: {  	s17 =	ssub.s32 $0x4000, s23;
	[tilespmem:s19+$0x1830 ss:$0x81] =	vst.msk $0xffff, v59;
	s25 =	simm.s32 @p1 $0x0;
	p1 =	sgt.s32 s27, $0x7F  }
0x15: {  	s29 =	sand.u32 $0x7, s9;
	[tilespmem:s19+$0x2040 ss:$0x81] =	vst.msk $0xffff, v60;
	s18 =	ssub.s32 s22, s18;
	s17 =	simm.s32 @p1 $0x0  }
0x16: {  	s21 =	sadd.s32 s1, s28;
	[tilespmem:s19+$0x2850 ss:$0x81] =	vst.msk $0xffff, v61;
	s18 =	sshll.u32 s18, $0xB;
	s17 =	smul.u32 s17, s25  }
0x17: {  	s20 =	sshrl.u32 s20, $0x3;
	s30 =	sshll.u32 s29, $0x12;
	[tilespmem:s19+$0x3060 ss:$0x81] =	vst.msk $0xffff, v62;
	s18 =	sadd.s32 s18, s21  }
0x18: {  	[tilespmem:s19+$0x0 ss:$0x81] =	vst.msk $0xffff, v63;
	s31 =	sor.u32 $0x400, s30;
	s18 =	sadd.s32 s20, s18;
	s17 =	sand.u32 $0x3FFFFFE0, s17  }
0x19: {  	[hbm4b:s18+s31] =	stream.strided.scatter [tilespmem:s16], [sflag:$0x2], s17, s8, s31, $0x20;
	[tilespmem:$0x10100] =	vst v63  }
.LBB1_5:
0x1a: {  	p1 =	slt.u32 s13, $0x2  }
0x1b: {  	s17 =	smov.u32 s15;
	p2 =	sgt.s32 @!p1 s15, $0xF;
	s16 =	sshra.s32 @!p1 s15, $0x1F  }
0x1c: {  	p3 =	sgt.s32 @!p1 s14, $0x3F80;
	s18 =	sshra.s32 @!p1 s14, $0x1F;
	p2 =	por !p2, p1  }
0x1d: {  	s15 =	sand.u32 @!p1 s16, s15;
	p3 =	por !p3, p1;
	s16 =	smov.u32 s14  }
0x1e: {  	s14 =	sand.u32 @!p1 s18, s14;
	s17 =	simm.s32 @p2 $0xF;
	s16 =	simm.s32 @p3 $0x3F80  }
0x1f: {  	s18 =	smov.u32 s12;
	s15 =	ssub.s32 @!p1 s17, s15;
	s14 =	ssub.s32 @!p1 s16, s14  }
0x20: {  	s16 =	sadd.s32 @!p1 $0xFFFFFFF1, s15;
	s15 =	ssub.s32 @!p1 $0x10, s15;
	s17 =	sadd.s32 @!p1 $0xFFFFC080, s14  }
0x21: {  	p2 =	sgt.s32 @!p1 s16, $0x0;
	s15 =	smul.u32 @!p1 $0x60, s15;
	p3 =	sgt.s32 @!p1 s17, $0x7F  }
0x22: {  	s14 =	ssub.s32 @!p1 $0x4000, s14;
	p2 =	por !p2, p1;
	p3 =	por !p3, p1  }
0x23: {  	s16 =	sadd.s32 $0x100, s11;
	s15 =	simm.s32 @!p2 $0x0;
	s14 =	simm.s32 @!p3 $0x0  }
0x24: {  	p2 =	sgt.s32 s16, $0x3FFF;
	s14 =	smul.u32 @!p1 s14, s15;
	s15 =	sadd.s32 $0x10, s12  }
0x25: {  	s18 =	smov.u32 @p2 s15  }
0x26: {  	s16 =	smov.u32 @p2 s2;
	p2 =	sgt.s32 s18, $0xF  }
0x27: {  	s18 =	smov.u32 @p2 s3;
	p2 =	sne.s32 s13, s7  }
.Ltmp1:
0x28: {  	p0 =	por !p0, !p0;
	s17 =	simm.s32 @!p1 $0x2;
	(pc) =	sbr.rel @!p2 .LBB1_6-.Ltmp1, $4  }
0x29: {  	s15 =	smov.u32 s10;
	s10 =	smov.u32 s12;
	s14 =	sand.u32 @!p1 $0x3FFFFFE0, s14  }
0x2a: {  	_ =	swait.ge @!p1 [sflag:s17], s14;
	s19 =	ssub.s32 @!p1 $0x0, s14;
	s14 =	smov.u32 s9  }
0x2b: {  	s13 =	sadd.s32 $0x1, s13;
	s9 =	smov.u32 s11;
	[sflag:s17] =	ssyncset.done @!p1 $0x0  }
0x2c: {  	s11 =	smov.u32 s16;
	s12 =	smov.u32 s18;
	[sflag:s17] =	ssyncadd.s32 @!p1 s19  }
.LBB1_1:
0x2d: {  	p1 =	sge.u32 s13, s6;
	s31 =	sadd.s32 $0xFFFFFFFF, s13  }
0x2e: {  	s16 =	sxor.u32 @!p1 $0xFFFFFFFF, s13;
	s17 =	sshll.u32 @!p1 s12, $0x12;
	s18 =	sshll.u32 @!p1 s11, $0x4  }
0x2f: {  	s16 =	sshll.u32 @!p1 s16, $0xE;
	s18 =	sand.u32 @!p1 $0x3FFF0, s18;
	s17 =	sadd.s32 @!p1 s5, s17  }
0x30: {  	s16 =	sand.u32 @!p1 $0x4000, s16;
	s17 =	sadd.s32 @!p1 s18, s17;
	s18 =	simm.s32 @!p1 $0x0  }
0x31: {  	[tilespmem:s16], [sflag:$0x1] =	stream.linear.gather @!p1 [hbm4b:s17+s18], $0x4000, $0x38;
	[tilespmem:$0x10100] =	vst v63  }
0x32: {  	p1 =	sge.u32 s31, s6  }
.Ltmp2:
0x33: {  	_ = 	snop;
	(pc) =	sbr.rel @p1 .LBB1_5-.Ltmp2, $1  }
0x34: {  	_ =	sdelay $0x3  }
0x35: {  	s16 =	simm.s32 $0x1  }
0x36: {  	_ =	swait.ge [sflag:s4], $0x4000;
	s16 =	simm.s32 @!p0 $0x0  }
0x37: {  	[sflag:s4] =	ssyncset.done $0x0;
	s17 =	sshll.u32 s16, $0xE  }
0x38: {  	[sflag:s4] =	ssyncadd.s32 $0xFFFFC000;
	s17 =	sor.u32 $0x40, s17  }
0x39: {  	s16 =	smul.u32 $0x10200, s16;
	v0 =	vld [tilespmem:s17+$0x30]  }
0x3a: {  	v1 =	vld [tilespmem:s17+$0xFFFFFFD0]  }
0x3b: {  	s16 =	sshrl.u32 s16, $0x2;
	v5 =	vld [tilespmem:s17+$0xFFFFFFE0]  }
0x3c: {  	v6 =	vld [tilespmem:s17+$0xFFFFFFF0];
	s19 =	sor.u32 $0x8000, s16  }
0x3d: {  	s31 =	sand.u32 $0x1, s13;
	v4 =	vld [tilespmem:s17+$0x0];
	s18 =	sadd.s32 $0x0, s19  }
0x3e: {  	v3 =	vld [tilespmem:s17+$0x10];
	s16 =	smul.u32 $0x10200, s31;
	[tilespmem:s18+$0x3870 ss:$0x81] =	vst.msk $0xffff, v0  }
0x3f: {  	v2 =	vld [tilespmem:s17+$0x20];
	[tilespmem:s18+$0x810 ss:$0x81] =	vst.msk $0xffff, v1  }
0x40: {  	s16 =	sshrl.u32 s16, $0x2;
	v0 =	vld [tilespmem:s17+$0xFFFFFFC0];
	[tilespmem:s18+$0x1020 ss:$0x81] =	vst.msk $0xffff, v5;
	s17 =	sadd.s32 $0x80, s17  }
0x41: {  	s20 =	simm.s32 $0x4;
	s21 =	simm.s32 $0x8;
	s16 =	sor.u32 $0x8000, s16;
	[tilespmem:s18+$0x1830 ss:$0x81] =	vst.msk $0xffff, v6;
	v1 =	vld [tilespmem:s17+$0x30]  }
.LBB1_3:
0x42: {  	p1 =	sne.s32 s21, $0x1FC;
	v5 =	vld [tilespmem:s17+$0xFFFFFFD0];
	[tilespmem:s18+$0x2040 ss:$0x81] =	vst.msk $0xffff, v4  }
0x43: {  	v6 =	vld [tilespmem:s17+$0xFFFFFFE0];
	[tilespmem:s18+$0x2850 ss:$0x81] =	vst.msk $0xffff, v3  }
0x44: {  	s22 =	sshra.s32 s20, $0x2;
	s20 =	smov.u32 s21;
	v7 =	vld [tilespmem:s17+$0xFFFFFFF0];
	[tilespmem:s18+$0x3060 ss:$0x81] =	vst.msk $0xffff, v2  }
.Ltmp3:
0x45: {  	v4 =	vld [tilespmem:s17+$0x0];
	[tilespmem:s18+$0x0 ss:$0x81] =	vst.msk $0xffff, v0;
	s18 =	sadd.s32 s22, s19;
	(pc) =	sbr.rel @p1 .LBB1_3-.Ltmp3, $4  }
0x46: {  	v3 =	vld [tilespmem:s17+$0x10];
	[tilespmem:s18+$0x3870 ss:$0x81] =	vst.msk $0xffff, v1  }
0x47: {  	[tilespmem:s18+$0x810 ss:$0x81] =	vst.msk $0xffff, v5;
	v2 =	vld [tilespmem:s17+$0x20]  }
0x48: {  	v0 =	vld [tilespmem:s17+$0xFFFFFFC0];
	[tilespmem:s18+$0x1020 ss:$0x81] =	vst.msk $0xffff, v6;
	s17 =	sadd.s32 $0x80, s17  }
0x49: {  	s21 =	sadd.s32 $0x4, s21;
	v1 =	vld [tilespmem:s17+$0x30];
	[tilespmem:s18+$0x1830 ss:$0x81] =	vst.msk $0xffff, v7  }
.Ltmp4:
0x4a: {  	_ = 	snop;
	(pc) =	sbr.rel .LBB1_4-.Ltmp4, $1  }
0x4b: {  	_ =	sdelay $0x3  }
.LBB1_6:
0x4c: {  	_ =	sfence.sel $0x180000  }
0x4d: {  	s1 =	simm.s32 $0x1;
	[bflag:$0x0] =	sbarrier.arrive $0xFFFF  }
0x4e: {  	s31 =	simm.s32 $0x2;
	[sflag:s1] =	ssyncpa.u1 $0x1  }
0x4f: {  	[sflag:s31] =	ssyncpa.u1 $0x1  }
0x50: {  	p0 =	sne.s32 s3, $0x0;
	_ =	strace $0x9000004D  }
0x51: {  	s0 =	sadd.s32 @!p0 $0x100000, s0;
	[bflag:$0x2] =	sbarrier.arrive $0xFFFF  }
0x52: {  	[sflag:s0] =	ssyncadd.tile.s32 @!p0 $0x1;
	_ =	shalt  }
.Lfunc_end1:
_tile_overlayer_lowered:
.L_overlay_start_2:
0x53: {  	(tag) =	ssettag $0x2  }
0x54: {  	s0 =	rddreg [dreg:$0x0];
	s2 =	stileid.u32  }
0x55: {  	s1 =	rddreg [dreg:$0x1];
	p0 =	sne.s32 s2, $0x0  }
0x56: {  	s3 =	rddreg [dreg:$0x2];
	[bflag:$0x3] =	sbarrier.arrive $0xFFFF;
	s2 =	simm.s32 @!p0 $0x1C01  }
0x57: {  	[timem:s3], [sflag:s2] =	dma.local @!p0 [hbm:s0], s1  }
0x58: {  	s0 =	simm.s32 @!p0 $0x1  }
0x59: {  	_ =	swait.ge @!p0 [sflag:s0], s1  }
0x5a: {  	s1 =	ssub.s32 @!p0 $0x0, s1;
	[sflag:s0] =	ssyncset.done @!p0 $0x0  }
0x5b: {  	[sflag:s0] =	ssyncadd.s32 @!p0 s1  }
0x5c: {  	[bflag:$0x3] =	sbarrier.arrive $0xFFFF  }
0x5d: {  	_ =	shalt  }

</sc_bundles>
